<compile_context>
chip_gen: v7x
topology: tpu7x:2x2x1
jax: 0.10.2.dev20260603
libtpu: 0.0.44.dev20260713+nightly
codegen_flags: <defaults>
</compile_context>

<pallas_src>
import jax
import jax.numpy as jnp
from jax import lax
from jax.experimental import pallas as pl
from jax.experimental.pallas import tpu as pltpu
from jax.experimental.pallas import tpu_sc as plsc

VOCAB = 1000000
EMBED_DIM = 64
BATCH = 16384
HIST = 20

_NC = 2
_NS = 16
_NW = _NC * _NS

_PER_W = BATCH // _NW
_CB = 8
_NOFF = _CB * HIST
_NVEC = _NOFF // 16
_NCHUNK = _PER_W // _CB
_NBUF = 4
_LAG = 2


def _body(idx_hbm, table_hbm, out_hbm, idx_v, idx_f, bufs, gsems, osems):
    wid = lax.axis_index("s") * _NC + lax.axis_index("c")
    base = wid * _PER_W

    pltpu.sync_copy(idx_hbm.at[pl.ds(base, _PER_W)], idx_v)

    lane = lax.iota(jnp.int32, 16)
    rowp = [(16 * k + lane) // HIST for k in range(_NVEC)]
    colp = [(16 * k + lane) % HIST for k in range(_NVEC)]

    def relayout(t, b):
        for k in range(_NVEC):
            vec = plsc.load_gather(idx_v, [t * _CB + rowp[k], colp[k]])
            idx_f[b, pl.ds(16 * k, 16)] = vec

    def gather(t, b):
        return pltpu.make_async_copy(
            table_hbm.at[idx_f.at[b]], bufs.at[b], gsems.at[b])

    def put_one(t, i, b):
        return pltpu.make_async_copy(
            bufs.at[b].at[pl.ds(i * HIST, HIST), pl.ds(0, EMBED_DIM)],
            out_hbm.at[base + t * _CB + i].at[pl.ds(0, HIST), pl.ds(0, EMBED_DIM)],
            osems.at[b])

    def put_start(t, b):
        for i in range(_CB):
            put_one(t, i, b).start()

    def put_wait(t, b):
        for i in range(_CB):
            put_one(t, i, b).wait()

    for t in range(_NBUF):
        relayout(t, t % _NBUF)
        gather(t, t % _NBUF).start()
        s = t - _LAG
        if s >= 0:
            gather(s, s % _NBUF).wait()
            put_start(s, s % _NBUF)

    def step(t, carry):
        b = t % _NBUF
        put_wait(t - _NBUF, b)
        relayout(t, b)
        gather(t, b).start()
        s = t - _LAG
        bs = s % _NBUF
        gather(s, bs).wait()
        put_start(s, bs)
        return carry

    lax.fori_loop(_NBUF, _NCHUNK, step, 0)

    for s in range(_NCHUNK - _LAG, _NCHUNK):
        gather(s, s % _NBUF).wait()
        put_start(s, s % _NBUF)
    for s in range(_NCHUNK - _NBUF, _NCHUNK):
        put_wait(s, s % _NBUF)


@jax.jit
def _lookup(idx, table):
    mesh = plsc.VectorSubcoreMesh(core_axis_name="c", subcore_axis_name="s")
    k = pl.kernel(
        _body,
        out_type=jax.ShapeDtypeStruct((BATCH, 24, 128), jnp.float32),
        mesh=mesh,
        scratch_types=dict(
            idx_v=pltpu.VMEM((_PER_W, HIST), jnp.int32),
            idx_f=pltpu.VMEM((_NBUF, _NOFF), jnp.int32),
            bufs=pltpu.VMEM((_NBUF, _NOFF, 128), jnp.float32),
            gsems=pltpu.SemaphoreType.DMA((_NBUF,)),
            osems=pltpu.SemaphoreType.DMA((_NBUF,)),
        ),
        compiler_params=pltpu.CompilerParams(
            use_tc_tiling_on_sc=False, needs_layout_passes=False),
    )
    return k(idx, table)


def kernel(id, W_center, W_context):
    proj = jnp.eye(EMBED_DIM, 128, dtype=jnp.float32)
    table = jax.lax.dot(W_center, proj)
    return _lookup(id.astype(jnp.int32), table)[:, :HIST, :EMBED_DIM]

# --- scband reference (transcript-rebuilt; emitter-appended) ---
"""Pipeline reference for scband-word2-vec-44315472560551 (READ-ONLY COPY).

The authoritative reference and input builder live on the scoring server;
editing this copy changes nothing except your own understanding.
"""

import jax, jax.numpy as jnp
import numpy as np

VOCAB = 1000000
EMBED_DIM = 64
BATCH = 16384
HIST = 20

def setup_inputs(seed: int = 0) -> dict:
    key = jax.random.key(seed)
    k_id, k_c, k_ctx = jax.random.split(key, 3)
    idx = jax.random.randint(k_id, (BATCH, HIST), 0, VOCAB, dtype=jnp.int64 if jax.config.jax_enable_x64 else jnp.int32)
    W_center = jax.random.normal(k_c, (VOCAB, EMBED_DIM), dtype=jnp.float32)
    W_context = jax.random.normal(k_ctx, (VOCAB, EMBED_DIM), dtype=jnp.float32)
    return {"id": idx, "W_center": W_center, "W_context": W_context}

def reference(id, W_center, W_context):
    # forward: center_embed(id) -> gather rows of the center embedding table
    return jnp.take(W_center, id, axis=0)

if __name__ == "__main__":
    import jax
    _d = setup_inputs()
    print(jax.jit(kernel)(*tuple(_d.values())))

</pallas_src>

<mosaic_0001>
#map = affine_map<(d0, d1) -> (0, 0)>
#map1 = affine_map<(d0, d1) -> (0, 0, 0)>
module attributes {stable_mosaic.version = 14 : i64} {
  func.func @_body(%arg0: i32, %arg1: i32, %arg2: memref<16384x20xi32, #tpu.memory_space<hbm>>, %arg3: memref<1000000x128xf32, #tpu.memory_space<hbm>>, %arg4: memref<16384x24x128xf32, #tpu.memory_space<hbm>>, %arg5: memref<4x160x128xf32, #tpu.memory_space<vmem>>, %arg6: memref<4x!tpu.dma_semaphore, #tpu.memory_space<semaphore_mem>>, %arg7: memref<4x160xi32, #tpu.memory_space<vmem>>, %arg8: memref<512x20xi32, #tpu.memory_space<vmem>>, %arg9: memref<4x!tpu.dma_semaphore, #tpu.memory_space<semaphore_mem>>) attributes {dimension_semantics = [#tpu.dimension_semantics<core_parallel>, #tpu.dimension_semantics<subcore_parallel>], iteration_bounds = array<i64: 2, 16>, scalar_prefetch = 0 : i64, scratch_operands = 5 : i64, tpu.core_type = #tpu.core_type<sc_vector_subcore>, window_params = [{transform_indices = #map}, {transform_indices = #map}, {transform_indices = #map1}]} {
    %mul3A = arith.constant 2 : i32
    %mul3A_0 = arith.muli %arg1, %mul3A : i32
    %add3A = arith.addi %mul3A_0, %arg0 : i32
    %mul3A_1 = arith.constant 512 : i32
    %mul3A_2 = arith.muli %add3A, %mul3A_1 : i32
    "tpu.region"() ({
      %run_scoped3A = tpu.sem_alloc : memref<!tpu.dma_semaphore, #tpu.memory_space<semaphore_mem>>
      %dma_start3A_3328 = arith.constant 0 : i32
      %dma_start3A_3329 = tpu.memref_slice %arg2[%mul3A_2, %dma_start3A_3328] : memref<16384x20xi32, #tpu.memory_space<hbm>> -> memref<512x20xi32, #tpu.memory_space<hbm>>
      %dma_start3A_3330 = arith.constant 0 : i32
      %dma_start3A_3331 = tpu.memref_slice %arg2[%mul3A_2, %dma_start3A_3330] : memref<16384x20xi32, #tpu.memory_space<hbm>> -> memref<512x20xi32, #tpu.memory_space<hbm>>
      tpu.enqueue_dma source(%dma_start3A_3331 : memref<512x20xi32, #tpu.memory_space<hbm>>) target(%arg8 : memref<512x20xi32, #tpu.memory_space<vmem>>) target_semaphore(%run_scoped3A : memref<!tpu.dma_semaphore, #tpu.memory_space<semaphore_mem>>)
      %dma_wait3A_3332 = arith.constant 0 : i32
      %dma_wait3A_3333 = tpu.memref_slice %arg2[%mul3A_2, %dma_wait3A_3332] : memref<16384x20xi32, #tpu.memory_space<hbm>> -> memref<512x20xi32, #tpu.memory_space<hbm>>
      %dma_wait3A_3334 = arith.constant 0 : i32
      %dma_wait3A_3335 = tpu.memref_slice %arg2[%mul3A_2, %dma_wait3A_3334] : memref<16384x20xi32, #tpu.memory_space<hbm>> -> memref<512x20xi32, #tpu.memory_space<hbm>>
      tpu.wait_dma2 semaphore(%run_scoped3A : memref<!tpu.dma_semaphore, #tpu.memory_space<semaphore_mem>>) src(%dma_wait3A_3335 : memref<512x20xi32, #tpu.memory_space<hbm>>) dst(%arg8 : memref<512x20xi32, #tpu.memory_space<vmem>>)
      tpu.yield
    }) : () -> ()
    %iota3A = tpu.iota {dimensions = array<i32: 0>} : vector<16xi32>
    %add3A_3 = arith.constant 0 : i32
    %add3A_4 = vector.broadcast %add3A_3 : i32 to vector<16xi32>
    %add3A_5 = arith.addi %add3A_4, %iota3A : vector<16xi32>
    %jit3A = arith.constant 20 : i32
    %div3A = vector.broadcast %jit3A : i32 to vector<16xi32>
    %div3A_6 = arith.divsi %add3A_5, %div3A : vector<16xi32>
    %sign3A = arith.constant 0 : i32
    %sign3A_7 = vector.broadcast %sign3A : i32 to vector<16xi32>
    %sign3A_8 = arith.cmpi sgt, %add3A_5, %sign3A_7 : vector<16xi32>
    %sign3A_9 = arith.extui %sign3A_8 : vector<16xi1> to vector<16xi32>
    %sign3A_10 = arith.constant 0 : i32
    %sign3A_11 = vector.broadcast %sign3A_10 : i32 to vector<16xi32>
    %sign3A_12 = arith.cmpi slt, %add3A_5, %sign3A_11 : vector<16xi32>
    %sign3A_13 = arith.extui %sign3A_12 : vector<16xi1> to vector<16xi32>
    %sign3A_14 = arith.subi %sign3A_9, %sign3A_13 : vector<16xi32>
    %sign3A_15 = arith.constant 0 : i32
    %sign3A_16 = arith.cmpi sgt, %jit3A, %sign3A_15 : i32
    %sign3A_17 = arith.extui %sign3A_16 : i1 to i32
    %sign3A_18 = arith.constant 0 : i32
    %sign3A_19 = arith.cmpi slt, %jit3A, %sign3A_18 : i32
    %sign3A_20 = arith.extui %sign3A_19 : i1 to i32
    %sign3A_21 = arith.subi %sign3A_17, %sign3A_20 : i32
    %ne3A = vector.broadcast %sign3A_21 : i32 to vector<16xi32>
    %ne3A_22 = arith.cmpi ne, %sign3A_14, %ne3A : vector<16xi32>
    %rem3A = vector.broadcast %jit3A : i32 to vector<16xi32>
    %rem3A_23 = arith.remsi %add3A_5, %rem3A : vector<16xi32>
    %ne3A_24 = arith.constant 0 : i32
    %ne3A_25 = vector.broadcast %ne3A_24 : i32 to vector<16xi32>
    %ne3A_26 = arith.cmpi ne, %rem3A_23, %ne3A_25 : vector<16xi32>
    %and3A = arith.andi %ne3A_22, %ne3A_26 : vector<16xi1>
    %sub3A = arith.constant 1 : i32
    %sub3A_27 = vector.broadcast %sub3A : i32 to vector<16xi32>
    %sub3A_28 = arith.subi %div3A_6, %sub3A_27 : vector<16xi32>
    %select_n3A = arith.select %and3A, %sub3A_28, %div3A_6 : vector<16xi1>, vector<16xi32>
    %add3A_29 = arith.constant 16 : i32
    %add3A_30 = vector.broadcast %add3A_29 : i32 to vector<16xi32>
    %add3A_31 = arith.addi %add3A_30, %iota3A : vector<16xi32>
    %jit3A_32 = arith.constant 20 : i32
    %div3A_33 = vector.broadcast %jit3A_32 : i32 to vector<16xi32>
    %div3A_34 = arith.divsi %add3A_31, %div3A_33 : vector<16xi32>
    %sign3A_35 = arith.constant 0 : i32
    %sign3A_36 = vector.broadcast %sign3A_35 : i32 to vector<16xi32>
    %sign3A_37 = arith.cmpi sgt, %add3A_31, %sign3A_36 : vector<16xi32>
    %sign3A_38 = arith.extui %sign3A_37 : vector<16xi1> to vector<16xi32>
    %sign3A_39 = arith.constant 0 : i32
    %sign3A_40 = vector.broadcast %sign3A_39 : i32 to vector<16xi32>
    %sign3A_41 = arith.cmpi slt, %add3A_31, %sign3A_40 : vector<16xi32>
    %sign3A_42 = arith.extui %sign3A_41 : vector<16xi1> to vector<16xi32>
    %sign3A_43 = arith.subi %sign3A_38, %sign3A_42 : vector<16xi32>
    %sign3A_44 = arith.constant 0 : i32
    %sign3A_45 = arith.cmpi sgt, %jit3A_32, %sign3A_44 : i32
    %sign3A_46 = arith.extui %sign3A_45 : i1 to i32
    %sign3A_47 = arith.constant 0 : i32
    %sign3A_48 = arith.cmpi slt, %jit3A_32, %sign3A_47 : i32
    %sign3A_49 = arith.extui %sign3A_48 : i1 to i32
    %sign3A_50 = arith.subi %sign3A_46, %sign3A_49 : i32
    %ne3A_51 = vector.broadcast %sign3A_50 : i32 to vector<16xi32>
    %ne3A_52 = arith.cmpi ne, %sign3A_43, %ne3A_51 : vector<16xi32>
    %rem3A_53 = vector.broadcast %jit3A_32 : i32 to vector<16xi32>
    %rem3A_54 = arith.remsi %add3A_31, %rem3A_53 : vector<16xi32>
    %ne3A_55 = arith.constant 0 : i32
    %ne3A_56 = vector.broadcast %ne3A_55 : i32 to vector<16xi32>
    %ne3A_57 = arith.cmpi ne, %rem3A_54, %ne3A_56 : vector<16xi32>
    %and3A_58 = arith.andi %ne3A_52, %ne3A_57 : vector<16xi1>
    %sub3A_59 = arith.constant 1 : i32
    %sub3A_60 = vector.broadcast %sub3A_59 : i32 to vector<16xi32>
    %sub3A_61 = arith.subi %div3A_34, %sub3A_60 : vector<16xi32>
    %select_n3A_62 = arith.select %and3A_58, %sub3A_61, %div3A_34 : vector<16xi1>, vector<16xi32>
    %add3A_63 = arith.constant 32 : i32
    %add3A_64 = vector.broadcast %add3A_63 : i32 to vector<16xi32>
    %add3A_65 = arith.addi %add3A_64, %iota3A : vector<16xi32>
    %jit3A_66 = arith.constant 20 : i32
    %div3A_67 = vector.broadcast %jit3A_66 : i32 to vector<16xi32>
    %div3A_68 = arith.divsi %add3A_65, %div3A_67 : vector<16xi32>
    %sign3A_69 = arith.constant 0 : i32
    %sign3A_70 = vector.broadcast %sign3A_69 : i32 to vector<16xi32>
    %sign3A_71 = arith.cmpi sgt, %add3A_65, %sign3A_70 : vector<16xi32>
    %sign3A_72 = arith.extui %sign3A_71 : vector<16xi1> to vector<16xi32>
    %sign3A_73 = arith.constant 0 : i32
    %sign3A_74 = vector.broadcast %sign3A_73 : i32 to vector<16xi32>
    %sign3A_75 = arith.cmpi slt, %add3A_65, %sign3A_74 : vector<16xi32>
    %sign3A_76 = arith.extui %sign3A_75 : vector<16xi1> to vector<16xi32>
    %sign3A_77 = arith.subi %sign3A_72, %sign3A_76 : vector<16xi32>
    %sign3A_78 = arith.constant 0 : i32
    %sign3A_79 = arith.cmpi sgt, %jit3A_66, %sign3A_78 : i32
    %sign3A_80 = arith.extui %sign3A_79 : i1 to i32
    %sign3A_81 = arith.constant 0 : i32
    %sign3A_82 = arith.cmpi slt, %jit3A_66, %sign3A_81 : i32
    %sign3A_83 = arith.extui %sign3A_82 : i1 to i32
    %sign3A_84 = arith.subi %sign3A_80, %sign3A_83 : i32
    %ne3A_85 = vector.broadcast %sign3A_84 : i32 to vector<16xi32>
    %ne3A_86 = arith.cmpi ne, %sign3A_77, %ne3A_85 : vector<16xi32>
    %rem3A_87 = vector.broadcast %jit3A_66 : i32 to vector<16xi32>
    %rem3A_88 = arith.remsi %add3A_65, %rem3A_87 : vector<16xi32>
    %ne3A_89 = arith.constant 0 : i32
    %ne3A_90 = vector.broadcast %ne3A_89 : i32 to vector<16xi32>
    %ne3A_91 = arith.cmpi ne, %rem3A_88, %ne3A_90 : vector<16xi32>
    %and3A_92 = arith.andi %ne3A_86, %ne3A_91 : vector<16xi1>
    %sub3A_93 = arith.constant 1 : i32
    %sub3A_94 = vector.broadcast %sub3A_93 : i32 to vector<16xi32>
    %sub3A_95 = arith.subi %div3A_68, %sub3A_94 : vector<16xi32>
    %select_n3A_96 = arith.select %and3A_92, %sub3A_95, %div3A_68 : vector<16xi1>, vector<16xi32>
    %add3A_97 = arith.constant 48 : i32
    %add3A_98 = vector.broadcast %add3A_97 : i32 to vector<16xi32>
    %add3A_99 = arith.addi %add3A_98, %iota3A : vector<16xi32>
    %jit3A_100 = arith.constant 20 : i32
    %div3A_101 = vector.broadcast %jit3A_100 : i32 to vector<16xi32>
    %div3A_102 = arith.divsi %add3A_99, %div3A_101 : vector<16xi32>
    %sign3A_103 = arith.constant 0 : i32
    %sign3A_104 = vector.broadcast %sign3A_103 : i32 to vector<16xi32>
    %sign3A_105 = arith.cmpi sgt, %add3A_99, %sign3A_104 : vector<16xi32>
    %sign3A_106 = arith.extui %sign3A_105 : vector<16xi1> to vector<16xi32>
    %sign3A_107 = arith.constant 0 : i32
    %sign3A_108 = vector.broadcast %sign3A_107 : i32 to vector<16xi32>
    %sign3A_109 = arith.cmpi slt, %add3A_99, %sign3A_108 : vector<16xi32>
    %sign3A_110 = arith.extui %sign3A_109 : vector<16xi1> to vector<16xi32>
    %sign3A_111 = arith.subi %sign3A_106, %sign3A_110 : vector<16xi32>
    %sign3A_112 = arith.constant 0 : i32
    %sign3A_113 = arith.cmpi sgt, %jit3A_100, %sign3A_112 : i32
    %sign3A_114 = arith.extui %sign3A_113 : i1 to i32
    %sign3A_115 = arith.constant 0 : i32
    %sign3A_116 = arith.cmpi slt, %jit3A_100, %sign3A_115 : i32
    %sign3A_117 = arith.extui %sign3A_116 : i1 to i32
    %sign3A_118 = arith.subi %sign3A_114, %sign3A_117 : i32
    %ne3A_119 = vector.broadcast %sign3A_118 : i32 to vector<16xi32>
    %ne3A_120 = arith.cmpi ne, %sign3A_111, %ne3A_119 : vector<16xi32>
    %rem3A_121 = vector.broadcast %jit3A_100 : i32 to vector<16xi32>
    %rem3A_122 = arith.remsi %add3A_99, %rem3A_121 : vector<16xi32>
    %ne3A_123 = arith.constant 0 : i32
    %ne3A_124 = vector.broadcast %ne3A_123 : i32 to vector<16xi32>
    %ne3A_125 = arith.cmpi ne, %rem3A_122, %ne3A_124 : vector<16xi32>
    %and3A_126 = arith.andi %ne3A_120, %ne3A_125 : vector<16xi1>
    %sub3A_127 = arith.constant 1 : i32
    %sub3A_128 = vector.broadcast %sub3A_127 : i32 to vector<16xi32>
    %sub3A_129 = arith.subi %div3A_102, %sub3A_128 : vector<16xi32>
    %select_n3A_130 = arith.select %and3A_126, %sub3A_129, %div3A_102 : vector<16xi1>, vector<16xi32>
    %add3A_131 = arith.constant 64 : i32
    %add3A_132 = vector.broadcast %add3A_131 : i32 to vector<16xi32>
    %add3A_133 = arith.addi %add3A_132, %iota3A : vector<16xi32>
    %jit3A_134 = arith.constant 20 : i32
    %div3A_135 = vector.broadcast %jit3A_134 : i32 to vector<16xi32>
    %div3A_136 = arith.divsi %add3A_133, %div3A_135 : vector<16xi32>
    %sign3A_137 = arith.constant 0 : i32
    %sign3A_138 = vector.broadcast %sign3A_137 : i32 to vector<16xi32>
    %sign3A_139 = arith.cmpi sgt, %add3A_133, %sign3A_138 : vector<16xi32>
    %sign3A_140 = arith.extui %sign3A_139 : vector<16xi1> to vector<16xi32>
    %sign3A_141 = arith.constant 0 : i32
    %sign3A_142 = vector.broadcast %sign3A_141 : i32 to vector<16xi32>
    %sign3A_143 = arith.cmpi slt, %add3A_133, %sign3A_142 : vector<16xi32>
    %sign3A_144 = arith.extui %sign3A_143 : vector<16xi1> to vector<16xi32>
    %sign3A_145 = arith.subi %sign3A_140, %sign3A_144 : vector<16xi32>
    %sign3A_146 = arith.constant 0 : i32
    %sign3A_147 = arith.cmpi sgt, %jit3A_134, %sign3A_146 : i32
    %sign3A_148 = arith.extui %sign3A_147 : i1 to i32
    %sign3A_149 = arith.constant 0 : i32
    %sign3A_150 = arith.cmpi slt, %jit3A_134, %sign3A_149 : i32
    %sign3A_151 = arith.extui %sign3A_150 : i1 to i32
    %sign3A_152 = arith.subi %sign3A_148, %sign3A_151 : i32
    %ne3A_153 = vector.broadcast %sign3A_152 : i32 to vector<16xi32>
    %ne3A_154 = arith.cmpi ne, %sign3A_145, %ne3A_153 : vector<16xi32>
    %rem3A_155 = vector.broadcast %jit3A_134 : i32 to vector<16xi32>
    %rem3A_156 = arith.remsi %add3A_133, %rem3A_155 : vector<16xi32>
    %ne3A_157 = arith.constant 0 : i32
    %ne3A_158 = vector.broadcast %ne3A_157 : i32 to vector<16xi32>
    %ne3A_159 = arith.cmpi ne, %rem3A_156, %ne3A_158 : vector<16xi32>
    %and3A_160 = arith.andi %ne3A_154, %ne3A_159 : vector<16xi1>
    %sub3A_161 = arith.constant 1 : i32
    %sub3A_162 = vector.broadcast %sub3A_161 : i32 to vector<16xi32>
    %sub3A_163 = arith.subi %div3A_136, %sub3A_162 : vector<16xi32>
    %select_n3A_164 = arith.select %and3A_160, %sub3A_163, %div3A_136 : vector<16xi1>, vector<16xi32>
    %add3A_165 = arith.constant 80 : i32
    %add3A_166 = vector.broadcast %add3A_165 : i32 to vector<16xi32>
    %add3A_167 = arith.addi %add3A_166, %iota3A : vector<16xi32>
    %jit3A_168 = arith.constant 20 : i32
    %div3A_169 = vector.broadcast %jit3A_168 : i32 to vector<16xi32>
    %div3A_170 = arith.divsi %add3A_167, %div3A_169 : vector<16xi32>
    %sign3A_171 = arith.constant 0 : i32
    %sign3A_172 = vector.broadcast %sign3A_171 : i32 to vector<16xi32>
    %sign3A_173 = arith.cmpi sgt, %add3A_167, %sign3A_172 : vector<16xi32>
    %sign3A_174 = arith.extui %sign3A_173 : vector<16xi1> to vector<16xi32>
    %sign3A_175 = arith.constant 0 : i32
    %sign3A_176 = vector.broadcast %sign3A_175 : i32 to vector<16xi32>
    %sign3A_177 = arith.cmpi slt, %add3A_167, %sign3A_176 : vector<16xi32>
    %sign3A_178 = arith.extui %sign3A_177 : vector<16xi1> to vector<16xi32>
    %sign3A_179 = arith.subi %sign3A_174, %sign3A_178 : vector<16xi32>
    %sign3A_180 = arith.constant 0 : i32
    %sign3A_181 = arith.cmpi sgt, %jit3A_168, %sign3A_180 : i32
    %sign3A_182 = arith.extui %sign3A_181 : i1 to i32
    %sign3A_183 = arith.constant 0 : i32
    %sign3A_184 = arith.cmpi slt, %jit3A_168, %sign3A_183 : i32
    %sign3A_185 = arith.extui %sign3A_184 : i1 to i32
    %sign3A_186 = arith.subi %sign3A_182, %sign3A_185 : i32
    %ne3A_187 = vector.broadcast %sign3A_186 : i32 to vector<16xi32>
    %ne3A_188 = arith.cmpi ne, %sign3A_179, %ne3A_187 : vector<16xi32>
    %rem3A_189 = vector.broadcast %jit3A_168 : i32 to vector<16xi32>
    %rem3A_190 = arith.remsi %add3A_167, %rem3A_189 : vector<16xi32>
    %ne3A_191 = arith.constant 0 : i32
    %ne3A_192 = vector.broadcast %ne3A_191 : i32 to vector<16xi32>
    %ne3A_193 = arith.cmpi ne, %rem3A_190, %ne3A_192 : vector<16xi32>
    %and3A_194 = arith.andi %ne3A_188, %ne3A_193 : vector<16xi1>
    %sub3A_195 = arith.constant 1 : i32
    %sub3A_196 = vector.broadcast %sub3A_195 : i32 to vector<16xi32>
    %sub3A_197 = arith.subi %div3A_170, %sub3A_196 : vector<16xi32>
    %select_n3A_198 = arith.select %and3A_194, %sub3A_197, %div3A_170 : vector<16xi1>, vector<16xi32>
    %add3A_199 = arith.constant 96 : i32
    %add3A_200 = vector.broadcast %add3A_199 : i32 to vector<16xi32>
    %add3A_201 = arith.addi %add3A_200, %iota3A : vector<16xi32>
    %jit3A_202 = arith.constant 20 : i32
    %div3A_203 = vector.broadcast %jit3A_202 : i32 to vector<16xi32>
    %div3A_204 = arith.divsi %add3A_201, %div3A_203 : vector<16xi32>
    %sign3A_205 = arith.constant 0 : i32
    %sign3A_206 = vector.broadcast %sign3A_205 : i32 to vector<16xi32>
    %sign3A_207 = arith.cmpi sgt, %add3A_201, %sign3A_206 : vector<16xi32>
    %sign3A_208 = arith.extui %sign3A_207 : vector<16xi1> to vector<16xi32>
    %sign3A_209 = arith.constant 0 : i32
    %sign3A_210 = vector.broadcast %sign3A_209 : i32 to vector<16xi32>
    %sign3A_211 = arith.cmpi slt, %add3A_201, %sign3A_210 : vector<16xi32>
    %sign3A_212 = arith.extui %sign3A_211 : vector<16xi1> to vector<16xi32>
    %sign3A_213 = arith.subi %sign3A_208, %sign3A_212 : vector<16xi32>
    %sign3A_214 = arith.constant 0 : i32
    %sign3A_215 = arith.cmpi sgt, %jit3A_202, %sign3A_214 : i32
    %sign3A_216 = arith.extui %sign3A_215 : i1 to i32
    %sign3A_217 = arith.constant 0 : i32
    %sign3A_218 = arith.cmpi slt, %jit3A_202, %sign3A_217 : i32
    %sign3A_219 = arith.extui %sign3A_218 : i1 to i32
    %sign3A_220 = arith.subi %sign3A_216, %sign3A_219 : i32
    %ne3A_221 = vector.broadcast %sign3A_220 : i32 to vector<16xi32>
    %ne3A_222 = arith.cmpi ne, %sign3A_213, %ne3A_221 : vector<16xi32>
    %rem3A_223 = vector.broadcast %jit3A_202 : i32 to vector<16xi32>
    %rem3A_224 = arith.remsi %add3A_201, %rem3A_223 : vector<16xi32>
    %ne3A_225 = arith.constant 0 : i32
    %ne3A_226 = vector.broadcast %ne3A_225 : i32 to vector<16xi32>
    %ne3A_227 = arith.cmpi ne, %rem3A_224, %ne3A_226 : vector<16xi32>
    %and3A_228 = arith.andi %ne3A_222, %ne3A_227 : vector<16xi1>
    %sub3A_229 = arith.constant 1 : i32
    %sub3A_230 = vector.broadcast %sub3A_229 : i32 to vector<16xi32>
    %sub3A_231 = arith.subi %div3A_204, %sub3A_230 : vector<16xi32>
    %select_n3A_232 = arith.select %and3A_228, %sub3A_231, %div3A_204 : vector<16xi1>, vector<16xi32>
    %add3A_233 = arith.constant 112 : i32
    %add3A_234 = vector.broadcast %add3A_233 : i32 to vector<16xi32>
    %add3A_235 = arith.addi %add3A_234, %iota3A : vector<16xi32>
    %jit3A_236 = arith.constant 20 : i32
    %div3A_237 = vector.broadcast %jit3A_236 : i32 to vector<16xi32>
    %div3A_238 = arith.divsi %add3A_235, %div3A_237 : vector<16xi32>
    %sign3A_239 = arith.constant 0 : i32
    %sign3A_240 = vector.broadcast %sign3A_239 : i32 to vector<16xi32>
    %sign3A_241 = arith.cmpi sgt, %add3A_235, %sign3A_240 : vector<16xi32>
    %sign3A_242 = arith.extui %sign3A_241 : vector<16xi1> to vector<16xi32>
    %sign3A_243 = arith.constant 0 : i32
    %sign3A_244 = vector.broadcast %sign3A_243 : i32 to vector<16xi32>
    %sign3A_245 = arith.cmpi slt, %add3A_235, %sign3A_244 : vector<16xi32>
    %sign3A_246 = arith.extui %sign3A_245 : vector<16xi1> to vector<16xi32>
    %sign3A_247 = arith.subi %sign3A_242, %sign3A_246 : vector<16xi32>
    %sign3A_248 = arith.constant 0 : i32
    %sign3A_249 = arith.cmpi sgt, %jit3A_236, %sign3A_248 : i32
    %sign3A_250 = arith.extui %sign3A_249 : i1 to i32
    %sign3A_251 = arith.constant 0 : i32
    %sign3A_252 = arith.cmpi slt, %jit3A_236, %sign3A_251 : i32
    %sign3A_253 = arith.extui %sign3A_252 : i1 to i32
    %sign3A_254 = arith.subi %sign3A_250, %sign3A_253 : i32
    %ne3A_255 = vector.broadcast %sign3A_254 : i32 to vector<16xi32>
    %ne3A_256 = arith.cmpi ne, %sign3A_247, %ne3A_255 : vector<16xi32>
    %rem3A_257 = vector.broadcast %jit3A_236 : i32 to vector<16xi32>
    %rem3A_258 = arith.remsi %add3A_235, %rem3A_257 : vector<16xi32>
    %ne3A_259 = arith.constant 0 : i32
    %ne3A_260 = vector.broadcast %ne3A_259 : i32 to vector<16xi32>
    %ne3A_261 = arith.cmpi ne, %rem3A_258, %ne3A_260 : vector<16xi32>
    %and3A_262 = arith.andi %ne3A_256, %ne3A_261 : vector<16xi1>
    %sub3A_263 = arith.constant 1 : i32
    %sub3A_264 = vector.broadcast %sub3A_263 : i32 to vector<16xi32>
    %sub3A_265 = arith.subi %div3A_238, %sub3A_264 : vector<16xi32>
    %select_n3A_266 = arith.select %and3A_262, %sub3A_265, %div3A_238 : vector<16xi1>, vector<16xi32>
    %add3A_267 = arith.constant 128 : i32
    %add3A_268 = vector.broadcast %add3A_267 : i32 to vector<16xi32>
    %add3A_269 = arith.addi %add3A_268, %iota3A : vector<16xi32>
    %jit3A_270 = arith.constant 20 : i32
    %div3A_271 = vector.broadcast %jit3A_270 : i32 to vector<16xi32>
    %div3A_272 = arith.divsi %add3A_269, %div3A_271 : vector<16xi32>
    %sign3A_273 = arith.constant 0 : i32
    %sign3A_274 = vector.broadcast %sign3A_273 : i32 to vector<16xi32>
    %sign3A_275 = arith.cmpi sgt, %add3A_269, %sign3A_274 : vector<16xi32>
    %sign3A_276 = arith.extui %sign3A_275 : vector<16xi1> to vector<16xi32>
    %sign3A_277 = arith.constant 0 : i32
    %sign3A_278 = vector.broadcast %sign3A_277 : i32 to vector<16xi32>
    %sign3A_279 = arith.cmpi slt, %add3A_269, %sign3A_278 : vector<16xi32>
    %sign3A_280 = arith.extui %sign3A_279 : vector<16xi1> to vector<16xi32>
    %sign3A_281 = arith.subi %sign3A_276, %sign3A_280 : vector<16xi32>
    %sign3A_282 = arith.constant 0 : i32
    %sign3A_283 = arith.cmpi sgt, %jit3A_270, %sign3A_282 : i32
    %sign3A_284 = arith.extui %sign3A_283 : i1 to i32
    %sign3A_285 = arith.constant 0 : i32
    %sign3A_286 = arith.cmpi slt, %jit3A_270, %sign3A_285 : i32
    %sign3A_287 = arith.extui %sign3A_286 : i1 to i32
    %sign3A_288 = arith.subi %sign3A_284, %sign3A_287 : i32
    %ne3A_289 = vector.broadcast %sign3A_288 : i32 to vector<16xi32>
    %ne3A_290 = arith.cmpi ne, %sign3A_281, %ne3A_289 : vector<16xi32>
    %rem3A_291 = vector.broadcast %jit3A_270 : i32 to vector<16xi32>
    %rem3A_292 = arith.remsi %add3A_269, %rem3A_291 : vector<16xi32>
    %ne3A_293 = arith.constant 0 : i32
    %ne3A_294 = vector.broadcast %ne3A_293 : i32 to vector<16xi32>
    %ne3A_295 = arith.cmpi ne, %rem3A_292, %ne3A_294 : vector<16xi32>
    %and3A_296 = arith.andi %ne3A_290, %ne3A_295 : vector<16xi1>
    %sub3A_297 = arith.constant 1 : i32
    %sub3A_298 = vector.broadcast %sub3A_297 : i32 to vector<16xi32>
    %sub3A_299 = arith.subi %div3A_272, %sub3A_298 : vector<16xi32>
    %select_n3A_300 = arith.select %and3A_296, %sub3A_299, %div3A_272 : vector<16xi1>, vector<16xi32>
    %add3A_301 = arith.constant 144 : i32
    %add3A_302 = vector.broadcast %add3A_301 : i32 to vector<16xi32>
    %add3A_303 = arith.addi %add3A_302, %iota3A : vector<16xi32>
    %jit3A_304 = arith.constant 20 : i32
    %div3A_305 = vector.broadcast %jit3A_304 : i32 to vector<16xi32>
    %div3A_306 = arith.divsi %add3A_303, %div3A_305 : vector<16xi32>
    %sign3A_307 = arith.constant 0 : i32
    %sign3A_308 = vector.broadcast %sign3A_307 : i32 to vector<16xi32>
    %sign3A_309 = arith.cmpi sgt, %add3A_303, %sign3A_308 : vector<16xi32>
    %sign3A_310 = arith.extui %sign3A_309 : vector<16xi1> to vector<16xi32>
    %sign3A_311 = arith.constant 0 : i32
    %sign3A_312 = vector.broadcast %sign3A_311 : i32 to vector<16xi32>
    %sign3A_313 = arith.cmpi slt, %add3A_303, %sign3A_312 : vector<16xi32>
    %sign3A_314 = arith.extui %sign3A_313 : vector<16xi1> to vector<16xi32>
    %sign3A_315 = arith.subi %sign3A_310, %sign3A_314 : vector<16xi32>
    %sign3A_316 = arith.constant 0 : i32
    %sign3A_317 = arith.cmpi sgt, %jit3A_304, %sign3A_316 : i32
    %sign3A_318 = arith.extui %sign3A_317 : i1 to i32
    %sign3A_319 = arith.constant 0 : i32
    %sign3A_320 = arith.cmpi slt, %jit3A_304, %sign3A_319 : i32
    %sign3A_321 = arith.extui %sign3A_320 : i1 to i32
    %sign3A_322 = arith.subi %sign3A_318, %sign3A_321 : i32
    %ne3A_323 = vector.broadcast %sign3A_322 : i32 to vector<16xi32>
    %ne3A_324 = arith.cmpi ne, %sign3A_315, %ne3A_323 : vector<16xi32>
    %rem3A_325 = vector.broadcast %jit3A_304 : i32 to vector<16xi32>
    %rem3A_326 = arith.remsi %add3A_303, %rem3A_325 : vector<16xi32>
    %ne3A_327 = arith.constant 0 : i32
    %ne3A_328 = vector.broadcast %ne3A_327 : i32 to vector<16xi32>
    %ne3A_329 = arith.cmpi ne, %rem3A_326, %ne3A_328 : vector<16xi32>
    %and3A_330 = arith.andi %ne3A_324, %ne3A_329 : vector<16xi1>
    %sub3A_331 = arith.constant 1 : i32
    %sub3A_332 = vector.broadcast %sub3A_331 : i32 to vector<16xi32>
    %sub3A_333 = arith.subi %div3A_306, %sub3A_332 : vector<16xi32>
    %select_n3A_334 = arith.select %and3A_330, %sub3A_333, %div3A_306 : vector<16xi1>, vector<16xi32>
    %add3A_335 = arith.constant 0 : i32
    %add3A_336 = vector.broadcast %add3A_335 : i32 to vector<16xi32>
    %add3A_337 = arith.addi %add3A_336, %iota3A : vector<16xi32>
    %jit3A_338 = arith.constant 20 : i32
    %eq3A = arith.constant 0 : i32
    %eq3A_339 = arith.cmpi eq, %jit3A_338, %eq3A : i32
    %jit3A_340 = arith.constant 1 : i32
    %select_n3A_341 = arith.select %eq3A_339, %jit3A_340, %jit3A_338 : i32
    %rem3A_342 = vector.broadcast %select_n3A_341 : i32 to vector<16xi32>
    %rem3A_343 = arith.remsi %add3A_337, %rem3A_342 : vector<16xi32>
    %ne3A_344 = arith.constant 0 : i32
    %ne3A_345 = vector.broadcast %ne3A_344 : i32 to vector<16xi32>
    %ne3A_346 = arith.cmpi ne, %rem3A_343, %ne3A_345 : vector<16xi32>
    %lt3A = arith.constant 0 : i32
    %lt3A_347 = vector.broadcast %lt3A : i32 to vector<16xi32>
    %lt3A_348 = arith.cmpi slt, %rem3A_343, %lt3A_347 : vector<16xi32>
    %lt3A_349 = arith.constant 0 : i32
    %lt3A_350 = arith.cmpi slt, %select_n3A_341, %lt3A_349 : i32
    %ne3A_351 = vector.broadcast %lt3A_350 : i1 to vector<16xi1>
    %ne3A_352 = vector.broadcast %ne3A_351 : vector<16xi1> to vector<16xi1>
    %ne3A_353 = arith.xori %lt3A_348, %ne3A_352 : vector<16xi1>
    %and3A_354 = arith.andi %ne3A_353, %ne3A_346 : vector<16xi1>
    %add3A_355 = vector.broadcast %select_n3A_341 : i32 to vector<16xi32>
    %add3A_356 = arith.addi %rem3A_343, %add3A_355 : vector<16xi32>
    %select_n3A_357 = arith.select %and3A_354, %add3A_356, %rem3A_343 : vector<16xi1>, vector<16xi32>
    %add3A_358 = arith.constant 16 : i32
    %add3A_359 = vector.broadcast %add3A_358 : i32 to vector<16xi32>
    %add3A_360 = arith.addi %add3A_359, %iota3A : vector<16xi32>
    %jit3A_361 = arith.constant 20 : i32
    %eq3A_362 = arith.constant 0 : i32
    %eq3A_363 = arith.cmpi eq, %jit3A_361, %eq3A_362 : i32
    %jit3A_364 = arith.constant 1 : i32
    %select_n3A_365 = arith.select %eq3A_363, %jit3A_364, %jit3A_361 : i32
    %rem3A_366 = vector.broadcast %select_n3A_365 : i32 to vector<16xi32>
    %rem3A_367 = arith.remsi %add3A_360, %rem3A_366 : vector<16xi32>
    %ne3A_368 = arith.constant 0 : i32
    %ne3A_369 = vector.broadcast %ne3A_368 : i32 to vector<16xi32>
    %ne3A_370 = arith.cmpi ne, %rem3A_367, %ne3A_369 : vector<16xi32>
    %lt3A_371 = arith.constant 0 : i32
    %lt3A_372 = vector.broadcast %lt3A_371 : i32 to vector<16xi32>
    %lt3A_373 = arith.cmpi slt, %rem3A_367, %lt3A_372 : vector<16xi32>
    %lt3A_374 = arith.constant 0 : i32
    %lt3A_375 = arith.cmpi slt, %select_n3A_365, %lt3A_374 : i32
    %ne3A_376 = vector.broadcast %lt3A_375 : i1 to vector<16xi1>
    %ne3A_377 = vector.broadcast %ne3A_376 : vector<16xi1> to vector<16xi1>
    %ne3A_378 = arith.xori %lt3A_373, %ne3A_377 : vector<16xi1>
    %and3A_379 = arith.andi %ne3A_378, %ne3A_370 : vector<16xi1>
    %add3A_380 = vector.broadcast %select_n3A_365 : i32 to vector<16xi32>
    %add3A_381 = arith.addi %rem3A_367, %add3A_380 : vector<16xi32>
    %select_n3A_382 = arith.select %and3A_379, %add3A_381, %rem3A_367 : vector<16xi1>, vector<16xi32>
    %add3A_383 = arith.constant 32 : i32
    %add3A_384 = vector.broadcast %add3A_383 : i32 to vector<16xi32>
    %add3A_385 = arith.addi %add3A_384, %iota3A : vector<16xi32>
    %jit3A_386 = arith.constant 20 : i32
    %eq3A_387 = arith.constant 0 : i32
    %eq3A_388 = arith.cmpi eq, %jit3A_386, %eq3A_387 : i32
    %jit3A_389 = arith.constant 1 : i32
    %select_n3A_390 = arith.select %eq3A_388, %jit3A_389, %jit3A_386 : i32
    %rem3A_391 = vector.broadcast %select_n3A_390 : i32 to vector<16xi32>
    %rem3A_392 = arith.remsi %add3A_385, %rem3A_391 : vector<16xi32>
    %ne3A_393 = arith.constant 0 : i32
    %ne3A_394 = vector.broadcast %ne3A_393 : i32 to vector<16xi32>
    %ne3A_395 = arith.cmpi ne, %rem3A_392, %ne3A_394 : vector<16xi32>
    %lt3A_396 = arith.constant 0 : i32
    %lt3A_397 = vector.broadcast %lt3A_396 : i32 to vector<16xi32>
    %lt3A_398 = arith.cmpi slt, %rem3A_392, %lt3A_397 : vector<16xi32>
    %lt3A_399 = arith.constant 0 : i32
    %lt3A_400 = arith.cmpi slt, %select_n3A_390, %lt3A_399 : i32
    %ne3A_401 = vector.broadcast %lt3A_400 : i1 to vector<16xi1>
    %ne3A_402 = vector.broadcast %ne3A_401 : vector<16xi1> to vector<16xi1>
    %ne3A_403 = arith.xori %lt3A_398, %ne3A_402 : vector<16xi1>
    %and3A_404 = arith.andi %ne3A_403, %ne3A_395 : vector<16xi1>
    %add3A_405 = vector.broadcast %select_n3A_390 : i32 to vector<16xi32>
    %add3A_406 = arith.addi %rem3A_392, %add3A_405 : vector<16xi32>
    %select_n3A_407 = arith.select %and3A_404, %add3A_406, %rem3A_392 : vector<16xi1>, vector<16xi32>
    %add3A_408 = arith.constant 48 : i32
    %add3A_409 = vector.broadcast %add3A_408 : i32 to vector<16xi32>
    %add3A_410 = arith.addi %add3A_409, %iota3A : vector<16xi32>
    %jit3A_411 = arith.constant 20 : i32
    %eq3A_412 = arith.constant 0 : i32
    %eq3A_413 = arith.cmpi eq, %jit3A_411, %eq3A_412 : i32
    %jit3A_414 = arith.constant 1 : i32
    %select_n3A_415 = arith.select %eq3A_413, %jit3A_414, %jit3A_411 : i32
    %rem3A_416 = vector.broadcast %select_n3A_415 : i32 to vector<16xi32>
    %rem3A_417 = arith.remsi %add3A_410, %rem3A_416 : vector<16xi32>
    %ne3A_418 = arith.constant 0 : i32
    %ne3A_419 = vector.broadcast %ne3A_418 : i32 to vector<16xi32>
    %ne3A_420 = arith.cmpi ne, %rem3A_417, %ne3A_419 : vector<16xi32>
    %lt3A_421 = arith.constant 0 : i32
    %lt3A_422 = vector.broadcast %lt3A_421 : i32 to vector<16xi32>
    %lt3A_423 = arith.cmpi slt, %rem3A_417, %lt3A_422 : vector<16xi32>
    %lt3A_424 = arith.constant 0 : i32
    %lt3A_425 = arith.cmpi slt, %select_n3A_415, %lt3A_424 : i32
    %ne3A_426 = vector.broadcast %lt3A_425 : i1 to vector<16xi1>
    %ne3A_427 = vector.broadcast %ne3A_426 : vector<16xi1> to vector<16xi1>
    %ne3A_428 = arith.xori %lt3A_423, %ne3A_427 : vector<16xi1>
    %and3A_429 = arith.andi %ne3A_428, %ne3A_420 : vector<16xi1>
    %add3A_430 = vector.broadcast %select_n3A_415 : i32 to vector<16xi32>
    %add3A_431 = arith.addi %rem3A_417, %add3A_430 : vector<16xi32>
    %select_n3A_432 = arith.select %and3A_429, %add3A_431, %rem3A_417 : vector<16xi1>, vector<16xi32>
    %add3A_433 = arith.constant 64 : i32
    %add3A_434 = vector.broadcast %add3A_433 : i32 to vector<16xi32>
    %add3A_435 = arith.addi %add3A_434, %iota3A : vector<16xi32>
    %jit3A_436 = arith.constant 20 : i32
    %eq3A_437 = arith.constant 0 : i32
    %eq3A_438 = arith.cmpi eq, %jit3A_436, %eq3A_437 : i32
    %jit3A_439 = arith.constant 1 : i32
    %select_n3A_440 = arith.select %eq3A_438, %jit3A_439, %jit3A_436 : i32
    %rem3A_441 = vector.broadcast %select_n3A_440 : i32 to vector<16xi32>
    %rem3A_442 = arith.remsi %add3A_435, %rem3A_441 : vector<16xi32>
    %ne3A_443 = arith.constant 0 : i32
    %ne3A_444 = vector.broadcast %ne3A_443 : i32 to vector<16xi32>
    %ne3A_445 = arith.cmpi ne, %rem3A_442, %ne3A_444 : vector<16xi32>
    %lt3A_446 = arith.constant 0 : i32
    %lt3A_447 = vector.broadcast %lt3A_446 : i32 to vector<16xi32>
    %lt3A_448 = arith.cmpi slt, %rem3A_442, %lt3A_447 : vector<16xi32>
    %lt3A_449 = arith.constant 0 : i32
    %lt3A_450 = arith.cmpi slt, %select_n3A_440, %lt3A_449 : i32
    %ne3A_451 = vector.broadcast %lt3A_450 : i1 to vector<16xi1>
    %ne3A_452 = vector.broadcast %ne3A_451 : vector<16xi1> to vector<16xi1>
    %ne3A_453 = arith.xori %lt3A_448, %ne3A_452 : vector<16xi1>
    %and3A_454 = arith.andi %ne3A_453, %ne3A_445 : vector<16xi1>
    %add3A_455 = vector.broadcast %select_n3A_440 : i32 to vector<16xi32>
    %add3A_456 = arith.addi %rem3A_442, %add3A_455 : vector<16xi32>
    %select_n3A_457 = arith.select %and3A_454, %add3A_456, %rem3A_442 : vector<16xi1>, vector<16xi32>
    %add3A_458 = arith.constant 80 : i32
    %add3A_459 = vector.broadcast %add3A_458 : i32 to vector<16xi32>
    %add3A_460 = arith.addi %add3A_459, %iota3A : vector<16xi32>
    %jit3A_461 = arith.constant 20 : i32
    %eq3A_462 = arith.constant 0 : i32
    %eq3A_463 = arith.cmpi eq, %jit3A_461, %eq3A_462 : i32
    %jit3A_464 = arith.constant 1 : i32
    %select_n3A_465 = arith.select %eq3A_463, %jit3A_464, %jit3A_461 : i32
    %rem3A_466 = vector.broadcast %select_n3A_465 : i32 to vector<16xi32>
    %rem3A_467 = arith.remsi %add3A_460, %rem3A_466 : vector<16xi32>
    %ne3A_468 = arith.constant 0 : i32
    %ne3A_469 = vector.broadcast %ne3A_468 : i32 to vector<16xi32>
    %ne3A_470 = arith.cmpi ne, %rem3A_467, %ne3A_469 : vector<16xi32>
    %lt3A_471 = arith.constant 0 : i32
    %lt3A_472 = vector.broadcast %lt3A_471 : i32 to vector<16xi32>
    %lt3A_473 = arith.cmpi slt, %rem3A_467, %lt3A_472 : vector<16xi32>
    %lt3A_474 = arith.constant 0 : i32
    %lt3A_475 = arith.cmpi slt, %select_n3A_465, %lt3A_474 : i32
    %ne3A_476 = vector.broadcast %lt3A_475 : i1 to vector<16xi1>
    %ne3A_477 = vector.broadcast %ne3A_476 : vector<16xi1> to vector<16xi1>
    %ne3A_478 = arith.xori %lt3A_473, %ne3A_477 : vector<16xi1>
    %and3A_479 = arith.andi %ne3A_478, %ne3A_470 : vector<16xi1>
    %add3A_480 = vector.broadcast %select_n3A_465 : i32 to vector<16xi32>
    %add3A_481 = arith.addi %rem3A_467, %add3A_480 : vector<16xi32>
    %select_n3A_482 = arith.select %and3A_479, %add3A_481, %rem3A_467 : vector<16xi1>, vector<16xi32>
    %add3A_483 = arith.constant 96 : i32
    %add3A_484 = vector.broadcast %add3A_483 : i32 to vector<16xi32>
    %add3A_485 = arith.addi %add3A_484, %iota3A : vector<16xi32>
    %jit3A_486 = arith.constant 20 : i32
    %eq3A_487 = arith.constant 0 : i32
    %eq3A_488 = arith.cmpi eq, %jit3A_486, %eq3A_487 : i32
    %jit3A_489 = arith.constant 1 : i32
    %select_n3A_490 = arith.select %eq3A_488, %jit3A_489, %jit3A_486 : i32
    %rem3A_491 = vector.broadcast %select_n3A_490 : i32 to vector<16xi32>
    %rem3A_492 = arith.remsi %add3A_485, %rem3A_491 : vector<16xi32>
    %ne3A_493 = arith.constant 0 : i32
    %ne3A_494 = vector.broadcast %ne3A_493 : i32 to vector<16xi32>
    %ne3A_495 = arith.cmpi ne, %rem3A_492, %ne3A_494 : vector<16xi32>
    %lt3A_496 = arith.constant 0 : i32
    %lt3A_497 = vector.broadcast %lt3A_496 : i32 to vector<16xi32>
    %lt3A_498 = arith.cmpi slt, %rem3A_492, %lt3A_497 : vector<16xi32>
    %lt3A_499 = arith.constant 0 : i32
    %lt3A_500 = arith.cmpi slt, %select_n3A_490, %lt3A_499 : i32
    %ne3A_501 = vector.broadcast %lt3A_500 : i1 to vector<16xi1>
    %ne3A_502 = vector.broadcast %ne3A_501 : vector<16xi1> to vector<16xi1>
    %ne3A_503 = arith.xori %lt3A_498, %ne3A_502 : vector<16xi1>
    %and3A_504 = arith.andi %ne3A_503, %ne3A_495 : vector<16xi1>
    %add3A_505 = vector.broadcast %select_n3A_490 : i32 to vector<16xi32>
    %add3A_506 = arith.addi %rem3A_492, %add3A_505 : vector<16xi32>
    %select_n3A_507 = arith.select %and3A_504, %add3A_506, %rem3A_492 : vector<16xi1>, vector<16xi32>
    %add3A_508 = arith.constant 112 : i32
    %add3A_509 = vector.broadcast %add3A_508 : i32 to vector<16xi32>
    %add3A_510 = arith.addi %add3A_509, %iota3A : vector<16xi32>
    %jit3A_511 = arith.constant 20 : i32
    %eq3A_512 = arith.constant 0 : i32
    %eq3A_513 = arith.cmpi eq, %jit3A_511, %eq3A_512 : i32
    %jit3A_514 = arith.constant 1 : i32
    %select_n3A_515 = arith.select %eq3A_513, %jit3A_514, %jit3A_511 : i32
    %rem3A_516 = vector.broadcast %select_n3A_515 : i32 to vector<16xi32>
    %rem3A_517 = arith.remsi %add3A_510, %rem3A_516 : vector<16xi32>
    %ne3A_518 = arith.constant 0 : i32
    %ne3A_519 = vector.broadcast %ne3A_518 : i32 to vector<16xi32>
    %ne3A_520 = arith.cmpi ne, %rem3A_517, %ne3A_519 : vector<16xi32>
    %lt3A_521 = arith.constant 0 : i32
    %lt3A_522 = vector.broadcast %lt3A_521 : i32 to vector<16xi32>
    %lt3A_523 = arith.cmpi slt, %rem3A_517, %lt3A_522 : vector<16xi32>
    %lt3A_524 = arith.constant 0 : i32
    %lt3A_525 = arith.cmpi slt, %select_n3A_515, %lt3A_524 : i32
    %ne3A_526 = vector.broadcast %lt3A_525 : i1 to vector<16xi1>
    %ne3A_527 = vector.broadcast %ne3A_526 : vector<16xi1> to vector<16xi1>
    %ne3A_528 = arith.xori %lt3A_523, %ne3A_527 : vector<16xi1>
    %and3A_529 = arith.andi %ne3A_528, %ne3A_520 : vector<16xi1>
    %add3A_530 = vector.broadcast %select_n3A_515 : i32 to vector<16xi32>
    %add3A_531 = arith.addi %rem3A_517, %add3A_530 : vector<16xi32>
    %select_n3A_532 = arith.select %and3A_529, %add3A_531, %rem3A_517 : vector<16xi1>, vector<16xi32>
    %add3A_533 = arith.constant 128 : i32
    %add3A_534 = vector.broadcast %add3A_533 : i32 to vector<16xi32>
    %add3A_535 = arith.addi %add3A_534, %iota3A : vector<16xi32>
    %jit3A_536 = arith.constant 20 : i32
    %eq3A_537 = arith.constant 0 : i32
    %eq3A_538 = arith.cmpi eq, %jit3A_536, %eq3A_537 : i32
    %jit3A_539 = arith.constant 1 : i32
    %select_n3A_540 = arith.select %eq3A_538, %jit3A_539, %jit3A_536 : i32
    %rem3A_541 = vector.broadcast %select_n3A_540 : i32 to vector<16xi32>
    %rem3A_542 = arith.remsi %add3A_535, %rem3A_541 : vector<16xi32>
    %ne3A_543 = arith.constant 0 : i32
    %ne3A_544 = vector.broadcast %ne3A_543 : i32 to vector<16xi32>
    %ne3A_545 = arith.cmpi ne, %rem3A_542, %ne3A_544 : vector<16xi32>
    %lt3A_546 = arith.constant 0 : i32
    %lt3A_547 = vector.broadcast %lt3A_546 : i32 to vector<16xi32>
    %lt3A_548 = arith.cmpi slt, %rem3A_542, %lt3A_547 : vector<16xi32>
    %lt3A_549 = arith.constant 0 : i32
    %lt3A_550 = arith.cmpi slt, %select_n3A_540, %lt3A_549 : i32
    %ne3A_551 = vector.broadcast %lt3A_550 : i1 to vector<16xi1>
    %ne3A_552 = vector.broadcast %ne3A_551 : vector<16xi1> to vector<16xi1>
    %ne3A_553 = arith.xori %lt3A_548, %ne3A_552 : vector<16xi1>
    %and3A_554 = arith.andi %ne3A_553, %ne3A_545 : vector<16xi1>
    %add3A_555 = vector.broadcast %select_n3A_540 : i32 to vector<16xi32>
    %add3A_556 = arith.addi %rem3A_542, %add3A_555 : vector<16xi32>
    %select_n3A_557 = arith.select %and3A_554, %add3A_556, %rem3A_542 : vector<16xi1>, vector<16xi32>
    %add3A_558 = arith.constant 144 : i32
    %add3A_559 = vector.broadcast %add3A_558 : i32 to vector<16xi32>
    %add3A_560 = arith.addi %add3A_559, %iota3A : vector<16xi32>
    %jit3A_561 = arith.constant 20 : i32
    %eq3A_562 = arith.constant 0 : i32
    %eq3A_563 = arith.cmpi eq, %jit3A_561, %eq3A_562 : i32
    %jit3A_564 = arith.constant 1 : i32
    %select_n3A_565 = arith.select %eq3A_563, %jit3A_564, %jit3A_561 : i32
    %rem3A_566 = vector.broadcast %select_n3A_565 : i32 to vector<16xi32>
    %rem3A_567 = arith.remsi %add3A_560, %rem3A_566 : vector<16xi32>
    %ne3A_568 = arith.constant 0 : i32
    %ne3A_569 = vector.broadcast %ne3A_568 : i32 to vector<16xi32>
    %ne3A_570 = arith.cmpi ne, %rem3A_567, %ne3A_569 : vector<16xi32>
    %lt3A_571 = arith.constant 0 : i32
    %lt3A_572 = vector.broadcast %lt3A_571 : i32 to vector<16xi32>
    %lt3A_573 = arith.cmpi slt, %rem3A_567, %lt3A_572 : vector<16xi32>
    %lt3A_574 = arith.constant 0 : i32
    %lt3A_575 = arith.cmpi slt, %select_n3A_565, %lt3A_574 : i32
    %ne3A_576 = vector.broadcast %lt3A_575 : i1 to vector<16xi1>
    %ne3A_577 = vector.broadcast %ne3A_576 : vector<16xi1> to vector<16xi1>
    %ne3A_578 = arith.xori %lt3A_573, %ne3A_577 : vector<16xi1>
    %and3A_579 = arith.andi %ne3A_578, %ne3A_570 : vector<16xi1>
    %add3A_580 = vector.broadcast %select_n3A_565 : i32 to vector<16xi32>
    %add3A_581 = arith.addi %rem3A_567, %add3A_580 : vector<16xi32>
    %select_n3A_582 = arith.select %and3A_579, %add3A_581, %rem3A_567 : vector<16xi1>, vector<16xi32>
    %add3A_583 = arith.constant 0 : i32
    %add3A_584 = vector.broadcast %add3A_583 : i32 to vector<16xi32>
    %add3A_585 = arith.addi %add3A_584, %select_n3A : vector<16xi32>
    %gather3A = tpu.vector_load_idx %arg8[%add3A_585, %select_n3A_357] : memref<512x20xi32, #tpu.memory_space<vmem>>[vector<16xi32>, vector<16xi32>], vector<16xi32>,
    %swap3A = arith.constant 0 : i32
    %swap3A_586 = arith.index_cast %swap3A : i32 to index
    %swap3A_587 = arith.constant 0 : index
    %swap3A_588 = tpu.vector_load %arg7[%swap3A_586, %swap3A_587] {strides = array<i32>} : memref<4x160xi32, #tpu.memory_space<vmem>>, vector<16xi32>,
    tpu.vector_store %arg7[%swap3A_586, %swap3A_587], %gather3A {strides = array<i32>} : memref<4x160xi32, #tpu.memory_space<vmem>>, vector<16xi32>,
    %add3A_589 = arith.constant 0 : i32
    %add3A_590 = vector.broadcast %add3A_589 : i32 to vector<16xi32>
    %add3A_591 = arith.addi %add3A_590, %select_n3A_62 : vector<16xi32>
    %gather3A_592 = tpu.vector_load_idx %arg8[%add3A_591, %select_n3A_382] : memref<512x20xi32, #tpu.memory_space<vmem>>[vector<16xi32>, vector<16xi32>], vector<16xi32>,
    %swap3A_593 = arith.constant 0 : i32
    %swap3A_594 = arith.index_cast %swap3A_593 : i32 to index
    %swap3A_595 = arith.constant 16 : index
    %swap3A_596 = tpu.vector_load %arg7[%swap3A_594, %swap3A_595] {strides = array<i32>} : memref<4x160xi32, #tpu.memory_space<vmem>>, vector<16xi32>,
    tpu.vector_store %arg7[%swap3A_594, %swap3A_595], %gather3A_592 {strides = array<i32>} : memref<4x160xi32, #tpu.memory_space<vmem>>, vector<16xi32>,
    %add3A_597 = arith.constant 0 : i32
    %add3A_598 = vector.broadcast %add3A_597 : i32 to vector<16xi32>
    %add3A_599 = arith.addi %add3A_598, %select_n3A_96 : vector<16xi32>
    %gather3A_600 = tpu.vector_load_idx %arg8[%add3A_599, %select_n3A_407] : memref<512x20xi32, #tpu.memory_space<vmem>>[vector<16xi32>, vector<16xi32>], vector<16xi32>,
    %swap3A_601 = arith.constant 0 : i32
    %swap3A_602 = arith.index_cast %swap3A_601 : i32 to index
    %swap3A_603 = arith.constant 32 : index
    %swap3A_604 = tpu.vector_load %arg7[%swap3A_602, %swap3A_603] {strides = array<i32>} : memref<4x160xi32, #tpu.memory_space<vmem>>, vector<16xi32>,
    tpu.vector_store %arg7[%swap3A_602, %swap3A_603], %gather3A_600 {strides = array<i32>} : memref<4x160xi32, #tpu.memory_space<vmem>>, vector<16xi32>,
    %add3A_605 = arith.constant 0 : i32
    %add3A_606 = vector.broadcast %add3A_605 : i32 to vector<16xi32>
    %add3A_607 = arith.addi %add3A_606, %select_n3A_130 : vector<16xi32>
    %gather3A_608 = tpu.vector_load_idx %arg8[%add3A_607, %select_n3A_432] : memref<512x20xi32, #tpu.memory_space<vmem>>[vector<16xi32>, vector<16xi32>], vector<16xi32>,
    %swap3A_609 = arith.constant 0 : i32
    %swap3A_610 = arith.index_cast %swap3A_609 : i32 to index
    %swap3A_611 = arith.constant 48 : index
    %swap3A_612 = tpu.vector_load %arg7[%swap3A_610, %swap3A_611] {strides = array<i32>} : memref<4x160xi32, #tpu.memory_space<vmem>>, vector<16xi32>,
    tpu.vector_store %arg7[%swap3A_610, %swap3A_611], %gather3A_608 {strides = array<i32>} : memref<4x160xi32, #tpu.memory_space<vmem>>, vector<16xi32>,
    %add3A_613 = arith.constant 0 : i32
    %add3A_614 = vector.broadcast %add3A_613 : i32 to vector<16xi32>
    %add3A_615 = arith.addi %add3A_614, %select_n3A_164 : vector<16xi32>
    %gather3A_616 = tpu.vector_load_idx %arg8[%add3A_615, %select_n3A_457] : memref<512x20xi32, #tpu.memory_space<vmem>>[vector<16xi32>, vector<16xi32>], vector<16xi32>,
    %swap3A_617 = arith.constant 0 : i32
    %swap3A_618 = arith.index_cast %swap3A_617 : i32 to index
    %swap3A_619 = arith.constant 64 : index
    %swap3A_620 = tpu.vector_load %arg7[%swap3A_618, %swap3A_619] {strides = array<i32>} : memref<4x160xi32, #tpu.memory_space<vmem>>, vector<16xi32>,
    tpu.vector_store %arg7[%swap3A_618, %swap3A_619], %gather3A_616 {strides = array<i32>} : memref<4x160xi32, #tpu.memory_space<vmem>>, vector<16xi32>,
    %add3A_621 = arith.constant 0 : i32
    %add3A_622 = vector.broadcast %add3A_621 : i32 to vector<16xi32>
    %add3A_623 = arith.addi %add3A_622, %select_n3A_198 : vector<16xi32>
    %gather3A_624 = tpu.vector_load_idx %arg8[%add3A_623, %select_n3A_482] : memref<512x20xi32, #tpu.memory_space<vmem>>[vector<16xi32>, vector<16xi32>], vector<16xi32>,
    %swap3A_625 = arith.constant 0 : i32
    %swap3A_626 = arith.index_cast %swap3A_625 : i32 to index
    %swap3A_627 = arith.constant 80 : index
    %swap3A_628 = tpu.vector_load %arg7[%swap3A_626, %swap3A_627] {strides = array<i32>} : memref<4x160xi32, #tpu.memory_space<vmem>>, vector<16xi32>,
    tpu.vector_store %arg7[%swap3A_626, %swap3A_627], %gather3A_624 {strides = array<i32>} : memref<4x160xi32, #tpu.memory_space<vmem>>, vector<16xi32>,
    %add3A_629 = arith.constant 0 : i32
    %add3A_630 = vector.broadcast %add3A_629 : i32 to vector<16xi32>
    %add3A_631 = arith.addi %add3A_630, %select_n3A_232 : vector<16xi32>
    %gather3A_632 = tpu.vector_load_idx %arg8[%add3A_631, %select_n3A_507] : memref<512x20xi32, #tpu.memory_space<vmem>>[vector<16xi32>, vector<16xi32>], vector<16xi32>,
    %swap3A_633 = arith.constant 0 : i32
    %swap3A_634 = arith.index_cast %swap3A_633 : i32 to index
    %swap3A_635 = arith.constant 96 : index
    %swap3A_636 = tpu.vector_load %arg7[%swap3A_634, %swap3A_635] {strides = array<i32>} : memref<4x160xi32, #tpu.memory_space<vmem>>, vector<16xi32>,
    tpu.vector_store %arg7[%swap3A_634, %swap3A_635], %gather3A_632 {strides = array<i32>} : memref<4x160xi32, #tpu.memory_space<vmem>>, vector<16xi32>,
    %add3A_637 = arith.constant 0 : i32
    %add3A_638 = vector.broadcast %add3A_637 : i32 to vector<16xi32>
    %add3A_639 = arith.addi %add3A_638, %select_n3A_266 : vector<16xi32>
    %gather3A_640 = tpu.vector_load_idx %arg8[%add3A_639, %select_n3A_532] : memref<512x20xi32, #tpu.memory_space<vmem>>[vector<16xi32>, vector<16xi32>], vector<16xi32>,
    %swap3A_641 = arith.constant 0 : i32
    %swap3A_642 = arith.index_cast %swap3A_641 : i32 to index
    %swap3A_643 = arith.constant 112 : index
    %swap3A_644 = tpu.vector_load %arg7[%swap3A_642, %swap3A_643] {strides = array<i32>} : memref<4x160xi32, #tpu.memory_space<vmem>>, vector<16xi32>,
    tpu.vector_store %arg7[%swap3A_642, %swap3A_643], %gather3A_640 {strides = array<i32>} : memref<4x160xi32, #tpu.memory_space<vmem>>, vector<16xi32>,
    %add3A_645 = arith.constant 0 : i32
    %add3A_646 = vector.broadcast %add3A_645 : i32 to vector<16xi32>
    %add3A_647 = arith.addi %add3A_646, %select_n3A_300 : vector<16xi32>
    %gather3A_648 = tpu.vector_load_idx %arg8[%add3A_647, %select_n3A_557] : memref<512x20xi32, #tpu.memory_space<vmem>>[vector<16xi32>, vector<16xi32>], vector<16xi32>,
    %swap3A_649 = arith.constant 0 : i32
    %swap3A_650 = arith.index_cast %swap3A_649 : i32 to index
    %swap3A_651 = arith.constant 128 : index
    %swap3A_652 = tpu.vector_load %arg7[%swap3A_650, %swap3A_651] {strides = array<i32>} : memref<4x160xi32, #tpu.memory_space<vmem>>, vector<16xi32>,
    tpu.vector_store %arg7[%swap3A_650, %swap3A_651], %gather3A_648 {strides = array<i32>} : memref<4x160xi32, #tpu.memory_space<vmem>>, vector<16xi32>,
    %add3A_653 = arith.constant 0 : i32
    %add3A_654 = vector.broadcast %add3A_653 : i32 to vector<16xi32>
    %add3A_655 = arith.addi %add3A_654, %select_n3A_334 : vector<16xi32>
    %gather3A_656 = tpu.vector_load_idx %arg8[%add3A_655, %select_n3A_582] : memref<512x20xi32, #tpu.memory_space<vmem>>[vector<16xi32>, vector<16xi32>], vector<16xi32>,
    %swap3A_657 = arith.constant 0 : i32
    %swap3A_658 = arith.index_cast %swap3A_657 : i32 to index
    %swap3A_659 = arith.constant 144 : index
    %swap3A_660 = tpu.vector_load %arg7[%swap3A_658, %swap3A_659] {strides = array<i32>} : memref<4x160xi32, #tpu.memory_space<vmem>>, vector<16xi32>,
    tpu.vector_store %arg7[%swap3A_658, %swap3A_659], %gather3A_656 {strides = array<i32>} : memref<4x160xi32, #tpu.memory_space<vmem>>, vector<16xi32>,
    %dma_start3A = arith.constant 0 : i32
    %dma_start3A_661 = arith.constant 0 : i32
    %dma_start3A_662 = arith.constant 0 : i32
    %dma_start3A_663 = arith.constant 0 : i32
    %dma_start3A_664 = arith.constant 0 : i32
    %dma_start3A_665 = tpu.memref_slice %arg5[%dma_start3A_661, %dma_start3A_663, %dma_start3A_664] : memref<4x160x128xf32, #tpu.memory_space<vmem>> -> memref<1x160x128xf32, #tpu.memory_space<vmem>>
    %dma_start3A_666 = tpu.memref_squeeze %dma_start3A_665 : memref<1x160x128xf32, #tpu.memory_space<vmem>> -> memref<160x128xf32, #tpu.memory_space<vmem>>
    %dma_start3A_667 = arith.constant 0 : i32
    %dma_start3A_668 = tpu.memref_slice %arg7[%dma_start3A, %dma_start3A_667] : memref<4x160xi32, #tpu.memory_space<vmem>> -> memref<1x160xi32, #tpu.memory_space<vmem>>
    %dma_start3A_669 = tpu.memref_squeeze %dma_start3A_668 : memref<1x160xi32, #tpu.memory_space<vmem>> -> memref<160xi32, #tpu.memory_space<vmem>>
    %dma_start3A_670 = arith.constant 0 : i32
    %dma_start3A_671 = arith.constant 0 : i32
    %dma_start3A_672 = tpu.memref_slice %arg3[%dma_start3A_670, %dma_start3A_671] : memref<1000000x128xf32, #tpu.memory_space<hbm>> -> memref<1000000x128xf32, #tpu.memory_space<hbm>>
    %dma_start3A_673 = tpu.memref_slice %arg6[%dma_start3A_662] : memref<4x!tpu.dma_semaphore, #tpu.memory_space<semaphore_mem>> -> memref<1x!tpu.dma_semaphore, #tpu.memory_space<semaphore_mem>>
    %dma_start3A_674 = tpu.memref_squeeze %dma_start3A_673 : memref<1x!tpu.dma_semaphore, #tpu.memory_space<semaphore_mem>> -> memref<!tpu.dma_semaphore, #tpu.memory_space<semaphore_mem>>
    tpu.enqueue_indirect_dma source(%dma_start3A_672 : memref<1000000x128xf32, #tpu.memory_space<hbm>>) target(%dma_start3A_666 : memref<160x128xf32, #tpu.memory_space<vmem>>) offsets(%dma_start3A_669 : memref<160xi32, #tpu.memory_space<vmem>>) semaphore(%dma_start3A_674 : memref<!tpu.dma_semaphore, #tpu.memory_space<semaphore_mem>>)
    %add3A_675 = arith.constant 8 : i32
    %add3A_676 = vector.broadcast %add3A_675 : i32 to vector<16xi32>
    %add3A_677 = arith.addi %add3A_676, %select_n3A : vector<16xi32>
    %gather3A_678 = tpu.vector_load_idx %arg8[%add3A_677, %select_n3A_357] : memref<512x20xi32, #tpu.memory_space<vmem>>[vector<16xi32>, vector<16xi32>], vector<16xi32>,
    %swap3A_679 = arith.constant 1 : i32
    %swap3A_680 = arith.index_cast %swap3A_679 : i32 to index
    %swap3A_681 = arith.constant 0 : index
    %swap3A_682 = tpu.vector_load %arg7[%swap3A_680, %swap3A_681] {strides = array<i32>} : memref<4x160xi32, #tpu.memory_space<vmem>>, vector<16xi32>,
    tpu.vector_store %arg7[%swap3A_680, %swap3A_681], %gather3A_678 {strides = array<i32>} : memref<4x160xi32, #tpu.memory_space<vmem>>, vector<16xi32>,
    %add3A_683 = arith.constant 8 : i32
    %add3A_684 = vector.broadcast %add3A_683 : i32 to vector<16xi32>
    %add3A_685 = arith.addi %add3A_684, %select_n3A_62 : vector<16xi32>
    %gather3A_686 = tpu.vector_load_idx %arg8[%add3A_685, %select_n3A_382] : memref<512x20xi32, #tpu.memory_space<vmem>>[vector<16xi32>, vector<16xi32>], vector<16xi32>,
    %swap3A_687 = arith.constant 1 : i32
    %swap3A_688 = arith.index_cast %swap3A_687 : i32 to index
    %swap3A_689 = arith.constant 16 : index
    %swap3A_690 = tpu.vector_load %arg7[%swap3A_688, %swap3A_689] {strides = array<i32>} : memref<4x160xi32, #tpu.memory_space<vmem>>, vector<16xi32>,
    tpu.vector_store %arg7[%swap3A_688, %swap3A_689], %gather3A_686 {strides = array<i32>} : memref<4x160xi32, #tpu.memory_space<vmem>>, vector<16xi32>,
    %add3A_691 = arith.constant 8 : i32
    %add3A_692 = vector.broadcast %add3A_691 : i32 to vector<16xi32>
    %add3A_693 = arith.addi %add3A_692, %select_n3A_96 : vector<16xi32>
    %gather3A_694 = tpu.vector_load_idx %arg8[%add3A_693, %select_n3A_407] : memref<512x20xi32, #tpu.memory_space<vmem>>[vector<16xi32>, vector<16xi32>], vector<16xi32>,
    %swap3A_695 = arith.constant 1 : i32
    %swap3A_696 = arith.index_cast %swap3A_695 : i32 to index
    %swap3A_697 = arith.constant 32 : index
    %swap3A_698 = tpu.vector_load %arg7[%swap3A_696, %swap3A_697] {strides = array<i32>} : memref<4x160xi32, #tpu.memory_space<vmem>>, vector<16xi32>,
    tpu.vector_store %arg7[%swap3A_696, %swap3A_697], %gather3A_694 {strides = array<i32>} : memref<4x160xi32, #tpu.memory_space<vmem>>, vector<16xi32>,
    %add3A_699 = arith.constant 8 : i32
    %add3A_700 = vector.broadcast %add3A_699 : i32 to vector<16xi32>
    %add3A_701 = arith.addi %add3A_700, %select_n3A_130 : vector<16xi32>
    %gather3A_702 = tpu.vector_load_idx %arg8[%add3A_701, %select_n3A_432] : memref<512x20xi32, #tpu.memory_space<vmem>>[vector<16xi32>, vector<16xi32>], vector<16xi32>,
    %swap3A_703 = arith.constant 1 : i32
    %swap3A_704 = arith.index_cast %swap3A_703 : i32 to index
    %swap3A_705 = arith.constant 48 : index
    %swap3A_706 = tpu.vector_load %arg7[%swap3A_704, %swap3A_705] {strides = array<i32>} : memref<4x160xi32, #tpu.memory_space<vmem>>, vector<16xi32>,
    tpu.vector_store %arg7[%swap3A_704, %swap3A_705], %gather3A_702 {strides = array<i32>} : memref<4x160xi32, #tpu.memory_space<vmem>>, vector<16xi32>,
    %add3A_707 = arith.constant 8 : i32
    %add3A_708 = vector.broadcast %add3A_707 : i32 to vector<16xi32>
    %add3A_709 = arith.addi %add3A_708, %select_n3A_164 : vector<16xi32>
    %gather3A_710 = tpu.vector_load_idx %arg8[%add3A_709, %select_n3A_457] : memref<512x20xi32, #tpu.memory_space<vmem>>[vector<16xi32>, vector<16xi32>], vector<16xi32>,
    %swap3A_711 = arith.constant 1 : i32
    %swap3A_712 = arith.index_cast %swap3A_711 : i32 to index
    %swap3A_713 = arith.constant 64 : index
    %swap3A_714 = tpu.vector_load %arg7[%swap3A_712, %swap3A_713] {strides = array<i32>} : memref<4x160xi32, #tpu.memory_space<vmem>>, vector<16xi32>,
    tpu.vector_store %arg7[%swap3A_712, %swap3A_713], %gather3A_710 {strides = array<i32>} : memref<4x160xi32, #tpu.memory_space<vmem>>, vector<16xi32>,
    %add3A_715 = arith.constant 8 : i32
    %add3A_716 = vector.broadcast %add3A_715 : i32 to vector<16xi32>
    %add3A_717 = arith.addi %add3A_716, %select_n3A_198 : vector<16xi32>
    %gather3A_718 = tpu.vector_load_idx %arg8[%add3A_717, %select_n3A_482] : memref<512x20xi32, #tpu.memory_space<vmem>>[vector<16xi32>, vector<16xi32>], vector<16xi32>,
    %swap3A_719 = arith.constant 1 : i32
    %swap3A_720 = arith.index_cast %swap3A_719 : i32 to index
    %swap3A_721 = arith.constant 80 : index
    %swap3A_722 = tpu.vector_load %arg7[%swap3A_720, %swap3A_721] {strides = array<i32>} : memref<4x160xi32, #tpu.memory_space<vmem>>, vector<16xi32>,
    tpu.vector_store %arg7[%swap3A_720, %swap3A_721], %gather3A_718 {strides = array<i32>} : memref<4x160xi32, #tpu.memory_space<vmem>>, vector<16xi32>,
    %add3A_723 = arith.constant 8 : i32
    %add3A_724 = vector.broadcast %add3A_723 : i32 to vector<16xi32>
    %add3A_725 = arith.addi %add3A_724, %select_n3A_232 : vector<16xi32>
    %gather3A_726 = tpu.vector_load_idx %arg8[%add3A_725, %select_n3A_507] : memref<512x20xi32, #tpu.memory_space<vmem>>[vector<16xi32>, vector<16xi32>], vector<16xi32>,
    %swap3A_727 = arith.constant 1 : i32
    %swap3A_728 = arith.index_cast %swap3A_727 : i32 to index
    %swap3A_729 = arith.constant 96 : index
    %swap3A_730 = tpu.vector_load %arg7[%swap3A_728, %swap3A_729] {strides = array<i32>} : memref<4x160xi32, #tpu.memory_space<vmem>>, vector<16xi32>,
    tpu.vector_store %arg7[%swap3A_728, %swap3A_729], %gather3A_726 {strides = array<i32>} : memref<4x160xi32, #tpu.memory_space<vmem>>, vector<16xi32>,
    %add3A_731 = arith.constant 8 : i32
    %add3A_732 = vector.broadcast %add3A_731 : i32 to vector<16xi32>
    %add3A_733 = arith.addi %add3A_732, %select_n3A_266 : vector<16xi32>
    %gather3A_734 = tpu.vector_load_idx %arg8[%add3A_733, %select_n3A_532] : memref<512x20xi32, #tpu.memory_space<vmem>>[vector<16xi32>, vector<16xi32>], vector<16xi32>,
    %swap3A_735 = arith.constant 1 : i32
    %swap3A_736 = arith.index_cast %swap3A_735 : i32 to index
    %swap3A_737 = arith.constant 112 : index
    %swap3A_738 = tpu.vector_load %arg7[%swap3A_736, %swap3A_737] {strides = array<i32>} : memref<4x160xi32, #tpu.memory_space<vmem>>, vector<16xi32>,
    tpu.vector_store %arg7[%swap3A_736, %swap3A_737], %gather3A_734 {strides = array<i32>} : memref<4x160xi32, #tpu.memory_space<vmem>>, vector<16xi32>,
    %add3A_739 = arith.constant 8 : i32
    %add3A_740 = vector.broadcast %add3A_739 : i32 to vector<16xi32>
    %add3A_741 = arith.addi %add3A_740, %select_n3A_300 : vector<16xi32>
    %gather3A_742 = tpu.vector_load_idx %arg8[%add3A_741, %select_n3A_557] : memref<512x20xi32, #tpu.memory_space<vmem>>[vector<16xi32>, vector<16xi32>], vector<16xi32>,
    %swap3A_743 = arith.constant 1 : i32
    %swap3A_744 = arith.index_cast %swap3A_743 : i32 to index
    %swap3A_745 = arith.constant 128 : index
    %swap3A_746 = tpu.vector_load %arg7[%swap3A_744, %swap3A_745] {strides = array<i32>} : memref<4x160xi32, #tpu.memory_space<vmem>>, vector<16xi32>,
    tpu.vector_store %arg7[%swap3A_744, %swap3A_745], %gather3A_742 {strides = array<i32>} : memref<4x160xi32, #tpu.memory_space<vmem>>, vector<16xi32>,
    %add3A_747 = arith.constant 8 : i32
    %add3A_748 = vector.broadcast %add3A_747 : i32 to vector<16xi32>
    %add3A_749 = arith.addi %add3A_748, %select_n3A_334 : vector<16xi32>
    %gather3A_750 = tpu.vector_load_idx %arg8[%add3A_749, %select_n3A_582] : memref<512x20xi32, #tpu.memory_space<vmem>>[vector<16xi32>, vector<16xi32>], vector<16xi32>,
    %swap3A_751 = arith.constant 1 : i32
    %swap3A_752 = arith.index_cast %swap3A_751 : i32 to index
    %swap3A_753 = arith.constant 144 : index
    %swap3A_754 = tpu.vector_load %arg7[%swap3A_752, %swap3A_753] {strides = array<i32>} : memref<4x160xi32, #tpu.memory_space<vmem>>, vector<16xi32>,
    tpu.vector_store %arg7[%swap3A_752, %swap3A_753], %gather3A_750 {strides = array<i32>} : memref<4x160xi32, #tpu.memory_space<vmem>>, vector<16xi32>,
    %dma_start3A_755 = arith.constant 1 : i32
    %dma_start3A_756 = arith.constant 1 : i32
    %dma_start3A_757 = arith.constant 1 : i32
    %dma_start3A_758 = arith.constant 0 : i32
    %dma_start3A_759 = arith.constant 0 : i32
    %dma_start3A_760 = tpu.memref_slice %arg5[%dma_start3A_756, %dma_start3A_758, %dma_start3A_759] : memref<4x160x128xf32, #tpu.memory_space<vmem>> -> memref<1x160x128xf32, #tpu.memory_space<vmem>>
    %dma_start3A_761 = tpu.memref_squeeze %dma_start3A_760 : memref<1x160x128xf32, #tpu.memory_space<vmem>> -> memref<160x128xf32, #tpu.memory_space<vmem>>
    %dma_start3A_762 = arith.constant 0 : i32
    %dma_start3A_763 = tpu.memref_slice %arg7[%dma_start3A_755, %dma_start3A_762] : memref<4x160xi32, #tpu.memory_space<vmem>> -> memref<1x160xi32, #tpu.memory_space<vmem>>
    %dma_start3A_764 = tpu.memref_squeeze %dma_start3A_763 : memref<1x160xi32, #tpu.memory_space<vmem>> -> memref<160xi32, #tpu.memory_space<vmem>>
    %dma_start3A_765 = arith.constant 0 : i32
    %dma_start3A_766 = arith.constant 0 : i32
    %dma_start3A_767 = tpu.memref_slice %arg3[%dma_start3A_765, %dma_start3A_766] : memref<1000000x128xf32, #tpu.memory_space<hbm>> -> memref<1000000x128xf32, #tpu.memory_space<hbm>>
    %dma_start3A_768 = tpu.memref_slice %arg6[%dma_start3A_757] : memref<4x!tpu.dma_semaphore, #tpu.memory_space<semaphore_mem>> -> memref<1x!tpu.dma_semaphore, #tpu.memory_space<semaphore_mem>>
    %dma_start3A_769 = tpu.memref_squeeze %dma_start3A_768 : memref<1x!tpu.dma_semaphore, #tpu.memory_space<semaphore_mem>> -> memref<!tpu.dma_semaphore, #tpu.memory_space<semaphore_mem>>
    tpu.enqueue_indirect_dma source(%dma_start3A_767 : memref<1000000x128xf32, #tpu.memory_space<hbm>>) target(%dma_start3A_761 : memref<160x128xf32, #tpu.memory_space<vmem>>) offsets(%dma_start3A_764 : memref<160xi32, #tpu.memory_space<vmem>>) semaphore(%dma_start3A_769 : memref<!tpu.dma_semaphore, #tpu.memory_space<semaphore_mem>>)
    %add3A_770 = arith.constant 16 : i32
    %add3A_771 = vector.broadcast %add3A_770 : i32 to vector<16xi32>
    %add3A_772 = arith.addi %add3A_771, %select_n3A : vector<16xi32>
    %gather3A_773 = tpu.vector_load_idx %arg8[%add3A_772, %select_n3A_357] : memref<512x20xi32, #tpu.memory_space<vmem>>[vector<16xi32>, vector<16xi32>], vector<16xi32>,
    %swap3A_774 = arith.constant 2 : i32
    %swap3A_775 = arith.index_cast %swap3A_774 : i32 to index
    %swap3A_776 = arith.constant 0 : index
    %swap3A_777 = tpu.vector_load %arg7[%swap3A_775, %swap3A_776] {strides = array<i32>} : memref<4x160xi32, #tpu.memory_space<vmem>>, vector<16xi32>,
    tpu.vector_store %arg7[%swap3A_775, %swap3A_776], %gather3A_773 {strides = array<i32>} : memref<4x160xi32, #tpu.memory_space<vmem>>, vector<16xi32>,
    %add3A_778 = arith.constant 16 : i32
    %add3A_779 = vector.broadcast %add3A_778 : i32 to vector<16xi32>
    %add3A_780 = arith.addi %add3A_779, %select_n3A_62 : vector<16xi32>
    %gather3A_781 = tpu.vector_load_idx %arg8[%add3A_780, %select_n3A_382] : memref<512x20xi32, #tpu.memory_space<vmem>>[vector<16xi32>, vector<16xi32>], vector<16xi32>,
    %swap3A_782 = arith.constant 2 : i32
    %swap3A_783 = arith.index_cast %swap3A_782 : i32 to index
    %swap3A_784 = arith.constant 16 : index
    %swap3A_785 = tpu.vector_load %arg7[%swap3A_783, %swap3A_784] {strides = array<i32>} : memref<4x160xi32, #tpu.memory_space<vmem>>, vector<16xi32>,
    tpu.vector_store %arg7[%swap3A_783, %swap3A_784], %gather3A_781 {strides = array<i32>} : memref<4x160xi32, #tpu.memory_space<vmem>>, vector<16xi32>,
    %add3A_786 = arith.constant 16 : i32
    %add3A_787 = vector.broadcast %add3A_786 : i32 to vector<16xi32>
    %add3A_788 = arith.addi %add3A_787, %select_n3A_96 : vector<16xi32>
    %gather3A_789 = tpu.vector_load_idx %arg8[%add3A_788, %select_n3A_407] : memref<512x20xi32, #tpu.memory_space<vmem>>[vector<16xi32>, vector<16xi32>], vector<16xi32>,
    %swap3A_790 = arith.constant 2 : i32
    %swap3A_791 = arith.index_cast %swap3A_790 : i32 to index
    %swap3A_792 = arith.constant 32 : index
    %swap3A_793 = tpu.vector_load %arg7[%swap3A_791, %swap3A_792] {strides = array<i32>} : memref<4x160xi32, #tpu.memory_space<vmem>>, vector<16xi32>,
    tpu.vector_store %arg7[%swap3A_791, %swap3A_792], %gather3A_789 {strides = array<i32>} : memref<4x160xi32, #tpu.memory_space<vmem>>, vector<16xi32>,
    %add3A_794 = arith.constant 16 : i32
    %add3A_795 = vector.broadcast %add3A_794 : i32 to vector<16xi32>
    %add3A_796 = arith.addi %add3A_795, %select_n3A_130 : vector<16xi32>
    %gather3A_797 = tpu.vector_load_idx %arg8[%add3A_796, %select_n3A_432] : memref<512x20xi32, #tpu.memory_space<vmem>>[vector<16xi32>, vector<16xi32>], vector<16xi32>,
    %swap3A_798 = arith.constant 2 : i32
    %swap3A_799 = arith.index_cast %swap3A_798 : i32 to index
    %swap3A_800 = arith.constant 48 : index
    %swap3A_801 = tpu.vector_load %arg7[%swap3A_799, %swap3A_800] {strides = array<i32>} : memref<4x160xi32, #tpu.memory_space<vmem>>, vector<16xi32>,
    tpu.vector_store %arg7[%swap3A_799, %swap3A_800], %gather3A_797 {strides = array<i32>} : memref<4x160xi32, #tpu.memory_space<vmem>>, vector<16xi32>,
    %add3A_802 = arith.constant 16 : i32
    %add3A_803 = vector.broadcast %add3A_802 : i32 to vector<16xi32>
    %add3A_804 = arith.addi %add3A_803, %select_n3A_164 : vector<16xi32>
    %gather3A_805 = tpu.vector_load_idx %arg8[%add3A_804, %select_n3A_457] : memref<512x20xi32, #tpu.memory_space<vmem>>[vector<16xi32>, vector<16xi32>], vector<16xi32>,
    %swap3A_806 = arith.constant 2 : i32
    %swap3A_807 = arith.index_cast %swap3A_806 : i32 to index
    %swap3A_808 = arith.constant 64 : index
    %swap3A_809 = tpu.vector_load %arg7[%swap3A_807, %swap3A_808] {strides = array<i32>} : memref<4x160xi32, #tpu.memory_space<vmem>>, vector<16xi32>,
    tpu.vector_store %arg7[%swap3A_807, %swap3A_808], %gather3A_805 {strides = array<i32>} : memref<4x160xi32, #tpu.memory_space<vmem>>, vector<16xi32>,
    %add3A_810 = arith.constant 16 : i32
    %add3A_811 = vector.broadcast %add3A_810 : i32 to vector<16xi32>
    %add3A_812 = arith.addi %add3A_811, %select_n3A_198 : vector<16xi32>
    %gather3A_813 = tpu.vector_load_idx %arg8[%add3A_812, %select_n3A_482] : memref<512x20xi32, #tpu.memory_space<vmem>>[vector<16xi32>, vector<16xi32>], vector<16xi32>,
    %swap3A_814 = arith.constant 2 : i32
    %swap3A_815 = arith.index_cast %swap3A_814 : i32 to index
    %swap3A_816 = arith.constant 80 : index
    %swap3A_817 = tpu.vector_load %arg7[%swap3A_815, %swap3A_816] {strides = array<i32>} : memref<4x160xi32, #tpu.memory_space<vmem>>, vector<16xi32>,
    tpu.vector_store %arg7[%swap3A_815, %swap3A_816], %gather3A_813 {strides = array<i32>} : memref<4x160xi32, #tpu.memory_space<vmem>>, vector<16xi32>,
    %add3A_818 = arith.constant 16 : i32
    %add3A_819 = vector.broadcast %add3A_818 : i32 to vector<16xi32>
    %add3A_820 = arith.addi %add3A_819, %select_n3A_232 : vector<16xi32>
    %gather3A_821 = tpu.vector_load_idx %arg8[%add3A_820, %select_n3A_507] : memref<512x20xi32, #tpu.memory_space<vmem>>[vector<16xi32>, vector<16xi32>], vector<16xi32>,
    %swap3A_822 = arith.constant 2 : i32
    %swap3A_823 = arith.index_cast %swap3A_822 : i32 to index
    %swap3A_824 = arith.constant 96 : index
    %swap3A_825 = tpu.vector_load %arg7[%swap3A_823, %swap3A_824] {strides = array<i32>} : memref<4x160xi32, #tpu.memory_space<vmem>>, vector<16xi32>,
    tpu.vector_store %arg7[%swap3A_823, %swap3A_824], %gather3A_821 {strides = array<i32>} : memref<4x160xi32, #tpu.memory_space<vmem>>, vector<16xi32>,
    %add3A_826 = arith.constant 16 : i32
    %add3A_827 = vector.broadcast %add3A_826 : i32 to vector<16xi32>
    %add3A_828 = arith.addi %add3A_827, %select_n3A_266 : vector<16xi32>
    %gather3A_829 = tpu.vector_load_idx %arg8[%add3A_828, %select_n3A_532] : memref<512x20xi32, #tpu.memory_space<vmem>>[vector<16xi32>, vector<16xi32>], vector<16xi32>,
    %swap3A_830 = arith.constant 2 : i32
    %swap3A_831 = arith.index_cast %swap3A_830 : i32 to index
    %swap3A_832 = arith.constant 112 : index
    %swap3A_833 = tpu.vector_load %arg7[%swap3A_831, %swap3A_832] {strides = array<i32>} : memref<4x160xi32, #tpu.memory_space<vmem>>, vector<16xi32>,
    tpu.vector_store %arg7[%swap3A_831, %swap3A_832], %gather3A_829 {strides = array<i32>} : memref<4x160xi32, #tpu.memory_space<vmem>>, vector<16xi32>,
    %add3A_834 = arith.constant 16 : i32
    %add3A_835 = vector.broadcast %add3A_834 : i32 to vector<16xi32>
    %add3A_836 = arith.addi %add3A_835, %select_n3A_300 : vector<16xi32>
    %gather3A_837 = tpu.vector_load_idx %arg8[%add3A_836, %select_n3A_557] : memref<512x20xi32, #tpu.memory_space<vmem>>[vector<16xi32>, vector<16xi32>], vector<16xi32>,
    %swap3A_838 = arith.constant 2 : i32
    %swap3A_839 = arith.index_cast %swap3A_838 : i32 to index
    %swap3A_840 = arith.constant 128 : index
    %swap3A_841 = tpu.vector_load %arg7[%swap3A_839, %swap3A_840] {strides = array<i32>} : memref<4x160xi32, #tpu.memory_space<vmem>>, vector<16xi32>,
    tpu.vector_store %arg7[%swap3A_839, %swap3A_840], %gather3A_837 {strides = array<i32>} : memref<4x160xi32, #tpu.memory_space<vmem>>, vector<16xi32>,
    %add3A_842 = arith.constant 16 : i32
    %add3A_843 = vector.broadcast %add3A_842 : i32 to vector<16xi32>
    %add3A_844 = arith.addi %add3A_843, %select_n3A_334 : vector<16xi32>
    %gather3A_845 = tpu.vector_load_idx %arg8[%add3A_844, %select_n3A_582] : memref<512x20xi32, #tpu.memory_space<vmem>>[vector<16xi32>, vector<16xi32>], vector<16xi32>,
    %swap3A_846 = arith.constant 2 : i32
    %swap3A_847 = arith.index_cast %swap3A_846 : i32 to index
    %swap3A_848 = arith.constant 144 : index
    %swap3A_849 = tpu.vector_load %arg7[%swap3A_847, %swap3A_848] {strides = array<i32>} : memref<4x160xi32, #tpu.memory_space<vmem>>, vector<16xi32>,
    tpu.vector_store %arg7[%swap3A_847, %swap3A_848], %gather3A_845 {strides = array<i32>} : memref<4x160xi32, #tpu.memory_space<vmem>>, vector<16xi32>,
    %dma_start3A_850 = arith.constant 2 : i32
    %dma_start3A_851 = arith.constant 2 : i32
    %dma_start3A_852 = arith.constant 2 : i32
    %dma_start3A_853 = arith.constant 0 : i32
    %dma_start3A_854 = arith.constant 0 : i32
    %dma_start3A_855 = tpu.memref_slice %arg5[%dma_start3A_851, %dma_start3A_853, %dma_start3A_854] : memref<4x160x128xf32, #tpu.memory_space<vmem>> -> memref<1x160x128xf32, #tpu.memory_space<vmem>>
    %dma_start3A_856 = tpu.memref_squeeze %dma_start3A_855 : memref<1x160x128xf32, #tpu.memory_space<vmem>> -> memref<160x128xf32, #tpu.memory_space<vmem>>
    %dma_start3A_857 = arith.constant 0 : i32
    %dma_start3A_858 = tpu.memref_slice %arg7[%dma_start3A_850, %dma_start3A_857] : memref<4x160xi32, #tpu.memory_space<vmem>> -> memref<1x160xi32, #tpu.memory_space<vmem>>
    %dma_start3A_859 = tpu.memref_squeeze %dma_start3A_858 : memref<1x160xi32, #tpu.memory_space<vmem>> -> memref<160xi32, #tpu.memory_space<vmem>>
    %dma_start3A_860 = arith.constant 0 : i32
    %dma_start3A_861 = arith.constant 0 : i32
    %dma_start3A_862 = tpu.memref_slice %arg3[%dma_start3A_860, %dma_start3A_861] : memref<1000000x128xf32, #tpu.memory_space<hbm>> -> memref<1000000x128xf32, #tpu.memory_space<hbm>>
    %dma_start3A_863 = tpu.memref_slice %arg6[%dma_start3A_852] : memref<4x!tpu.dma_semaphore, #tpu.memory_space<semaphore_mem>> -> memref<1x!tpu.dma_semaphore, #tpu.memory_space<semaphore_mem>>
    %dma_start3A_864 = tpu.memref_squeeze %dma_start3A_863 : memref<1x!tpu.dma_semaphore, #tpu.memory_space<semaphore_mem>> -> memref<!tpu.dma_semaphore, #tpu.memory_space<semaphore_mem>>
    tpu.enqueue_indirect_dma source(%dma_start3A_862 : memref<1000000x128xf32, #tpu.memory_space<hbm>>) target(%dma_start3A_856 : memref<160x128xf32, #tpu.memory_space<vmem>>) offsets(%dma_start3A_859 : memref<160xi32, #tpu.memory_space<vmem>>) semaphore(%dma_start3A_864 : memref<!tpu.dma_semaphore, #tpu.memory_space<semaphore_mem>>)
    %dma_wait3A = arith.constant 0 : i32
    %dma_wait3A_865 = arith.constant 0 : i32
    %dma_wait3A_866 = arith.constant 0 : i32
    %dma_wait3A_867 = arith.constant 0 : i32
    %dma_wait3A_868 = arith.constant 0 : i32
    %dma_wait3A_869 = tpu.memref_slice %arg5[%dma_wait3A_865, %dma_wait3A_867, %dma_wait3A_868] : memref<4x160x128xf32, #tpu.memory_space<vmem>> -> memref<1x160x128xf32, #tpu.memory_space<vmem>>
    %dma_wait3A_870 = tpu.memref_squeeze %dma_wait3A_869 : memref<1x160x128xf32, #tpu.memory_space<vmem>> -> memref<160x128xf32, #tpu.memory_space<vmem>>
    %dma_wait3A_871 = arith.constant 0 : i32
    %dma_wait3A_872 = tpu.memref_slice %arg7[%dma_wait3A, %dma_wait3A_871] : memref<4x160xi32, #tpu.memory_space<vmem>> -> memref<1x160xi32, #tpu.memory_space<vmem>>
    %dma_wait3A_873 = tpu.memref_squeeze %dma_wait3A_872 : memref<1x160xi32, #tpu.memory_space<vmem>> -> memref<160xi32, #tpu.memory_space<vmem>>
    %dma_wait3A_874 = arith.constant 0 : i32
    %dma_wait3A_875 = arith.constant 0 : i32
    %dma_wait3A_876 = tpu.memref_slice %arg3[%dma_wait3A_874, %dma_wait3A_875] : memref<1000000x128xf32, #tpu.memory_space<hbm>> -> memref<1000000x128xf32, #tpu.memory_space<hbm>>
    %dma_wait3A_877 = tpu.memref_slice %arg6[%dma_wait3A_866] : memref<4x!tpu.dma_semaphore, #tpu.memory_space<semaphore_mem>> -> memref<1x!tpu.dma_semaphore, #tpu.memory_space<semaphore_mem>>
    %dma_wait3A_878 = tpu.memref_squeeze %dma_wait3A_877 : memref<1x!tpu.dma_semaphore, #tpu.memory_space<semaphore_mem>> -> memref<!tpu.dma_semaphore, #tpu.memory_space<semaphore_mem>>
    tpu.wait_indirect_dma semaphore(%dma_wait3A_878 : memref<!tpu.dma_semaphore, #tpu.memory_space<semaphore_mem>>) src(%dma_wait3A_876 : memref<1000000x128xf32, #tpu.memory_space<hbm>>) dst(%dma_wait3A_870 : memref<160x128xf32, #tpu.memory_space<vmem>>)
    %add3A_879 = arith.constant 0 : i32
    %add3A_880 = arith.addi %mul3A_2, %add3A_879 : i32
    %add3A_881 = arith.constant 0 : i32
    %add3A_882 = arith.addi %add3A_880, %add3A_881 : i32
    %dma_start3A_883 = arith.constant 0 : i32
    %dma_start3A_884 = arith.constant 0 : i32
    %dma_start3A_885 = arith.constant 0 : i32
    %dma_start3A_886 = arith.constant 0 : i32
    %dma_start3A_887 = tpu.memref_slice %arg5[%dma_start3A_883, %dma_start3A_885, %dma_start3A_886] : memref<4x160x128xf32, #tpu.memory_space<vmem>> -> memref<1x160x128xf32, #tpu.memory_space<vmem>>
    %dma_start3A_888 = tpu.memref_squeeze %dma_start3A_887 : memref<1x160x128xf32, #tpu.memory_space<vmem>> -> memref<160x128xf32, #tpu.memory_space<vmem>>
    %dma_start3A_889 = arith.constant 0 : i32
    %dma_start3A_890 = arith.constant 0 : i32
    %dma_start3A_891 = tpu.memref_slice %dma_start3A_888[%dma_start3A_889, %dma_start3A_890] : memref<160x128xf32, #tpu.memory_space<vmem>> -> memref<20x64xf32, #tpu.memory_space<vmem>>
    %dma_start3A_892 = arith.constant 0 : i32
    %dma_start3A_893 = arith.constant 0 : i32
    %dma_start3A_894 = tpu.memref_slice %arg4[%add3A_882, %dma_start3A_892, %dma_start3A_893] : memref<16384x24x128xf32, #tpu.memory_space<hbm>> -> memref<1x24x128xf32, #tpu.memory_space<hbm>>
    %dma_start3A_895 = tpu.memref_squeeze %dma_start3A_894 : memref<1x24x128xf32, #tpu.memory_space<hbm>> -> memref<24x128xf32, #tpu.memory_space<hbm>>
    %dma_start3A_896 = arith.constant 0 : i32
    %dma_start3A_897 = arith.constant 0 : i32
    %dma_start3A_898 = tpu.memref_slice %dma_start3A_895[%dma_start3A_896, %dma_start3A_897] : memref<24x128xf32, #tpu.memory_space<hbm>> -> memref<20x64xf32, #tpu.memory_space<hbm>>
    %dma_start3A_899 = tpu.memref_slice %arg9[%dma_start3A_884] : memref<4x!tpu.dma_semaphore, #tpu.memory_space<semaphore_mem>> -> memref<1x!tpu.dma_semaphore, #tpu.memory_space<semaphore_mem>>
    %dma_start3A_900 = tpu.memref_squeeze %dma_start3A_899 : memref<1x!tpu.dma_semaphore, #tpu.memory_space<semaphore_mem>> -> memref<!tpu.dma_semaphore, #tpu.memory_space<semaphore_mem>>
    %dma_start3A_901 = arith.constant 0 : i32
    %dma_start3A_902 = arith.constant 0 : i32
    %dma_start3A_903 = tpu.memref_slice %arg4[%add3A_882, %dma_start3A_901, %dma_start3A_902] : memref<16384x24x128xf32, #tpu.memory_space<hbm>> -> memref<1x24x128xf32, #tpu.memory_space<hbm>>
    %dma_start3A_904 = tpu.memref_squeeze %dma_start3A_903 : memref<1x24x128xf32, #tpu.memory_space<hbm>> -> memref<24x128xf32, #tpu.memory_space<hbm>>
    %dma_start3A_905 = arith.constant 0 : i32
    %dma_start3A_906 = arith.constant 0 : i32
    %dma_start3A_907 = tpu.memref_slice %dma_start3A_904[%dma_start3A_905, %dma_start3A_906] : memref<24x128xf32, #tpu.memory_space<hbm>> -> memref<20x64xf32, #tpu.memory_space<hbm>>
    %dma_start3A_908 = arith.constant 0 : i32
    %dma_start3A_909 = arith.constant 0 : i32
    %dma_start3A_910 = tpu.memref_slice %arg5[%dma_start3A_883, %dma_start3A_908, %dma_start3A_909] : memref<4x160x128xf32, #tpu.memory_space<vmem>> -> memref<1x160x128xf32, #tpu.memory_space<vmem>>
    %dma_start3A_911 = tpu.memref_squeeze %dma_start3A_910 : memref<1x160x128xf32, #tpu.memory_space<vmem>> -> memref<160x128xf32, #tpu.memory_space<vmem>>
    %dma_start3A_912 = arith.constant 0 : i32
    %dma_start3A_913 = arith.constant 0 : i32
    %dma_start3A_914 = tpu.memref_slice %dma_start3A_911[%dma_start3A_912, %dma_start3A_913] : memref<160x128xf32, #tpu.memory_space<vmem>> -> memref<20x64xf32, #tpu.memory_space<vmem>>
    tpu.enqueue_dma source(%dma_start3A_914 : memref<20x64xf32, #tpu.memory_space<vmem>>) target(%dma_start3A_907 : memref<20x64xf32, #tpu.memory_space<hbm>>) target_semaphore(%dma_start3A_900 : memref<!tpu.dma_semaphore, #tpu.memory_space<semaphore_mem>>)
    %add3A_915 = arith.constant 0 : i32
    %add3A_916 = arith.addi %mul3A_2, %add3A_915 : i32
    %add3A_917 = arith.constant 1 : i32
    %add3A_918 = arith.addi %add3A_916, %add3A_917 : i32
    %dma_start3A_919 = arith.constant 0 : i32
    %dma_start3A_920 = arith.constant 0 : i32
    %dma_start3A_921 = arith.constant 0 : i32
    %dma_start3A_922 = arith.constant 0 : i32
    %dma_start3A_923 = tpu.memref_slice %arg5[%dma_start3A_919, %dma_start3A_921, %dma_start3A_922] : memref<4x160x128xf32, #tpu.memory_space<vmem>> -> memref<1x160x128xf32, #tpu.memory_space<vmem>>
    %dma_start3A_924 = tpu.memref_squeeze %dma_start3A_923 : memref<1x160x128xf32, #tpu.memory_space<vmem>> -> memref<160x128xf32, #tpu.memory_space<vmem>>
    %dma_start3A_925 = arith.constant 20 : i32
    %dma_start3A_926 = arith.constant 0 : i32
    %dma_start3A_927 = tpu.memref_slice %dma_start3A_924[%dma_start3A_925, %dma_start3A_926] : memref<160x128xf32, #tpu.memory_space<vmem>> -> memref<20x64xf32, #tpu.memory_space<vmem>>
    %dma_start3A_928 = arith.constant 0 : i32
    %dma_start3A_929 = arith.constant 0 : i32
    %dma_start3A_930 = tpu.memref_slice %arg4[%add3A_918, %dma_start3A_928, %dma_start3A_929] : memref<16384x24x128xf32, #tpu.memory_space<hbm>> -> memref<1x24x128xf32, #tpu.memory_space<hbm>>
    %dma_start3A_931 = tpu.memref_squeeze %dma_start3A_930 : memref<1x24x128xf32, #tpu.memory_space<hbm>> -> memref<24x128xf32, #tpu.memory_space<hbm>>
    %dma_start3A_932 = arith.constant 0 : i32
    %dma_start3A_933 = arith.constant 0 : i32
    %dma_start3A_934 = tpu.memref_slice %dma_start3A_931[%dma_start3A_932, %dma_start3A_933] : memref<24x128xf32, #tpu.memory_space<hbm>> -> memref<20x64xf32, #tpu.memory_space<hbm>>
    %dma_start3A_935 = tpu.memref_slice %arg9[%dma_start3A_920] : memref<4x!tpu.dma_semaphore, #tpu.memory_space<semaphore_mem>> -> memref<1x!tpu.dma_semaphore, #tpu.memory_space<semaphore_mem>>
    %dma_start3A_936 = tpu.memref_squeeze %dma_start3A_935 : memref<1x!tpu.dma_semaphore, #tpu.memory_space<semaphore_mem>> -> memref<!tpu.dma_semaphore, #tpu.memory_space<semaphore_mem>>
    %dma_start3A_937 = arith.constant 0 : i32
    %dma_start3A_938 = arith.constant 0 : i32
    %dma_start3A_939 = tpu.memref_slice %arg4[%add3A_918, %dma_start3A_937, %dma_start3A_938] : memref<16384x24x128xf32, #tpu.memory_space<hbm>> -> memref<1x24x128xf32, #tpu.memory_space<hbm>>
    %dma_start3A_940 = tpu.memref_squeeze %dma_start3A_939 : memref<1x24x128xf32, #tpu.memory_space<hbm>> -> memref<24x128xf32, #tpu.memory_space<hbm>>
    %dma_start3A_941 = arith.constant 0 : i32
    %dma_start3A_942 = arith.constant 0 : i32
    %dma_start3A_943 = tpu.memref_slice %dma_start3A_940[%dma_start3A_941, %dma_start3A_942] : memref<24x128xf32, #tpu.memory_space<hbm>> -> memref<20x64xf32, #tpu.memory_space<hbm>>
    %dma_start3A_944 = arith.constant 0 : i32
    %dma_start3A_945 = arith.constant 0 : i32
    %dma_start3A_946 = tpu.memref_slice %arg5[%dma_start3A_919, %dma_start3A_944, %dma_start3A_945] : memref<4x160x128xf32, #tpu.memory_space<vmem>> -> memref<1x160x128xf32, #tpu.memory_space<vmem>>
    %dma_start3A_947 = tpu.memref_squeeze %dma_start3A_946 : memref<1x160x128xf32, #tpu.memory_space<vmem>> -> memref<160x128xf32, #tpu.memory_space<vmem>>
    %dma_start3A_948 = arith.constant 20 : i32
    %dma_start3A_949 = arith.constant 0 : i32
    %dma_start3A_950 = tpu.memref_slice %dma_start3A_947[%dma_start3A_948, %dma_start3A_949] : memref<160x128xf32, #tpu.memory_space<vmem>> -> memref<20x64xf32, #tpu.memory_space<vmem>>
    tpu.enqueue_dma source(%dma_start3A_950 : memref<20x64xf32, #tpu.memory_space<vmem>>) target(%dma_start3A_943 : memref<20x64xf32, #tpu.memory_space<hbm>>) target_semaphore(%dma_start3A_936 : memref<!tpu.dma_semaphore, #tpu.memory_space<semaphore_mem>>)
    %add3A_951 = arith.constant 0 : i32
    %add3A_952 = arith.addi %mul3A_2, %add3A_951 : i32
    %add3A_953 = arith.constant 2 : i32
    %add3A_954 = arith.addi %add3A_952, %add3A_953 : i32
    %dma_start3A_955 = arith.constant 0 : i32
    %dma_start3A_956 = arith.constant 0 : i32
    %dma_start3A_957 = arith.constant 0 : i32
    %dma_start3A_958 = arith.constant 0 : i32
    %dma_start3A_959 = tpu.memref_slice %arg5[%dma_start3A_955, %dma_start3A_957, %dma_start3A_958] : memref<4x160x128xf32, #tpu.memory_space<vmem>> -> memref<1x160x128xf32, #tpu.memory_space<vmem>>
    %dma_start3A_960 = tpu.memref_squeeze %dma_start3A_959 : memref<1x160x128xf32, #tpu.memory_space<vmem>> -> memref<160x128xf32, #tpu.memory_space<vmem>>
    %dma_start3A_961 = arith.constant 40 : i32
    %dma_start3A_962 = arith.constant 0 : i32
    %dma_start3A_963 = tpu.memref_slice %dma_start3A_960[%dma_start3A_961, %dma_start3A_962] : memref<160x128xf32, #tpu.memory_space<vmem>> -> memref<20x64xf32, #tpu.memory_space<vmem>>
    %dma_start3A_964 = arith.constant 0 : i32
    %dma_start3A_965 = arith.constant 0 : i32
    %dma_start3A_966 = tpu.memref_slice %arg4[%add3A_954, %dma_start3A_964, %dma_start3A_965] : memref<16384x24x128xf32, #tpu.memory_space<hbm>> -> memref<1x24x128xf32, #tpu.memory_space<hbm>>
    %dma_start3A_967 = tpu.memref_squeeze %dma_start3A_966 : memref<1x24x128xf32, #tpu.memory_space<hbm>> -> memref<24x128xf32, #tpu.memory_space<hbm>>
    %dma_start3A_968 = arith.constant 0 : i32
    %dma_start3A_969 = arith.constant 0 : i32
    %dma_start3A_970 = tpu.memref_slice %dma_start3A_967[%dma_start3A_968, %dma_start3A_969] : memref<24x128xf32, #tpu.memory_space<hbm>> -> memref<20x64xf32, #tpu.memory_space<hbm>>
    %dma_start3A_971 = tpu.memref_slice %arg9[%dma_start3A_956] : memref<4x!tpu.dma_semaphore, #tpu.memory_space<semaphore_mem>> -> memref<1x!tpu.dma_semaphore, #tpu.memory_space<semaphore_mem>>
    %dma_start3A_972 = tpu.memref_squeeze %dma_start3A_971 : memref<1x!tpu.dma_semaphore, #tpu.memory_space<semaphore_mem>> -> memref<!tpu.dma_semaphore, #tpu.memory_space<semaphore_mem>>
    %dma_start3A_973 = arith.constant 0 : i32
    %dma_start3A_974 = arith.constant 0 : i32
    %dma_start3A_975 = tpu.memref_slice %arg4[%add3A_954, %dma_start3A_973, %dma_start3A_974] : memref<16384x24x128xf32, #tpu.memory_space<hbm>> -> memref<1x24x128xf32, #tpu.memory_space<hbm>>
    %dma_start3A_976 = tpu.memref_squeeze %dma_start3A_975 : memref<1x24x128xf32, #tpu.memory_space<hbm>> -> memref<24x128xf32, #tpu.memory_space<hbm>>
    %dma_start3A_977 = arith.constant 0 : i32
    %dma_start3A_978 = arith.constant 0 : i32
    %dma_start3A_979 = tpu.memref_slice %dma_start3A_976[%dma_start3A_977, %dma_start3A_978] : memref<24x128xf32, #tpu.memory_space<hbm>> -> memref<20x64xf32, #tpu.memory_space<hbm>>
    %dma_start3A_980 = arith.constant 0 : i32
    %dma_start3A_981 = arith.constant 0 : i32
    %dma_start3A_982 = tpu.memref_slice %arg5[%dma_start3A_955, %dma_start3A_980, %dma_start3A_981] : memref<4x160x128xf32, #tpu.memory_space<vmem>> -> memref<1x160x128xf32, #tpu.memory_space<vmem>>
    %dma_start3A_983 = tpu.memref_squeeze %dma_start3A_982 : memref<1x160x128xf32, #tpu.memory_space<vmem>> -> memref<160x128xf32, #tpu.memory_space<vmem>>
    %dma_start3A_984 = arith.constant 40 : i32
    %dma_start3A_985 = arith.constant 0 : i32
    %dma_start3A_986 = tpu.memref_slice %dma_start3A_983[%dma_start3A_984, %dma_start3A_985] : memref<160x128xf32, #tpu.memory_space<vmem>> -> memref<20x64xf32, #tpu.memory_space<vmem>>
    tpu.enqueue_dma source(%dma_start3A_986 : memref<20x64xf32, #tpu.memory_space<vmem>>) target(%dma_start3A_979 : memref<20x64xf32, #tpu.memory_space<hbm>>) target_semaphore(%dma_start3A_972 : memref<!tpu.dma_semaphore, #tpu.memory_space<semaphore_mem>>)
    %add3A_987 = arith.constant 0 : i32
    %add3A_988 = arith.addi %mul3A_2, %add3A_987 : i32
    %add3A_989 = arith.constant 3 : i32
    %add3A_990 = arith.addi %add3A_988, %add3A_989 : i32
    %dma_start3A_991 = arith.constant 0 : i32
    %dma_start3A_992 = arith.constant 0 : i32
    %dma_start3A_993 = arith.constant 0 : i32
    %dma_start3A_994 = arith.constant 0 : i32
    %dma_start3A_995 = tpu.memref_slice %arg5[%dma_start3A_991, %dma_start3A_993, %dma_start3A_994] : memref<4x160x128xf32, #tpu.memory_space<vmem>> -> memref<1x160x128xf32, #tpu.memory_space<vmem>>
    %dma_start3A_996 = tpu.memref_squeeze %dma_start3A_995 : memref<1x160x128xf32, #tpu.memory_space<vmem>> -> memref<160x128xf32, #tpu.memory_space<vmem>>
    %dma_start3A_997 = arith.constant 60 : i32
    %dma_start3A_998 = arith.constant 0 : i32
    %dma_start3A_999 = tpu.memref_slice %dma_start3A_996[%dma_start3A_997, %dma_start3A_998] : memref<160x128xf32, #tpu.memory_space<vmem>> -> memref<20x64xf32, #tpu.memory_space<vmem>>
    %dma_start3A_1000 = arith.constant 0 : i32
    %dma_start3A_1001 = arith.constant 0 : i32
    %dma_start3A_1002 = tpu.memref_slice %arg4[%add3A_990, %dma_start3A_1000, %dma_start3A_1001] : memref<16384x24x128xf32, #tpu.memory_space<hbm>> -> memref<1x24x128xf32, #tpu.memory_space<hbm>>
    %dma_start3A_1003 = tpu.memref_squeeze %dma_start3A_1002 : memref<1x24x128xf32, #tpu.memory_space<hbm>> -> memref<24x128xf32, #tpu.memory_space<hbm>>
    %dma_start3A_1004 = arith.constant 0 : i32
    %dma_start3A_1005 = arith.constant 0 : i32
    %dma_start3A_1006 = tpu.memref_slice %dma_start3A_1003[%dma_start3A_1004, %dma_start3A_1005] : memref<24x128xf32, #tpu.memory_space<hbm>> -> memref<20x64xf32, #tpu.memory_space<hbm>>
    %dma_start3A_1007 = tpu.memref_slice %arg9[%dma_start3A_992] : memref<4x!tpu.dma_semaphore, #tpu.memory_space<semaphore_mem>> -> memref<1x!tpu.dma_semaphore, #tpu.memory_space<semaphore_mem>>
    %dma_start3A_1008 = tpu.memref_squeeze %dma_start3A_1007 : memref<1x!tpu.dma_semaphore, #tpu.memory_space<semaphore_mem>> -> memref<!tpu.dma_semaphore, #tpu.memory_space<semaphore_mem>>
    %dma_start3A_1009 = arith.constant 0 : i32
    %dma_start3A_1010 = arith.constant 0 : i32
    %dma_start3A_1011 = tpu.memref_slice %arg4[%add3A_990, %dma_start3A_1009, %dma_start3A_1010] : memref<16384x24x128xf32, #tpu.memory_space<hbm>> -> memref<1x24x128xf32, #tpu.memory_space<hbm>>
    %dma_start3A_1012 = tpu.memref_squeeze %dma_start3A_1011 : memref<1x24x128xf32, #tpu.memory_space<hbm>> -> memref<24x128xf32, #tpu.memory_space<hbm>>
    %dma_start3A_1013 = arith.constant 0 : i32
    %dma_start3A_1014 = arith.constant 0 : i32
    %dma_start3A_1015 = tpu.memref_slice %dma_start3A_1012[%dma_start3A_1013, %dma_start3A_1014] : memref<24x128xf32, #tpu.memory_space<hbm>> -> memref<20x64xf32, #tpu.memory_space<hbm>>
    %dma_start3A_1016 = arith.constant 0 : i32
    %dma_start3A_1017 = arith.constant 0 : i32
    %dma_start3A_1018 = tpu.memref_slice %arg5[%dma_start3A_991, %dma_start3A_1016, %dma_start3A_1017] : memref<4x160x128xf32, #tpu.memory_space<vmem>> -> memref<1x160x128xf32, #tpu.memory_space<vmem>>
    %dma_start3A_1019 = tpu.memref_squeeze %dma_start3A_1018 : memref<1x160x128xf32, #tpu.memory_space<vmem>> -> memref<160x128xf32, #tpu.memory_space<vmem>>
    %dma_start3A_1020 = arith.constant 60 : i32
    %dma_start3A_1021 = arith.constant 0 : i32
    %dma_start3A_1022 = tpu.memref_slice %dma_start3A_1019[%dma_start3A_1020, %dma_start3A_1021] : memref<160x128xf32, #tpu.memory_space<vmem>> -> memref<20x64xf32, #tpu.memory_space<vmem>>
    tpu.enqueue_dma source(%dma_start3A_1022 : memref<20x64xf32, #tpu.memory_space<vmem>>) target(%dma_start3A_1015 : memref<20x64xf32, #tpu.memory_space<hbm>>) target_semaphore(%dma_start3A_1008 : memref<!tpu.dma_semaphore, #tpu.memory_space<semaphore_mem>>)
    %add3A_1023 = arith.constant 0 : i32
    %add3A_1024 = arith.addi %mul3A_2, %add3A_1023 : i32
    %add3A_1025 = arith.constant 4 : i32
    %add3A_1026 = arith.addi %add3A_1024, %add3A_1025 : i32
    %dma_start3A_1027 = arith.constant 0 : i32
    %dma_start3A_1028 = arith.constant 0 : i32
    %dma_start3A_1029 = arith.constant 0 : i32
    %dma_start3A_1030 = arith.constant 0 : i32
    %dma_start3A_1031 = tpu.memref_slice %arg5[%dma_start3A_1027, %dma_start3A_1029, %dma_start3A_1030] : memref<4x160x128xf32, #tpu.memory_space<vmem>> -> memref<1x160x128xf32, #tpu.memory_space<vmem>>
    %dma_start3A_1032 = tpu.memref_squeeze %dma_start3A_1031 : memref<1x160x128xf32, #tpu.memory_space<vmem>> -> memref<160x128xf32, #tpu.memory_space<vmem>>
    %dma_start3A_1033 = arith.constant 80 : i32
    %dma_start3A_1034 = arith.constant 0 : i32
    %dma_start3A_1035 = tpu.memref_slice %dma_start3A_1032[%dma_start3A_1033, %dma_start3A_1034] : memref<160x128xf32, #tpu.memory_space<vmem>> -> memref<20x64xf32, #tpu.memory_space<vmem>>
    %dma_start3A_1036 = arith.constant 0 : i32
    %dma_start3A_1037 = arith.constant 0 : i32
    %dma_start3A_1038 = tpu.memref_slice %arg4[%add3A_1026, %dma_start3A_1036, %dma_start3A_1037] : memref<16384x24x128xf32, #tpu.memory_space<hbm>> -> memref<1x24x128xf32, #tpu.memory_space<hbm>>
    %dma_start3A_1039 = tpu.memref_squeeze %dma_start3A_1038 : memref<1x24x128xf32, #tpu.memory_space<hbm>> -> memref<24x128xf32, #tpu.memory_space<hbm>>
    %dma_start3A_1040 = arith.constant 0 : i32
    %dma_start3A_1041 = arith.constant 0 : i32
    %dma_start3A_1042 = tpu.memref_slice %dma_start3A_1039[%dma_start3A_1040, %dma_start3A_1041] : memref<24x128xf32, #tpu.memory_space<hbm>> -> memref<20x64xf32, #tpu.memory_space<hbm>>
    %dma_start3A_1043 = tpu.memref_slice %arg9[%dma_start3A_1028] : memref<4x!tpu.dma_semaphore, #tpu.memory_space<semaphore_mem>> -> memref<1x!tpu.dma_semaphore, #tpu.memory_space<semaphore_mem>>
    %dma_start3A_1044 = tpu.memref_squeeze %dma_start3A_1043 : memref<1x!tpu.dma_semaphore, #tpu.memory_space<semaphore_mem>> -> memref<!tpu.dma_semaphore, #tpu.memory_space<semaphore_mem>>
    %dma_start3A_1045 = arith.constant 0 : i32
    %dma_start3A_1046 = arith.constant 0 : i32
    %dma_start3A_1047 = tpu.memref_slice %arg4[%add3A_1026, %dma_start3A_1045, %dma_start3A_1046] : memref<16384x24x128xf32, #tpu.memory_space<hbm>> -> memref<1x24x128xf32, #tpu.memory_space<hbm>>
    %dma_start3A_1048 = tpu.memref_squeeze %dma_start3A_1047 : memref<1x24x128xf32, #tpu.memory_space<hbm>> -> memref<24x128xf32, #tpu.memory_space<hbm>>
    %dma_start3A_1049 = arith.constant 0 : i32
    %dma_start3A_1050 = arith.constant 0 : i32
    %dma_start3A_1051 = tpu.memref_slice %dma_start3A_1048[%dma_start3A_1049, %dma_start3A_1050] : memref<24x128xf32, #tpu.memory_space<hbm>> -> memref<20x64xf32, #tpu.memory_space<hbm>>
    %dma_start3A_1052 = arith.constant 0 : i32
    %dma_start3A_1053 = arith.constant 0 : i32
    %dma_start3A_1054 = tpu.memref_slice %arg5[%dma_start3A_1027, %dma_start3A_1052, %dma_start3A_1053] : memref<4x160x128xf32, #tpu.memory_space<vmem>> -> memref<1x160x128xf32, #tpu.memory_space<vmem>>
    %dma_start3A_1055 = tpu.memref_squeeze %dma_start3A_1054 : memref<1x160x128xf32, #tpu.memory_space<vmem>> -> memref<160x128xf32, #tpu.memory_space<vmem>>
    %dma_start3A_1056 = arith.constant 80 : i32
    %dma_start3A_1057 = arith.constant 0 : i32
    %dma_start3A_1058 = tpu.memref_slice %dma_start3A_1055[%dma_start3A_1056, %dma_start3A_1057] : memref<160x128xf32, #tpu.memory_space<vmem>> -> memref<20x64xf32, #tpu.memory_space<vmem>>
    tpu.enqueue_dma source(%dma_start3A_1058 : memref<20x64xf32, #tpu.memory_space<vmem>>) target(%dma_start3A_1051 : memref<20x64xf32, #tpu.memory_space<hbm>>) target_semaphore(%dma_start3A_1044 : memref<!tpu.dma_semaphore, #tpu.memory_space<semaphore_mem>>)
    %add3A_1059 = arith.constant 0 : i32
    %add3A_1060 = arith.addi %mul3A_2, %add3A_1059 : i32
    %add3A_1061 = arith.constant 5 : i32
    %add3A_1062 = arith.addi %add3A_1060, %add3A_1061 : i32
    %dma_start3A_1063 = arith.constant 0 : i32
    %dma_start3A_1064 = arith.constant 0 : i32
    %dma_start3A_1065 = arith.constant 0 : i32
    %dma_start3A_1066 = arith.constant 0 : i32
    %dma_start3A_1067 = tpu.memref_slice %arg5[%dma_start3A_1063, %dma_start3A_1065, %dma_start3A_1066] : memref<4x160x128xf32, #tpu.memory_space<vmem>> -> memref<1x160x128xf32, #tpu.memory_space<vmem>>
    %dma_start3A_1068 = tpu.memref_squeeze %dma_start3A_1067 : memref<1x160x128xf32, #tpu.memory_space<vmem>> -> memref<160x128xf32, #tpu.memory_space<vmem>>
    %dma_start3A_1069 = arith.constant 100 : i32
    %dma_start3A_1070 = arith.constant 0 : i32
    %dma_start3A_1071 = tpu.memref_slice %dma_start3A_1068[%dma_start3A_1069, %dma_start3A_1070] : memref<160x128xf32, #tpu.memory_space<vmem>> -> memref<20x64xf32, #tpu.memory_space<vmem>>
    %dma_start3A_1072 = arith.constant 0 : i32
    %dma_start3A_1073 = arith.constant 0 : i32
    %dma_start3A_1074 = tpu.memref_slice %arg4[%add3A_1062, %dma_start3A_1072, %dma_start3A_1073] : memref<16384x24x128xf32, #tpu.memory_space<hbm>> -> memref<1x24x128xf32, #tpu.memory_space<hbm>>
    %dma_start3A_1075 = tpu.memref_squeeze %dma_start3A_1074 : memref<1x24x128xf32, #tpu.memory_space<hbm>> -> memref<24x128xf32, #tpu.memory_space<hbm>>
    %dma_start3A_1076 = arith.constant 0 : i32
    %dma_start3A_1077 = arith.constant 0 : i32
    %dma_start3A_1078 = tpu.memref_slice %dma_start3A_1075[%dma_start3A_1076, %dma_start3A_1077] : memref<24x128xf32, #tpu.memory_space<hbm>> -> memref<20x64xf32, #tpu.memory_space<hbm>>
    %dma_start3A_1079 = tpu.memref_slice %arg9[%dma_start3A_1064] : memref<4x!tpu.dma_semaphore, #tpu.memory_space<semaphore_mem>> -> memref<1x!tpu.dma_semaphore, #tpu.memory_space<semaphore_mem>>
    %dma_start3A_1080 = tpu.memref_squeeze %dma_start3A_1079 : memref<1x!tpu.dma_semaphore, #tpu.memory_space<semaphore_mem>> -> memref<!tpu.dma_semaphore, #tpu.memory_space<semaphore_mem>>
    %dma_start3A_1081 = arith.constant 0 : i32
    %dma_start3A_1082 = arith.constant 0 : i32
    %dma_start3A_1083 = tpu.memref_slice %arg4[%add3A_1062, %dma_start3A_1081, %dma_start3A_1082] : memref<16384x24x128xf32, #tpu.memory_space<hbm>> -> memref<1x24x128xf32, #tpu.memory_space<hbm>>
    %dma_start3A_1084 = tpu.memref_squeeze %dma_start3A_1083 : memref<1x24x128xf32, #tpu.memory_space<hbm>> -> memref<24x128xf32, #tpu.memory_space<hbm>>
    %dma_start3A_1085 = arith.constant 0 : i32
    %dma_start3A_1086 = arith.constant 0 : i32
    %dma_start3A_1087 = tpu.memref_slice %dma_start3A_1084[%dma_start3A_1085, %dma_start3A_1086] : memref<24x128xf32, #tpu.memory_space<hbm>> -> memref<20x64xf32, #tpu.memory_space<hbm>>
    %dma_start3A_1088 = arith.constant 0 : i32
    %dma_start3A_1089 = arith.constant 0 : i32
    %dma_start3A_1090 = tpu.memref_slice %arg5[%dma_start3A_1063, %dma_start3A_1088, %dma_start3A_1089] : memref<4x160x128xf32, #tpu.memory_space<vmem>> -> memref<1x160x128xf32, #tpu.memory_space<vmem>>
    %dma_start3A_1091 = tpu.memref_squeeze %dma_start3A_1090 : memref<1x160x128xf32, #tpu.memory_space<vmem>> -> memref<160x128xf32, #tpu.memory_space<vmem>>
    %dma_start3A_1092 = arith.constant 100 : i32
    %dma_start3A_1093 = arith.constant 0 : i32
    %dma_start3A_1094 = tpu.memref_slice %dma_start3A_1091[%dma_start3A_1092, %dma_start3A_1093] : memref<160x128xf32, #tpu.memory_space<vmem>> -> memref<20x64xf32, #tpu.memory_space<vmem>>
    tpu.enqueue_dma source(%dma_start3A_1094 : memref<20x64xf32, #tpu.memory_space<vmem>>) target(%dma_start3A_1087 : memref<20x64xf32, #tpu.memory_space<hbm>>) target_semaphore(%dma_start3A_1080 : memref<!tpu.dma_semaphore, #tpu.memory_space<semaphore_mem>>)
    %add3A_1095 = arith.constant 0 : i32
    %add3A_1096 = arith.addi %mul3A_2, %add3A_1095 : i32
    %add3A_1097 = arith.constant 6 : i32
    %add3A_1098 = arith.addi %add3A_1096, %add3A_1097 : i32
    %dma_start3A_1099 = arith.constant 0 : i32
    %dma_start3A_1100 = arith.constant 0 : i32
    %dma_start3A_1101 = arith.constant 0 : i32
    %dma_start3A_1102 = arith.constant 0 : i32
    %dma_start3A_1103 = tpu.memref_slice %arg5[%dma_start3A_1099, %dma_start3A_1101, %dma_start3A_1102] : memref<4x160x128xf32, #tpu.memory_space<vmem>> -> memref<1x160x128xf32, #tpu.memory_space<vmem>>
    %dma_start3A_1104 = tpu.memref_squeeze %dma_start3A_1103 : memref<1x160x128xf32, #tpu.memory_space<vmem>> -> memref<160x128xf32, #tpu.memory_space<vmem>>
    %dma_start3A_1105 = arith.constant 120 : i32
    %dma_start3A_1106 = arith.constant 0 : i32
    %dma_start3A_1107 = tpu.memref_slice %dma_start3A_1104[%dma_start3A_1105, %dma_start3A_1106] : memref<160x128xf32, #tpu.memory_space<vmem>> -> memref<20x64xf32, #tpu.memory_space<vmem>>
    %dma_start3A_1108 = arith.constant 0 : i32
    %dma_start3A_1109 = arith.constant 0 : i32
    %dma_start3A_1110 = tpu.memref_slice %arg4[%add3A_1098, %dma_start3A_1108, %dma_start3A_1109] : memref<16384x24x128xf32, #tpu.memory_space<hbm>> -> memref<1x24x128xf32, #tpu.memory_space<hbm>>
    %dma_start3A_1111 = tpu.memref_squeeze %dma_start3A_1110 : memref<1x24x128xf32, #tpu.memory_space<hbm>> -> memref<24x128xf32, #tpu.memory_space<hbm>>
    %dma_start3A_1112 = arith.constant 0 : i32
    %dma_start3A_1113 = arith.constant 0 : i32
    %dma_start3A_1114 = tpu.memref_slice %dma_start3A_1111[%dma_start3A_1112, %dma_start3A_1113] : memref<24x128xf32, #tpu.memory_space<hbm>> -> memref<20x64xf32, #tpu.memory_space<hbm>>
    %dma_start3A_1115 = tpu.memref_slice %arg9[%dma_start3A_1100] : memref<4x!tpu.dma_semaphore, #tpu.memory_space<semaphore_mem>> -> memref<1x!tpu.dma_semaphore, #tpu.memory_space<semaphore_mem>>
    %dma_start3A_1116 = tpu.memref_squeeze %dma_start3A_1115 : memref<1x!tpu.dma_semaphore, #tpu.memory_space<semaphore_mem>> -> memref<!tpu.dma_semaphore, #tpu.memory_space<semaphore_mem>>
    %dma_start3A_1117 = arith.constant 0 : i32
    %dma_start3A_1118 = arith.constant 0 : i32
    %dma_start3A_1119 = tpu.memref_slice %arg4[%add3A_1098, %dma_start3A_1117, %dma_start3A_1118] : memref<16384x24x128xf32, #tpu.memory_space<hbm>> -> memref<1x24x128xf32, #tpu.memory_space<hbm>>
    %dma_start3A_1120 = tpu.memref_squeeze %dma_start3A_1119 : memref<1x24x128xf32, #tpu.memory_space<hbm>> -> memref<24x128xf32, #tpu.memory_space<hbm>>
    %dma_start3A_1121 = arith.constant 0 : i32
    %dma_start3A_1122 = arith.constant 0 : i32
    %dma_start3A_1123 = tpu.memref_slice %dma_start3A_1120[%dma_start3A_1121, %dma_start3A_1122] : memref<24x128xf32, #tpu.memory_space<hbm>> -> memref<20x64xf32, #tpu.memory_space<hbm>>
    %dma_start3A_1124 = arith.constant 0 : i32
    %dma_start3A_1125 = arith.constant 0 : i32
    %dma_start3A_1126 = tpu.memref_slice %arg5[%dma_start3A_1099, %dma_start3A_1124, %dma_start3A_1125] : memref<4x160x128xf32, #tpu.memory_space<vmem>> -> memref<1x160x128xf32, #tpu.memory_space<vmem>>
    %dma_start3A_1127 = tpu.memref_squeeze %dma_start3A_1126 : memref<1x160x128xf32, #tpu.memory_space<vmem>> -> memref<160x128xf32, #tpu.memory_space<vmem>>
    %dma_start3A_1128 = arith.constant 120 : i32
    %dma_start3A_1129 = arith.constant 0 : i32
    %dma_start3A_1130 = tpu.memref_slice %dma_start3A_1127[%dma_start3A_1128, %dma_start3A_1129] : memref<160x128xf32, #tpu.memory_space<vmem>> -> memref<20x64xf32, #tpu.memory_space<vmem>>
    tpu.enqueue_dma source(%dma_start3A_1130 : memref<20x64xf32, #tpu.memory_space<vmem>>) target(%dma_start3A_1123 : memref<20x64xf32, #tpu.memory_space<hbm>>) target_semaphore(%dma_start3A_1116 : memref<!tpu.dma_semaphore, #tpu.memory_space<semaphore_mem>>)
    %add3A_1131 = arith.constant 0 : i32
    %add3A_1132 = arith.addi %mul3A_2, %add3A_1131 : i32
    %add3A_1133 = arith.constant 7 : i32
    %add3A_1134 = arith.addi %add3A_1132, %add3A_1133 : i32
    %dma_start3A_1135 = arith.constant 0 : i32
    %dma_start3A_1136 = arith.constant 0 : i32
    %dma_start3A_1137 = arith.constant 0 : i32
    %dma_start3A_1138 = arith.constant 0 : i32
    %dma_start3A_1139 = tpu.memref_slice %arg5[%dma_start3A_1135, %dma_start3A_1137, %dma_start3A_1138] : memref<4x160x128xf32, #tpu.memory_space<vmem>> -> memref<1x160x128xf32, #tpu.memory_space<vmem>>
    %dma_start3A_1140 = tpu.memref_squeeze %dma_start3A_1139 : memref<1x160x128xf32, #tpu.memory_space<vmem>> -> memref<160x128xf32, #tpu.memory_space<vmem>>
    %dma_start3A_1141 = arith.constant 140 : i32
    %dma_start3A_1142 = arith.constant 0 : i32
    %dma_start3A_1143 = tpu.memref_slice %dma_start3A_1140[%dma_start3A_1141, %dma_start3A_1142] : memref<160x128xf32, #tpu.memory_space<vmem>> -> memref<20x64xf32, #tpu.memory_space<vmem>>
    %dma_start3A_1144 = arith.constant 0 : i32
    %dma_start3A_1145 = arith.constant 0 : i32
    %dma_start3A_1146 = tpu.memref_slice %arg4[%add3A_1134, %dma_start3A_1144, %dma_start3A_1145] : memref<16384x24x128xf32, #tpu.memory_space<hbm>> -> memref<1x24x128xf32, #tpu.memory_space<hbm>>
    %dma_start3A_1147 = tpu.memref_squeeze %dma_start3A_1146 : memref<1x24x128xf32, #tpu.memory_space<hbm>> -> memref<24x128xf32, #tpu.memory_space<hbm>>
    %dma_start3A_1148 = arith.constant 0 : i32
    %dma_start3A_1149 = arith.constant 0 : i32
    %dma_start3A_1150 = tpu.memref_slice %dma_start3A_1147[%dma_start3A_1148, %dma_start3A_1149] : memref<24x128xf32, #tpu.memory_space<hbm>> -> memref<20x64xf32, #tpu.memory_space<hbm>>
    %dma_start3A_1151 = tpu.memref_slice %arg9[%dma_start3A_1136] : memref<4x!tpu.dma_semaphore, #tpu.memory_space<semaphore_mem>> -> memref<1x!tpu.dma_semaphore, #tpu.memory_space<semaphore_mem>>
    %dma_start3A_1152 = tpu.memref_squeeze %dma_start3A_1151 : memref<1x!tpu.dma_semaphore, #tpu.memory_space<semaphore_mem>> -> memref<!tpu.dma_semaphore, #tpu.memory_space<semaphore_mem>>
    %dma_start3A_1153 = arith.constant 0 : i32
    %dma_start3A_1154 = arith.constant 0 : i32
    %dma_start3A_1155 = tpu.memref_slice %arg4[%add3A_1134, %dma_start3A_1153, %dma_start3A_1154] : memref<16384x24x128xf32, #tpu.memory_space<hbm>> -> memref<1x24x128xf32, #tpu.memory_space<hbm>>
    %dma_start3A_1156 = tpu.memref_squeeze %dma_start3A_1155 : memref<1x24x128xf32, #tpu.memory_space<hbm>> -> memref<24x128xf32, #tpu.memory_space<hbm>>
    %dma_start3A_1157 = arith.constant 0 : i32
    %dma_start3A_1158 = arith.constant 0 : i32
    %dma_start3A_1159 = tpu.memref_slice %dma_start3A_1156[%dma_start3A_1157, %dma_start3A_1158] : memref<24x128xf32, #tpu.memory_space<hbm>> -> memref<20x64xf32, #tpu.memory_space<hbm>>
    %dma_start3A_1160 = arith.constant 0 : i32
    %dma_start3A_1161 = arith.constant 0 : i32
    %dma_start3A_1162 = tpu.memref_slice %arg5[%dma_start3A_1135, %dma_start3A_1160, %dma_start3A_1161] : memref<4x160x128xf32, #tpu.memory_space<vmem>> -> memref<1x160x128xf32, #tpu.memory_space<vmem>>
    %dma_start3A_1163 = tpu.memref_squeeze %dma_start3A_1162 : memref<1x160x128xf32, #tpu.memory_space<vmem>> -> memref<160x128xf32, #tpu.memory_space<vmem>>
    %dma_start3A_1164 = arith.constant 140 : i32
    %dma_start3A_1165 = arith.constant 0 : i32
    %dma_start3A_1166 = tpu.memref_slice %dma_start3A_1163[%dma_start3A_1164, %dma_start3A_1165] : memref<160x128xf32, #tpu.memory_space<vmem>> -> memref<20x64xf32, #tpu.memory_space<vmem>>
    tpu.enqueue_dma source(%dma_start3A_1166 : memref<20x64xf32, #tpu.memory_space<vmem>>) target(%dma_start3A_1159 : memref<20x64xf32, #tpu.memory_space<hbm>>) target_semaphore(%dma_start3A_1152 : memref<!tpu.dma_semaphore, #tpu.memory_space<semaphore_mem>>)
    %add3A_1167 = arith.constant 24 : i32
    %add3A_1168 = vector.broadcast %add3A_1167 : i32 to vector<16xi32>
    %add3A_1169 = arith.addi %add3A_1168, %select_n3A : vector<16xi32>
    %gather3A_1170 = tpu.vector_load_idx %arg8[%add3A_1169, %select_n3A_357] : memref<512x20xi32, #tpu.memory_space<vmem>>[vector<16xi32>, vector<16xi32>], vector<16xi32>,
    %swap3A_1171 = arith.constant 3 : i32
    %swap3A_1172 = arith.index_cast %swap3A_1171 : i32 to index
    %swap3A_1173 = arith.constant 0 : index
    %swap3A_1174 = tpu.vector_load %arg7[%swap3A_1172, %swap3A_1173] {strides = array<i32>} : memref<4x160xi32, #tpu.memory_space<vmem>>, vector<16xi32>,
    tpu.vector_store %arg7[%swap3A_1172, %swap3A_1173], %gather3A_1170 {strides = array<i32>} : memref<4x160xi32, #tpu.memory_space<vmem>>, vector<16xi32>,
    %add3A_1175 = arith.constant 24 : i32
    %add3A_1176 = vector.broadcast %add3A_1175 : i32 to vector<16xi32>
    %add3A_1177 = arith.addi %add3A_1176, %select_n3A_62 : vector<16xi32>
    %gather3A_1178 = tpu.vector_load_idx %arg8[%add3A_1177, %select_n3A_382] : memref<512x20xi32, #tpu.memory_space<vmem>>[vector<16xi32>, vector<16xi32>], vector<16xi32>,
    %swap3A_1179 = arith.constant 3 : i32
    %swap3A_1180 = arith.index_cast %swap3A_1179 : i32 to index
    %swap3A_1181 = arith.constant 16 : index
    %swap3A_1182 = tpu.vector_load %arg7[%swap3A_1180, %swap3A_1181] {strides = array<i32>} : memref<4x160xi32, #tpu.memory_space<vmem>>, vector<16xi32>,
    tpu.vector_store %arg7[%swap3A_1180, %swap3A_1181], %gather3A_1178 {strides = array<i32>} : memref<4x160xi32, #tpu.memory_space<vmem>>, vector<16xi32>,
    %add3A_1183 = arith.constant 24 : i32
    %add3A_1184 = vector.broadcast %add3A_1183 : i32 to vector<16xi32>
    %add3A_1185 = arith.addi %add3A_1184, %select_n3A_96 : vector<16xi32>
    %gather3A_1186 = tpu.vector_load_idx %arg8[%add3A_1185, %select_n3A_407] : memref<512x20xi32, #tpu.memory_space<vmem>>[vector<16xi32>, vector<16xi32>], vector<16xi32>,
    %swap3A_1187 = arith.constant 3 : i32
    %swap3A_1188 = arith.index_cast %swap3A_1187 : i32 to index
    %swap3A_1189 = arith.constant 32 : index
    %swap3A_1190 = tpu.vector_load %arg7[%swap3A_1188, %swap3A_1189] {strides = array<i32>} : memref<4x160xi32, #tpu.memory_space<vmem>>, vector<16xi32>,
    tpu.vector_store %arg7[%swap3A_1188, %swap3A_1189], %gather3A_1186 {strides = array<i32>} : memref<4x160xi32, #tpu.memory_space<vmem>>, vector<16xi32>,
    %add3A_1191 = arith.constant 24 : i32
    %add3A_1192 = vector.broadcast %add3A_1191 : i32 to vector<16xi32>
    %add3A_1193 = arith.addi %add3A_1192, %select_n3A_130 : vector<16xi32>
    %gather3A_1194 = tpu.vector_load_idx %arg8[%add3A_1193, %select_n3A_432] : memref<512x20xi32, #tpu.memory_space<vmem>>[vector<16xi32>, vector<16xi32>], vector<16xi32>,
    %swap3A_1195 = arith.constant 3 : i32
    %swap3A_1196 = arith.index_cast %swap3A_1195 : i32 to index
    %swap3A_1197 = arith.constant 48 : index
    %swap3A_1198 = tpu.vector_load %arg7[%swap3A_1196, %swap3A_1197] {strides = array<i32>} : memref<4x160xi32, #tpu.memory_space<vmem>>, vector<16xi32>,
    tpu.vector_store %arg7[%swap3A_1196, %swap3A_1197], %gather3A_1194 {strides = array<i32>} : memref<4x160xi32, #tpu.memory_space<vmem>>, vector<16xi32>,
    %add3A_1199 = arith.constant 24 : i32
    %add3A_1200 = vector.broadcast %add3A_1199 : i32 to vector<16xi32>
    %add3A_1201 = arith.addi %add3A_1200, %select_n3A_164 : vector<16xi32>
    %gather3A_1202 = tpu.vector_load_idx %arg8[%add3A_1201, %select_n3A_457] : memref<512x20xi32, #tpu.memory_space<vmem>>[vector<16xi32>, vector<16xi32>], vector<16xi32>,
    %swap3A_1203 = arith.constant 3 : i32
    %swap3A_1204 = arith.index_cast %swap3A_1203 : i32 to index
    %swap3A_1205 = arith.constant 64 : index
    %swap3A_1206 = tpu.vector_load %arg7[%swap3A_1204, %swap3A_1205] {strides = array<i32>} : memref<4x160xi32, #tpu.memory_space<vmem>>, vector<16xi32>,
    tpu.vector_store %arg7[%swap3A_1204, %swap3A_1205], %gather3A_1202 {strides = array<i32>} : memref<4x160xi32, #tpu.memory_space<vmem>>, vector<16xi32>,
    %add3A_1207 = arith.constant 24 : i32
    %add3A_1208 = vector.broadcast %add3A_1207 : i32 to vector<16xi32>
    %add3A_1209 = arith.addi %add3A_1208, %select_n3A_198 : vector<16xi32>
    %gather3A_1210 = tpu.vector_load_idx %arg8[%add3A_1209, %select_n3A_482] : memref<512x20xi32, #tpu.memory_space<vmem>>[vector<16xi32>, vector<16xi32>], vector<16xi32>,
    %swap3A_1211 = arith.constant 3 : i32
    %swap3A_1212 = arith.index_cast %swap3A_1211 : i32 to index
    %swap3A_1213 = arith.constant 80 : index
    %swap3A_1214 = tpu.vector_load %arg7[%swap3A_1212, %swap3A_1213] {strides = array<i32>} : memref<4x160xi32, #tpu.memory_space<vmem>>, vector<16xi32>,
    tpu.vector_store %arg7[%swap3A_1212, %swap3A_1213], %gather3A_1210 {strides = array<i32>} : memref<4x160xi32, #tpu.memory_space<vmem>>, vector<16xi32>,
    %add3A_1215 = arith.constant 24 : i32
    %add3A_1216 = vector.broadcast %add3A_1215 : i32 to vector<16xi32>
    %add3A_1217 = arith.addi %add3A_1216, %select_n3A_232 : vector<16xi32>
    %gather3A_1218 = tpu.vector_load_idx %arg8[%add3A_1217, %select_n3A_507] : memref<512x20xi32, #tpu.memory_space<vmem>>[vector<16xi32>, vector<16xi32>], vector<16xi32>,
    %swap3A_1219 = arith.constant 3 : i32
    %swap3A_1220 = arith.index_cast %swap3A_1219 : i32 to index
    %swap3A_1221 = arith.constant 96 : index
    %swap3A_1222 = tpu.vector_load %arg7[%swap3A_1220, %swap3A_1221] {strides = array<i32>} : memref<4x160xi32, #tpu.memory_space<vmem>>, vector<16xi32>,
    tpu.vector_store %arg7[%swap3A_1220, %swap3A_1221], %gather3A_1218 {strides = array<i32>} : memref<4x160xi32, #tpu.memory_space<vmem>>, vector<16xi32>,
    %add3A_1223 = arith.constant 24 : i32
    %add3A_1224 = vector.broadcast %add3A_1223 : i32 to vector<16xi32>
    %add3A_1225 = arith.addi %add3A_1224, %select_n3A_266 : vector<16xi32>
    %gather3A_1226 = tpu.vector_load_idx %arg8[%add3A_1225, %select_n3A_532] : memref<512x20xi32, #tpu.memory_space<vmem>>[vector<16xi32>, vector<16xi32>], vector<16xi32>,
    %swap3A_1227 = arith.constant 3 : i32
    %swap3A_1228 = arith.index_cast %swap3A_1227 : i32 to index
    %swap3A_1229 = arith.constant 112 : index
    %swap3A_1230 = tpu.vector_load %arg7[%swap3A_1228, %swap3A_1229] {strides = array<i32>} : memref<4x160xi32, #tpu.memory_space<vmem>>, vector<16xi32>,
    tpu.vector_store %arg7[%swap3A_1228, %swap3A_1229], %gather3A_1226 {strides = array<i32>} : memref<4x160xi32, #tpu.memory_space<vmem>>, vector<16xi32>,
    %add3A_1231 = arith.constant 24 : i32
    %add3A_1232 = vector.broadcast %add3A_1231 : i32 to vector<16xi32>
    %add3A_1233 = arith.addi %add3A_1232, %select_n3A_300 : vector<16xi32>
    %gather3A_1234 = tpu.vector_load_idx %arg8[%add3A_1233, %select_n3A_557] : memref<512x20xi32, #tpu.memory_space<vmem>>[vector<16xi32>, vector<16xi32>], vector<16xi32>,
    %swap3A_1235 = arith.constant 3 : i32
    %swap3A_1236 = arith.index_cast %swap3A_1235 : i32 to index
    %swap3A_1237 = arith.constant 128 : index
    %swap3A_1238 = tpu.vector_load %arg7[%swap3A_1236, %swap3A_1237] {strides = array<i32>} : memref<4x160xi32, #tpu.memory_space<vmem>>, vector<16xi32>,
    tpu.vector_store %arg7[%swap3A_1236, %swap3A_1237], %gather3A_1234 {strides = array<i32>} : memref<4x160xi32, #tpu.memory_space<vmem>>, vector<16xi32>,
    %add3A_1239 = arith.constant 24 : i32
    %add3A_1240 = vector.broadcast %add3A_1239 : i32 to vector<16xi32>
    %add3A_1241 = arith.addi %add3A_1240, %select_n3A_334 : vector<16xi32>
    %gather3A_1242 = tpu.vector_load_idx %arg8[%add3A_1241, %select_n3A_582] : memref<512x20xi32, #tpu.memory_space<vmem>>[vector<16xi32>, vector<16xi32>], vector<16xi32>,
    %swap3A_1243 = arith.constant 3 : i32
    %swap3A_1244 = arith.index_cast %swap3A_1243 : i32 to index
    %swap3A_1245 = arith.constant 144 : index
    %swap3A_1246 = tpu.vector_load %arg7[%swap3A_1244, %swap3A_1245] {strides = array<i32>} : memref<4x160xi32, #tpu.memory_space<vmem>>, vector<16xi32>,
    tpu.vector_store %arg7[%swap3A_1244, %swap3A_1245], %gather3A_1242 {strides = array<i32>} : memref<4x160xi32, #tpu.memory_space<vmem>>, vector<16xi32>,
    %dma_start3A_1247 = arith.constant 3 : i32
    %dma_start3A_1248 = arith.constant 3 : i32
    %dma_start3A_1249 = arith.constant 3 : i32
    %dma_start3A_1250 = arith.constant 0 : i32
    %dma_start3A_1251 = arith.constant 0 : i32
    %dma_start3A_1252 = tpu.memref_slice %arg5[%dma_start3A_1248, %dma_start3A_1250, %dma_start3A_1251] : memref<4x160x128xf32, #tpu.memory_space<vmem>> -> memref<1x160x128xf32, #tpu.memory_space<vmem>>
    %dma_start3A_1253 = tpu.memref_squeeze %dma_start3A_1252 : memref<1x160x128xf32, #tpu.memory_space<vmem>> -> memref<160x128xf32, #tpu.memory_space<vmem>>
    %dma_start3A_1254 = arith.constant 0 : i32
    %dma_start3A_1255 = tpu.memref_slice %arg7[%dma_start3A_1247, %dma_start3A_1254] : memref<4x160xi32, #tpu.memory_space<vmem>> -> memref<1x160xi32, #tpu.memory_space<vmem>>
    %dma_start3A_1256 = tpu.memref_squeeze %dma_start3A_1255 : memref<1x160xi32, #tpu.memory_space<vmem>> -> memref<160xi32, #tpu.memory_space<vmem>>
    %dma_start3A_1257 = arith.constant 0 : i32
    %dma_start3A_1258 = arith.constant 0 : i32
    %dma_start3A_1259 = tpu.memref_slice %arg3[%dma_start3A_1257, %dma_start3A_1258] : memref<1000000x128xf32, #tpu.memory_space<hbm>> -> memref<1000000x128xf32, #tpu.memory_space<hbm>>
    %dma_start3A_1260 = tpu.memref_slice %arg6[%dma_start3A_1249] : memref<4x!tpu.dma_semaphore, #tpu.memory_space<semaphore_mem>> -> memref<1x!tpu.dma_semaphore, #tpu.memory_space<semaphore_mem>>
    %dma_start3A_1261 = tpu.memref_squeeze %dma_start3A_1260 : memref<1x!tpu.dma_semaphore, #tpu.memory_space<semaphore_mem>> -> memref<!tpu.dma_semaphore, #tpu.memory_space<semaphore_mem>>
    tpu.enqueue_indirect_dma source(%dma_start3A_1259 : memref<1000000x128xf32, #tpu.memory_space<hbm>>) target(%dma_start3A_1253 : memref<160x128xf32, #tpu.memory_space<vmem>>) offsets(%dma_start3A_1256 : memref<160xi32, #tpu.memory_space<vmem>>) semaphore(%dma_start3A_1261 : memref<!tpu.dma_semaphore, #tpu.memory_space<semaphore_mem>>)
    %dma_wait3A_1262 = arith.constant 1 : i32
    %dma_wait3A_1263 = arith.constant 1 : i32
    %dma_wait3A_1264 = arith.constant 1 : i32
    %dma_wait3A_1265 = arith.constant 0 : i32
    %dma_wait3A_1266 = arith.constant 0 : i32
    %dma_wait3A_1267 = tpu.memref_slice %arg5[%dma_wait3A_1263, %dma_wait3A_1265, %dma_wait3A_1266] : memref<4x160x128xf32, #tpu.memory_space<vmem>> -> memref<1x160x128xf32, #tpu.memory_space<vmem>>
    %dma_wait3A_1268 = tpu.memref_squeeze %dma_wait3A_1267 : memref<1x160x128xf32, #tpu.memory_space<vmem>> -> memref<160x128xf32, #tpu.memory_space<vmem>>
    %dma_wait3A_1269 = arith.constant 0 : i32
    %dma_wait3A_1270 = tpu.memref_slice %arg7[%dma_wait3A_1262, %dma_wait3A_1269] : memref<4x160xi32, #tpu.memory_space<vmem>> -> memref<1x160xi32, #tpu.memory_space<vmem>>
    %dma_wait3A_1271 = tpu.memref_squeeze %dma_wait3A_1270 : memref<1x160xi32, #tpu.memory_space<vmem>> -> memref<160xi32, #tpu.memory_space<vmem>>
    %dma_wait3A_1272 = arith.constant 0 : i32
    %dma_wait3A_1273 = arith.constant 0 : i32
    %dma_wait3A_1274 = tpu.memref_slice %arg3[%dma_wait3A_1272, %dma_wait3A_1273] : memref<1000000x128xf32, #tpu.memory_space<hbm>> -> memref<1000000x128xf32, #tpu.memory_space<hbm>>
    %dma_wait3A_1275 = tpu.memref_slice %arg6[%dma_wait3A_1264] : memref<4x!tpu.dma_semaphore, #tpu.memory_space<semaphore_mem>> -> memref<1x!tpu.dma_semaphore, #tpu.memory_space<semaphore_mem>>
    %dma_wait3A_1276 = tpu.memref_squeeze %dma_wait3A_1275 : memref<1x!tpu.dma_semaphore, #tpu.memory_space<semaphore_mem>> -> memref<!tpu.dma_semaphore, #tpu.memory_space<semaphore_mem>>
    tpu.wait_indirect_dma semaphore(%dma_wait3A_1276 : memref<!tpu.dma_semaphore, #tpu.memory_space<semaphore_mem>>) src(%dma_wait3A_1274 : memref<1000000x128xf32, #tpu.memory_space<hbm>>) dst(%dma_wait3A_1268 : memref<160x128xf32, #tpu.memory_space<vmem>>)
    %add3A_1277 = arith.constant 8 : i32
    %add3A_1278 = arith.addi %mul3A_2, %add3A_1277 : i32
    %add3A_1279 = arith.constant 0 : i32
    %add3A_1280 = arith.addi %add3A_1278, %add3A_1279 : i32
    %dma_start3A_1281 = arith.constant 1 : i32
    %dma_start3A_1282 = arith.constant 1 : i32
    %dma_start3A_1283 = arith.constant 0 : i32
    %dma_start3A_1284 = arith.constant 0 : i32
    %dma_start3A_1285 = tpu.memref_slice %arg5[%dma_start3A_1281, %dma_start3A_1283, %dma_start3A_1284] : memref<4x160x128xf32, #tpu.memory_space<vmem>> -> memref<1x160x128xf32, #tpu.memory_space<vmem>>
    %dma_start3A_1286 = tpu.memref_squeeze %dma_start3A_1285 : memref<1x160x128xf32, #tpu.memory_space<vmem>> -> memref<160x128xf32, #tpu.memory_space<vmem>>
    %dma_start3A_1287 = arith.constant 0 : i32
    %dma_start3A_1288 = arith.constant 0 : i32
    %dma_start3A_1289 = tpu.memref_slice %dma_start3A_1286[%dma_start3A_1287, %dma_start3A_1288] : memref<160x128xf32, #tpu.memory_space<vmem>> -> memref<20x64xf32, #tpu.memory_space<vmem>>
    %dma_start3A_1290 = arith.constant 0 : i32
    %dma_start3A_1291 = arith.constant 0 : i32
    %dma_start3A_1292 = tpu.memref_slice %arg4[%add3A_1280, %dma_start3A_1290, %dma_start3A_1291] : memref<16384x24x128xf32, #tpu.memory_space<hbm>> -> memref<1x24x128xf32, #tpu.memory_space<hbm>>
    %dma_start3A_1293 = tpu.memref_squeeze %dma_start3A_1292 : memref<1x24x128xf32, #tpu.memory_space<hbm>> -> memref<24x128xf32, #tpu.memory_space<hbm>>
    %dma_start3A_1294 = arith.constant 0 : i32
    %dma_start3A_1295 = arith.constant 0 : i32
    %dma_start3A_1296 = tpu.memref_slice %dma_start3A_1293[%dma_start3A_1294, %dma_start3A_1295] : memref<24x128xf32, #tpu.memory_space<hbm>> -> memref<20x64xf32, #tpu.memory_space<hbm>>
    %dma_start3A_1297 = tpu.memref_slice %arg9[%dma_start3A_1282] : memref<4x!tpu.dma_semaphore, #tpu.memory_space<semaphore_mem>> -> memref<1x!tpu.dma_semaphore, #tpu.memory_space<semaphore_mem>>
    %dma_start3A_1298 = tpu.memref_squeeze %dma_start3A_1297 : memref<1x!tpu.dma_semaphore, #tpu.memory_space<semaphore_mem>> -> memref<!tpu.dma_semaphore, #tpu.memory_space<semaphore_mem>>
    %dma_start3A_1299 = arith.constant 0 : i32
    %dma_start3A_1300 = arith.constant 0 : i32
    %dma_start3A_1301 = tpu.memref_slice %arg4[%add3A_1280, %dma_start3A_1299, %dma_start3A_1300] : memref<16384x24x128xf32, #tpu.memory_space<hbm>> -> memref<1x24x128xf32, #tpu.memory_space<hbm>>
    %dma_start3A_1302 = tpu.memref_squeeze %dma_start3A_1301 : memref<1x24x128xf32, #tpu.memory_space<hbm>> -> memref<24x128xf32, #tpu.memory_space<hbm>>
    %dma_start3A_1303 = arith.constant 0 : i32
    %dma_start3A_1304 = arith.constant 0 : i32
    %dma_start3A_1305 = tpu.memref_slice %dma_start3A_1302[%dma_start3A_1303, %dma_start3A_1304] : memref<24x128xf32, #tpu.memory_space<hbm>> -> memref<20x64xf32, #tpu.memory_space<hbm>>
    %dma_start3A_1306 = arith.constant 0 : i32
    %dma_start3A_1307 = arith.constant 0 : i32
    %dma_start3A_1308 = tpu.memref_slice %arg5[%dma_start3A_1281, %dma_start3A_1306, %dma_start3A_1307] : memref<4x160x128xf32, #tpu.memory_space<vmem>> -> memref<1x160x128xf32, #tpu.memory_space<vmem>>
    %dma_start3A_1309 = tpu.memref_squeeze %dma_start3A_1308 : memref<1x160x128xf32, #tpu.memory_space<vmem>> -> memref<160x128xf32, #tpu.memory_space<vmem>>
    %dma_start3A_1310 = arith.constant 0 : i32
    %dma_start3A_1311 = arith.constant 0 : i32
    %dma_start3A_1312 = tpu.memref_slice %dma_start3A_1309[%dma_start3A_1310, %dma_start3A_1311] : memref<160x128xf32, #tpu.memory_space<vmem>> -> memref<20x64xf32, #tpu.memory_space<vmem>>
    tpu.enqueue_dma source(%dma_start3A_1312 : memref<20x64xf32, #tpu.memory_space<vmem>>) target(%dma_start3A_1305 : memref<20x64xf32, #tpu.memory_space<hbm>>) target_semaphore(%dma_start3A_1298 : memref<!tpu.dma_semaphore, #tpu.memory_space<semaphore_mem>>)
    %add3A_1313 = arith.constant 8 : i32
    %add3A_1314 = arith.addi %mul3A_2, %add3A_1313 : i32
    %add3A_1315 = arith.constant 1 : i32
    %add3A_1316 = arith.addi %add3A_1314, %add3A_1315 : i32
    %dma_start3A_1317 = arith.constant 1 : i32
    %dma_start3A_1318 = arith.constant 1 : i32
    %dma_start3A_1319 = arith.constant 0 : i32
    %dma_start3A_1320 = arith.constant 0 : i32
    %dma_start3A_1321 = tpu.memref_slice %arg5[%dma_start3A_1317, %dma_start3A_1319, %dma_start3A_1320] : memref<4x160x128xf32, #tpu.memory_space<vmem>> -> memref<1x160x128xf32, #tpu.memory_space<vmem>>
    %dma_start3A_1322 = tpu.memref_squeeze %dma_start3A_1321 : memref<1x160x128xf32, #tpu.memory_space<vmem>> -> memref<160x128xf32, #tpu.memory_space<vmem>>
    %dma_start3A_1323 = arith.constant 20 : i32
    %dma_start3A_1324 = arith.constant 0 : i32
    %dma_start3A_1325 = tpu.memref_slice %dma_start3A_1322[%dma_start3A_1323, %dma_start3A_1324] : memref<160x128xf32, #tpu.memory_space<vmem>> -> memref<20x64xf32, #tpu.memory_space<vmem>>
    %dma_start3A_1326 = arith.constant 0 : i32
    %dma_start3A_1327 = arith.constant 0 : i32
    %dma_start3A_1328 = tpu.memref_slice %arg4[%add3A_1316, %dma_start3A_1326, %dma_start3A_1327] : memref<16384x24x128xf32, #tpu.memory_space<hbm>> -> memref<1x24x128xf32, #tpu.memory_space<hbm>>
    %dma_start3A_1329 = tpu.memref_squeeze %dma_start3A_1328 : memref<1x24x128xf32, #tpu.memory_space<hbm>> -> memref<24x128xf32, #tpu.memory_space<hbm>>
    %dma_start3A_1330 = arith.constant 0 : i32
    %dma_start3A_1331 = arith.constant 0 : i32
    %dma_start3A_1332 = tpu.memref_slice %dma_start3A_1329[%dma_start3A_1330, %dma_start3A_1331] : memref<24x128xf32, #tpu.memory_space<hbm>> -> memref<20x64xf32, #tpu.memory_space<hbm>>
    %dma_start3A_1333 = tpu.memref_slice %arg9[%dma_start3A_1318] : memref<4x!tpu.dma_semaphore, #tpu.memory_space<semaphore_mem>> -> memref<1x!tpu.dma_semaphore, #tpu.memory_space<semaphore_mem>>
    %dma_start3A_1334 = tpu.memref_squeeze %dma_start3A_1333 : memref<1x!tpu.dma_semaphore, #tpu.memory_space<semaphore_mem>> -> memref<!tpu.dma_semaphore, #tpu.memory_space<semaphore_mem>>
    %dma_start3A_1335 = arith.constant 0 : i32
    %dma_start3A_1336 = arith.constant 0 : i32
    %dma_start3A_1337 = tpu.memref_slice %arg4[%add3A_1316, %dma_start3A_1335, %dma_start3A_1336] : memref<16384x24x128xf32, #tpu.memory_space<hbm>> -> memref<1x24x128xf32, #tpu.memory_space<hbm>>
    %dma_start3A_1338 = tpu.memref_squeeze %dma_start3A_1337 : memref<1x24x128xf32, #tpu.memory_space<hbm>> -> memref<24x128xf32, #tpu.memory_space<hbm>>
    %dma_start3A_1339 = arith.constant 0 : i32
    %dma_start3A_1340 = arith.constant 0 : i32
    %dma_start3A_1341 = tpu.memref_slice %dma_start3A_1338[%dma_start3A_1339, %dma_start3A_1340] : memref<24x128xf32, #tpu.memory_space<hbm>> -> memref<20x64xf32, #tpu.memory_space<hbm>>
    %dma_start3A_1342 = arith.constant 0 : i32
    %dma_start3A_1343 = arith.constant 0 : i32
    %dma_start3A_1344 = tpu.memref_slice %arg5[%dma_start3A_1317, %dma_start3A_1342, %dma_start3A_1343] : memref<4x160x128xf32, #tpu.memory_space<vmem>> -> memref<1x160x128xf32, #tpu.memory_space<vmem>>
    %dma_start3A_1345 = tpu.memref_squeeze %dma_start3A_1344 : memref<1x160x128xf32, #tpu.memory_space<vmem>> -> memref<160x128xf32, #tpu.memory_space<vmem>>
    %dma_start3A_1346 = arith.constant 20 : i32
    %dma_start3A_1347 = arith.constant 0 : i32
    %dma_start3A_1348 = tpu.memref_slice %dma_start3A_1345[%dma_start3A_1346, %dma_start3A_1347] : memref<160x128xf32, #tpu.memory_space<vmem>> -> memref<20x64xf32, #tpu.memory_space<vmem>>
    tpu.enqueue_dma source(%dma_start3A_1348 : memref<20x64xf32, #tpu.memory_space<vmem>>) target(%dma_start3A_1341 : memref<20x64xf32, #tpu.memory_space<hbm>>) target_semaphore(%dma_start3A_1334 : memref<!tpu.dma_semaphore, #tpu.memory_space<semaphore_mem>>)
    %add3A_1349 = arith.constant 8 : i32
    %add3A_1350 = arith.addi %mul3A_2, %add3A_1349 : i32
    %add3A_1351 = arith.constant 2 : i32
    %add3A_1352 = arith.addi %add3A_1350, %add3A_1351 : i32
    %dma_start3A_1353 = arith.constant 1 : i32
    %dma_start3A_1354 = arith.constant 1 : i32
    %dma_start3A_1355 = arith.constant 0 : i32
    %dma_start3A_1356 = arith.constant 0 : i32
    %dma_start3A_1357 = tpu.memref_slice %arg5[%dma_start3A_1353, %dma_start3A_1355, %dma_start3A_1356] : memref<4x160x128xf32, #tpu.memory_space<vmem>> -> memref<1x160x128xf32, #tpu.memory_space<vmem>>
    %dma_start3A_1358 = tpu.memref_squeeze %dma_start3A_1357 : memref<1x160x128xf32, #tpu.memory_space<vmem>> -> memref<160x128xf32, #tpu.memory_space<vmem>>
    %dma_start3A_1359 = arith.constant 40 : i32
    %dma_start3A_1360 = arith.constant 0 : i32
    %dma_start3A_1361 = tpu.memref_slice %dma_start3A_1358[%dma_start3A_1359, %dma_start3A_1360] : memref<160x128xf32, #tpu.memory_space<vmem>> -> memref<20x64xf32, #tpu.memory_space<vmem>>
    %dma_start3A_1362 = arith.constant 0 : i32
    %dma_start3A_1363 = arith.constant 0 : i32
    %dma_start3A_1364 = tpu.memref_slice %arg4[%add3A_1352, %dma_start3A_1362, %dma_start3A_1363] : memref<16384x24x128xf32, #tpu.memory_space<hbm>> -> memref<1x24x128xf32, #tpu.memory_space<hbm>>
    %dma_start3A_1365 = tpu.memref_squeeze %dma_start3A_1364 : memref<1x24x128xf32, #tpu.memory_space<hbm>> -> memref<24x128xf32, #tpu.memory_space<hbm>>
    %dma_start3A_1366 = arith.constant 0 : i32
    %dma_start3A_1367 = arith.constant 0 : i32
    %dma_start3A_1368 = tpu.memref_slice %dma_start3A_1365[%dma_start3A_1366, %dma_start3A_1367] : memref<24x128xf32, #tpu.memory_space<hbm>> -> memref<20x64xf32, #tpu.memory_space<hbm>>
    %dma_start3A_1369 = tpu.memref_slice %arg9[%dma_start3A_1354] : memref<4x!tpu.dma_semaphore, #tpu.memory_space<semaphore_mem>> -> memref<1x!tpu.dma_semaphore, #tpu.memory_space<semaphore_mem>>
    %dma_start3A_1370 = tpu.memref_squeeze %dma_start3A_1369 : memref<1x!tpu.dma_semaphore, #tpu.memory_space<semaphore_mem>> -> memref<!tpu.dma_semaphore, #tpu.memory_space<semaphore_mem>>
    %dma_start3A_1371 = arith.constant 0 : i32
    %dma_start3A_1372 = arith.constant 0 : i32
    %dma_start3A_1373 = tpu.memref_slice %arg4[%add3A_1352, %dma_start3A_1371, %dma_start3A_1372] : memref<16384x24x128xf32, #tpu.memory_space<hbm>> -> memref<1x24x128xf32, #tpu.memory_space<hbm>>
    %dma_start3A_1374 = tpu.memref_squeeze %dma_start3A_1373 : memref<1x24x128xf32, #tpu.memory_space<hbm>> -> memref<24x128xf32, #tpu.memory_space<hbm>>
    %dma_start3A_1375 = arith.constant 0 : i32
    %dma_start3A_1376 = arith.constant 0 : i32
    %dma_start3A_1377 = tpu.memref_slice %dma_start3A_1374[%dma_start3A_1375, %dma_start3A_1376] : memref<24x128xf32, #tpu.memory_space<hbm>> -> memref<20x64xf32, #tpu.memory_space<hbm>>
    %dma_start3A_1378 = arith.constant 0 : i32
    %dma_start3A_1379 = arith.constant 0 : i32
    %dma_start3A_1380 = tpu.memref_slice %arg5[%dma_start3A_1353, %dma_start3A_1378, %dma_start3A_1379] : memref<4x160x128xf32, #tpu.memory_space<vmem>> -> memref<1x160x128xf32, #tpu.memory_space<vmem>>
    %dma_start3A_1381 = tpu.memref_squeeze %dma_start3A_1380 : memref<1x160x128xf32, #tpu.memory_space<vmem>> -> memref<160x128xf32, #tpu.memory_space<vmem>>
    %dma_start3A_1382 = arith.constant 40 : i32
    %dma_start3A_1383 = arith.constant 0 : i32
    %dma_start3A_1384 = tpu.memref_slice %dma_start3A_1381[%dma_start3A_1382, %dma_start3A_1383] : memref<160x128xf32, #tpu.memory_space<vmem>> -> memref<20x64xf32, #tpu.memory_space<vmem>>
    tpu.enqueue_dma source(%dma_start3A_1384 : memref<20x64xf32, #tpu.memory_space<vmem>>) target(%dma_start3A_1377 : memref<20x64xf32, #tpu.memory_space<hbm>>) target_semaphore(%dma_start3A_1370 : memref<!tpu.dma_semaphore, #tpu.memory_space<semaphore_mem>>)
    %add3A_1385 = arith.constant 8 : i32
    %add3A_1386 = arith.addi %mul3A_2, %add3A_1385 : i32
    %add3A_1387 = arith.constant 3 : i32
    %add3A_1388 = arith.addi %add3A_1386, %add3A_1387 : i32
    %dma_start3A_1389 = arith.constant 1 : i32
    %dma_start3A_1390 = arith.constant 1 : i32
    %dma_start3A_1391 = arith.constant 0 : i32
    %dma_start3A_1392 = arith.constant 0 : i32
    %dma_start3A_1393 = tpu.memref_slice %arg5[%dma_start3A_1389, %dma_start3A_1391, %dma_start3A_1392] : memref<4x160x128xf32, #tpu.memory_space<vmem>> -> memref<1x160x128xf32, #tpu.memory_space<vmem>>
    %dma_start3A_1394 = tpu.memref_squeeze %dma_start3A_1393 : memref<1x160x128xf32, #tpu.memory_space<vmem>> -> memref<160x128xf32, #tpu.memory_space<vmem>>
    %dma_start3A_1395 = arith.constant 60 : i32
    %dma_start3A_1396 = arith.constant 0 : i32
    %dma_start3A_1397 = tpu.memref_slice %dma_start3A_1394[%dma_start3A_1395, %dma_start3A_1396] : memref<160x128xf32, #tpu.memory_space<vmem>> -> memref<20x64xf32, #tpu.memory_space<vmem>>
    %dma_start3A_1398 = arith.constant 0 : i32
    %dma_start3A_1399 = arith.constant 0 : i32
    %dma_start3A_1400 = tpu.memref_slice %arg4[%add3A_1388, %dma_start3A_1398, %dma_start3A_1399] : memref<16384x24x128xf32, #tpu.memory_space<hbm>> -> memref<1x24x128xf32, #tpu.memory_space<hbm>>
    %dma_start3A_1401 = tpu.memref_squeeze %dma_start3A_1400 : memref<1x24x128xf32, #tpu.memory_space<hbm>> -> memref<24x128xf32, #tpu.memory_space<hbm>>
    %dma_start3A_1402 = arith.constant 0 : i32
    %dma_start3A_1403 = arith.constant 0 : i32
    %dma_start3A_1404 = tpu.memref_slice %dma_start3A_1401[%dma_start3A_1402, %dma_start3A_1403] : memref<24x128xf32, #tpu.memory_space<hbm>> -> memref<20x64xf32, #tpu.memory_space<hbm>>
    %dma_start3A_1405 = tpu.memref_slice %arg9[%dma_start3A_1390] : memref<4x!tpu.dma_semaphore, #tpu.memory_space<semaphore_mem>> -> memref<1x!tpu.dma_semaphore, #tpu.memory_space<semaphore_mem>>
    %dma_start3A_1406 = tpu.memref_squeeze %dma_start3A_1405 : memref<1x!tpu.dma_semaphore, #tpu.memory_space<semaphore_mem>> -> memref<!tpu.dma_semaphore, #tpu.memory_space<semaphore_mem>>
    %dma_start3A_1407 = arith.constant 0 : i32
    %dma_start3A_1408 = arith.constant 0 : i32
    %dma_start3A_1409 = tpu.memref_slice %arg4[%add3A_1388, %dma_start3A_1407, %dma_start3A_1408] : memref<16384x24x128xf32, #tpu.memory_space<hbm>> -> memref<1x24x128xf32, #tpu.memory_space<hbm>>
    %dma_start3A_1410 = tpu.memref_squeeze %dma_start3A_1409 : memref<1x24x128xf32, #tpu.memory_space<hbm>> -> memref<24x128xf32, #tpu.memory_space<hbm>>
    %dma_start3A_1411 = arith.constant 0 : i32
    %dma_start3A_1412 = arith.constant 0 : i32
    %dma_start3A_1413 = tpu.memref_slice %dma_start3A_1410[%dma_start3A_1411, %dma_start3A_1412] : memref<24x128xf32, #tpu.memory_space<hbm>> -> memref<20x64xf32, #tpu.memory_space<hbm>>
    %dma_start3A_1414 = arith.constant 0 : i32
    %dma_start3A_1415 = arith.constant 0 : i32
    %dma_start3A_1416 = tpu.memref_slice %arg5[%dma_start3A_1389, %dma_start3A_1414, %dma_start3A_1415] : memref<4x160x128xf32, #tpu.memory_space<vmem>> -> memref<1x160x128xf32, #tpu.memory_space<vmem>>
    %dma_start3A_1417 = tpu.memref_squeeze %dma_start3A_1416 : memref<1x160x128xf32, #tpu.memory_space<vmem>> -> memref<160x128xf32, #tpu.memory_space<vmem>>
    %dma_start3A_1418 = arith.constant 60 : i32
    %dma_start3A_1419 = arith.constant 0 : i32
    %dma_start3A_1420 = tpu.memref_slice %dma_start3A_1417[%dma_start3A_1418, %dma_start3A_1419] : memref<160x128xf32, #tpu.memory_space<vmem>> -> memref<20x64xf32, #tpu.memory_space<vmem>>
    tpu.enqueue_dma source(%dma_start3A_1420 : memref<20x64xf32, #tpu.memory_space<vmem>>) target(%dma_start3A_1413 : memref<20x64xf32, #tpu.memory_space<hbm>>) target_semaphore(%dma_start3A_1406 : memref<!tpu.dma_semaphore, #tpu.memory_space<semaphore_mem>>)
    %add3A_1421 = arith.constant 8 : i32
    %add3A_1422 = arith.addi %mul3A_2, %add3A_1421 : i32
    %add3A_1423 = arith.constant 4 : i32
    %add3A_1424 = arith.addi %add3A_1422, %add3A_1423 : i32
    %dma_start3A_1425 = arith.constant 1 : i32
    %dma_start3A_1426 = arith.constant 1 : i32
    %dma_start3A_1427 = arith.constant 0 : i32
    %dma_start3A_1428 = arith.constant 0 : i32
    %dma_start3A_1429 = tpu.memref_slice %arg5[%dma_start3A_1425, %dma_start3A_1427, %dma_start3A_1428] : memref<4x160x128xf32, #tpu.memory_space<vmem>> -> memref<1x160x128xf32, #tpu.memory_space<vmem>>
    %dma_start3A_1430 = tpu.memref_squeeze %dma_start3A_1429 : memref<1x160x128xf32, #tpu.memory_space<vmem>> -> memref<160x128xf32, #tpu.memory_space<vmem>>
    %dma_start3A_1431 = arith.constant 80 : i32
    %dma_start3A_1432 = arith.constant 0 : i32
    %dma_start3A_1433 = tpu.memref_slice %dma_start3A_1430[%dma_start3A_1431, %dma_start3A_1432] : memref<160x128xf32, #tpu.memory_space<vmem>> -> memref<20x64xf32, #tpu.memory_space<vmem>>
    %dma_start3A_1434 = arith.constant 0 : i32
    %dma_start3A_1435 = arith.constant 0 : i32
    %dma_start3A_1436 = tpu.memref_slice %arg4[%add3A_1424, %dma_start3A_1434, %dma_start3A_1435] : memref<16384x24x128xf32, #tpu.memory_space<hbm>> -> memref<1x24x128xf32, #tpu.memory_space<hbm>>
    %dma_start3A_1437 = tpu.memref_squeeze %dma_start3A_1436 : memref<1x24x128xf32, #tpu.memory_space<hbm>> -> memref<24x128xf32, #tpu.memory_space<hbm>>
    %dma_start3A_1438 = arith.constant 0 : i32
    %dma_start3A_1439 = arith.constant 0 : i32
    %dma_start3A_1440 = tpu.memref_slice %dma_start3A_1437[%dma_start3A_1438, %dma_start3A_1439] : memref<24x128xf32, #tpu.memory_space<hbm>> -> memref<20x64xf32, #tpu.memory_space<hbm>>
    %dma_start3A_1441 = tpu.memref_slice %arg9[%dma_start3A_1426] : memref<4x!tpu.dma_semaphore, #tpu.memory_space<semaphore_mem>> -> memref<1x!tpu.dma_semaphore, #tpu.memory_space<semaphore_mem>>
    %dma_start3A_1442 = tpu.memref_squeeze %dma_start3A_1441 : memref<1x!tpu.dma_semaphore, #tpu.memory_space<semaphore_mem>> -> memref<!tpu.dma_semaphore, #tpu.memory_space<semaphore_mem>>
    %dma_start3A_1443 = arith.constant 0 : i32
    %dma_start3A_1444 = arith.constant 0 : i32
    %dma_start3A_1445 = tpu.memref_slice %arg4[%add3A_1424, %dma_start3A_1443, %dma_start3A_1444] : memref<16384x24x128xf32, #tpu.memory_space<hbm>> -> memref<1x24x128xf32, #tpu.memory_space<hbm>>
    %dma_start3A_1446 = tpu.memref_squeeze %dma_start3A_1445 : memref<1x24x128xf32, #tpu.memory_space<hbm>> -> memref<24x128xf32, #tpu.memory_space<hbm>>
    %dma_start3A_1447 = arith.constant 0 : i32
    %dma_start3A_1448 = arith.constant 0 : i32
    %dma_start3A_1449 = tpu.memref_slice %dma_start3A_1446[%dma_start3A_1447, %dma_start3A_1448] : memref<24x128xf32, #tpu.memory_space<hbm>> -> memref<20x64xf32, #tpu.memory_space<hbm>>
    %dma_start3A_1450 = arith.constant 0 : i32
    %dma_start3A_1451 = arith.constant 0 : i32
    %dma_start3A_1452 = tpu.memref_slice %arg5[%dma_start3A_1425, %dma_start3A_1450, %dma_start3A_1451] : memref<4x160x128xf32, #tpu.memory_space<vmem>> -> memref<1x160x128xf32, #tpu.memory_space<vmem>>
    %dma_start3A_1453 = tpu.memref_squeeze %dma_start3A_1452 : memref<1x160x128xf32, #tpu.memory_space<vmem>> -> memref<160x128xf32, #tpu.memory_space<vmem>>
    %dma_start3A_1454 = arith.constant 80 : i32
    %dma_start3A_1455 = arith.constant 0 : i32
    %dma_start3A_1456 = tpu.memref_slice %dma_start3A_1453[%dma_start3A_1454, %dma_start3A_1455] : memref<160x128xf32, #tpu.memory_space<vmem>> -> memref<20x64xf32, #tpu.memory_space<vmem>>
    tpu.enqueue_dma source(%dma_start3A_1456 : memref<20x64xf32, #tpu.memory_space<vmem>>) target(%dma_start3A_1449 : memref<20x64xf32, #tpu.memory_space<hbm>>) target_semaphore(%dma_start3A_1442 : memref<!tpu.dma_semaphore, #tpu.memory_space<semaphore_mem>>)
    %add3A_1457 = arith.constant 8 : i32
    %add3A_1458 = arith.addi %mul3A_2, %add3A_1457 : i32
    %add3A_1459 = arith.constant 5 : i32
    %add3A_1460 = arith.addi %add3A_1458, %add3A_1459 : i32
    %dma_start3A_1461 = arith.constant 1 : i32
    %dma_start3A_1462 = arith.constant 1 : i32
    %dma_start3A_1463 = arith.constant 0 : i32
    %dma_start3A_1464 = arith.constant 0 : i32
    %dma_start3A_1465 = tpu.memref_slice %arg5[%dma_start3A_1461, %dma_start3A_1463, %dma_start3A_1464] : memref<4x160x128xf32, #tpu.memory_space<vmem>> -> memref<1x160x128xf32, #tpu.memory_space<vmem>>
    %dma_start3A_1466 = tpu.memref_squeeze %dma_start3A_1465 : memref<1x160x128xf32, #tpu.memory_space<vmem>> -> memref<160x128xf32, #tpu.memory_space<vmem>>
    %dma_start3A_1467 = arith.constant 100 : i32
    %dma_start3A_1468 = arith.constant 0 : i32
    %dma_start3A_1469 = tpu.memref_slice %dma_start3A_1466[%dma_start3A_1467, %dma_start3A_1468] : memref<160x128xf32, #tpu.memory_space<vmem>> -> memref<20x64xf32, #tpu.memory_space<vmem>>
    %dma_start3A_1470 = arith.constant 0 : i32
    %dma_start3A_1471 = arith.constant 0 : i32
    %dma_start3A_1472 = tpu.memref_slice %arg4[%add3A_1460, %dma_start3A_1470, %dma_start3A_1471] : memref<16384x24x128xf32, #tpu.memory_space<hbm>> -> memref<1x24x128xf32, #tpu.memory_space<hbm>>
    %dma_start3A_1473 = tpu.memref_squeeze %dma_start3A_1472 : memref<1x24x128xf32, #tpu.memory_space<hbm>> -> memref<24x128xf32, #tpu.memory_space<hbm>>
    %dma_start3A_1474 = arith.constant 0 : i32
    %dma_start3A_1475 = arith.constant 0 : i32
    %dma_start3A_1476 = tpu.memref_slice %dma_start3A_1473[%dma_start3A_1474, %dma_start3A_1475] : memref<24x128xf32, #tpu.memory_space<hbm>> -> memref<20x64xf32, #tpu.memory_space<hbm>>
    %dma_start3A_1477 = tpu.memref_slice %arg9[%dma_start3A_1462] : memref<4x!tpu.dma_semaphore, #tpu.memory_space<semaphore_mem>> -> memref<1x!tpu.dma_semaphore, #tpu.memory_space<semaphore_mem>>
    %dma_start3A_1478 = tpu.memref_squeeze %dma_start3A_1477 : memref<1x!tpu.dma_semaphore, #tpu.memory_space<semaphore_mem>> -> memref<!tpu.dma_semaphore, #tpu.memory_space<semaphore_mem>>
    %dma_start3A_1479 = arith.constant 0 : i32
    %dma_start3A_1480 = arith.constant 0 : i32
    %dma_start3A_1481 = tpu.memref_slice %arg4[%add3A_1460, %dma_start3A_1479, %dma_start3A_1480] : memref<16384x24x128xf32, #tpu.memory_space<hbm>> -> memref<1x24x128xf32, #tpu.memory_space<hbm>>
    %dma_start3A_1482 = tpu.memref_squeeze %dma_start3A_1481 : memref<1x24x128xf32, #tpu.memory_space<hbm>> -> memref<24x128xf32, #tpu.memory_space<hbm>>
    %dma_start3A_1483 = arith.constant 0 : i32
    %dma_start3A_1484 = arith.constant 0 : i32
    %dma_start3A_1485 = tpu.memref_slice %dma_start3A_1482[%dma_start3A_1483, %dma_start3A_1484] : memref<24x128xf32, #tpu.memory_space<hbm>> -> memref<20x64xf32, #tpu.memory_space<hbm>>
    %dma_start3A_1486 = arith.constant 0 : i32
    %dma_start3A_1487 = arith.constant 0 : i32
    %dma_start3A_1488 = tpu.memref_slice %arg5[%dma_start3A_1461, %dma_start3A_1486, %dma_start3A_1487] : memref<4x160x128xf32, #tpu.memory_space<vmem>> -> memref<1x160x128xf32, #tpu.memory_space<vmem>>
    %dma_start3A_1489 = tpu.memref_squeeze %dma_start3A_1488 : memref<1x160x128xf32, #tpu.memory_space<vmem>> -> memref<160x128xf32, #tpu.memory_space<vmem>>
    %dma_start3A_1490 = arith.constant 100 : i32
    %dma_start3A_1491 = arith.constant 0 : i32
    %dma_start3A_1492 = tpu.memref_slice %dma_start3A_1489[%dma_start3A_1490, %dma_start3A_1491] : memref<160x128xf32, #tpu.memory_space<vmem>> -> memref<20x64xf32, #tpu.memory_space<vmem>>
    tpu.enqueue_dma source(%dma_start3A_1492 : memref<20x64xf32, #tpu.memory_space<vmem>>) target(%dma_start3A_1485 : memref<20x64xf32, #tpu.memory_space<hbm>>) target_semaphore(%dma_start3A_1478 : memref<!tpu.dma_semaphore, #tpu.memory_space<semaphore_mem>>)
    %add3A_1493 = arith.constant 8 : i32
    %add3A_1494 = arith.addi %mul3A_2, %add3A_1493 : i32
    %add3A_1495 = arith.constant 6 : i32
    %add3A_1496 = arith.addi %add3A_1494, %add3A_1495 : i32
    %dma_start3A_1497 = arith.constant 1 : i32
    %dma_start3A_1498 = arith.constant 1 : i32
    %dma_start3A_1499 = arith.constant 0 : i32
    %dma_start3A_1500 = arith.constant 0 : i32
    %dma_start3A_1501 = tpu.memref_slice %arg5[%dma_start3A_1497, %dma_start3A_1499, %dma_start3A_1500] : memref<4x160x128xf32, #tpu.memory_space<vmem>> -> memref<1x160x128xf32, #tpu.memory_space<vmem>>
    %dma_start3A_1502 = tpu.memref_squeeze %dma_start3A_1501 : memref<1x160x128xf32, #tpu.memory_space<vmem>> -> memref<160x128xf32, #tpu.memory_space<vmem>>
    %dma_start3A_1503 = arith.constant 120 : i32
    %dma_start3A_1504 = arith.constant 0 : i32
    %dma_start3A_1505 = tpu.memref_slice %dma_start3A_1502[%dma_start3A_1503, %dma_start3A_1504] : memref<160x128xf32, #tpu.memory_space<vmem>> -> memref<20x64xf32, #tpu.memory_space<vmem>>
    %dma_start3A_1506 = arith.constant 0 : i32
    %dma_start3A_1507 = arith.constant 0 : i32
    %dma_start3A_1508 = tpu.memref_slice %arg4[%add3A_1496, %dma_start3A_1506, %dma_start3A_1507] : memref<16384x24x128xf32, #tpu.memory_space<hbm>> -> memref<1x24x128xf32, #tpu.memory_space<hbm>>
    %dma_start3A_1509 = tpu.memref_squeeze %dma_start3A_1508 : memref<1x24x128xf32, #tpu.memory_space<hbm>> -> memref<24x128xf32, #tpu.memory_space<hbm>>
    %dma_start3A_1510 = arith.constant 0 : i32
    %dma_start3A_1511 = arith.constant 0 : i32
    %dma_start3A_1512 = tpu.memref_slice %dma_start3A_1509[%dma_start3A_1510, %dma_start3A_1511] : memref<24x128xf32, #tpu.memory_space<hbm>> -> memref<20x64xf32, #tpu.memory_space<hbm>>
    %dma_start3A_1513 = tpu.memref_slice %arg9[%dma_start3A_1498] : memref<4x!tpu.dma_semaphore, #tpu.memory_space<semaphore_mem>> -> memref<1x!tpu.dma_semaphore, #tpu.memory_space<semaphore_mem>>
    %dma_start3A_1514 = tpu.memref_squeeze %dma_start3A_1513 : memref<1x!tpu.dma_semaphore, #tpu.memory_space<semaphore_mem>> -> memref<!tpu.dma_semaphore, #tpu.memory_space<semaphore_mem>>
    %dma_start3A_1515 = arith.constant 0 : i32
    %dma_start3A_1516 = arith.constant 0 : i32
    %dma_start3A_1517 = tpu.memref_slice %arg4[%add3A_1496, %dma_start3A_1515, %dma_start3A_1516] : memref<16384x24x128xf32, #tpu.memory_space<hbm>> -> memref<1x24x128xf32, #tpu.memory_space<hbm>>
    %dma_start3A_1518 = tpu.memref_squeeze %dma_start3A_1517 : memref<1x24x128xf32, #tpu.memory_space<hbm>> -> memref<24x128xf32, #tpu.memory_space<hbm>>
    %dma_start3A_1519 = arith.constant 0 : i32
    %dma_start3A_1520 = arith.constant 0 : i32
    %dma_start3A_1521 = tpu.memref_slice %dma_start3A_1518[%dma_start3A_1519, %dma_start3A_1520] : memref<24x128xf32, #tpu.memory_space<hbm>> -> memref<20x64xf32, #tpu.memory_space<hbm>>
    %dma_start3A_1522 = arith.constant 0 : i32
    %dma_start3A_1523 = arith.constant 0 : i32
    %dma_start3A_1524 = tpu.memref_slice %arg5[%dma_start3A_1497, %dma_start3A_1522, %dma_start3A_1523] : memref<4x160x128xf32, #tpu.memory_space<vmem>> -> memref<1x160x128xf32, #tpu.memory_space<vmem>>
    %dma_start3A_1525 = tpu.memref_squeeze %dma_start3A_1524 : memref<1x160x128xf32, #tpu.memory_space<vmem>> -> memref<160x128xf32, #tpu.memory_space<vmem>>
    %dma_start3A_1526 = arith.constant 120 : i32
    %dma_start3A_1527 = arith.constant 0 : i32
    %dma_start3A_1528 = tpu.memref_slice %dma_start3A_1525[%dma_start3A_1526, %dma_start3A_1527] : memref<160x128xf32, #tpu.memory_space<vmem>> -> memref<20x64xf32, #tpu.memory_space<vmem>>
    tpu.enqueue_dma source(%dma_start3A_1528 : memref<20x64xf32, #tpu.memory_space<vmem>>) target(%dma_start3A_1521 : memref<20x64xf32, #tpu.memory_space<hbm>>) target_semaphore(%dma_start3A_1514 : memref<!tpu.dma_semaphore, #tpu.memory_space<semaphore_mem>>)
    %add3A_1529 = arith.constant 8 : i32
    %add3A_1530 = arith.addi %mul3A_2, %add3A_1529 : i32
    %add3A_1531 = arith.constant 7 : i32
    %add3A_1532 = arith.addi %add3A_1530, %add3A_1531 : i32
    %dma_start3A_1533 = arith.constant 1 : i32
    %dma_start3A_1534 = arith.constant 1 : i32
    %dma_start3A_1535 = arith.constant 0 : i32
    %dma_start3A_1536 = arith.constant 0 : i32
    %dma_start3A_1537 = tpu.memref_slice %arg5[%dma_start3A_1533, %dma_start3A_1535, %dma_start3A_1536] : memref<4x160x128xf32, #tpu.memory_space<vmem>> -> memref<1x160x128xf32, #tpu.memory_space<vmem>>
    %dma_start3A_1538 = tpu.memref_squeeze %dma_start3A_1537 : memref<1x160x128xf32, #tpu.memory_space<vmem>> -> memref<160x128xf32, #tpu.memory_space<vmem>>
    %dma_start3A_1539 = arith.constant 140 : i32
    %dma_start3A_1540 = arith.constant 0 : i32
    %dma_start3A_1541 = tpu.memref_slice %dma_start3A_1538[%dma_start3A_1539, %dma_start3A_1540] : memref<160x128xf32, #tpu.memory_space<vmem>> -> memref<20x64xf32, #tpu.memory_space<vmem>>
    %dma_start3A_1542 = arith.constant 0 : i32
    %dma_start3A_1543 = arith.constant 0 : i32
    %dma_start3A_1544 = tpu.memref_slice %arg4[%add3A_1532, %dma_start3A_1542, %dma_start3A_1543] : memref<16384x24x128xf32, #tpu.memory_space<hbm>> -> memref<1x24x128xf32, #tpu.memory_space<hbm>>
    %dma_start3A_1545 = tpu.memref_squeeze %dma_start3A_1544 : memref<1x24x128xf32, #tpu.memory_space<hbm>> -> memref<24x128xf32, #tpu.memory_space<hbm>>
    %dma_start3A_1546 = arith.constant 0 : i32
    %dma_start3A_1547 = arith.constant 0 : i32
    %dma_start3A_1548 = tpu.memref_slice %dma_start3A_1545[%dma_start3A_1546, %dma_start3A_1547] : memref<24x128xf32, #tpu.memory_space<hbm>> -> memref<20x64xf32, #tpu.memory_space<hbm>>
    %dma_start3A_1549 = tpu.memref_slice %arg9[%dma_start3A_1534] : memref<4x!tpu.dma_semaphore, #tpu.memory_space<semaphore_mem>> -> memref<1x!tpu.dma_semaphore, #tpu.memory_space<semaphore_mem>>
    %dma_start3A_1550 = tpu.memref_squeeze %dma_start3A_1549 : memref<1x!tpu.dma_semaphore, #tpu.memory_space<semaphore_mem>> -> memref<!tpu.dma_semaphore, #tpu.memory_space<semaphore_mem>>
    %dma_start3A_1551 = arith.constant 0 : i32
    %dma_start3A_1552 = arith.constant 0 : i32
    %dma_start3A_1553 = tpu.memref_slice %arg4[%add3A_1532, %dma_start3A_1551, %dma_start3A_1552] : memref<16384x24x128xf32, #tpu.memory_space<hbm>> -> memref<1x24x128xf32, #tpu.memory_space<hbm>>
    %dma_start3A_1554 = tpu.memref_squeeze %dma_start3A_1553 : memref<1x24x128xf32, #tpu.memory_space<hbm>> -> memref<24x128xf32, #tpu.memory_space<hbm>>
    %dma_start3A_1555 = arith.constant 0 : i32
    %dma_start3A_1556 = arith.constant 0 : i32
    %dma_start3A_1557 = tpu.memref_slice %dma_start3A_1554[%dma_start3A_1555, %dma_start3A_1556] : memref<24x128xf32, #tpu.memory_space<hbm>> -> memref<20x64xf32, #tpu.memory_space<hbm>>
    %dma_start3A_1558 = arith.constant 0 : i32
    %dma_start3A_1559 = arith.constant 0 : i32
    %dma_start3A_1560 = tpu.memref_slice %arg5[%dma_start3A_1533, %dma_start3A_1558, %dma_start3A_1559] : memref<4x160x128xf32, #tpu.memory_space<vmem>> -> memref<1x160x128xf32, #tpu.memory_space<vmem>>
    %dma_start3A_1561 = tpu.memref_squeeze %dma_start3A_1560 : memref<1x160x128xf32, #tpu.memory_space<vmem>> -> memref<160x128xf32, #tpu.memory_space<vmem>>
    %dma_start3A_1562 = arith.constant 140 : i32
    %dma_start3A_1563 = arith.constant 0 : i32
    %dma_start3A_1564 = tpu.memref_slice %dma_start3A_1561[%dma_start3A_1562, %dma_start3A_1563] : memref<160x128xf32, #tpu.memory_space<vmem>> -> memref<20x64xf32, #tpu.memory_space<vmem>>
    tpu.enqueue_dma source(%dma_start3A_1564 : memref<20x64xf32, #tpu.memory_space<vmem>>) target(%dma_start3A_1557 : memref<20x64xf32, #tpu.memory_space<hbm>>) target_semaphore(%dma_start3A_1550 : memref<!tpu.dma_semaphore, #tpu.memory_space<semaphore_mem>>)
    %scan3A = arith.constant 0 : i32
    %scan3A_1565 = arith.constant 4 : i32
    %scan3A_1566 = arith.constant 60 : i32
    %scan3A_1567 = arith.addi %scan3A_1565, %scan3A_1566 : i32
    %scan3A_1568 = arith.constant 1 : i32
    scf.for %scan3A_3328 = %scan3A_1565 to %scan3A_1567 step %scan3A_1568  : i32 {
      %jit3A_3329 = arith.constant 4 : i32
      %eq3A_3330 = arith.constant 0 : i32
      %eq3A_3331 = arith.cmpi eq, %jit3A_3329, %eq3A_3330 : i32
      %jit3A_3332 = arith.constant 1 : i32
      %select_n3A_3333 = arith.select %eq3A_3331, %jit3A_3332, %jit3A_3329 : i32
      %rem3A_3334 = arith.remsi %scan3A_3328, %select_n3A_3333 : i32
      %ne3A_3335 = arith.constant 0 : i32
      %ne3A_3336 = arith.cmpi ne, %rem3A_3334, %ne3A_3335 : i32
      %lt3A_3337 = arith.constant 0 : i32
      %lt3A_3338 = arith.cmpi slt, %rem3A_3334, %lt3A_3337 : i32
      %lt3A_3339 = arith.constant 0 : i32
      %lt3A_3340 = arith.cmpi slt, %select_n3A_3333, %lt3A_3339 : i32
      %ne3A_3341 = arith.xori %lt3A_3338, %lt3A_3340 : i1
      %and3A_3342 = arith.andi %ne3A_3341, %ne3A_3336 : i1
      %add3A_3343 = arith.addi %rem3A_3334, %select_n3A_3333 : i32
      %select_n3A_3344 = arith.select %and3A_3342, %add3A_3343, %rem3A_3334 : i32
      %sub3A_3345 = arith.constant 4 : i32
      %sub3A_3346 = arith.subi %scan3A_3328, %sub3A_3345 : i32
      %mul3A_3347 = arith.constant 8 : i32
      %mul3A_3348 = arith.muli %sub3A_3346, %mul3A_3347 : i32
      %add3A_3349 = arith.addi %mul3A_2, %mul3A_3348 : i32
      %add3A_3350 = arith.constant 0 : i32
      %add3A_3351 = arith.addi %add3A_3349, %add3A_3350 : i32
      %dma_wait3A_3352 = arith.constant 0 : i32
      %dma_wait3A_3353 = arith.constant 0 : i32
      %dma_wait3A_3354 = tpu.memref_slice %arg5[%select_n3A_3344, %dma_wait3A_3352, %dma_wait3A_3353] : memref<4x160x128xf32, #tpu.memory_space<vmem>> -> memref<1x160x128xf32, #tpu.memory_space<vmem>>
      %dma_wait3A_3355 = tpu.memref_squeeze %dma_wait3A_3354 : memref<1x160x128xf32, #tpu.memory_space<vmem>> -> memref<160x128xf32, #tpu.memory_space<vmem>>
      %dma_wait3A_3356 = arith.constant 0 : i32
      %dma_wait3A_3357 = arith.constant 0 : i32
      %dma_wait3A_3358 = tpu.memref_slice %dma_wait3A_3355[%dma_wait3A_3356, %dma_wait3A_3357] : memref<160x128xf32, #tpu.memory_space<vmem>> -> memref<20x64xf32, #tpu.memory_space<vmem>>
      %dma_wait3A_3359 = arith.constant 0 : i32
      %dma_wait3A_3360 = arith.constant 0 : i32
      %dma_wait3A_3361 = tpu.memref_slice %arg4[%add3A_3351, %dma_wait3A_3359, %dma_wait3A_3360] : memref<16384x24x128xf32, #tpu.memory_space<hbm>> -> memref<1x24x128xf32, #tpu.memory_space<hbm>>
      %dma_wait3A_3362 = tpu.memref_squeeze %dma_wait3A_3361 : memref<1x24x128xf32, #tpu.memory_space<hbm>> -> memref<24x128xf32, #tpu.memory_space<hbm>>
      %dma_wait3A_3363 = arith.constant 0 : i32
      %dma_wait3A_3364 = arith.constant 0 : i32
      %dma_wait3A_3365 = tpu.memref_slice %dma_wait3A_3362[%dma_wait3A_3363, %dma_wait3A_3364] : memref<24x128xf32, #tpu.memory_space<hbm>> -> memref<20x64xf32, #tpu.memory_space<hbm>>
      %dma_wait3A_3366 = tpu.memref_slice %arg9[%select_n3A_3344] : memref<4x!tpu.dma_semaphore, #tpu.memory_space<semaphore_mem>> -> memref<1x!tpu.dma_semaphore, #tpu.memory_space<semaphore_mem>>
      %dma_wait3A_3367 = tpu.memref_squeeze %dma_wait3A_3366 : memref<1x!tpu.dma_semaphore, #tpu.memory_space<semaphore_mem>> -> memref<!tpu.dma_semaphore, #tpu.memory_space<semaphore_mem>>
      %dma_wait3A_3368 = arith.constant 0 : i32
      %dma_wait3A_3369 = arith.constant 0 : i32
      %dma_wait3A_3370 = tpu.memref_slice %arg4[%add3A_3351, %dma_wait3A_3368, %dma_wait3A_3369] : memref<16384x24x128xf32, #tpu.memory_space<hbm>> -> memref<1x24x128xf32, #tpu.memory_space<hbm>>
      %dma_wait3A_3371 = tpu.memref_squeeze %dma_wait3A_3370 : memref<1x24x128xf32, #tpu.memory_space<hbm>> -> memref<24x128xf32, #tpu.memory_space<hbm>>
      %dma_wait3A_3372 = arith.constant 0 : i32
      %dma_wait3A_3373 = arith.constant 0 : i32
      %dma_wait3A_3374 = tpu.memref_slice %dma_wait3A_3371[%dma_wait3A_3372, %dma_wait3A_3373] : memref<24x128xf32, #tpu.memory_space<hbm>> -> memref<20x64xf32, #tpu.memory_space<hbm>>
      %dma_wait3A_3375 = arith.constant 0 : i32
      %dma_wait3A_3376 = arith.constant 0 : i32
      %dma_wait3A_3377 = tpu.memref_slice %arg5[%select_n3A_3344, %dma_wait3A_3375, %dma_wait3A_3376] : memref<4x160x128xf32, #tpu.memory_space<vmem>> -> memref<1x160x128xf32, #tpu.memory_space<vmem>>
      %dma_wait3A_3378 = tpu.memref_squeeze %dma_wait3A_3377 : memref<1x160x128xf32, #tpu.memory_space<vmem>> -> memref<160x128xf32, #tpu.memory_space<vmem>>
      %dma_wait3A_3379 = arith.constant 0 : i32
      %dma_wait3A_3380 = arith.constant 0 : i32
      %dma_wait3A_3381 = tpu.memref_slice %dma_wait3A_3378[%dma_wait3A_3379, %dma_wait3A_3380] : memref<160x128xf32, #tpu.memory_space<vmem>> -> memref<20x64xf32, #tpu.memory_space<vmem>>
      tpu.wait_dma2 semaphore(%dma_wait3A_3367 : memref<!tpu.dma_semaphore, #tpu.memory_space<semaphore_mem>>) src(%dma_wait3A_3381 : memref<20x64xf32, #tpu.memory_space<vmem>>) dst(%dma_wait3A_3374 : memref<20x64xf32, #tpu.memory_space<hbm>>)
      %mul3A_3382 = arith.constant 8 : i32
      %mul3A_3383 = arith.muli %sub3A_3346, %mul3A_3382 : i32
      %add3A_3384 = arith.addi %mul3A_2, %mul3A_3383 : i32
      %add3A_3385 = arith.constant 1 : i32
      %add3A_3386 = arith.addi %add3A_3384, %add3A_3385 : i32
      %dma_wait3A_3387 = arith.constant 0 : i32
      %dma_wait3A_3388 = arith.constant 0 : i32
      %dma_wait3A_3389 = tpu.memref_slice %arg5[%select_n3A_3344, %dma_wait3A_3387, %dma_wait3A_3388] : memref<4x160x128xf32, #tpu.memory_space<vmem>> -> memref<1x160x128xf32, #tpu.memory_space<vmem>>
      %dma_wait3A_3390 = tpu.memref_squeeze %dma_wait3A_3389 : memref<1x160x128xf32, #tpu.memory_space<vmem>> -> memref<160x128xf32, #tpu.memory_space<vmem>>
      %dma_wait3A_3391 = arith.constant 20 : i32
      %dma_wait3A_3392 = arith.constant 0 : i32
      %dma_wait3A_3393 = tpu.memref_slice %dma_wait3A_3390[%dma_wait3A_3391, %dma_wait3A_3392] : memref<160x128xf32, #tpu.memory_space<vmem>> -> memref<20x64xf32, #tpu.memory_space<vmem>>
      %dma_wait3A_3394 = arith.constant 0 : i32
      %dma_wait3A_3395 = arith.constant 0 : i32
      %dma_wait3A_3396 = tpu.memref_slice %arg4[%add3A_3386, %dma_wait3A_3394, %dma_wait3A_3395] : memref<16384x24x128xf32, #tpu.memory_space<hbm>> -> memref<1x24x128xf32, #tpu.memory_space<hbm>>
      %dma_wait3A_3397 = tpu.memref_squeeze %dma_wait3A_3396 : memref<1x24x128xf32, #tpu.memory_space<hbm>> -> memref<24x128xf32, #tpu.memory_space<hbm>>
      %dma_wait3A_3398 = arith.constant 0 : i32
      %dma_wait3A_3399 = arith.constant 0 : i32
      %dma_wait3A_3400 = tpu.memref_slice %dma_wait3A_3397[%dma_wait3A_3398, %dma_wait3A_3399] : memref<24x128xf32, #tpu.memory_space<hbm>> -> memref<20x64xf32, #tpu.memory_space<hbm>>
      %dma_wait3A_3401 = tpu.memref_slice %arg9[%select_n3A_3344] : memref<4x!tpu.dma_semaphore, #tpu.memory_space<semaphore_mem>> -> memref<1x!tpu.dma_semaphore, #tpu.memory_space<semaphore_mem>>
      %dma_wait3A_3402 = tpu.memref_squeeze %dma_wait3A_3401 : memref<1x!tpu.dma_semaphore, #tpu.memory_space<semaphore_mem>> -> memref<!tpu.dma_semaphore, #tpu.memory_space<semaphore_mem>>
      %dma_wait3A_3403 = arith.constant 0 : i32
      %dma_wait3A_3404 = arith.constant 0 : i32
      %dma_wait3A_3405 = tpu.memref_slice %arg4[%add3A_3386, %dma_wait3A_3403, %dma_wait3A_3404] : memref<16384x24x128xf32, #tpu.memory_space<hbm>> -> memref<1x24x128xf32, #tpu.memory_space<hbm>>
      %dma_wait3A_3406 = tpu.memref_squeeze %dma_wait3A_3405 : memref<1x24x128xf32, #tpu.memory_space<hbm>> -> memref<24x128xf32, #tpu.memory_space<hbm>>
      %dma_wait3A_3407 = arith.constant 0 : i32
      %dma_wait3A_3408 = arith.constant 0 : i32
      %dma_wait3A_3409 = tpu.memref_slice %dma_wait3A_3406[%dma_wait3A_3407, %dma_wait3A_3408] : memref<24x128xf32, #tpu.memory_space<hbm>> -> memref<20x64xf32, #tpu.memory_space<hbm>>
      %dma_wait3A_3410 = arith.constant 0 : i32
      %dma_wait3A_3411 = arith.constant 0 : i32
      %dma_wait3A_3412 = tpu.memref_slice %arg5[%select_n3A_3344, %dma_wait3A_3410, %dma_wait3A_3411] : memref<4x160x128xf32, #tpu.memory_space<vmem>> -> memref<1x160x128xf32, #tpu.memory_space<vmem>>
      %dma_wait3A_3413 = tpu.memref_squeeze %dma_wait3A_3412 : memref<1x160x128xf32, #tpu.memory_space<vmem>> -> memref<160x128xf32, #tpu.memory_space<vmem>>
      %dma_wait3A_3414 = arith.constant 20 : i32
      %dma_wait3A_3415 = arith.constant 0 : i32
      %dma_wait3A_3416 = tpu.memref_slice %dma_wait3A_3413[%dma_wait3A_3414, %dma_wait3A_3415] : memref<160x128xf32, #tpu.memory_space<vmem>> -> memref<20x64xf32, #tpu.memory_space<vmem>>
      tpu.wait_dma2 semaphore(%dma_wait3A_3402 : memref<!tpu.dma_semaphore, #tpu.memory_space<semaphore_mem>>) src(%dma_wait3A_3416 : memref<20x64xf32, #tpu.memory_space<vmem>>) dst(%dma_wait3A_3409 : memref<20x64xf32, #tpu.memory_space<hbm>>)
      %mul3A_3417 = arith.constant 8 : i32
      %mul3A_3418 = arith.muli %sub3A_3346, %mul3A_3417 : i32
      %add3A_3419 = arith.addi %mul3A_2, %mul3A_3418 : i32
      %add3A_3420 = arith.constant 2 : i32
      %add3A_3421 = arith.addi %add3A_3419, %add3A_3420 : i32
      %dma_wait3A_3422 = arith.constant 0 : i32
      %dma_wait3A_3423 = arith.constant 0 : i32
      %dma_wait3A_3424 = tpu.memref_slice %arg5[%select_n3A_3344, %dma_wait3A_3422, %dma_wait3A_3423] : memref<4x160x128xf32, #tpu.memory_space<vmem>> -> memref<1x160x128xf32, #tpu.memory_space<vmem>>
      %dma_wait3A_3425 = tpu.memref_squeeze %dma_wait3A_3424 : memref<1x160x128xf32, #tpu.memory_space<vmem>> -> memref<160x128xf32, #tpu.memory_space<vmem>>
      %dma_wait3A_3426 = arith.constant 40 : i32
      %dma_wait3A_3427 = arith.constant 0 : i32
      %dma_wait3A_3428 = tpu.memref_slice %dma_wait3A_3425[%dma_wait3A_3426, %dma_wait3A_3427] : memref<160x128xf32, #tpu.memory_space<vmem>> -> memref<20x64xf32, #tpu.memory_space<vmem>>
      %dma_wait3A_3429 = arith.constant 0 : i32
      %dma_wait3A_3430 = arith.constant 0 : i32
      %dma_wait3A_3431 = tpu.memref_slice %arg4[%add3A_3421, %dma_wait3A_3429, %dma_wait3A_3430] : memref<16384x24x128xf32, #tpu.memory_space<hbm>> -> memref<1x24x128xf32, #tpu.memory_space<hbm>>
      %dma_wait3A_3432 = tpu.memref_squeeze %dma_wait3A_3431 : memref<1x24x128xf32, #tpu.memory_space<hbm>> -> memref<24x128xf32, #tpu.memory_space<hbm>>
      %dma_wait3A_3433 = arith.constant 0 : i32
      %dma_wait3A_3434 = arith.constant 0 : i32
      %dma_wait3A_3435 = tpu.memref_slice %dma_wait3A_3432[%dma_wait3A_3433, %dma_wait3A_3434] : memref<24x128xf32, #tpu.memory_space<hbm>> -> memref<20x64xf32, #tpu.memory_space<hbm>>
      %dma_wait3A_3436 = tpu.memref_slice %arg9[%select_n3A_3344] : memref<4x!tpu.dma_semaphore, #tpu.memory_space<semaphore_mem>> -> memref<1x!tpu.dma_semaphore, #tpu.memory_space<semaphore_mem>>
      %dma_wait3A_3437 = tpu.memref_squeeze %dma_wait3A_3436 : memref<1x!tpu.dma_semaphore, #tpu.memory_space<semaphore_mem>> -> memref<!tpu.dma_semaphore, #tpu.memory_space<semaphore_mem>>
      %dma_wait3A_3438 = arith.constant 0 : i32
      %dma_wait3A_3439 = arith.constant 0 : i32
      %dma_wait3A_3440 = tpu.memref_slice %arg4[%add3A_3421, %dma_wait3A_3438, %dma_wait3A_3439] : memref<16384x24x128xf32, #tpu.memory_space<hbm>> -> memref<1x24x128xf32, #tpu.memory_space<hbm>>
      %dma_wait3A_3441 = tpu.memref_squeeze %dma_wait3A_3440 : memref<1x24x128xf32, #tpu.memory_space<hbm>> -> memref<24x128xf32, #tpu.memory_space<hbm>>
      %dma_wait3A_3442 = arith.constant 0 : i32
      %dma_wait3A_3443 = arith.constant 0 : i32
      %dma_wait3A_3444 = tpu.memref_slice %dma_wait3A_3441[%dma_wait3A_3442, %dma_wait3A_3443] : memref<24x128xf32, #tpu.memory_space<hbm>> -> memref<20x64xf32, #tpu.memory_space<hbm>>
      %dma_wait3A_3445 = arith.constant 0 : i32
      %dma_wait3A_3446 = arith.constant 0 : i32
      %dma_wait3A_3447 = tpu.memref_slice %arg5[%select_n3A_3344, %dma_wait3A_3445, %dma_wait3A_3446] : memref<4x160x128xf32, #tpu.memory_space<vmem>> -> memref<1x160x128xf32, #tpu.memory_space<vmem>>
      %dma_wait3A_3448 = tpu.memref_squeeze %dma_wait3A_3447 : memref<1x160x128xf32, #tpu.memory_space<vmem>> -> memref<160x128xf32, #tpu.memory_space<vmem>>
      %dma_wait3A_3449 = arith.constant 40 : i32
      %dma_wait3A_3450 = arith.constant 0 : i32
      %dma_wait3A_3451 = tpu.memref_slice %dma_wait3A_3448[%dma_wait3A_3449, %dma_wait3A_3450] : memref<160x128xf32, #tpu.memory_space<vmem>> -> memref<20x64xf32, #tpu.memory_space<vmem>>
      tpu.wait_dma2 semaphore(%dma_wait3A_3437 : memref<!tpu.dma_semaphore, #tpu.memory_space<semaphore_mem>>) src(%dma_wait3A_3451 : memref<20x64xf32, #tpu.memory_space<vmem>>) dst(%dma_wait3A_3444 : memref<20x64xf32, #tpu.memory_space<hbm>>)
      %mul3A_3452 = arith.constant 8 : i32
      %mul3A_3453 = arith.muli %sub3A_3346, %mul3A_3452 : i32
      %add3A_3454 = arith.addi %mul3A_2, %mul3A_3453 : i32
      %add3A_3455 = arith.constant 3 : i32
      %add3A_3456 = arith.addi %add3A_3454, %add3A_3455 : i32
      %dma_wait3A_3457 = arith.constant 0 : i32
      %dma_wait3A_3458 = arith.constant 0 : i32
      %dma_wait3A_3459 = tpu.memref_slice %arg5[%select_n3A_3344, %dma_wait3A_3457, %dma_wait3A_3458] : memref<4x160x128xf32, #tpu.memory_space<vmem>> -> memref<1x160x128xf32, #tpu.memory_space<vmem>>
      %dma_wait3A_3460 = tpu.memref_squeeze %dma_wait3A_3459 : memref<1x160x128xf32, #tpu.memory_space<vmem>> -> memref<160x128xf32, #tpu.memory_space<vmem>>
      %dma_wait3A_3461 = arith.constant 60 : i32
      %dma_wait3A_3462 = arith.constant 0 : i32
      %dma_wait3A_3463 = tpu.memref_slice %dma_wait3A_3460[%dma_wait3A_3461, %dma_wait3A_3462] : memref<160x128xf32, #tpu.memory_space<vmem>> -> memref<20x64xf32, #tpu.memory_space<vmem>>
      %dma_wait3A_3464 = arith.constant 0 : i32
      %dma_wait3A_3465 = arith.constant 0 : i32
      %dma_wait3A_3466 = tpu.memref_slice %arg4[%add3A_3456, %dma_wait3A_3464, %dma_wait3A_3465] : memref<16384x24x128xf32, #tpu.memory_space<hbm>> -> memref<1x24x128xf32, #tpu.memory_space<hbm>>
      %dma_wait3A_3467 = tpu.memref_squeeze %dma_wait3A_3466 : memref<1x24x128xf32, #tpu.memory_space<hbm>> -> memref<24x128xf32, #tpu.memory_space<hbm>>
      %dma_wait3A_3468 = arith.constant 0 : i32
      %dma_wait3A_3469 = arith.constant 0 : i32
      %dma_wait3A_3470 = tpu.memref_slice %dma_wait3A_3467[%dma_wait3A_3468, %dma_wait3A_3469] : memref<24x128xf32, #tpu.memory_space<hbm>> -> memref<20x64xf32, #tpu.memory_space<hbm>>
      %dma_wait3A_3471 = tpu.memref_slice %arg9[%select_n3A_3344] : memref<4x!tpu.dma_semaphore, #tpu.memory_space<semaphore_mem>> -> memref<1x!tpu.dma_semaphore, #tpu.memory_space<semaphore_mem>>
      %dma_wait3A_3472 = tpu.memref_squeeze %dma_wait3A_3471 : memref<1x!tpu.dma_semaphore, #tpu.memory_space<semaphore_mem>> -> memref<!tpu.dma_semaphore, #tpu.memory_space<semaphore_mem>>
      %dma_wait3A_3473 = arith.constant 0 : i32
      %dma_wait3A_3474 = arith.constant 0 : i32
      %dma_wait3A_3475 = tpu.memref_slice %arg4[%add3A_3456, %dma_wait3A_3473, %dma_wait3A_3474] : memref<16384x24x128xf32, #tpu.memory_space<hbm>> -> memref<1x24x128xf32, #tpu.memory_space<hbm>>
      %dma_wait3A_3476 = tpu.memref_squeeze %dma_wait3A_3475 : memref<1x24x128xf32, #tpu.memory_space<hbm>> -> memref<24x128xf32, #tpu.memory_space<hbm>>
      %dma_wait3A_3477 = arith.constant 0 : i32
      %dma_wait3A_3478 = arith.constant 0 : i32
      %dma_wait3A_3479 = tpu.memref_slice %dma_wait3A_3476[%dma_wait3A_3477, %dma_wait3A_3478] : memref<24x128xf32, #tpu.memory_space<hbm>> -> memref<20x64xf32, #tpu.memory_space<hbm>>
      %dma_wait3A_3480 = arith.constant 0 : i32
      %dma_wait3A_3481 = arith.constant 0 : i32
      %dma_wait3A_3482 = tpu.memref_slice %arg5[%select_n3A_3344, %dma_wait3A_3480, %dma_wait3A_3481] : memref<4x160x128xf32, #tpu.memory_space<vmem>> -> memref<1x160x128xf32, #tpu.memory_space<vmem>>
      %dma_wait3A_3483 = tpu.memref_squeeze %dma_wait3A_3482 : memref<1x160x128xf32, #tpu.memory_space<vmem>> -> memref<160x128xf32, #tpu.memory_space<vmem>>
      %dma_wait3A_3484 = arith.constant 60 : i32
      %dma_wait3A_3485 = arith.constant 0 : i32
      %dma_wait3A_3486 = tpu.memref_slice %dma_wait3A_3483[%dma_wait3A_3484, %dma_wait3A_3485] : memref<160x128xf32, #tpu.memory_space<vmem>> -> memref<20x64xf32, #tpu.memory_space<vmem>>
      tpu.wait_dma2 semaphore(%dma_wait3A_3472 : memref<!tpu.dma_semaphore, #tpu.memory_space<semaphore_mem>>) src(%dma_wait3A_3486 : memref<20x64xf32, #tpu.memory_space<vmem>>) dst(%dma_wait3A_3479 : memref<20x64xf32, #tpu.memory_space<hbm>>)
      %mul3A_3487 = arith.constant 8 : i32
      %mul3A_3488 = arith.muli %sub3A_3346, %mul3A_3487 : i32
      %add3A_3489 = arith.addi %mul3A_2, %mul3A_3488 : i32
      %add3A_3490 = arith.constant 4 : i32
      %add3A_3491 = arith.addi %add3A_3489, %add3A_3490 : i32
      %dma_wait3A_3492 = arith.constant 0 : i32
      %dma_wait3A_3493 = arith.constant 0 : i32
      %dma_wait3A_3494 = tpu.memref_slice %arg5[%select_n3A_3344, %dma_wait3A_3492, %dma_wait3A_3493] : memref<4x160x128xf32, #tpu.memory_space<vmem>> -> memref<1x160x128xf32, #tpu.memory_space<vmem>>
      %dma_wait3A_3495 = tpu.memref_squeeze %dma_wait3A_3494 : memref<1x160x128xf32, #tpu.memory_space<vmem>> -> memref<160x128xf32, #tpu.memory_space<vmem>>
      %dma_wait3A_3496 = arith.constant 80 : i32
      %dma_wait3A_3497 = arith.constant 0 : i32
      %dma_wait3A_3498 = tpu.memref_slice %dma_wait3A_3495[%dma_wait3A_3496, %dma_wait3A_3497] : memref<160x128xf32, #tpu.memory_space<vmem>> -> memref<20x64xf32, #tpu.memory_space<vmem>>
      %dma_wait3A_3499 = arith.constant 0 : i32
      %dma_wait3A_3500 = arith.constant 0 : i32
      %dma_wait3A_3501 = tpu.memref_slice %arg4[%add3A_3491, %dma_wait3A_3499, %dma_wait3A_3500] : memref<16384x24x128xf32, #tpu.memory_space<hbm>> -> memref<1x24x128xf32, #tpu.memory_space<hbm>>
      %dma_wait3A_3502 = tpu.memref_squeeze %dma_wait3A_3501 : memref<1x24x128xf32, #tpu.memory_space<hbm>> -> memref<24x128xf32, #tpu.memory_space<hbm>>
      %dma_wait3A_3503 = arith.constant 0 : i32
      %dma_wait3A_3504 = arith.constant 0 : i32
      %dma_wait3A_3505 = tpu.memref_slice %dma_wait3A_3502[%dma_wait3A_3503, %dma_wait3A_3504] : memref<24x128xf32, #tpu.memory_space<hbm>> -> memref<20x64xf32, #tpu.memory_space<hbm>>
      %dma_wait3A_3506 = tpu.memref_slice %arg9[%select_n3A_3344] : memref<4x!tpu.dma_semaphore, #tpu.memory_space<semaphore_mem>> -> memref<1x!tpu.dma_semaphore, #tpu.memory_space<semaphore_mem>>
      %dma_wait3A_3507 = tpu.memref_squeeze %dma_wait3A_3506 : memref<1x!tpu.dma_semaphore, #tpu.memory_space<semaphore_mem>> -> memref<!tpu.dma_semaphore, #tpu.memory_space<semaphore_mem>>
      %dma_wait3A_3508 = arith.constant 0 : i32
      %dma_wait3A_3509 = arith.constant 0 : i32
      %dma_wait3A_3510 = tpu.memref_slice %arg4[%add3A_3491, %dma_wait3A_3508, %dma_wait3A_3509] : memref<16384x24x128xf32, #tpu.memory_space<hbm>> -> memref<1x24x128xf32, #tpu.memory_space<hbm>>
      %dma_wait3A_3511 = tpu.memref_squeeze %dma_wait3A_3510 : memref<1x24x128xf32, #tpu.memory_space<hbm>> -> memref<24x128xf32, #tpu.memory_space<hbm>>
      %dma_wait3A_3512 = arith.constant 0 : i32
      %dma_wait3A_3513 = arith.constant 0 : i32
      %dma_wait3A_3514 = tpu.memref_slice %dma_wait3A_3511[%dma_wait3A_3512, %dma_wait3A_3513] : memref<24x128xf32, #tpu.memory_space<hbm>> -> memref<20x64xf32, #tpu.memory_space<hbm>>
      %dma_wait3A_3515 = arith.constant 0 : i32
      %dma_wait3A_3516 = arith.constant 0 : i32
      %dma_wait3A_3517 = tpu.memref_slice %arg5[%select_n3A_3344, %dma_wait3A_3515, %dma_wait3A_3516] : memref<4x160x128xf32, #tpu.memory_space<vmem>> -> memref<1x160x128xf32, #tpu.memory_space<vmem>>
      %dma_wait3A_3518 = tpu.memref_squeeze %dma_wait3A_3517 : memref<1x160x128xf32, #tpu.memory_space<vmem>> -> memref<160x128xf32, #tpu.memory_space<vmem>>
      %dma_wait3A_3519 = arith.constant 80 : i32
      %dma_wait3A_3520 = arith.constant 0 : i32
      %dma_wait3A_3521 = tpu.memref_slice %dma_wait3A_3518[%dma_wait3A_3519, %dma_wait3A_3520] : memref<160x128xf32, #tpu.memory_space<vmem>> -> memref<20x64xf32, #tpu.memory_space<vmem>>
      tpu.wait_dma2 semaphore(%dma_wait3A_3507 : memref<!tpu.dma_semaphore, #tpu.memory_space<semaphore_mem>>) src(%dma_wait3A_3521 : memref<20x64xf32, #tpu.memory_space<vmem>>) dst(%dma_wait3A_3514 : memref<20x64xf32, #tpu.memory_space<hbm>>)
      %mul3A_3522 = arith.constant 8 : i32
      %mul3A_3523 = arith.muli %sub3A_3346, %mul3A_3522 : i32
      %add3A_3524 = arith.addi %mul3A_2, %mul3A_3523 : i32
      %add3A_3525 = arith.constant 5 : i32
      %add3A_3526 = arith.addi %add3A_3524, %add3A_3525 : i32
      %dma_wait3A_3527 = arith.constant 0 : i32
      %dma_wait3A_3528 = arith.constant 0 : i32
      %dma_wait3A_3529 = tpu.memref_slice %arg5[%select_n3A_3344, %dma_wait3A_3527, %dma_wait3A_3528] : memref<4x160x128xf32, #tpu.memory_space<vmem>> -> memref<1x160x128xf32, #tpu.memory_space<vmem>>
      %dma_wait3A_3530 = tpu.memref_squeeze %dma_wait3A_3529 : memref<1x160x128xf32, #tpu.memory_space<vmem>> -> memref<160x128xf32, #tpu.memory_space<vmem>>
      %dma_wait3A_3531 = arith.constant 100 : i32
      %dma_wait3A_3532 = arith.constant 0 : i32
      %dma_wait3A_3533 = tpu.memref_slice %dma_wait3A_3530[%dma_wait3A_3531, %dma_wait3A_3532] : memref<160x128xf32, #tpu.memory_space<vmem>> -> memref<20x64xf32, #tpu.memory_space<vmem>>
      %dma_wait3A_3534 = arith.constant 0 : i32
      %dma_wait3A_3535 = arith.constant 0 : i32
      %dma_wait3A_3536 = tpu.memref_slice %arg4[%add3A_3526, %dma_wait3A_3534, %dma_wait3A_3535] : memref<16384x24x128xf32, #tpu.memory_space<hbm>> -> memref<1x24x128xf32, #tpu.memory_space<hbm>>
      %dma_wait3A_3537 = tpu.memref_squeeze %dma_wait3A_3536 : memref<1x24x128xf32, #tpu.memory_space<hbm>> -> memref<24x128xf32, #tpu.memory_space<hbm>>
      %dma_wait3A_3538 = arith.constant 0 : i32
      %dma_wait3A_3539 = arith.constant 0 : i32
      %dma_wait3A_3540 = tpu.memref_slice %dma_wait3A_3537[%dma_wait3A_3538, %dma_wait3A_3539] : memref<24x128xf32, #tpu.memory_space<hbm>> -> memref<20x64xf32, #tpu.memory_space<hbm>>
      %dma_wait3A_3541 = tpu.memref_slice %arg9[%select_n3A_3344] : memref<4x!tpu.dma_semaphore, #tpu.memory_space<semaphore_mem>> -> memref<1x!tpu.dma_semaphore, #tpu.memory_space<semaphore_mem>>
      %dma_wait3A_3542 = tpu.memref_squeeze %dma_wait3A_3541 : memref<1x!tpu.dma_semaphore, #tpu.memory_space<semaphore_mem>> -> memref<!tpu.dma_semaphore, #tpu.memory_space<semaphore_mem>>
      %dma_wait3A_3543 = arith.constant 0 : i32
      %dma_wait3A_3544 = arith.constant 0 : i32
      %dma_wait3A_3545 = tpu.memref_slice %arg4[%add3A_3526, %dma_wait3A_3543, %dma_wait3A_3544] : memref<16384x24x128xf32, #tpu.memory_space<hbm>> -> memref<1x24x128xf32, #tpu.memory_space<hbm>>
      %dma_wait3A_3546 = tpu.memref_squeeze %dma_wait3A_3545 : memref<1x24x128xf32, #tpu.memory_space<hbm>> -> memref<24x128xf32, #tpu.memory_space<hbm>>
      %dma_wait3A_3547 = arith.constant 0 : i32
      %dma_wait3A_3548 = arith.constant 0 : i32
      %dma_wait3A_3549 = tpu.memref_slice %dma_wait3A_3546[%dma_wait3A_3547, %dma_wait3A_3548] : memref<24x128xf32, #tpu.memory_space<hbm>> -> memref<20x64xf32, #tpu.memory_space<hbm>>
      %dma_wait3A_3550 = arith.constant 0 : i32
      %dma_wait3A_3551 = arith.constant 0 : i32
      %dma_wait3A_3552 = tpu.memref_slice %arg5[%select_n3A_3344, %dma_wait3A_3550, %dma_wait3A_3551] : memref<4x160x128xf32, #tpu.memory_space<vmem>> -> memref<1x160x128xf32, #tpu.memory_space<vmem>>
      %dma_wait3A_3553 = tpu.memref_squeeze %dma_wait3A_3552 : memref<1x160x128xf32, #tpu.memory_space<vmem>> -> memref<160x128xf32, #tpu.memory_space<vmem>>
      %dma_wait3A_3554 = arith.constant 100 : i32
      %dma_wait3A_3555 = arith.constant 0 : i32
      %dma_wait3A_3556 = tpu.memref_slice %dma_wait3A_3553[%dma_wait3A_3554, %dma_wait3A_3555] : memref<160x128xf32, #tpu.memory_space<vmem>> -> memref<20x64xf32, #tpu.memory_space<vmem>>
      tpu.wait_dma2 semaphore(%dma_wait3A_3542 : memref<!tpu.dma_semaphore, #tpu.memory_space<semaphore_mem>>) src(%dma_wait3A_3556 : memref<20x64xf32, #tpu.memory_space<vmem>>) dst(%dma_wait3A_3549 : memref<20x64xf32, #tpu.memory_space<hbm>>)
      %mul3A_3557 = arith.constant 8 : i32
      %mul3A_3558 = arith.muli %sub3A_3346, %mul3A_3557 : i32
      %add3A_3559 = arith.addi %mul3A_2, %mul3A_3558 : i32
      %add3A_3560 = arith.constant 6 : i32
      %add3A_3561 = arith.addi %add3A_3559, %add3A_3560 : i32
      %dma_wait3A_3562 = arith.constant 0 : i32
      %dma_wait3A_3563 = arith.constant 0 : i32
      %dma_wait3A_3564 = tpu.memref_slice %arg5[%select_n3A_3344, %dma_wait3A_3562, %dma_wait3A_3563] : memref<4x160x128xf32, #tpu.memory_space<vmem>> -> memref<1x160x128xf32, #tpu.memory_space<vmem>>
      %dma_wait3A_3565 = tpu.memref_squeeze %dma_wait3A_3564 : memref<1x160x128xf32, #tpu.memory_space<vmem>> -> memref<160x128xf32, #tpu.memory_space<vmem>>
      %dma_wait3A_3566 = arith.constant 120 : i32
      %dma_wait3A_3567 = arith.constant 0 : i32
      %dma_wait3A_3568 = tpu.memref_slice %dma_wait3A_3565[%dma_wait3A_3566, %dma_wait3A_3567] : memref<160x128xf32, #tpu.memory_space<vmem>> -> memref<20x64xf32, #tpu.memory_space<vmem>>
      %dma_wait3A_3569 = arith.constant 0 : i32
      %dma_wait3A_3570 = arith.constant 0 : i32
      %dma_wait3A_3571 = tpu.memref_slice %arg4[%add3A_3561, %dma_wait3A_3569, %dma_wait3A_3570] : memref<16384x24x128xf32, #tpu.memory_space<hbm>> -> memref<1x24x128xf32, #tpu.memory_space<hbm>>
      %dma_wait3A_3572 = tpu.memref_squeeze %dma_wait3A_3571 : memref<1x24x128xf32, #tpu.memory_space<hbm>> -> memref<24x128xf32, #tpu.memory_space<hbm>>
      %dma_wait3A_3573 = arith.constant 0 : i32
      %dma_wait3A_3574 = arith.constant 0 : i32
      %dma_wait3A_3575 = tpu.memref_slice %dma_wait3A_3572[%dma_wait3A_3573, %dma_wait3A_3574] : memref<24x128xf32, #tpu.memory_space<hbm>> -> memref<20x64xf32, #tpu.memory_space<hbm>>
      %dma_wait3A_3576 = tpu.memref_slice %arg9[%select_n3A_3344] : memref<4x!tpu.dma_semaphore, #tpu.memory_space<semaphore_mem>> -> memref<1x!tpu.dma_semaphore, #tpu.memory_space<semaphore_mem>>
      %dma_wait3A_3577 = tpu.memref_squeeze %dma_wait3A_3576 : memref<1x!tpu.dma_semaphore, #tpu.memory_space<semaphore_mem>> -> memref<!tpu.dma_semaphore, #tpu.memory_space<semaphore_mem>>
      %dma_wait3A_3578 = arith.constant 0 : i32
      %dma_wait3A_3579 = arith.constant 0 : i32
      %dma_wait3A_3580 = tpu.memref_slice %arg4[%add3A_3561, %dma_wait3A_3578, %dma_wait3A_3579] : memref<16384x24x128xf32, #tpu.memory_space<hbm>> -> memref<1x24x128xf32, #tpu.memory_space<hbm>>
      %dma_wait3A_3581 = tpu.memref_squeeze %dma_wait3A_3580 : memref<1x24x128xf32, #tpu.memory_space<hbm>> -> memref<24x128xf32, #tpu.memory_space<hbm>>
      %dma_wait3A_3582 = arith.constant 0 : i32
      %dma_wait3A_3583 = arith.constant 0 : i32
      %dma_wait3A_3584 = tpu.memref_slice %dma_wait3A_3581[%dma_wait3A_3582, %dma_wait3A_3583] : memref<24x128xf32, #tpu.memory_space<hbm>> -> memref<20x64xf32, #tpu.memory_space<hbm>>
      %dma_wait3A_3585 = arith.constant 0 : i32
      %dma_wait3A_3586 = arith.constant 0 : i32
      %dma_wait3A_3587 = tpu.memref_slice %arg5[%select_n3A_3344, %dma_wait3A_3585, %dma_wait3A_3586] : memref<4x160x128xf32, #tpu.memory_space<vmem>> -> memref<1x160x128xf32, #tpu.memory_space<vmem>>
      %dma_wait3A_3588 = tpu.memref_squeeze %dma_wait3A_3587 : memref<1x160x128xf32, #tpu.memory_space<vmem>> -> memref<160x128xf32, #tpu.memory_space<vmem>>
      %dma_wait3A_3589 = arith.constant 120 : i32
      %dma_wait3A_3590 = arith.constant 0 : i32
      %dma_wait3A_3591 = tpu.memref_slice %dma_wait3A_3588[%dma_wait3A_3589, %dma_wait3A_3590] : memref<160x128xf32, #tpu.memory_space<vmem>> -> memref<20x64xf32, #tpu.memory_space<vmem>>
      tpu.wait_dma2 semaphore(%dma_wait3A_3577 : memref<!tpu.dma_semaphore, #tpu.memory_space<semaphore_mem>>) src(%dma_wait3A_3591 : memref<20x64xf32, #tpu.memory_space<vmem>>) dst(%dma_wait3A_3584 : memref<20x64xf32, #tpu.memory_space<hbm>>)
      %mul3A_3592 = arith.constant 8 : i32
      %mul3A_3593 = arith.muli %sub3A_3346, %mul3A_3592 : i32
      %add3A_3594 = arith.addi %mul3A_2, %mul3A_3593 : i32
      %add3A_3595 = arith.constant 7 : i32
      %add3A_3596 = arith.addi %add3A_3594, %add3A_3595 : i32
      %dma_wait3A_3597 = arith.constant 0 : i32
      %dma_wait3A_3598 = arith.constant 0 : i32
      %dma_wait3A_3599 = tpu.memref_slice %arg5[%select_n3A_3344, %dma_wait3A_3597, %dma_wait3A_3598] : memref<4x160x128xf32, #tpu.memory_space<vmem>> -> memref<1x160x128xf32, #tpu.memory_space<vmem>>
      %dma_wait3A_3600 = tpu.memref_squeeze %dma_wait3A_3599 : memref<1x160x128xf32, #tpu.memory_space<vmem>> -> memref<160x128xf32, #tpu.memory_space<vmem>>
      %dma_wait3A_3601 = arith.constant 140 : i32
      %dma_wait3A_3602 = arith.constant 0 : i32
      %dma_wait3A_3603 = tpu.memref_slice %dma_wait3A_3600[%dma_wait3A_3601, %dma_wait3A_3602] : memref<160x128xf32, #tpu.memory_space<vmem>> -> memref<20x64xf32, #tpu.memory_space<vmem>>
      %dma_wait3A_3604 = arith.constant 0 : i32
      %dma_wait3A_3605 = arith.constant 0 : i32
      %dma_wait3A_3606 = tpu.memref_slice %arg4[%add3A_3596, %dma_wait3A_3604, %dma_wait3A_3605] : memref<16384x24x128xf32, #tpu.memory_space<hbm>> -> memref<1x24x128xf32, #tpu.memory_space<hbm>>
      %dma_wait3A_3607 = tpu.memref_squeeze %dma_wait3A_3606 : memref<1x24x128xf32, #tpu.memory_space<hbm>> -> memref<24x128xf32, #tpu.memory_space<hbm>>
      %dma_wait3A_3608 = arith.constant 0 : i32
      %dma_wait3A_3609 = arith.constant 0 : i32
      %dma_wait3A_3610 = tpu.memref_slice %dma_wait3A_3607[%dma_wait3A_3608, %dma_wait3A_3609] : memref<24x128xf32, #tpu.memory_space<hbm>> -> memref<20x64xf32, #tpu.memory_space<hbm>>
      %dma_wait3A_3611 = tpu.memref_slice %arg9[%select_n3A_3344] : memref<4x!tpu.dma_semaphore, #tpu.memory_space<semaphore_mem>> -> memref<1x!tpu.dma_semaphore, #tpu.memory_space<semaphore_mem>>
      %dma_wait3A_3612 = tpu.memref_squeeze %dma_wait3A_3611 : memref<1x!tpu.dma_semaphore, #tpu.memory_space<semaphore_mem>> -> memref<!tpu.dma_semaphore, #tpu.memory_space<semaphore_mem>>
      %dma_wait3A_3613 = arith.constant 0 : i32
      %dma_wait3A_3614 = arith.constant 0 : i32
      %dma_wait3A_3615 = tpu.memref_slice %arg4[%add3A_3596, %dma_wait3A_3613, %dma_wait3A_3614] : memref<16384x24x128xf32, #tpu.memory_space<hbm>> -> memref<1x24x128xf32, #tpu.memory_space<hbm>>
      %dma_wait3A_3616 = tpu.memref_squeeze %dma_wait3A_3615 : memref<1x24x128xf32, #tpu.memory_space<hbm>> -> memref<24x128xf32, #tpu.memory_space<hbm>>
      %dma_wait3A_3617 = arith.constant 0 : i32
      %dma_wait3A_3618 = arith.constant 0 : i32
      %dma_wait3A_3619 = tpu.memref_slice %dma_wait3A_3616[%dma_wait3A_3617, %dma_wait3A_3618] : memref<24x128xf32, #tpu.memory_space<hbm>> -> memref<20x64xf32, #tpu.memory_space<hbm>>
      %dma_wait3A_3620 = arith.constant 0 : i32
      %dma_wait3A_3621 = arith.constant 0 : i32
      %dma_wait3A_3622 = tpu.memref_slice %arg5[%select_n3A_3344, %dma_wait3A_3620, %dma_wait3A_3621] : memref<4x160x128xf32, #tpu.memory_space<vmem>> -> memref<1x160x128xf32, #tpu.memory_space<vmem>>
      %dma_wait3A_3623 = tpu.memref_squeeze %dma_wait3A_3622 : memref<1x160x128xf32, #tpu.memory_space<vmem>> -> memref<160x128xf32, #tpu.memory_space<vmem>>
      %dma_wait3A_3624 = arith.constant 140 : i32
      %dma_wait3A_3625 = arith.constant 0 : i32
      %dma_wait3A_3626 = tpu.memref_slice %dma_wait3A_3623[%dma_wait3A_3624, %dma_wait3A_3625] : memref<160x128xf32, #tpu.memory_space<vmem>> -> memref<20x64xf32, #tpu.memory_space<vmem>>
      tpu.wait_dma2 semaphore(%dma_wait3A_3612 : memref<!tpu.dma_semaphore, #tpu.memory_space<semaphore_mem>>) src(%dma_wait3A_3626 : memref<20x64xf32, #tpu.memory_space<vmem>>) dst(%dma_wait3A_3619 : memref<20x64xf32, #tpu.memory_space<hbm>>)
      %mul3A_3627 = arith.constant 8 : i32
      %mul3A_3628 = arith.muli %scan3A_3328, %mul3A_3627 : i32
      %add3A_3629 = vector.broadcast %mul3A_3628 : i32 to vector<16xi32>
      %add3A_3630 = arith.addi %add3A_3629, %select_n3A : vector<16xi32>
      %gather3A_3631 = tpu.vector_load_idx %arg8[%add3A_3630, %select_n3A_357] : memref<512x20xi32, #tpu.memory_space<vmem>>[vector<16xi32>, vector<16xi32>], vector<16xi32>,
      %swap3A_3632 = arith.index_cast %select_n3A_3344 : i32 to index
      %swap3A_3633 = arith.constant 0 : index
      %swap3A_3634 = tpu.vector_load %arg7[%swap3A_3632, %swap3A_3633] {strides = array<i32>} : memref<4x160xi32, #tpu.memory_space<vmem>>, vector<16xi32>,
      tpu.vector_store %arg7[%swap3A_3632, %swap3A_3633], %gather3A_3631 {strides = array<i32>} : memref<4x160xi32, #tpu.memory_space<vmem>>, vector<16xi32>,
      %mul3A_3635 = arith.constant 8 : i32
      %mul3A_3636 = arith.muli %scan3A_3328, %mul3A_3635 : i32
      %add3A_3637 = vector.broadcast %mul3A_3636 : i32 to vector<16xi32>
      %add3A_3638 = arith.addi %add3A_3637, %select_n3A_62 : vector<16xi32>
      %gather3A_3639 = tpu.vector_load_idx %arg8[%add3A_3638, %select_n3A_382] : memref<512x20xi32, #tpu.memory_space<vmem>>[vector<16xi32>, vector<16xi32>], vector<16xi32>,
      %swap3A_3640 = arith.index_cast %select_n3A_3344 : i32 to index
      %swap3A_3641 = arith.constant 16 : index
      %swap3A_3642 = tpu.vector_load %arg7[%swap3A_3640, %swap3A_3641] {strides = array<i32>} : memref<4x160xi32, #tpu.memory_space<vmem>>, vector<16xi32>,
      tpu.vector_store %arg7[%swap3A_3640, %swap3A_3641], %gather3A_3639 {strides = array<i32>} : memref<4x160xi32, #tpu.memory_space<vmem>>, vector<16xi32>,
      %mul3A_3643 = arith.constant 8 : i32
      %mul3A_3644 = arith.muli %scan3A_3328, %mul3A_3643 : i32
      %add3A_3645 = vector.broadcast %mul3A_3644 : i32 to vector<16xi32>
      %add3A_3646 = arith.addi %add3A_3645, %select_n3A_96 : vector<16xi32>
      %gather3A_3647 = tpu.vector_load_idx %arg8[%add3A_3646, %select_n3A_407] : memref<512x20xi32, #tpu.memory_space<vmem>>[vector<16xi32>, vector<16xi32>], vector<16xi32>,
      %swap3A_3648 = arith.index_cast %select_n3A_3344 : i32 to index
      %swap3A_3649 = arith.constant 32 : index
      %swap3A_3650 = tpu.vector_load %arg7[%swap3A_3648, %swap3A_3649] {strides = array<i32>} : memref<4x160xi32, #tpu.memory_space<vmem>>, vector<16xi32>,
      tpu.vector_store %arg7[%swap3A_3648, %swap3A_3649], %gather3A_3647 {strides = array<i32>} : memref<4x160xi32, #tpu.memory_space<vmem>>, vector<16xi32>,
      %mul3A_3651 = arith.constant 8 : i32
      %mul3A_3652 = arith.muli %scan3A_3328, %mul3A_3651 : i32
      %add3A_3653 = vector.broadcast %mul3A_3652 : i32 to vector<16xi32>
      %add3A_3654 = arith.addi %add3A_3653, %select_n3A_130 : vector<16xi32>
      %gather3A_3655 = tpu.vector_load_idx %arg8[%add3A_3654, %select_n3A_432] : memref<512x20xi32, #tpu.memory_space<vmem>>[vector<16xi32>, vector<16xi32>], vector<16xi32>,
      %swap3A_3656 = arith.index_cast %select_n3A_3344 : i32 to index
      %swap3A_3657 = arith.constant 48 : index
      %swap3A_3658 = tpu.vector_load %arg7[%swap3A_3656, %swap3A_3657] {strides = array<i32>} : memref<4x160xi32, #tpu.memory_space<vmem>>, vector<16xi32>,
      tpu.vector_store %arg7[%swap3A_3656, %swap3A_3657], %gather3A_3655 {strides = array<i32>} : memref<4x160xi32, #tpu.memory_space<vmem>>, vector<16xi32>,
      %mul3A_3659 = arith.constant 8 : i32
      %mul3A_3660 = arith.muli %scan3A_3328, %mul3A_3659 : i32
      %add3A_3661 = vector.broadcast %mul3A_3660 : i32 to vector<16xi32>
      %add3A_3662 = arith.addi %add3A_3661, %select_n3A_164 : vector<16xi32>
      %gather3A_3663 = tpu.vector_load_idx %arg8[%add3A_3662, %select_n3A_457] : memref<512x20xi32, #tpu.memory_space<vmem>>[vector<16xi32>, vector<16xi32>], vector<16xi32>,
      %swap3A_3664 = arith.index_cast %select_n3A_3344 : i32 to index
      %swap3A_3665 = arith.constant 64 : index
      %swap3A_3666 = tpu.vector_load %arg7[%swap3A_3664, %swap3A_3665] {strides = array<i32>} : memref<4x160xi32, #tpu.memory_space<vmem>>, vector<16xi32>,
      tpu.vector_store %arg7[%swap3A_3664, %swap3A_3665], %gather3A_3663 {strides = array<i32>} : memref<4x160xi32, #tpu.memory_space<vmem>>, vector<16xi32>,
      %mul3A_3667 = arith.constant 8 : i32
      %mul3A_3668 = arith.muli %scan3A_3328, %mul3A_3667 : i32
      %add3A_3669 = vector.broadcast %mul3A_3668 : i32 to vector<16xi32>
      %add3A_3670 = arith.addi %add3A_3669, %select_n3A_198 : vector<16xi32>
      %gather3A_3671 = tpu.vector_load_idx %arg8[%add3A_3670, %select_n3A_482] : memref<512x20xi32, #tpu.memory_space<vmem>>[vector<16xi32>, vector<16xi32>], vector<16xi32>,
      %swap3A_3672 = arith.index_cast %select_n3A_3344 : i32 to index
      %swap3A_3673 = arith.constant 80 : index
      %swap3A_3674 = tpu.vector_load %arg7[%swap3A_3672, %swap3A_3673] {strides = array<i32>} : memref<4x160xi32, #tpu.memory_space<vmem>>, vector<16xi32>,
      tpu.vector_store %arg7[%swap3A_3672, %swap3A_3673], %gather3A_3671 {strides = array<i32>} : memref<4x160xi32, #tpu.memory_space<vmem>>, vector<16xi32>,
      %mul3A_3675 = arith.constant 8 : i32
      %mul3A_3676 = arith.muli %scan3A_3328, %mul3A_3675 : i32
      %add3A_3677 = vector.broadcast %mul3A_3676 : i32 to vector<16xi32>
      %add3A_3678 = arith.addi %add3A_3677, %select_n3A_232 : vector<16xi32>
      %gather3A_3679 = tpu.vector_load_idx %arg8[%add3A_3678, %select_n3A_507] : memref<512x20xi32, #tpu.memory_space<vmem>>[vector<16xi32>, vector<16xi32>], vector<16xi32>,
      %swap3A_3680 = arith.index_cast %select_n3A_3344 : i32 to index
      %swap3A_3681 = arith.constant 96 : index
      %swap3A_3682 = tpu.vector_load %arg7[%swap3A_3680, %swap3A_3681] {strides = array<i32>} : memref<4x160xi32, #tpu.memory_space<vmem>>, vector<16xi32>,
      tpu.vector_store %arg7[%swap3A_3680, %swap3A_3681], %gather3A_3679 {strides = array<i32>} : memref<4x160xi32, #tpu.memory_space<vmem>>, vector<16xi32>,
      %mul3A_3683 = arith.constant 8 : i32
      %mul3A_3684 = arith.muli %scan3A_3328, %mul3A_3683 : i32
      %add3A_3685 = vector.broadcast %mul3A_3684 : i32 to vector<16xi32>
      %add3A_3686 = arith.addi %add3A_3685, %select_n3A_266 : vector<16xi32>
      %gather3A_3687 = tpu.vector_load_idx %arg8[%add3A_3686, %select_n3A_532] : memref<512x20xi32, #tpu.memory_space<vmem>>[vector<16xi32>, vector<16xi32>], vector<16xi32>,
      %swap3A_3688 = arith.index_cast %select_n3A_3344 : i32 to index
      %swap3A_3689 = arith.constant 112 : index
      %swap3A_3690 = tpu.vector_load %arg7[%swap3A_3688, %swap3A_3689] {strides = array<i32>} : memref<4x160xi32, #tpu.memory_space<vmem>>, vector<16xi32>,
      tpu.vector_store %arg7[%swap3A_3688, %swap3A_3689], %gather3A_3687 {strides = array<i32>} : memref<4x160xi32, #tpu.memory_space<vmem>>, vector<16xi32>,
      %mul3A_3691 = arith.constant 8 : i32
      %mul3A_3692 = arith.muli %scan3A_3328, %mul3A_3691 : i32
      %add3A_3693 = vector.broadcast %mul3A_3692 : i32 to vector<16xi32>
      %add3A_3694 = arith.addi %add3A_3693, %select_n3A_300 : vector<16xi32>
      %gather3A_3695 = tpu.vector_load_idx %arg8[%add3A_3694, %select_n3A_557] : memref<512x20xi32, #tpu.memory_space<vmem>>[vector<16xi32>, vector<16xi32>], vector<16xi32>,
      %swap3A_3696 = arith.index_cast %select_n3A_3344 : i32 to index
      %swap3A_3697 = arith.constant 128 : index
      %swap3A_3698 = tpu.vector_load %arg7[%swap3A_3696, %swap3A_3697] {strides = array<i32>} : memref<4x160xi32, #tpu.memory_space<vmem>>, vector<16xi32>,
      tpu.vector_store %arg7[%swap3A_3696, %swap3A_3697], %gather3A_3695 {strides = array<i32>} : memref<4x160xi32, #tpu.memory_space<vmem>>, vector<16xi32>,
      %mul3A_3699 = arith.constant 8 : i32
      %mul3A_3700 = arith.muli %scan3A_3328, %mul3A_3699 : i32
      %add3A_3701 = vector.broadcast %mul3A_3700 : i32 to vector<16xi32>
      %add3A_3702 = arith.addi %add3A_3701, %select_n3A_334 : vector<16xi32>
      %gather3A_3703 = tpu.vector_load_idx %arg8[%add3A_3702, %select_n3A_582] : memref<512x20xi32, #tpu.memory_space<vmem>>[vector<16xi32>, vector<16xi32>], vector<16xi32>,
      %swap3A_3704 = arith.index_cast %select_n3A_3344 : i32 to index
      %swap3A_3705 = arith.constant 144 : index
      %swap3A_3706 = tpu.vector_load %arg7[%swap3A_3704, %swap3A_3705] {strides = array<i32>} : memref<4x160xi32, #tpu.memory_space<vmem>>, vector<16xi32>,
      tpu.vector_store %arg7[%swap3A_3704, %swap3A_3705], %gather3A_3703 {strides = array<i32>} : memref<4x160xi32, #tpu.memory_space<vmem>>, vector<16xi32>,
      %dma_start3A_3707 = arith.constant 0 : i32
      %dma_start3A_3708 = arith.constant 0 : i32
      %dma_start3A_3709 = tpu.memref_slice %arg5[%select_n3A_3344, %dma_start3A_3707, %dma_start3A_3708] : memref<4x160x128xf32, #tpu.memory_space<vmem>> -> memref<1x160x128xf32, #tpu.memory_space<vmem>>
      %dma_start3A_3710 = tpu.memref_squeeze %dma_start3A_3709 : memref<1x160x128xf32, #tpu.memory_space<vmem>> -> memref<160x128xf32, #tpu.memory_space<vmem>>
      %dma_start3A_3711 = arith.constant 0 : i32
      %dma_start3A_3712 = tpu.memref_slice %arg7[%select_n3A_3344, %dma_start3A_3711] : memref<4x160xi32, #tpu.memory_space<vmem>> -> memref<1x160xi32, #tpu.memory_space<vmem>>
      %dma_start3A_3713 = tpu.memref_squeeze %dma_start3A_3712 : memref<1x160xi32, #tpu.memory_space<vmem>> -> memref<160xi32, #tpu.memory_space<vmem>>
      %dma_start3A_3714 = arith.constant 0 : i32
      %dma_start3A_3715 = arith.constant 0 : i32
      %dma_start3A_3716 = tpu.memref_slice %arg3[%dma_start3A_3714, %dma_start3A_3715] : memref<1000000x128xf32, #tpu.memory_space<hbm>> -> memref<1000000x128xf32, #tpu.memory_space<hbm>>
      %dma_start3A_3717 = tpu.memref_slice %arg6[%select_n3A_3344] : memref<4x!tpu.dma_semaphore, #tpu.memory_space<semaphore_mem>> -> memref<1x!tpu.dma_semaphore, #tpu.memory_space<semaphore_mem>>
      %dma_start3A_3718 = tpu.memref_squeeze %dma_start3A_3717 : memref<1x!tpu.dma_semaphore, #tpu.memory_space<semaphore_mem>> -> memref<!tpu.dma_semaphore, #tpu.memory_space<semaphore_mem>>
      tpu.enqueue_indirect_dma source(%dma_start3A_3716 : memref<1000000x128xf32, #tpu.memory_space<hbm>>) target(%dma_start3A_3710 : memref<160x128xf32, #tpu.memory_space<vmem>>) offsets(%dma_start3A_3713 : memref<160xi32, #tpu.memory_space<vmem>>) semaphore(%dma_start3A_3718 : memref<!tpu.dma_semaphore, #tpu.memory_space<semaphore_mem>>)
      %sub3A_3719 = arith.constant 2 : i32
      %sub3A_3720 = arith.subi %scan3A_3328, %sub3A_3719 : i32
      %jit3A_3721 = arith.constant 4 : i32
      %eq3A_3722 = arith.constant 0 : i32
      %eq3A_3723 = arith.cmpi eq, %jit3A_3721, %eq3A_3722 : i32
      %jit3A_3724 = arith.constant 1 : i32
      %select_n3A_3725 = arith.select %eq3A_3723, %jit3A_3724, %jit3A_3721 : i32
      %rem3A_3726 = arith.remsi %sub3A_3720, %select_n3A_3725 : i32
      %ne3A_3727 = arith.constant 0 : i32
      %ne3A_3728 = arith.cmpi ne, %rem3A_3726, %ne3A_3727 : i32
      %lt3A_3729 = arith.constant 0 : i32
      %lt3A_3730 = arith.cmpi slt, %rem3A_3726, %lt3A_3729 : i32
      %lt3A_3731 = arith.constant 0 : i32
      %lt3A_3732 = arith.cmpi slt, %select_n3A_3725, %lt3A_3731 : i32
      %ne3A_3733 = arith.xori %lt3A_3730, %lt3A_3732 : i1
      %and3A_3734 = arith.andi %ne3A_3733, %ne3A_3728 : i1
      %add3A_3735 = arith.addi %rem3A_3726, %select_n3A_3725 : i32
      %select_n3A_3736 = arith.select %and3A_3734, %add3A_3735, %rem3A_3726 : i32
      %dma_wait3A_3737 = arith.constant 0 : i32
      %dma_wait3A_3738 = arith.constant 0 : i32
      %dma_wait3A_3739 = tpu.memref_slice %arg5[%select_n3A_3736, %dma_wait3A_3737, %dma_wait3A_3738] : memref<4x160x128xf32, #tpu.memory_space<vmem>> -> memref<1x160x128xf32, #tpu.memory_space<vmem>>
      %dma_wait3A_3740 = tpu.memref_squeeze %dma_wait3A_3739 : memref<1x160x128xf32, #tpu.memory_space<vmem>> -> memref<160x128xf32, #tpu.memory_space<vmem>>
      %dma_wait3A_3741 = arith.constant 0 : i32
      %dma_wait3A_3742 = tpu.memref_slice %arg7[%select_n3A_3736, %dma_wait3A_3741] : memref<4x160xi32, #tpu.memory_space<vmem>> -> memref<1x160xi32, #tpu.memory_space<vmem>>
      %dma_wait3A_3743 = tpu.memref_squeeze %dma_wait3A_3742 : memref<1x160xi32, #tpu.memory_space<vmem>> -> memref<160xi32, #tpu.memory_space<vmem>>
      %dma_wait3A_3744 = arith.constant 0 : i32
      %dma_wait3A_3745 = arith.constant 0 : i32
      %dma_wait3A_3746 = tpu.memref_slice %arg3[%dma_wait3A_3744, %dma_wait3A_3745] : memref<1000000x128xf32, #tpu.memory_space<hbm>> -> memref<1000000x128xf32, #tpu.memory_space<hbm>>
      %dma_wait3A_3747 = tpu.memref_slice %arg6[%select_n3A_3736] : memref<4x!tpu.dma_semaphore, #tpu.memory_space<semaphore_mem>> -> memref<1x!tpu.dma_semaphore, #tpu.memory_space<semaphore_mem>>
      %dma_wait3A_3748 = tpu.memref_squeeze %dma_wait3A_3747 : memref<1x!tpu.dma_semaphore, #tpu.memory_space<semaphore_mem>> -> memref<!tpu.dma_semaphore, #tpu.memory_space<semaphore_mem>>
      tpu.wait_indirect_dma semaphore(%dma_wait3A_3748 : memref<!tpu.dma_semaphore, #tpu.memory_space<semaphore_mem>>) src(%dma_wait3A_3746 : memref<1000000x128xf32, #tpu.memory_space<hbm>>) dst(%dma_wait3A_3740 : memref<160x128xf32, #tpu.memory_space<vmem>>)
      %mul3A_3749 = arith.constant 8 : i32
      %mul3A_3750 = arith.muli %sub3A_3720, %mul3A_3749 : i32
      %add3A_3751 = arith.addi %mul3A_2, %mul3A_3750 : i32
      %add3A_3752 = arith.constant 0 : i32
      %add3A_3753 = arith.addi %add3A_3751, %add3A_3752 : i32
      %dma_start3A_3754 = arith.constant 0 : i32
      %dma_start3A_3755 = arith.constant 0 : i32
      %dma_start3A_3756 = tpu.memref_slice %arg5[%select_n3A_3736, %dma_start3A_3754, %dma_start3A_3755] : memref<4x160x128xf32, #tpu.memory_space<vmem>> -> memref<1x160x128xf32, #tpu.memory_space<vmem>>
      %dma_start3A_3757 = tpu.memref_squeeze %dma_start3A_3756 : memref<1x160x128xf32, #tpu.memory_space<vmem>> -> memref<160x128xf32, #tpu.memory_space<vmem>>
      %dma_start3A_3758 = arith.constant 0 : i32
      %dma_start3A_3759 = arith.constant 0 : i32
      %dma_start3A_3760 = tpu.memref_slice %dma_start3A_3757[%dma_start3A_3758, %dma_start3A_3759] : memref<160x128xf32, #tpu.memory_space<vmem>> -> memref<20x64xf32, #tpu.memory_space<vmem>>
      %dma_start3A_3761 = arith.constant 0 : i32
      %dma_start3A_3762 = arith.constant 0 : i32
      %dma_start3A_3763 = tpu.memref_slice %arg4[%add3A_3753, %dma_start3A_3761, %dma_start3A_3762] : memref<16384x24x128xf32, #tpu.memory_space<hbm>> -> memref<1x24x128xf32, #tpu.memory_space<hbm>>
      %dma_start3A_3764 = tpu.memref_squeeze %dma_start3A_3763 : memref<1x24x128xf32, #tpu.memory_space<hbm>> -> memref<24x128xf32, #tpu.memory_space<hbm>>
      %dma_start3A_3765 = arith.constant 0 : i32
      %dma_start3A_3766 = arith.constant 0 : i32
      %dma_start3A_3767 = tpu.memref_slice %dma_start3A_3764[%dma_start3A_3765, %dma_start3A_3766] : memref<24x128xf32, #tpu.memory_space<hbm>> -> memref<20x64xf32, #tpu.memory_space<hbm>>
      %dma_start3A_3768 = tpu.memref_slice %arg9[%select_n3A_3736] : memref<4x!tpu.dma_semaphore, #tpu.memory_space<semaphore_mem>> -> memref<1x!tpu.dma_semaphore, #tpu.memory_space<semaphore_mem>>
      %dma_start3A_3769 = tpu.memref_squeeze %dma_start3A_3768 : memref<1x!tpu.dma_semaphore, #tpu.memory_space<semaphore_mem>> -> memref<!tpu.dma_semaphore, #tpu.memory_space<semaphore_mem>>
      %dma_start3A_3770 = arith.constant 0 : i32
      %dma_start3A_3771 = arith.constant 0 : i32
      %dma_start3A_3772 = tpu.memref_slice %arg4[%add3A_3753, %dma_start3A_3770, %dma_start3A_3771] : memref<16384x24x128xf32, #tpu.memory_space<hbm>> -> memref<1x24x128xf32, #tpu.memory_space<hbm>>
      %dma_start3A_3773 = tpu.memref_squeeze %dma_start3A_3772 : memref<1x24x128xf32, #tpu.memory_space<hbm>> -> memref<24x128xf32, #tpu.memory_space<hbm>>
      %dma_start3A_3774 = arith.constant 0 : i32
      %dma_start3A_3775 = arith.constant 0 : i32
      %dma_start3A_3776 = tpu.memref_slice %dma_start3A_3773[%dma_start3A_3774, %dma_start3A_3775] : memref<24x128xf32, #tpu.memory_space<hbm>> -> memref<20x64xf32, #tpu.memory_space<hbm>>
      %dma_start3A_3777 = arith.constant 0 : i32
      %dma_start3A_3778 = arith.constant 0 : i32
      %dma_start3A_3779 = tpu.memref_slice %arg5[%select_n3A_3736, %dma_start3A_3777, %dma_start3A_3778] : memref<4x160x128xf32, #tpu.memory_space<vmem>> -> memref<1x160x128xf32, #tpu.memory_space<vmem>>
      %dma_start3A_3780 = tpu.memref_squeeze %dma_start3A_3779 : memref<1x160x128xf32, #tpu.memory_space<vmem>> -> memref<160x128xf32, #tpu.memory_space<vmem>>
      %dma_start3A_3781 = arith.constant 0 : i32
      %dma_start3A_3782 = arith.constant 0 : i32
      %dma_start3A_3783 = tpu.memref_slice %dma_start3A_3780[%dma_start3A_3781, %dma_start3A_3782] : memref<160x128xf32, #tpu.memory_space<vmem>> -> memref<20x64xf32, #tpu.memory_space<vmem>>
      tpu.enqueue_dma source(%dma_start3A_3783 : memref<20x64xf32, #tpu.memory_space<vmem>>) target(%dma_start3A_3776 : memref<20x64xf32, #tpu.memory_space<hbm>>) target_semaphore(%dma_start3A_3769 : memref<!tpu.dma_semaphore, #tpu.memory_space<semaphore_mem>>)
      %mul3A_3784 = arith.constant 8 : i32
      %mul3A_3785 = arith.muli %sub3A_3720, %mul3A_3784 : i32
      %add3A_3786 = arith.addi %mul3A_2, %mul3A_3785 : i32
      %add3A_3787 = arith.constant 1 : i32
      %add3A_3788 = arith.addi %add3A_3786, %add3A_3787 : i32
      %dma_start3A_3789 = arith.constant 0 : i32
      %dma_start3A_3790 = arith.constant 0 : i32
      %dma_start3A_3791 = tpu.memref_slice %arg5[%select_n3A_3736, %dma_start3A_3789, %dma_start3A_3790] : memref<4x160x128xf32, #tpu.memory_space<vmem>> -> memref<1x160x128xf32, #tpu.memory_space<vmem>>
      %dma_start3A_3792 = tpu.memref_squeeze %dma_start3A_3791 : memref<1x160x128xf32, #tpu.memory_space<vmem>> -> memref<160x128xf32, #tpu.memory_space<vmem>>
      %dma_start3A_3793 = arith.constant 20 : i32
      %dma_start3A_3794 = arith.constant 0 : i32
      %dma_start3A_3795 = tpu.memref_slice %dma_start3A_3792[%dma_start3A_3793, %dma_start3A_3794] : memref<160x128xf32, #tpu.memory_space<vmem>> -> memref<20x64xf32, #tpu.memory_space<vmem>>
      %dma_start3A_3796 = arith.constant 0 : i32
      %dma_start3A_3797 = arith.constant 0 : i32
      %dma_start3A_3798 = tpu.memref_slice %arg4[%add3A_3788, %dma_start3A_3796, %dma_start3A_3797] : memref<16384x24x128xf32, #tpu.memory_space<hbm>> -> memref<1x24x128xf32, #tpu.memory_space<hbm>>
      %dma_start3A_3799 = tpu.memref_squeeze %dma_start3A_3798 : memref<1x24x128xf32, #tpu.memory_space<hbm>> -> memref<24x128xf32, #tpu.memory_space<hbm>>
      %dma_start3A_3800 = arith.constant 0 : i32
      %dma_start3A_3801 = arith.constant 0 : i32
      %dma_start3A_3802 = tpu.memref_slice %dma_start3A_3799[%dma_start3A_3800, %dma_start3A_3801] : memref<24x128xf32, #tpu.memory_space<hbm>> -> memref<20x64xf32, #tpu.memory_space<hbm>>
      %dma_start3A_3803 = tpu.memref_slice %arg9[%select_n3A_3736] : memref<4x!tpu.dma_semaphore, #tpu.memory_space<semaphore_mem>> -> memref<1x!tpu.dma_semaphore, #tpu.memory_space<semaphore_mem>>
      %dma_start3A_3804 = tpu.memref_squeeze %dma_start3A_3803 : memref<1x!tpu.dma_semaphore, #tpu.memory_space<semaphore_mem>> -> memref<!tpu.dma_semaphore, #tpu.memory_space<semaphore_mem>>
      %dma_start3A_3805 = arith.constant 0 : i32
      %dma_start3A_3806 = arith.constant 0 : i32
      %dma_start3A_3807 = tpu.memref_slice %arg4[%add3A_3788, %dma_start3A_3805, %dma_start3A_3806] : memref<16384x24x128xf32, #tpu.memory_space<hbm>> -> memref<1x24x128xf32, #tpu.memory_space<hbm>>
      %dma_start3A_3808 = tpu.memref_squeeze %dma_start3A_3807 : memref<1x24x128xf32, #tpu.memory_space<hbm>> -> memref<24x128xf32, #tpu.memory_space<hbm>>
      %dma_start3A_3809 = arith.constant 0 : i32
      %dma_start3A_3810 = arith.constant 0 : i32
      %dma_start3A_3811 = tpu.memref_slice %dma_start3A_3808[%dma_start3A_3809, %dma_start3A_3810] : memref<24x128xf32, #tpu.memory_space<hbm>> -> memref<20x64xf32, #tpu.memory_space<hbm>>
      %dma_start3A_3812 = arith.constant 0 : i32
      %dma_start3A_3813 = arith.constant 0 : i32
      %dma_start3A_3814 = tpu.memref_slice %arg5[%select_n3A_3736, %dma_start3A_3812, %dma_start3A_3813] : memref<4x160x128xf32, #tpu.memory_space<vmem>> -> memref<1x160x128xf32, #tpu.memory_space<vmem>>
      %dma_start3A_3815 = tpu.memref_squeeze %dma_start3A_3814 : memref<1x160x128xf32, #tpu.memory_space<vmem>> -> memref<160x128xf32, #tpu.memory_space<vmem>>
      %dma_start3A_3816 = arith.constant 20 : i32
      %dma_start3A_3817 = arith.constant 0 : i32
      %dma_start3A_3818 = tpu.memref_slice %dma_start3A_3815[%dma_start3A_3816, %dma_start3A_3817] : memref<160x128xf32, #tpu.memory_space<vmem>> -> memref<20x64xf32, #tpu.memory_space<vmem>>
      tpu.enqueue_dma source(%dma_start3A_3818 : memref<20x64xf32, #tpu.memory_space<vmem>>) target(%dma_start3A_3811 : memref<20x64xf32, #tpu.memory_space<hbm>>) target_semaphore(%dma_start3A_3804 : memref<!tpu.dma_semaphore, #tpu.memory_space<semaphore_mem>>)
      %mul3A_3819 = arith.constant 8 : i32
      %mul3A_3820 = arith.muli %sub3A_3720, %mul3A_3819 : i32
      %add3A_3821 = arith.addi %mul3A_2, %mul3A_3820 : i32
      %add3A_3822 = arith.constant 2 : i32
      %add3A_3823 = arith.addi %add3A_3821, %add3A_3822 : i32
      %dma_start3A_3824 = arith.constant 0 : i32
      %dma_start3A_3825 = arith.constant 0 : i32
      %dma_start3A_3826 = tpu.memref_slice %arg5[%select_n3A_3736, %dma_start3A_3824, %dma_start3A_3825] : memref<4x160x128xf32, #tpu.memory_space<vmem>> -> memref<1x160x128xf32, #tpu.memory_space<vmem>>
      %dma_start3A_3827 = tpu.memref_squeeze %dma_start3A_3826 : memref<1x160x128xf32, #tpu.memory_space<vmem>> -> memref<160x128xf32, #tpu.memory_space<vmem>>
      %dma_start3A_3828 = arith.constant 40 : i32
      %dma_start3A_3829 = arith.constant 0 : i32
      %dma_start3A_3830 = tpu.memref_slice %dma_start3A_3827[%dma_start3A_3828, %dma_start3A_3829] : memref<160x128xf32, #tpu.memory_space<vmem>> -> memref<20x64xf32, #tpu.memory_space<vmem>>
      %dma_start3A_3831 = arith.constant 0 : i32
      %dma_start3A_3832 = arith.constant 0 : i32
      %dma_start3A_3833 = tpu.memref_slice %arg4[%add3A_3823, %dma_start3A_3831, %dma_start3A_3832] : memref<16384x24x128xf32, #tpu.memory_space<hbm>> -> memref<1x24x128xf32, #tpu.memory_space<hbm>>
      %dma_start3A_3834 = tpu.memref_squeeze %dma_start3A_3833 : memref<1x24x128xf32, #tpu.memory_space<hbm>> -> memref<24x128xf32, #tpu.memory_space<hbm>>
      %dma_start3A_3835 = arith.constant 0 : i32
      %dma_start3A_3836 = arith.constant 0 : i32
      %dma_start3A_3837 = tpu.memref_slice %dma_start3A_3834[%dma_start3A_3835, %dma_start3A_3836] : memref<24x128xf32, #tpu.memory_space<hbm>> -> memref<20x64xf32, #tpu.memory_space<hbm>>
      %dma_start3A_3838 = tpu.memref_slice %arg9[%select_n3A_3736] : memref<4x!tpu.dma_semaphore, #tpu.memory_space<semaphore_mem>> -> memref<1x!tpu.dma_semaphore, #tpu.memory_space<semaphore_mem>>
      %dma_start3A_3839 = tpu.memref_squeeze %dma_start3A_3838 : memref<1x!tpu.dma_semaphore, #tpu.memory_space<semaphore_mem>> -> memref<!tpu.dma_semaphore, #tpu.memory_space<semaphore_mem>>
      %dma_start3A_3840 = arith.constant 0 : i32
      %dma_start3A_3841 = arith.constant 0 : i32
      %dma_start3A_3842 = tpu.memref_slice %arg4[%add3A_3823, %dma_start3A_3840, %dma_start3A_3841] : memref<16384x24x128xf32, #tpu.memory_space<hbm>> -> memref<1x24x128xf32, #tpu.memory_space<hbm>>
      %dma_start3A_3843 = tpu.memref_squeeze %dma_start3A_3842 : memref<1x24x128xf32, #tpu.memory_space<hbm>> -> memref<24x128xf32, #tpu.memory_space<hbm>>
      %dma_start3A_3844 = arith.constant 0 : i32
      %dma_start3A_3845 = arith.constant 0 : i32
      %dma_start3A_3846 = tpu.memref_slice %dma_start3A_3843[%dma_start3A_3844, %dma_start3A_3845] : memref<24x128xf32, #tpu.memory_space<hbm>> -> memref<20x64xf32, #tpu.memory_space<hbm>>
      %dma_start3A_3847 = arith.constant 0 : i32
      %dma_start3A_3848 = arith.constant 0 : i32
      %dma_start3A_3849 = tpu.memref_slice %arg5[%select_n3A_3736, %dma_start3A_3847, %dma_start3A_3848] : memref<4x160x128xf32, #tpu.memory_space<vmem>> -> memref<1x160x128xf32, #tpu.memory_space<vmem>>
      %dma_start3A_3850 = tpu.memref_squeeze %dma_start3A_3849 : memref<1x160x128xf32, #tpu.memory_space<vmem>> -> memref<160x128xf32, #tpu.memory_space<vmem>>
      %dma_start3A_3851 = arith.constant 40 : i32
      %dma_start3A_3852 = arith.constant 0 : i32
      %dma_start3A_3853 = tpu.memref_slice %dma_start3A_3850[%dma_start3A_3851, %dma_start3A_3852] : memref<160x128xf32, #tpu.memory_space<vmem>> -> memref<20x64xf32, #tpu.memory_space<vmem>>
      tpu.enqueue_dma source(%dma_start3A_3853 : memref<20x64xf32, #tpu.memory_space<vmem>>) target(%dma_start3A_3846 : memref<20x64xf32, #tpu.memory_space<hbm>>) target_semaphore(%dma_start3A_3839 : memref<!tpu.dma_semaphore, #tpu.memory_space<semaphore_mem>>)
      %mul3A_3854 = arith.constant 8 : i32
      %mul3A_3855 = arith.muli %sub3A_3720, %mul3A_3854 : i32
      %add3A_3856 = arith.addi %mul3A_2, %mul3A_3855 : i32
      %add3A_3857 = arith.constant 3 : i32
      %add3A_3858 = arith.addi %add3A_3856, %add3A_3857 : i32
      %dma_start3A_3859 = arith.constant 0 : i32
      %dma_start3A_3860 = arith.constant 0 : i32
      %dma_start3A_3861 = tpu.memref_slice %arg5[%select_n3A_3736, %dma_start3A_3859, %dma_start3A_3860] : memref<4x160x128xf32, #tpu.memory_space<vmem>> -> memref<1x160x128xf32, #tpu.memory_space<vmem>>
      %dma_start3A_3862 = tpu.memref_squeeze %dma_start3A_3861 : memref<1x160x128xf32, #tpu.memory_space<vmem>> -> memref<160x128xf32, #tpu.memory_space<vmem>>
      %dma_start3A_3863 = arith.constant 60 : i32
      %dma_start3A_3864 = arith.constant 0 : i32
      %dma_start3A_3865 = tpu.memref_slice %dma_start3A_3862[%dma_start3A_3863, %dma_start3A_3864] : memref<160x128xf32, #tpu.memory_space<vmem>> -> memref<20x64xf32, #tpu.memory_space<vmem>>
      %dma_start3A_3866 = arith.constant 0 : i32
      %dma_start3A_3867 = arith.constant 0 : i32
      %dma_start3A_3868 = tpu.memref_slice %arg4[%add3A_3858, %dma_start3A_3866, %dma_start3A_3867] : memref<16384x24x128xf32, #tpu.memory_space<hbm>> -> memref<1x24x128xf32, #tpu.memory_space<hbm>>
      %dma_start3A_3869 = tpu.memref_squeeze %dma_start3A_3868 : memref<1x24x128xf32, #tpu.memory_space<hbm>> -> memref<24x128xf32, #tpu.memory_space<hbm>>
      %dma_start3A_3870 = arith.constant 0 : i32
      %dma_start3A_3871 = arith.constant 0 : i32
      %dma_start3A_3872 = tpu.memref_slice %dma_start3A_3869[%dma_start3A_3870, %dma_start3A_3871] : memref<24x128xf32, #tpu.memory_space<hbm>> -> memref<20x64xf32, #tpu.memory_space<hbm>>
      %dma_start3A_3873 = tpu.memref_slice %arg9[%select_n3A_3736] : memref<4x!tpu.dma_semaphore, #tpu.memory_space<semaphore_mem>> -> memref<1x!tpu.dma_semaphore, #tpu.memory_space<semaphore_mem>>
      %dma_start3A_3874 = tpu.memref_squeeze %dma_start3A_3873 : memref<1x!tpu.dma_semaphore, #tpu.memory_space<semaphore_mem>> -> memref<!tpu.dma_semaphore, #tpu.memory_space<semaphore_mem>>
      %dma_start3A_3875 = arith.constant 0 : i32
      %dma_start3A_3876 = arith.constant 0 : i32
      %dma_start3A_3877 = tpu.memref_slice %arg4[%add3A_3858, %dma_start3A_3875, %dma_start3A_3876] : memref<16384x24x128xf32, #tpu.memory_space<hbm>> -> memref<1x24x128xf32, #tpu.memory_space<hbm>>
      %dma_start3A_3878 = tpu.memref_squeeze %dma_start3A_3877 : memref<1x24x128xf32, #tpu.memory_space<hbm>> -> memref<24x128xf32, #tpu.memory_space<hbm>>
      %dma_start3A_3879 = arith.constant 0 : i32
      %dma_start3A_3880 = arith.constant 0 : i32
      %dma_start3A_3881 = tpu.memref_slice %dma_start3A_3878[%dma_start3A_3879, %dma_start3A_3880] : memref<24x128xf32, #tpu.memory_space<hbm>> -> memref<20x64xf32, #tpu.memory_space<hbm>>
      %dma_start3A_3882 = arith.constant 0 : i32
      %dma_start3A_3883 = arith.constant 0 : i32
      %dma_start3A_3884 = tpu.memref_slice %arg5[%select_n3A_3736, %dma_start3A_3882, %dma_start3A_3883] : memref<4x160x128xf32, #tpu.memory_space<vmem>> -> memref<1x160x128xf32, #tpu.memory_space<vmem>>
      %dma_start3A_3885 = tpu.memref_squeeze %dma_start3A_3884 : memref<1x160x128xf32, #tpu.memory_space<vmem>> -> memref<160x128xf32, #tpu.memory_space<vmem>>
      %dma_start3A_3886 = arith.constant 60 : i32
      %dma_start3A_3887 = arith.constant 0 : i32
      %dma_start3A_3888 = tpu.memref_slice %dma_start3A_3885[%dma_start3A_3886, %dma_start3A_3887] : memref<160x128xf32, #tpu.memory_space<vmem>> -> memref<20x64xf32, #tpu.memory_space<vmem>>
      tpu.enqueue_dma source(%dma_start3A_3888 : memref<20x64xf32, #tpu.memory_space<vmem>>) target(%dma_start3A_3881 : memref<20x64xf32, #tpu.memory_space<hbm>>) target_semaphore(%dma_start3A_3874 : memref<!tpu.dma_semaphore, #tpu.memory_space<semaphore_mem>>)
      %mul3A_3889 = arith.constant 8 : i32
      %mul3A_3890 = arith.muli %sub3A_3720, %mul3A_3889 : i32
      %add3A_3891 = arith.addi %mul3A_2, %mul3A_3890 : i32
      %add3A_3892 = arith.constant 4 : i32
      %add3A_3893 = arith.addi %add3A_3891, %add3A_3892 : i32
      %dma_start3A_3894 = arith.constant 0 : i32
      %dma_start3A_3895 = arith.constant 0 : i32
      %dma_start3A_3896 = tpu.memref_slice %arg5[%select_n3A_3736, %dma_start3A_3894, %dma_start3A_3895] : memref<4x160x128xf32, #tpu.memory_space<vmem>> -> memref<1x160x128xf32, #tpu.memory_space<vmem>>
      %dma_start3A_3897 = tpu.memref_squeeze %dma_start3A_3896 : memref<1x160x128xf32, #tpu.memory_space<vmem>> -> memref<160x128xf32, #tpu.memory_space<vmem>>
      %dma_start3A_3898 = arith.constant 80 : i32
      %dma_start3A_3899 = arith.constant 0 : i32
      %dma_start3A_3900 = tpu.memref_slice %dma_start3A_3897[%dma_start3A_3898, %dma_start3A_3899] : memref<160x128xf32, #tpu.memory_space<vmem>> -> memref<20x64xf32, #tpu.memory_space<vmem>>
      %dma_start3A_3901 = arith.constant 0 : i32
      %dma_start3A_3902 = arith.constant 0 : i32
      %dma_start3A_3903 = tpu.memref_slice %arg4[%add3A_3893, %dma_start3A_3901, %dma_start3A_3902] : memref<16384x24x128xf32, #tpu.memory_space<hbm>> -> memref<1x24x128xf32, #tpu.memory_space<hbm>>
      %dma_start3A_3904 = tpu.memref_squeeze %dma_start3A_3903 : memref<1x24x128xf32, #tpu.memory_space<hbm>> -> memref<24x128xf32, #tpu.memory_space<hbm>>
      %dma_start3A_3905 = arith.constant 0 : i32
      %dma_start3A_3906 = arith.constant 0 : i32
      %dma_start3A_3907 = tpu.memref_slice %dma_start3A_3904[%dma_start3A_3905, %dma_start3A_3906] : memref<24x128xf32, #tpu.memory_space<hbm>> -> memref<20x64xf32, #tpu.memory_space<hbm>>
      %dma_start3A_3908 = tpu.memref_slice %arg9[%select_n3A_3736] : memref<4x!tpu.dma_semaphore, #tpu.memory_space<semaphore_mem>> -> memref<1x!tpu.dma_semaphore, #tpu.memory_space<semaphore_mem>>
      %dma_start3A_3909 = tpu.memref_squeeze %dma_start3A_3908 : memref<1x!tpu.dma_semaphore, #tpu.memory_space<semaphore_mem>> -> memref<!tpu.dma_semaphore, #tpu.memory_space<semaphore_mem>>
      %dma_start3A_3910 = arith.constant 0 : i32
      %dma_start3A_3911 = arith.constant 0 : i32
      %dma_start3A_3912 = tpu.memref_slice %arg4[%add3A_3893, %dma_start3A_3910, %dma_start3A_3911] : memref<16384x24x128xf32, #tpu.memory_space<hbm>> -> memref<1x24x128xf32, #tpu.memory_space<hbm>>
      %dma_start3A_3913 = tpu.memref_squeeze %dma_start3A_3912 : memref<1x24x128xf32, #tpu.memory_space<hbm>> -> memref<24x128xf32, #tpu.memory_space<hbm>>
      %dma_start3A_3914 = arith.constant 0 : i32
      %dma_start3A_3915 = arith.constant 0 : i32
      %dma_start3A_3916 = tpu.memref_slice %dma_start3A_3913[%dma_start3A_3914, %dma_start3A_3915] : memref<24x128xf32, #tpu.memory_space<hbm>> -> memref<20x64xf32, #tpu.memory_space<hbm>>
      %dma_start3A_3917 = arith.constant 0 : i32
      %dma_start3A_3918 = arith.constant 0 : i32
      %dma_start3A_3919 = tpu.memref_slice %arg5[%select_n3A_3736, %dma_start3A_3917, %dma_start3A_3918] : memref<4x160x128xf32, #tpu.memory_space<vmem>> -> memref<1x160x128xf32, #tpu.memory_space<vmem>>
      %dma_start3A_3920 = tpu.memref_squeeze %dma_start3A_3919 : memref<1x160x128xf32, #tpu.memory_space<vmem>> -> memref<160x128xf32, #tpu.memory_space<vmem>>
      %dma_start3A_3921 = arith.constant 80 : i32
      %dma_start3A_3922 = arith.constant 0 : i32
      %dma_start3A_3923 = tpu.memref_slice %dma_start3A_3920[%dma_start3A_3921, %dma_start3A_3922] : memref<160x128xf32, #tpu.memory_space<vmem>> -> memref<20x64xf32, #tpu.memory_space<vmem>>
      tpu.enqueue_dma source(%dma_start3A_3923 : memref<20x64xf32, #tpu.memory_space<vmem>>) target(%dma_start3A_3916 : memref<20x64xf32, #tpu.memory_space<hbm>>) target_semaphore(%dma_start3A_3909 : memref<!tpu.dma_semaphore, #tpu.memory_space<semaphore_mem>>)
      %mul3A_3924 = arith.constant 8 : i32
      %mul3A_3925 = arith.muli %sub3A_3720, %mul3A_3924 : i32
      %add3A_3926 = arith.addi %mul3A_2, %mul3A_3925 : i32
      %add3A_3927 = arith.constant 5 : i32
      %add3A_3928 = arith.addi %add3A_3926, %add3A_3927 : i32
      %dma_start3A_3929 = arith.constant 0 : i32
      %dma_start3A_3930 = arith.constant 0 : i32
      %dma_start3A_3931 = tpu.memref_slice %arg5[%select_n3A_3736, %dma_start3A_3929, %dma_start3A_3930] : memref<4x160x128xf32, #tpu.memory_space<vmem>> -> memref<1x160x128xf32, #tpu.memory_space<vmem>>
      %dma_start3A_3932 = tpu.memref_squeeze %dma_start3A_3931 : memref<1x160x128xf32, #tpu.memory_space<vmem>> -> memref<160x128xf32, #tpu.memory_space<vmem>>
      %dma_start3A_3933 = arith.constant 100 : i32
      %dma_start3A_3934 = arith.constant 0 : i32
      %dma_start3A_3935 = tpu.memref_slice %dma_start3A_3932[%dma_start3A_3933, %dma_start3A_3934] : memref<160x128xf32, #tpu.memory_space<vmem>> -> memref<20x64xf32, #tpu.memory_space<vmem>>
      %dma_start3A_3936 = arith.constant 0 : i32
      %dma_start3A_3937 = arith.constant 0 : i32
      %dma_start3A_3938 = tpu.memref_slice %arg4[%add3A_3928, %dma_start3A_3936, %dma_start3A_3937] : memref<16384x24x128xf32, #tpu.memory_space<hbm>> -> memref<1x24x128xf32, #tpu.memory_space<hbm>>
      %dma_start3A_3939 = tpu.memref_squeeze %dma_start3A_3938 : memref<1x24x128xf32, #tpu.memory_space<hbm>> -> memref<24x128xf32, #tpu.memory_space<hbm>>
      %dma_start3A_3940 = arith.constant 0 : i32
      %dma_start3A_3941 = arith.constant 0 : i32
      %dma_start3A_3942 = tpu.memref_slice %dma_start3A_3939[%dma_start3A_3940, %dma_start3A_3941] : memref<24x128xf32, #tpu.memory_space<hbm>> -> memref<20x64xf32, #tpu.memory_space<hbm>>
      %dma_start3A_3943 = tpu.memref_slice %arg9[%select_n3A_3736] : memref<4x!tpu.dma_semaphore, #tpu.memory_space<semaphore_mem>> -> memref<1x!tpu.dma_semaphore, #tpu.memory_space<semaphore_mem>>
      %dma_start3A_3944 = tpu.memref_squeeze %dma_start3A_3943 : memref<1x!tpu.dma_semaphore, #tpu.memory_space<semaphore_mem>> -> memref<!tpu.dma_semaphore, #tpu.memory_space<semaphore_mem>>
      %dma_start3A_3945 = arith.constant 0 : i32
      %dma_start3A_3946 = arith.constant 0 : i32
      %dma_start3A_3947 = tpu.memref_slice %arg4[%add3A_3928, %dma_start3A_3945, %dma_start3A_3946] : memref<16384x24x128xf32, #tpu.memory_space<hbm>> -> memref<1x24x128xf32, #tpu.memory_space<hbm>>
      %dma_start3A_3948 = tpu.memref_squeeze %dma_start3A_3947 : memref<1x24x128xf32, #tpu.memory_space<hbm>> -> memref<24x128xf32, #tpu.memory_space<hbm>>
      %dma_start3A_3949 = arith.constant 0 : i32
      %dma_start3A_3950 = arith.constant 0 : i32
      %dma_start3A_3951 = tpu.memref_slice %dma_start3A_3948[%dma_start3A_3949, %dma_start3A_3950] : memref<24x128xf32, #tpu.memory_space<hbm>> -> memref<20x64xf32, #tpu.memory_space<hbm>>
      %dma_start3A_3952 = arith.constant 0 : i32
      %dma_start3A_3953 = arith.constant 0 : i32
      %dma_start3A_3954 = tpu.memref_slice %arg5[%select_n3A_3736, %dma_start3A_3952, %dma_start3A_3953] : memref<4x160x128xf32, #tpu.memory_space<vmem>> -> memref<1x160x128xf32, #tpu.memory_space<vmem>>
      %dma_start3A_3955 = tpu.memref_squeeze %dma_start3A_3954 : memref<1x160x128xf32, #tpu.memory_space<vmem>> -> memref<160x128xf32, #tpu.memory_space<vmem>>
      %dma_start3A_3956 = arith.constant 100 : i32
      %dma_start3A_3957 = arith.constant 0 : i32
      %dma_start3A_3958 = tpu.memref_slice %dma_start3A_3955[%dma_start3A_3956, %dma_start3A_3957] : memref<160x128xf32, #tpu.memory_space<vmem>> -> memref<20x64xf32, #tpu.memory_space<vmem>>
      tpu.enqueue_dma source(%dma_start3A_3958 : memref<20x64xf32, #tpu.memory_space<vmem>>) target(%dma_start3A_3951 : memref<20x64xf32, #tpu.memory_space<hbm>>) target_semaphore(%dma_start3A_3944 : memref<!tpu.dma_semaphore, #tpu.memory_space<semaphore_mem>>)
      %mul3A_3959 = arith.constant 8 : i32
      %mul3A_3960 = arith.muli %sub3A_3720, %mul3A_3959 : i32
      %add3A_3961 = arith.addi %mul3A_2, %mul3A_3960 : i32
      %add3A_3962 = arith.constant 6 : i32
      %add3A_3963 = arith.addi %add3A_3961, %add3A_3962 : i32
      %dma_start3A_3964 = arith.constant 0 : i32
      %dma_start3A_3965 = arith.constant 0 : i32
      %dma_start3A_3966 = tpu.memref_slice %arg5[%select_n3A_3736, %dma_start3A_3964, %dma_start3A_3965] : memref<4x160x128xf32, #tpu.memory_space<vmem>> -> memref<1x160x128xf32, #tpu.memory_space<vmem>>
      %dma_start3A_3967 = tpu.memref_squeeze %dma_start3A_3966 : memref<1x160x128xf32, #tpu.memory_space<vmem>> -> memref<160x128xf32, #tpu.memory_space<vmem>>
      %dma_start3A_3968 = arith.constant 120 : i32
      %dma_start3A_3969 = arith.constant 0 : i32
      %dma_start3A_3970 = tpu.memref_slice %dma_start3A_3967[%dma_start3A_3968, %dma_start3A_3969] : memref<160x128xf32, #tpu.memory_space<vmem>> -> memref<20x64xf32, #tpu.memory_space<vmem>>
      %dma_start3A_3971 = arith.constant 0 : i32
      %dma_start3A_3972 = arith.constant 0 : i32
      %dma_start3A_3973 = tpu.memref_slice %arg4[%add3A_3963, %dma_start3A_3971, %dma_start3A_3972] : memref<16384x24x128xf32, #tpu.memory_space<hbm>> -> memref<1x24x128xf32, #tpu.memory_space<hbm>>
      %dma_start3A_3974 = tpu.memref_squeeze %dma_start3A_3973 : memref<1x24x128xf32, #tpu.memory_space<hbm>> -> memref<24x128xf32, #tpu.memory_space<hbm>>
      %dma_start3A_3975 = arith.constant 0 : i32
      %dma_start3A_3976 = arith.constant 0 : i32
      %dma_start3A_3977 = tpu.memref_slice %dma_start3A_3974[%dma_start3A_3975, %dma_start3A_3976] : memref<24x128xf32, #tpu.memory_space<hbm>> -> memref<20x64xf32, #tpu.memory_space<hbm>>
      %dma_start3A_3978 = tpu.memref_slice %arg9[%select_n3A_3736] : memref<4x!tpu.dma_semaphore, #tpu.memory_space<semaphore_mem>> -> memref<1x!tpu.dma_semaphore, #tpu.memory_space<semaphore_mem>>
      %dma_start3A_3979 = tpu.memref_squeeze %dma_start3A_3978 : memref<1x!tpu.dma_semaphore, #tpu.memory_space<semaphore_mem>> -> memref<!tpu.dma_semaphore, #tpu.memory_space<semaphore_mem>>
      %dma_start3A_3980 = arith.constant 0 : i32
      %dma_start3A_3981 = arith.constant 0 : i32
      %dma_start3A_3982 = tpu.memref_slice %arg4[%add3A_3963, %dma_start3A_3980, %dma_start3A_3981] : memref<16384x24x128xf32, #tpu.memory_space<hbm>> -> memref<1x24x128xf32, #tpu.memory_space<hbm>>
      %dma_start3A_3983 = tpu.memref_squeeze %dma_start3A_3982 : memref<1x24x128xf32, #tpu.memory_space<hbm>> -> memref<24x128xf32, #tpu.memory_space<hbm>>
      %dma_start3A_3984 = arith.constant 0 : i32
      %dma_start3A_3985 = arith.constant 0 : i32
      %dma_start3A_3986 = tpu.memref_slice %dma_start3A_3983[%dma_start3A_3984, %dma_start3A_3985] : memref<24x128xf32, #tpu.memory_space<hbm>> -> memref<20x64xf32, #tpu.memory_space<hbm>>
      %dma_start3A_3987 = arith.constant 0 : i32
      %dma_start3A_3988 = arith.constant 0 : i32
      %dma_start3A_3989 = tpu.memref_slice %arg5[%select_n3A_3736, %dma_start3A_3987, %dma_start3A_3988] : memref<4x160x128xf32, #tpu.memory_space<vmem>> -> memref<1x160x128xf32, #tpu.memory_space<vmem>>
      %dma_start3A_3990 = tpu.memref_squeeze %dma_start3A_3989 : memref<1x160x128xf32, #tpu.memory_space<vmem>> -> memref<160x128xf32, #tpu.memory_space<vmem>>
      %dma_start3A_3991 = arith.constant 120 : i32
      %dma_start3A_3992 = arith.constant 0 : i32
      %dma_start3A_3993 = tpu.memref_slice %dma_start3A_3990[%dma_start3A_3991, %dma_start3A_3992] : memref<160x128xf32, #tpu.memory_space<vmem>> -> memref<20x64xf32, #tpu.memory_space<vmem>>
      tpu.enqueue_dma source(%dma_start3A_3993 : memref<20x64xf32, #tpu.memory_space<vmem>>) target(%dma_start3A_3986 : memref<20x64xf32, #tpu.memory_space<hbm>>) target_semaphore(%dma_start3A_3979 : memref<!tpu.dma_semaphore, #tpu.memory_space<semaphore_mem>>)
      %mul3A_3994 = arith.constant 8 : i32
      %mul3A_3995 = arith.muli %sub3A_3720, %mul3A_3994 : i32
      %add3A_3996 = arith.addi %mul3A_2, %mul3A_3995 : i32
      %add3A_3997 = arith.constant 7 : i32
      %add3A_3998 = arith.addi %add3A_3996, %add3A_3997 : i32
      %dma_start3A_3999 = arith.constant 0 : i32
      %dma_start3A_4000 = arith.constant 0 : i32
      %dma_start3A_4001 = tpu.memref_slice %arg5[%select_n3A_3736, %dma_start3A_3999, %dma_start3A_4000] : memref<4x160x128xf32, #tpu.memory_space<vmem>> -> memref<1x160x128xf32, #tpu.memory_space<vmem>>
      %dma_start3A_4002 = tpu.memref_squeeze %dma_start3A_4001 : memref<1x160x128xf32, #tpu.memory_space<vmem>> -> memref<160x128xf32, #tpu.memory_space<vmem>>
      %dma_start3A_4003 = arith.constant 140 : i32
      %dma_start3A_4004 = arith.constant 0 : i32
      %dma_start3A_4005 = tpu.memref_slice %dma_start3A_4002[%dma_start3A_4003, %dma_start3A_4004] : memref<160x128xf32, #tpu.memory_space<vmem>> -> memref<20x64xf32, #tpu.memory_space<vmem>>
      %dma_start3A_4006 = arith.constant 0 : i32
      %dma_start3A_4007 = arith.constant 0 : i32
      %dma_start3A_4008 = tpu.memref_slice %arg4[%add3A_3998, %dma_start3A_4006, %dma_start3A_4007] : memref<16384x24x128xf32, #tpu.memory_space<hbm>> -> memref<1x24x128xf32, #tpu.memory_space<hbm>>
      %dma_start3A_4009 = tpu.memref_squeeze %dma_start3A_4008 : memref<1x24x128xf32, #tpu.memory_space<hbm>> -> memref<24x128xf32, #tpu.memory_space<hbm>>
      %dma_start3A_4010 = arith.constant 0 : i32
      %dma_start3A_4011 = arith.constant 0 : i32
      %dma_start3A_4012 = tpu.memref_slice %dma_start3A_4009[%dma_start3A_4010, %dma_start3A_4011] : memref<24x128xf32, #tpu.memory_space<hbm>> -> memref<20x64xf32, #tpu.memory_space<hbm>>
      %dma_start3A_4013 = tpu.memref_slice %arg9[%select_n3A_3736] : memref<4x!tpu.dma_semaphore, #tpu.memory_space<semaphore_mem>> -> memref<1x!tpu.dma_semaphore, #tpu.memory_space<semaphore_mem>>
      %dma_start3A_4014 = tpu.memref_squeeze %dma_start3A_4013 : memref<1x!tpu.dma_semaphore, #tpu.memory_space<semaphore_mem>> -> memref<!tpu.dma_semaphore, #tpu.memory_space<semaphore_mem>>
      %dma_start3A_4015 = arith.constant 0 : i32
      %dma_start3A_4016 = arith.constant 0 : i32
      %dma_start3A_4017 = tpu.memref_slice %arg4[%add3A_3998, %dma_start3A_4015, %dma_start3A_4016] : memref<16384x24x128xf32, #tpu.memory_space<hbm>> -> memref<1x24x128xf32, #tpu.memory_space<hbm>>
      %dma_start3A_4018 = tpu.memref_squeeze %dma_start3A_4017 : memref<1x24x128xf32, #tpu.memory_space<hbm>> -> memref<24x128xf32, #tpu.memory_space<hbm>>
      %dma_start3A_4019 = arith.constant 0 : i32
      %dma_start3A_4020 = arith.constant 0 : i32
      %dma_start3A_4021 = tpu.memref_slice %dma_start3A_4018[%dma_start3A_4019, %dma_start3A_4020] : memref<24x128xf32, #tpu.memory_space<hbm>> -> memref<20x64xf32, #tpu.memory_space<hbm>>
      %dma_start3A_4022 = arith.constant 0 : i32
      %dma_start3A_4023 = arith.constant 0 : i32
      %dma_start3A_4024 = tpu.memref_slice %arg5[%select_n3A_3736, %dma_start3A_4022, %dma_start3A_4023] : memref<4x160x128xf32, #tpu.memory_space<vmem>> -> memref<1x160x128xf32, #tpu.memory_space<vmem>>
      %dma_start3A_4025 = tpu.memref_squeeze %dma_start3A_4024 : memref<1x160x128xf32, #tpu.memory_space<vmem>> -> memref<160x128xf32, #tpu.memory_space<vmem>>
      %dma_start3A_4026 = arith.constant 140 : i32
      %dma_start3A_4027 = arith.constant 0 : i32
      %dma_start3A_4028 = tpu.memref_slice %dma_start3A_4025[%dma_start3A_4026, %dma_start3A_4027] : memref<160x128xf32, #tpu.memory_space<vmem>> -> memref<20x64xf32, #tpu.memory_space<vmem>>
      tpu.enqueue_dma source(%dma_start3A_4028 : memref<20x64xf32, #tpu.memory_space<vmem>>) target(%dma_start3A_4021 : memref<20x64xf32, #tpu.memory_space<hbm>>) target_semaphore(%dma_start3A_4014 : memref<!tpu.dma_semaphore, #tpu.memory_space<semaphore_mem>>)
    }
    %scan3A_1569 = arith.constant 60 : i32
    %dma_wait3A_1570 = arith.constant 2 : i32
    %dma_wait3A_1571 = arith.constant 2 : i32
    %dma_wait3A_1572 = arith.constant 2 : i32
    %dma_wait3A_1573 = arith.constant 0 : i32
    %dma_wait3A_1574 = arith.constant 0 : i32
    %dma_wait3A_1575 = tpu.memref_slice %arg5[%dma_wait3A_1571, %dma_wait3A_1573, %dma_wait3A_1574] : memref<4x160x128xf32, #tpu.memory_space<vmem>> -> memref<1x160x128xf32, #tpu.memory_space<vmem>>
    %dma_wait3A_1576 = tpu.memref_squeeze %dma_wait3A_1575 : memref<1x160x128xf32, #tpu.memory_space<vmem>> -> memref<160x128xf32, #tpu.memory_space<vmem>>
    %dma_wait3A_1577 = arith.constant 0 : i32
    %dma_wait3A_1578 = tpu.memref_slice %arg7[%dma_wait3A_1570, %dma_wait3A_1577] : memref<4x160xi32, #tpu.memory_space<vmem>> -> memref<1x160xi32, #tpu.memory_space<vmem>>
    %dma_wait3A_1579 = tpu.memref_squeeze %dma_wait3A_1578 : memref<1x160xi32, #tpu.memory_space<vmem>> -> memref<160xi32, #tpu.memory_space<vmem>>
    %dma_wait3A_1580 = arith.constant 0 : i32
    %dma_wait3A_1581 = arith.constant 0 : i32
    %dma_wait3A_1582 = tpu.memref_slice %arg3[%dma_wait3A_1580, %dma_wait3A_1581] : memref<1000000x128xf32, #tpu.memory_space<hbm>> -> memref<1000000x128xf32, #tpu.memory_space<hbm>>
    %dma_wait3A_1583 = tpu.memref_slice %arg6[%dma_wait3A_1572] : memref<4x!tpu.dma_semaphore, #tpu.memory_space<semaphore_mem>> -> memref<1x!tpu.dma_semaphore, #tpu.memory_space<semaphore_mem>>
    %dma_wait3A_1584 = tpu.memref_squeeze %dma_wait3A_1583 : memref<1x!tpu.dma_semaphore, #tpu.memory_space<semaphore_mem>> -> memref<!tpu.dma_semaphore, #tpu.memory_space<semaphore_mem>>
    tpu.wait_indirect_dma semaphore(%dma_wait3A_1584 : memref<!tpu.dma_semaphore, #tpu.memory_space<semaphore_mem>>) src(%dma_wait3A_1582 : memref<1000000x128xf32, #tpu.memory_space<hbm>>) dst(%dma_wait3A_1576 : memref<160x128xf32, #tpu.memory_space<vmem>>)
    %add3A_1585 = arith.constant 496 : i32
    %add3A_1586 = arith.addi %mul3A_2, %add3A_1585 : i32
    %add3A_1587 = arith.constant 0 : i32
    %add3A_1588 = arith.addi %add3A_1586, %add3A_1587 : i32
    %dma_start3A_1589 = arith.constant 2 : i32
    %dma_start3A_1590 = arith.constant 2 : i32
    %dma_start3A_1591 = arith.constant 0 : i32
    %dma_start3A_1592 = arith.constant 0 : i32
    %dma_start3A_1593 = tpu.memref_slice %arg5[%dma_start3A_1589, %dma_start3A_1591, %dma_start3A_1592] : memref<4x160x128xf32, #tpu.memory_space<vmem>> -> memref<1x160x128xf32, #tpu.memory_space<vmem>>
    %dma_start3A_1594 = tpu.memref_squeeze %dma_start3A_1593 : memref<1x160x128xf32, #tpu.memory_space<vmem>> -> memref<160x128xf32, #tpu.memory_space<vmem>>
    %dma_start3A_1595 = arith.constant 0 : i32
    %dma_start3A_1596 = arith.constant 0 : i32
    %dma_start3A_1597 = tpu.memref_slice %dma_start3A_1594[%dma_start3A_1595, %dma_start3A_1596] : memref<160x128xf32, #tpu.memory_space<vmem>> -> memref<20x64xf32, #tpu.memory_space<vmem>>
    %dma_start3A_1598 = arith.constant 0 : i32
    %dma_start3A_1599 = arith.constant 0 : i32
    %dma_start3A_1600 = tpu.memref_slice %arg4[%add3A_1588, %dma_start3A_1598, %dma_start3A_1599] : memref<16384x24x128xf32, #tpu.memory_space<hbm>> -> memref<1x24x128xf32, #tpu.memory_space<hbm>>
    %dma_start3A_1601 = tpu.memref_squeeze %dma_start3A_1600 : memref<1x24x128xf32, #tpu.memory_space<hbm>> -> memref<24x128xf32, #tpu.memory_space<hbm>>
    %dma_start3A_1602 = arith.constant 0 : i32
    %dma_start3A_1603 = arith.constant 0 : i32
    %dma_start3A_1604 = tpu.memref_slice %dma_start3A_1601[%dma_start3A_1602, %dma_start3A_1603] : memref<24x128xf32, #tpu.memory_space<hbm>> -> memref<20x64xf32, #tpu.memory_space<hbm>>
    %dma_start3A_1605 = tpu.memref_slice %arg9[%dma_start3A_1590] : memref<4x!tpu.dma_semaphore, #tpu.memory_space<semaphore_mem>> -> memref<1x!tpu.dma_semaphore, #tpu.memory_space<semaphore_mem>>
    %dma_start3A_1606 = tpu.memref_squeeze %dma_start3A_1605 : memref<1x!tpu.dma_semaphore, #tpu.memory_space<semaphore_mem>> -> memref<!tpu.dma_semaphore, #tpu.memory_space<semaphore_mem>>
    %dma_start3A_1607 = arith.constant 0 : i32
    %dma_start3A_1608 = arith.constant 0 : i32
    %dma_start3A_1609 = tpu.memref_slice %arg4[%add3A_1588, %dma_start3A_1607, %dma_start3A_1608] : memref<16384x24x128xf32, #tpu.memory_space<hbm>> -> memref<1x24x128xf32, #tpu.memory_space<hbm>>
    %dma_start3A_1610 = tpu.memref_squeeze %dma_start3A_1609 : memref<1x24x128xf32, #tpu.memory_space<hbm>> -> memref<24x128xf32, #tpu.memory_space<hbm>>
    %dma_start3A_1611 = arith.constant 0 : i32
    %dma_start3A_1612 = arith.constant 0 : i32
    %dma_start3A_1613 = tpu.memref_slice %dma_start3A_1610[%dma_start3A_1611, %dma_start3A_1612] : memref<24x128xf32, #tpu.memory_space<hbm>> -> memref<20x64xf32, #tpu.memory_space<hbm>>
    %dma_start3A_1614 = arith.constant 0 : i32
    %dma_start3A_1615 = arith.constant 0 : i32
    %dma_start3A_1616 = tpu.memref_slice %arg5[%dma_start3A_1589, %dma_start3A_1614, %dma_start3A_1615] : memref<4x160x128xf32, #tpu.memory_space<vmem>> -> memref<1x160x128xf32, #tpu.memory_space<vmem>>
    %dma_start3A_1617 = tpu.memref_squeeze %dma_start3A_1616 : memref<1x160x128xf32, #tpu.memory_space<vmem>> -> memref<160x128xf32, #tpu.memory_space<vmem>>
    %dma_start3A_1618 = arith.constant 0 : i32
    %dma_start3A_1619 = arith.constant 0 : i32
    %dma_start3A_1620 = tpu.memref_slice %dma_start3A_1617[%dma_start3A_1618, %dma_start3A_1619] : memref<160x128xf32, #tpu.memory_space<vmem>> -> memref<20x64xf32, #tpu.memory_space<vmem>>
    tpu.enqueue_dma source(%dma_start3A_1620 : memref<20x64xf32, #tpu.memory_space<vmem>>) target(%dma_start3A_1613 : memref<20x64xf32, #tpu.memory_space<hbm>>) target_semaphore(%dma_start3A_1606 : memref<!tpu.dma_semaphore, #tpu.memory_space<semaphore_mem>>)
    %add3A_1621 = arith.constant 496 : i32
    %add3A_1622 = arith.addi %mul3A_2, %add3A_1621 : i32
    %add3A_1623 = arith.constant 1 : i32
    %add3A_1624 = arith.addi %add3A_1622, %add3A_1623 : i32
    %dma_start3A_1625 = arith.constant 2 : i32
    %dma_start3A_1626 = arith.constant 2 : i32
    %dma_start3A_1627 = arith.constant 0 : i32
    %dma_start3A_1628 = arith.constant 0 : i32
    %dma_start3A_1629 = tpu.memref_slice %arg5[%dma_start3A_1625, %dma_start3A_1627, %dma_start3A_1628] : memref<4x160x128xf32, #tpu.memory_space<vmem>> -> memref<1x160x128xf32, #tpu.memory_space<vmem>>
    %dma_start3A_1630 = tpu.memref_squeeze %dma_start3A_1629 : memref<1x160x128xf32, #tpu.memory_space<vmem>> -> memref<160x128xf32, #tpu.memory_space<vmem>>
    %dma_start3A_1631 = arith.constant 20 : i32
    %dma_start3A_1632 = arith.constant 0 : i32
    %dma_start3A_1633 = tpu.memref_slice %dma_start3A_1630[%dma_start3A_1631, %dma_start3A_1632] : memref<160x128xf32, #tpu.memory_space<vmem>> -> memref<20x64xf32, #tpu.memory_space<vmem>>
    %dma_start3A_1634 = arith.constant 0 : i32
    %dma_start3A_1635 = arith.constant 0 : i32
    %dma_start3A_1636 = tpu.memref_slice %arg4[%add3A_1624, %dma_start3A_1634, %dma_start3A_1635] : memref<16384x24x128xf32, #tpu.memory_space<hbm>> -> memref<1x24x128xf32, #tpu.memory_space<hbm>>
    %dma_start3A_1637 = tpu.memref_squeeze %dma_start3A_1636 : memref<1x24x128xf32, #tpu.memory_space<hbm>> -> memref<24x128xf32, #tpu.memory_space<hbm>>
    %dma_start3A_1638 = arith.constant 0 : i32
    %dma_start3A_1639 = arith.constant 0 : i32
    %dma_start3A_1640 = tpu.memref_slice %dma_start3A_1637[%dma_start3A_1638, %dma_start3A_1639] : memref<24x128xf32, #tpu.memory_space<hbm>> -> memref<20x64xf32, #tpu.memory_space<hbm>>
    %dma_start3A_1641 = tpu.memref_slice %arg9[%dma_start3A_1626] : memref<4x!tpu.dma_semaphore, #tpu.memory_space<semaphore_mem>> -> memref<1x!tpu.dma_semaphore, #tpu.memory_space<semaphore_mem>>
    %dma_start3A_1642 = tpu.memref_squeeze %dma_start3A_1641 : memref<1x!tpu.dma_semaphore, #tpu.memory_space<semaphore_mem>> -> memref<!tpu.dma_semaphore, #tpu.memory_space<semaphore_mem>>
    %dma_start3A_1643 = arith.constant 0 : i32
    %dma_start3A_1644 = arith.constant 0 : i32
    %dma_start3A_1645 = tpu.memref_slice %arg4[%add3A_1624, %dma_start3A_1643, %dma_start3A_1644] : memref<16384x24x128xf32, #tpu.memory_space<hbm>> -> memref<1x24x128xf32, #tpu.memory_space<hbm>>
    %dma_start3A_1646 = tpu.memref_squeeze %dma_start3A_1645 : memref<1x24x128xf32, #tpu.memory_space<hbm>> -> memref<24x128xf32, #tpu.memory_space<hbm>>
    %dma_start3A_1647 = arith.constant 0 : i32
    %dma_start3A_1648 = arith.constant 0 : i32
    %dma_start3A_1649 = tpu.memref_slice %dma_start3A_1646[%dma_start3A_1647, %dma_start3A_1648] : memref<24x128xf32, #tpu.memory_space<hbm>> -> memref<20x64xf32, #tpu.memory_space<hbm>>
    %dma_start3A_1650 = arith.constant 0 : i32
    %dma_start3A_1651 = arith.constant 0 : i32
    %dma_start3A_1652 = tpu.memref_slice %arg5[%dma_start3A_1625, %dma_start3A_1650, %dma_start3A_1651] : memref<4x160x128xf32, #tpu.memory_space<vmem>> -> memref<1x160x128xf32, #tpu.memory_space<vmem>>
    %dma_start3A_1653 = tpu.memref_squeeze %dma_start3A_1652 : memref<1x160x128xf32, #tpu.memory_space<vmem>> -> memref<160x128xf32, #tpu.memory_space<vmem>>
    %dma_start3A_1654 = arith.constant 20 : i32
    %dma_start3A_1655 = arith.constant 0 : i32
    %dma_start3A_1656 = tpu.memref_slice %dma_start3A_1653[%dma_start3A_1654, %dma_start3A_1655] : memref<160x128xf32, #tpu.memory_space<vmem>> -> memref<20x64xf32, #tpu.memory_space<vmem>>
    tpu.enqueue_dma source(%dma_start3A_1656 : memref<20x64xf32, #tpu.memory_space<vmem>>) target(%dma_start3A_1649 : memref<20x64xf32, #tpu.memory_space<hbm>>) target_semaphore(%dma_start3A_1642 : memref<!tpu.dma_semaphore, #tpu.memory_space<semaphore_mem>>)
    %add3A_1657 = arith.constant 496 : i32
    %add3A_1658 = arith.addi %mul3A_2, %add3A_1657 : i32
    %add3A_1659 = arith.constant 2 : i32
    %add3A_1660 = arith.addi %add3A_1658, %add3A_1659 : i32
    %dma_start3A_1661 = arith.constant 2 : i32
    %dma_start3A_1662 = arith.constant 2 : i32
    %dma_start3A_1663 = arith.constant 0 : i32
    %dma_start3A_1664 = arith.constant 0 : i32
    %dma_start3A_1665 = tpu.memref_slice %arg5[%dma_start3A_1661, %dma_start3A_1663, %dma_start3A_1664] : memref<4x160x128xf32, #tpu.memory_space<vmem>> -> memref<1x160x128xf32, #tpu.memory_space<vmem>>
    %dma_start3A_1666 = tpu.memref_squeeze %dma_start3A_1665 : memref<1x160x128xf32, #tpu.memory_space<vmem>> -> memref<160x128xf32, #tpu.memory_space<vmem>>
    %dma_start3A_1667 = arith.constant 40 : i32
    %dma_start3A_1668 = arith.constant 0 : i32
    %dma_start3A_1669 = tpu.memref_slice %dma_start3A_1666[%dma_start3A_1667, %dma_start3A_1668] : memref<160x128xf32, #tpu.memory_space<vmem>> -> memref<20x64xf32, #tpu.memory_space<vmem>>
    %dma_start3A_1670 = arith.constant 0 : i32
    %dma_start3A_1671 = arith.constant 0 : i32
    %dma_start3A_1672 = tpu.memref_slice %arg4[%add3A_1660, %dma_start3A_1670, %dma_start3A_1671] : memref<16384x24x128xf32, #tpu.memory_space<hbm>> -> memref<1x24x128xf32, #tpu.memory_space<hbm>>
    %dma_start3A_1673 = tpu.memref_squeeze %dma_start3A_1672 : memref<1x24x128xf32, #tpu.memory_space<hbm>> -> memref<24x128xf32, #tpu.memory_space<hbm>>
    %dma_start3A_1674 = arith.constant 0 : i32
    %dma_start3A_1675 = arith.constant 0 : i32
    %dma_start3A_1676 = tpu.memref_slice %dma_start3A_1673[%dma_start3A_1674, %dma_start3A_1675] : memref<24x128xf32, #tpu.memory_space<hbm>> -> memref<20x64xf32, #tpu.memory_space<hbm>>
    %dma_start3A_1677 = tpu.memref_slice %arg9[%dma_start3A_1662] : memref<4x!tpu.dma_semaphore, #tpu.memory_space<semaphore_mem>> -> memref<1x!tpu.dma_semaphore, #tpu.memory_space<semaphore_mem>>
    %dma_start3A_1678 = tpu.memref_squeeze %dma_start3A_1677 : memref<1x!tpu.dma_semaphore, #tpu.memory_space<semaphore_mem>> -> memref<!tpu.dma_semaphore, #tpu.memory_space<semaphore_mem>>
    %dma_start3A_1679 = arith.constant 0 : i32
    %dma_start3A_1680 = arith.constant 0 : i32
    %dma_start3A_1681 = tpu.memref_slice %arg4[%add3A_1660, %dma_start3A_1679, %dma_start3A_1680] : memref<16384x24x128xf32, #tpu.memory_space<hbm>> -> memref<1x24x128xf32, #tpu.memory_space<hbm>>
    %dma_start3A_1682 = tpu.memref_squeeze %dma_start3A_1681 : memref<1x24x128xf32, #tpu.memory_space<hbm>> -> memref<24x128xf32, #tpu.memory_space<hbm>>
    %dma_start3A_1683 = arith.constant 0 : i32
    %dma_start3A_1684 = arith.constant 0 : i32
    %dma_start3A_1685 = tpu.memref_slice %dma_start3A_1682[%dma_start3A_1683, %dma_start3A_1684] : memref<24x128xf32, #tpu.memory_space<hbm>> -> memref<20x64xf32, #tpu.memory_space<hbm>>
    %dma_start3A_1686 = arith.constant 0 : i32
    %dma_start3A_1687 = arith.constant 0 : i32
    %dma_start3A_1688 = tpu.memref_slice %arg5[%dma_start3A_1661, %dma_start3A_1686, %dma_start3A_1687] : memref<4x160x128xf32, #tpu.memory_space<vmem>> -> memref<1x160x128xf32, #tpu.memory_space<vmem>>
    %dma_start3A_1689 = tpu.memref_squeeze %dma_start3A_1688 : memref<1x160x128xf32, #tpu.memory_space<vmem>> -> memref<160x128xf32, #tpu.memory_space<vmem>>
    %dma_start3A_1690 = arith.constant 40 : i32
    %dma_start3A_1691 = arith.constant 0 : i32
    %dma_start3A_1692 = tpu.memref_slice %dma_start3A_1689[%dma_start3A_1690, %dma_start3A_1691] : memref<160x128xf32, #tpu.memory_space<vmem>> -> memref<20x64xf32, #tpu.memory_space<vmem>>
    tpu.enqueue_dma source(%dma_start3A_1692 : memref<20x64xf32, #tpu.memory_space<vmem>>) target(%dma_start3A_1685 : memref<20x64xf32, #tpu.memory_space<hbm>>) target_semaphore(%dma_start3A_1678 : memref<!tpu.dma_semaphore, #tpu.memory_space<semaphore_mem>>)
    %add3A_1693 = arith.constant 496 : i32
    %add3A_1694 = arith.addi %mul3A_2, %add3A_1693 : i32
    %add3A_1695 = arith.constant 3 : i32
    %add3A_1696 = arith.addi %add3A_1694, %add3A_1695 : i32
    %dma_start3A_1697 = arith.constant 2 : i32
    %dma_start3A_1698 = arith.constant 2 : i32
    %dma_start3A_1699 = arith.constant 0 : i32
    %dma_start3A_1700 = arith.constant 0 : i32
    %dma_start3A_1701 = tpu.memref_slice %arg5[%dma_start3A_1697, %dma_start3A_1699, %dma_start3A_1700] : memref<4x160x128xf32, #tpu.memory_space<vmem>> -> memref<1x160x128xf32, #tpu.memory_space<vmem>>
    %dma_start3A_1702 = tpu.memref_squeeze %dma_start3A_1701 : memref<1x160x128xf32, #tpu.memory_space<vmem>> -> memref<160x128xf32, #tpu.memory_space<vmem>>
    %dma_start3A_1703 = arith.constant 60 : i32
    %dma_start3A_1704 = arith.constant 0 : i32
    %dma_start3A_1705 = tpu.memref_slice %dma_start3A_1702[%dma_start3A_1703, %dma_start3A_1704] : memref<160x128xf32, #tpu.memory_space<vmem>> -> memref<20x64xf32, #tpu.memory_space<vmem>>
    %dma_start3A_1706 = arith.constant 0 : i32
    %dma_start3A_1707 = arith.constant 0 : i32
    %dma_start3A_1708 = tpu.memref_slice %arg4[%add3A_1696, %dma_start3A_1706, %dma_start3A_1707] : memref<16384x24x128xf32, #tpu.memory_space<hbm>> -> memref<1x24x128xf32, #tpu.memory_space<hbm>>
    %dma_start3A_1709 = tpu.memref_squeeze %dma_start3A_1708 : memref<1x24x128xf32, #tpu.memory_space<hbm>> -> memref<24x128xf32, #tpu.memory_space<hbm>>
    %dma_start3A_1710 = arith.constant 0 : i32
    %dma_start3A_1711 = arith.constant 0 : i32
    %dma_start3A_1712 = tpu.memref_slice %dma_start3A_1709[%dma_start3A_1710, %dma_start3A_1711] : memref<24x128xf32, #tpu.memory_space<hbm>> -> memref<20x64xf32, #tpu.memory_space<hbm>>
    %dma_start3A_1713 = tpu.memref_slice %arg9[%dma_start3A_1698] : memref<4x!tpu.dma_semaphore, #tpu.memory_space<semaphore_mem>> -> memref<1x!tpu.dma_semaphore, #tpu.memory_space<semaphore_mem>>
    %dma_start3A_1714 = tpu.memref_squeeze %dma_start3A_1713 : memref<1x!tpu.dma_semaphore, #tpu.memory_space<semaphore_mem>> -> memref<!tpu.dma_semaphore, #tpu.memory_space<semaphore_mem>>
    %dma_start3A_1715 = arith.constant 0 : i32
    %dma_start3A_1716 = arith.constant 0 : i32
    %dma_start3A_1717 = tpu.memref_slice %arg4[%add3A_1696, %dma_start3A_1715, %dma_start3A_1716] : memref<16384x24x128xf32, #tpu.memory_space<hbm>> -> memref<1x24x128xf32, #tpu.memory_space<hbm>>
    %dma_start3A_1718 = tpu.memref_squeeze %dma_start3A_1717 : memref<1x24x128xf32, #tpu.memory_space<hbm>> -> memref<24x128xf32, #tpu.memory_space<hbm>>
    %dma_start3A_1719 = arith.constant 0 : i32
    %dma_start3A_1720 = arith.constant 0 : i32
    %dma_start3A_1721 = tpu.memref_slice %dma_start3A_1718[%dma_start3A_1719, %dma_start3A_1720] : memref<24x128xf32, #tpu.memory_space<hbm>> -> memref<20x64xf32, #tpu.memory_space<hbm>>
    %dma_start3A_1722 = arith.constant 0 : i32
    %dma_start3A_1723 = arith.constant 0 : i32
    %dma_start3A_1724 = tpu.memref_slice %arg5[%dma_start3A_1697, %dma_start3A_1722, %dma_start3A_1723] : memref<4x160x128xf32, #tpu.memory_space<vmem>> -> memref<1x160x128xf32, #tpu.memory_space<vmem>>
    %dma_start3A_1725 = tpu.memref_squeeze %dma_start3A_1724 : memref<1x160x128xf32, #tpu.memory_space<vmem>> -> memref<160x128xf32, #tpu.memory_space<vmem>>
    %dma_start3A_1726 = arith.constant 60 : i32
    %dma_start3A_1727 = arith.constant 0 : i32
    %dma_start3A_1728 = tpu.memref_slice %dma_start3A_1725[%dma_start3A_1726, %dma_start3A_1727] : memref<160x128xf32, #tpu.memory_space<vmem>> -> memref<20x64xf32, #tpu.memory_space<vmem>>
    tpu.enqueue_dma source(%dma_start3A_1728 : memref<20x64xf32, #tpu.memory_space<vmem>>) target(%dma_start3A_1721 : memref<20x64xf32, #tpu.memory_space<hbm>>) target_semaphore(%dma_start3A_1714 : memref<!tpu.dma_semaphore, #tpu.memory_space<semaphore_mem>>)
    %add3A_1729 = arith.constant 496 : i32
    %add3A_1730 = arith.addi %mul3A_2, %add3A_1729 : i32
    %add3A_1731 = arith.constant 4 : i32
    %add3A_1732 = arith.addi %add3A_1730, %add3A_1731 : i32
    %dma_start3A_1733 = arith.constant 2 : i32
    %dma_start3A_1734 = arith.constant 2 : i32
    %dma_start3A_1735 = arith.constant 0 : i32
    %dma_start3A_1736 = arith.constant 0 : i32
    %dma_start3A_1737 = tpu.memref_slice %arg5[%dma_start3A_1733, %dma_start3A_1735, %dma_start3A_1736] : memref<4x160x128xf32, #tpu.memory_space<vmem>> -> memref<1x160x128xf32, #tpu.memory_space<vmem>>
    %dma_start3A_1738 = tpu.memref_squeeze %dma_start3A_1737 : memref<1x160x128xf32, #tpu.memory_space<vmem>> -> memref<160x128xf32, #tpu.memory_space<vmem>>
    %dma_start3A_1739 = arith.constant 80 : i32
    %dma_start3A_1740 = arith.constant 0 : i32
    %dma_start3A_1741 = tpu.memref_slice %dma_start3A_1738[%dma_start3A_1739, %dma_start3A_1740] : memref<160x128xf32, #tpu.memory_space<vmem>> -> memref<20x64xf32, #tpu.memory_space<vmem>>
    %dma_start3A_1742 = arith.constant 0 : i32
    %dma_start3A_1743 = arith.constant 0 : i32
    %dma_start3A_1744 = tpu.memref_slice %arg4[%add3A_1732, %dma_start3A_1742, %dma_start3A_1743] : memref<16384x24x128xf32, #tpu.memory_space<hbm>> -> memref<1x24x128xf32, #tpu.memory_space<hbm>>
    %dma_start3A_1745 = tpu.memref_squeeze %dma_start3A_1744 : memref<1x24x128xf32, #tpu.memory_space<hbm>> -> memref<24x128xf32, #tpu.memory_space<hbm>>
    %dma_start3A_1746 = arith.constant 0 : i32
    %dma_start3A_1747 = arith.constant 0 : i32
    %dma_start3A_1748 = tpu.memref_slice %dma_start3A_1745[%dma_start3A_1746, %dma_start3A_1747] : memref<24x128xf32, #tpu.memory_space<hbm>> -> memref<20x64xf32, #tpu.memory_space<hbm>>
    %dma_start3A_1749 = tpu.memref_slice %arg9[%dma_start3A_1734] : memref<4x!tpu.dma_semaphore, #tpu.memory_space<semaphore_mem>> -> memref<1x!tpu.dma_semaphore, #tpu.memory_space<semaphore_mem>>
    %dma_start3A_1750 = tpu.memref_squeeze %dma_start3A_1749 : memref<1x!tpu.dma_semaphore, #tpu.memory_space<semaphore_mem>> -> memref<!tpu.dma_semaphore, #tpu.memory_space<semaphore_mem>>
    %dma_start3A_1751 = arith.constant 0 : i32
    %dma_start3A_1752 = arith.constant 0 : i32
    %dma_start3A_1753 = tpu.memref_slice %arg4[%add3A_1732, %dma_start3A_1751, %dma_start3A_1752] : memref<16384x24x128xf32, #tpu.memory_space<hbm>> -> memref<1x24x128xf32, #tpu.memory_space<hbm>>
    %dma_start3A_1754 = tpu.memref_squeeze %dma_start3A_1753 : memref<1x24x128xf32, #tpu.memory_space<hbm>> -> memref<24x128xf32, #tpu.memory_space<hbm>>
    %dma_start3A_1755 = arith.constant 0 : i32
    %dma_start3A_1756 = arith.constant 0 : i32
    %dma_start3A_1757 = tpu.memref_slice %dma_start3A_1754[%dma_start3A_1755, %dma_start3A_1756] : memref<24x128xf32, #tpu.memory_space<hbm>> -> memref<20x64xf32, #tpu.memory_space<hbm>>
    %dma_start3A_1758 = arith.constant 0 : i32
    %dma_start3A_1759 = arith.constant 0 : i32
    %dma_start3A_1760 = tpu.memref_slice %arg5[%dma_start3A_1733, %dma_start3A_1758, %dma_start3A_1759] : memref<4x160x128xf32, #tpu.memory_space<vmem>> -> memref<1x160x128xf32, #tpu.memory_space<vmem>>
    %dma_start3A_1761 = tpu.memref_squeeze %dma_start3A_1760 : memref<1x160x128xf32, #tpu.memory_space<vmem>> -> memref<160x128xf32, #tpu.memory_space<vmem>>
    %dma_start3A_1762 = arith.constant 80 : i32
    %dma_start3A_1763 = arith.constant 0 : i32
    %dma_start3A_1764 = tpu.memref_slice %dma_start3A_1761[%dma_start3A_1762, %dma_start3A_1763] : memref<160x128xf32, #tpu.memory_space<vmem>> -> memref<20x64xf32, #tpu.memory_space<vmem>>
    tpu.enqueue_dma source(%dma_start3A_1764 : memref<20x64xf32, #tpu.memory_space<vmem>>) target(%dma_start3A_1757 : memref<20x64xf32, #tpu.memory_space<hbm>>) target_semaphore(%dma_start3A_1750 : memref<!tpu.dma_semaphore, #tpu.memory_space<semaphore_mem>>)
    %add3A_1765 = arith.constant 496 : i32
    %add3A_1766 = arith.addi %mul3A_2, %add3A_1765 : i32
    %add3A_1767 = arith.constant 5 : i32
    %add3A_1768 = arith.addi %add3A_1766, %add3A_1767 : i32
    %dma_start3A_1769 = arith.constant 2 : i32
    %dma_start3A_1770 = arith.constant 2 : i32
    %dma_start3A_1771 = arith.constant 0 : i32
    %dma_start3A_1772 = arith.constant 0 : i32
    %dma_start3A_1773 = tpu.memref_slice %arg5[%dma_start3A_1769, %dma_start3A_1771, %dma_start3A_1772] : memref<4x160x128xf32, #tpu.memory_space<vmem>> -> memref<1x160x128xf32, #tpu.memory_space<vmem>>
    %dma_start3A_1774 = tpu.memref_squeeze %dma_start3A_1773 : memref<1x160x128xf32, #tpu.memory_space<vmem>> -> memref<160x128xf32, #tpu.memory_space<vmem>>
    %dma_start3A_1775 = arith.constant 100 : i32
    %dma_start3A_1776 = arith.constant 0 : i32
    %dma_start3A_1777 = tpu.memref_slice %dma_start3A_1774[%dma_start3A_1775, %dma_start3A_1776] : memref<160x128xf32, #tpu.memory_space<vmem>> -> memref<20x64xf32, #tpu.memory_space<vmem>>
    %dma_start3A_1778 = arith.constant 0 : i32
    %dma_start3A_1779 = arith.constant 0 : i32
    %dma_start3A_1780 = tpu.memref_slice %arg4[%add3A_1768, %dma_start3A_1778, %dma_start3A_1779] : memref<16384x24x128xf32, #tpu.memory_space<hbm>> -> memref<1x24x128xf32, #tpu.memory_space<hbm>>
    %dma_start3A_1781 = tpu.memref_squeeze %dma_start3A_1780 : memref<1x24x128xf32, #tpu.memory_space<hbm>> -> memref<24x128xf32, #tpu.memory_space<hbm>>
    %dma_start3A_1782 = arith.constant 0 : i32
    %dma_start3A_1783 = arith.constant 0 : i32
    %dma_start3A_1784 = tpu.memref_slice %dma_start3A_1781[%dma_start3A_1782, %dma_start3A_1783] : memref<24x128xf32, #tpu.memory_space<hbm>> -> memref<20x64xf32, #tpu.memory_space<hbm>>
    %dma_start3A_1785 = tpu.memref_slice %arg9[%dma_start3A_1770] : memref<4x!tpu.dma_semaphore, #tpu.memory_space<semaphore_mem>> -> memref<1x!tpu.dma_semaphore, #tpu.memory_space<semaphore_mem>>
    %dma_start3A_1786 = tpu.memref_squeeze %dma_start3A_1785 : memref<1x!tpu.dma_semaphore, #tpu.memory_space<semaphore_mem>> -> memref<!tpu.dma_semaphore, #tpu.memory_space<semaphore_mem>>
    %dma_start3A_1787 = arith.constant 0 : i32
    %dma_start3A_1788 = arith.constant 0 : i32
    %dma_start3A_1789 = tpu.memref_slice %arg4[%add3A_1768, %dma_start3A_1787, %dma_start3A_1788] : memref<16384x24x128xf32, #tpu.memory_space<hbm>> -> memref<1x24x128xf32, #tpu.memory_space<hbm>>
    %dma_start3A_1790 = tpu.memref_squeeze %dma_start3A_1789 : memref<1x24x128xf32, #tpu.memory_space<hbm>> -> memref<24x128xf32, #tpu.memory_space<hbm>>
    %dma_start3A_1791 = arith.constant 0 : i32
    %dma_start3A_1792 = arith.constant 0 : i32
    %dma_start3A_1793 = tpu.memref_slice %dma_start3A_1790[%dma_start3A_1791, %dma_start3A_1792] : memref<24x128xf32, #tpu.memory_space<hbm>> -> memref<20x64xf32, #tpu.memory_space<hbm>>
    %dma_start3A_1794 = arith.constant 0 : i32
    %dma_start3A_1795 = arith.constant 0 : i32
    %dma_start3A_1796 = tpu.memref_slice %arg5[%dma_start3A_1769, %dma_start3A_1794, %dma_start3A_1795] : memref<4x160x128xf32, #tpu.memory_space<vmem>> -> memref<1x160x128xf32, #tpu.memory_space<vmem>>
    %dma_start3A_1797 = tpu.memref_squeeze %dma_start3A_1796 : memref<1x160x128xf32, #tpu.memory_space<vmem>> -> memref<160x128xf32, #tpu.memory_space<vmem>>
    %dma_start3A_1798 = arith.constant 100 : i32
    %dma_start3A_1799 = arith.constant 0 : i32
    %dma_start3A_1800 = tpu.memref_slice %dma_start3A_1797[%dma_start3A_1798, %dma_start3A_1799] : memref<160x128xf32, #tpu.memory_space<vmem>> -> memref<20x64xf32, #tpu.memory_space<vmem>>
    tpu.enqueue_dma source(%dma_start3A_1800 : memref<20x64xf32, #tpu.memory_space<vmem>>) target(%dma_start3A_1793 : memref<20x64xf32, #tpu.memory_space<hbm>>) target_semaphore(%dma_start3A_1786 : memref<!tpu.dma_semaphore, #tpu.memory_space<semaphore_mem>>)
    %add3A_1801 = arith.constant 496 : i32
    %add3A_1802 = arith.addi %mul3A_2, %add3A_1801 : i32
    %add3A_1803 = arith.constant 6 : i32
    %add3A_1804 = arith.addi %add3A_1802, %add3A_1803 : i32
    %dma_start3A_1805 = arith.constant 2 : i32
    %dma_start3A_1806 = arith.constant 2 : i32
    %dma_start3A_1807 = arith.constant 0 : i32
    %dma_start3A_1808 = arith.constant 0 : i32
    %dma_start3A_1809 = tpu.memref_slice %arg5[%dma_start3A_1805, %dma_start3A_1807, %dma_start3A_1808] : memref<4x160x128xf32, #tpu.memory_space<vmem>> -> memref<1x160x128xf32, #tpu.memory_space<vmem>>
    %dma_start3A_1810 = tpu.memref_squeeze %dma_start3A_1809 : memref<1x160x128xf32, #tpu.memory_space<vmem>> -> memref<160x128xf32, #tpu.memory_space<vmem>>
    %dma_start3A_1811 = arith.constant 120 : i32
    %dma_start3A_1812 = arith.constant 0 : i32
    %dma_start3A_1813 = tpu.memref_slice %dma_start3A_1810[%dma_start3A_1811, %dma_start3A_1812] : memref<160x128xf32, #tpu.memory_space<vmem>> -> memref<20x64xf32, #tpu.memory_space<vmem>>
    %dma_start3A_1814 = arith.constant 0 : i32
    %dma_start3A_1815 = arith.constant 0 : i32
    %dma_start3A_1816 = tpu.memref_slice %arg4[%add3A_1804, %dma_start3A_1814, %dma_start3A_1815] : memref<16384x24x128xf32, #tpu.memory_space<hbm>> -> memref<1x24x128xf32, #tpu.memory_space<hbm>>
    %dma_start3A_1817 = tpu.memref_squeeze %dma_start3A_1816 : memref<1x24x128xf32, #tpu.memory_space<hbm>> -> memref<24x128xf32, #tpu.memory_space<hbm>>
    %dma_start3A_1818 = arith.constant 0 : i32
    %dma_start3A_1819 = arith.constant 0 : i32
    %dma_start3A_1820 = tpu.memref_slice %dma_start3A_1817[%dma_start3A_1818, %dma_start3A_1819] : memref<24x128xf32, #tpu.memory_space<hbm>> -> memref<20x64xf32, #tpu.memory_space<hbm>>
    %dma_start3A_1821 = tpu.memref_slice %arg9[%dma_start3A_1806] : memref<4x!tpu.dma_semaphore, #tpu.memory_space<semaphore_mem>> -> memref<1x!tpu.dma_semaphore, #tpu.memory_space<semaphore_mem>>
    %dma_start3A_1822 = tpu.memref_squeeze %dma_start3A_1821 : memref<1x!tpu.dma_semaphore, #tpu.memory_space<semaphore_mem>> -> memref<!tpu.dma_semaphore, #tpu.memory_space<semaphore_mem>>
    %dma_start3A_1823 = arith.constant 0 : i32
    %dma_start3A_1824 = arith.constant 0 : i32
    %dma_start3A_1825 = tpu.memref_slice %arg4[%add3A_1804, %dma_start3A_1823, %dma_start3A_1824] : memref<16384x24x128xf32, #tpu.memory_space<hbm>> -> memref<1x24x128xf32, #tpu.memory_space<hbm>>
    %dma_start3A_1826 = tpu.memref_squeeze %dma_start3A_1825 : memref<1x24x128xf32, #tpu.memory_space<hbm>> -> memref<24x128xf32, #tpu.memory_space<hbm>>
    %dma_start3A_1827 = arith.constant 0 : i32
    %dma_start3A_1828 = arith.constant 0 : i32
    %dma_start3A_1829 = tpu.memref_slice %dma_start3A_1826[%dma_start3A_1827, %dma_start3A_1828] : memref<24x128xf32, #tpu.memory_space<hbm>> -> memref<20x64xf32, #tpu.memory_space<hbm>>
    %dma_start3A_1830 = arith.constant 0 : i32
    %dma_start3A_1831 = arith.constant 0 : i32
    %dma_start3A_1832 = tpu.memref_slice %arg5[%dma_start3A_1805, %dma_start3A_1830, %dma_start3A_1831] : memref<4x160x128xf32, #tpu.memory_space<vmem>> -> memref<1x160x128xf32, #tpu.memory_space<vmem>>
    %dma_start3A_1833 = tpu.memref_squeeze %dma_start3A_1832 : memref<1x160x128xf32, #tpu.memory_space<vmem>> -> memref<160x128xf32, #tpu.memory_space<vmem>>
    %dma_start3A_1834 = arith.constant 120 : i32
    %dma_start3A_1835 = arith.constant 0 : i32
    %dma_start3A_1836 = tpu.memref_slice %dma_start3A_1833[%dma_start3A_1834, %dma_start3A_1835] : memref<160x128xf32, #tpu.memory_space<vmem>> -> memref<20x64xf32, #tpu.memory_space<vmem>>
    tpu.enqueue_dma source(%dma_start3A_1836 : memref<20x64xf32, #tpu.memory_space<vmem>>) target(%dma_start3A_1829 : memref<20x64xf32, #tpu.memory_space<hbm>>) target_semaphore(%dma_start3A_1822 : memref<!tpu.dma_semaphore, #tpu.memory_space<semaphore_mem>>)
    %add3A_1837 = arith.constant 496 : i32
    %add3A_1838 = arith.addi %mul3A_2, %add3A_1837 : i32
    %add3A_1839 = arith.constant 7 : i32
    %add3A_1840 = arith.addi %add3A_1838, %add3A_1839 : i32
    %dma_start3A_1841 = arith.constant 2 : i32
    %dma_start3A_1842 = arith.constant 2 : i32
    %dma_start3A_1843 = arith.constant 0 : i32
    %dma_start3A_1844 = arith.constant 0 : i32
    %dma_start3A_1845 = tpu.memref_slice %arg5[%dma_start3A_1841, %dma_start3A_1843, %dma_start3A_1844] : memref<4x160x128xf32, #tpu.memory_space<vmem>> -> memref<1x160x128xf32, #tpu.memory_space<vmem>>
    %dma_start3A_1846 = tpu.memref_squeeze %dma_start3A_1845 : memref<1x160x128xf32, #tpu.memory_space<vmem>> -> memref<160x128xf32, #tpu.memory_space<vmem>>
    %dma_start3A_1847 = arith.constant 140 : i32
    %dma_start3A_1848 = arith.constant 0 : i32
    %dma_start3A_1849 = tpu.memref_slice %dma_start3A_1846[%dma_start3A_1847, %dma_start3A_1848] : memref<160x128xf32, #tpu.memory_space<vmem>> -> memref<20x64xf32, #tpu.memory_space<vmem>>
    %dma_start3A_1850 = arith.constant 0 : i32
    %dma_start3A_1851 = arith.constant 0 : i32
    %dma_start3A_1852 = tpu.memref_slice %arg4[%add3A_1840, %dma_start3A_1850, %dma_start3A_1851] : memref<16384x24x128xf32, #tpu.memory_space<hbm>> -> memref<1x24x128xf32, #tpu.memory_space<hbm>>
    %dma_start3A_1853 = tpu.memref_squeeze %dma_start3A_1852 : memref<1x24x128xf32, #tpu.memory_space<hbm>> -> memref<24x128xf32, #tpu.memory_space<hbm>>
    %dma_start3A_1854 = arith.constant 0 : i32
    %dma_start3A_1855 = arith.constant 0 : i32
    %dma_start3A_1856 = tpu.memref_slice %dma_start3A_1853[%dma_start3A_1854, %dma_start3A_1855] : memref<24x128xf32, #tpu.memory_space<hbm>> -> memref<20x64xf32, #tpu.memory_space<hbm>>
    %dma_start3A_1857 = tpu.memref_slice %arg9[%dma_start3A_1842] : memref<4x!tpu.dma_semaphore, #tpu.memory_space<semaphore_mem>> -> memref<1x!tpu.dma_semaphore, #tpu.memory_space<semaphore_mem>>
    %dma_start3A_1858 = tpu.memref_squeeze %dma_start3A_1857 : memref<1x!tpu.dma_semaphore, #tpu.memory_space<semaphore_mem>> -> memref<!tpu.dma_semaphore, #tpu.memory_space<semaphore_mem>>
    %dma_start3A_1859 = arith.constant 0 : i32
    %dma_start3A_1860 = arith.constant 0 : i32
    %dma_start3A_1861 = tpu.memref_slice %arg4[%add3A_1840, %dma_start3A_1859, %dma_start3A_1860] : memref<16384x24x128xf32, #tpu.memory_space<hbm>> -> memref<1x24x128xf32, #tpu.memory_space<hbm>>
    %dma_start3A_1862 = tpu.memref_squeeze %dma_start3A_1861 : memref<1x24x128xf32, #tpu.memory_space<hbm>> -> memref<24x128xf32, #tpu.memory_space<hbm>>
    %dma_start3A_1863 = arith.constant 0 : i32
    %dma_start3A_1864 = arith.constant 0 : i32
    %dma_start3A_1865 = tpu.memref_slice %dma_start3A_1862[%dma_start3A_1863, %dma_start3A_1864] : memref<24x128xf32, #tpu.memory_space<hbm>> -> memref<20x64xf32, #tpu.memory_space<hbm>>
    %dma_start3A_1866 = arith.constant 0 : i32
    %dma_start3A_1867 = arith.constant 0 : i32
    %dma_start3A_1868 = tpu.memref_slice %arg5[%dma_start3A_1841, %dma_start3A_1866, %dma_start3A_1867] : memref<4x160x128xf32, #tpu.memory_space<vmem>> -> memref<1x160x128xf32, #tpu.memory_space<vmem>>
    %dma_start3A_1869 = tpu.memref_squeeze %dma_start3A_1868 : memref<1x160x128xf32, #tpu.memory_space<vmem>> -> memref<160x128xf32, #tpu.memory_space<vmem>>
    %dma_start3A_1870 = arith.constant 140 : i32
    %dma_start3A_1871 = arith.constant 0 : i32
    %dma_start3A_1872 = tpu.memref_slice %dma_start3A_1869[%dma_start3A_1870, %dma_start3A_1871] : memref<160x128xf32, #tpu.memory_space<vmem>> -> memref<20x64xf32, #tpu.memory_space<vmem>>
    tpu.enqueue_dma source(%dma_start3A_1872 : memref<20x64xf32, #tpu.memory_space<vmem>>) target(%dma_start3A_1865 : memref<20x64xf32, #tpu.memory_space<hbm>>) target_semaphore(%dma_start3A_1858 : memref<!tpu.dma_semaphore, #tpu.memory_space<semaphore_mem>>)
    %dma_wait3A_1873 = arith.constant 3 : i32
    %dma_wait3A_1874 = arith.constant 3 : i32
    %dma_wait3A_1875 = arith.constant 3 : i32
    %dma_wait3A_1876 = arith.constant 0 : i32
    %dma_wait3A_1877 = arith.constant 0 : i32
    %dma_wait3A_1878 = tpu.memref_slice %arg5[%dma_wait3A_1874, %dma_wait3A_1876, %dma_wait3A_1877] : memref<4x160x128xf32, #tpu.memory_space<vmem>> -> memref<1x160x128xf32, #tpu.memory_space<vmem>>
    %dma_wait3A_1879 = tpu.memref_squeeze %dma_wait3A_1878 : memref<1x160x128xf32, #tpu.memory_space<vmem>> -> memref<160x128xf32, #tpu.memory_space<vmem>>
    %dma_wait3A_1880 = arith.constant 0 : i32
    %dma_wait3A_1881 = tpu.memref_slice %arg7[%dma_wait3A_1873, %dma_wait3A_1880] : memref<4x160xi32, #tpu.memory_space<vmem>> -> memref<1x160xi32, #tpu.memory_space<vmem>>
    %dma_wait3A_1882 = tpu.memref_squeeze %dma_wait3A_1881 : memref<1x160xi32, #tpu.memory_space<vmem>> -> memref<160xi32, #tpu.memory_space<vmem>>
    %dma_wait3A_1883 = arith.constant 0 : i32
    %dma_wait3A_1884 = arith.constant 0 : i32
    %dma_wait3A_1885 = tpu.memref_slice %arg3[%dma_wait3A_1883, %dma_wait3A_1884] : memref<1000000x128xf32, #tpu.memory_space<hbm>> -> memref<1000000x128xf32, #tpu.memory_space<hbm>>
    %dma_wait3A_1886 = tpu.memref_slice %arg6[%dma_wait3A_1875] : memref<4x!tpu.dma_semaphore, #tpu.memory_space<semaphore_mem>> -> memref<1x!tpu.dma_semaphore, #tpu.memory_space<semaphore_mem>>
    %dma_wait3A_1887 = tpu.memref_squeeze %dma_wait3A_1886 : memref<1x!tpu.dma_semaphore, #tpu.memory_space<semaphore_mem>> -> memref<!tpu.dma_semaphore, #tpu.memory_space<semaphore_mem>>
    tpu.wait_indirect_dma semaphore(%dma_wait3A_1887 : memref<!tpu.dma_semaphore, #tpu.memory_space<semaphore_mem>>) src(%dma_wait3A_1885 : memref<1000000x128xf32, #tpu.memory_space<hbm>>) dst(%dma_wait3A_1879 : memref<160x128xf32, #tpu.memory_space<vmem>>)
    %add3A_1888 = arith.constant 504 : i32
    %add3A_1889 = arith.addi %mul3A_2, %add3A_1888 : i32
    %add3A_1890 = arith.constant 0 : i32
    %add3A_1891 = arith.addi %add3A_1889, %add3A_1890 : i32
    %dma_start3A_1892 = arith.constant 3 : i32
    %dma_start3A_1893 = arith.constant 3 : i32
    %dma_start3A_1894 = arith.constant 0 : i32
    %dma_start3A_1895 = arith.constant 0 : i32
    %dma_start3A_1896 = tpu.memref_slice %arg5[%dma_start3A_1892, %dma_start3A_1894, %dma_start3A_1895] : memref<4x160x128xf32, #tpu.memory_space<vmem>> -> memref<1x160x128xf32, #tpu.memory_space<vmem>>
    %dma_start3A_1897 = tpu.memref_squeeze %dma_start3A_1896 : memref<1x160x128xf32, #tpu.memory_space<vmem>> -> memref<160x128xf32, #tpu.memory_space<vmem>>
    %dma_start3A_1898 = arith.constant 0 : i32
    %dma_start3A_1899 = arith.constant 0 : i32
    %dma_start3A_1900 = tpu.memref_slice %dma_start3A_1897[%dma_start3A_1898, %dma_start3A_1899] : memref<160x128xf32, #tpu.memory_space<vmem>> -> memref<20x64xf32, #tpu.memory_space<vmem>>
    %dma_start3A_1901 = arith.constant 0 : i32
    %dma_start3A_1902 = arith.constant 0 : i32
    %dma_start3A_1903 = tpu.memref_slice %arg4[%add3A_1891, %dma_start3A_1901, %dma_start3A_1902] : memref<16384x24x128xf32, #tpu.memory_space<hbm>> -> memref<1x24x128xf32, #tpu.memory_space<hbm>>
    %dma_start3A_1904 = tpu.memref_squeeze %dma_start3A_1903 : memref<1x24x128xf32, #tpu.memory_space<hbm>> -> memref<24x128xf32, #tpu.memory_space<hbm>>
    %dma_start3A_1905 = arith.constant 0 : i32
    %dma_start3A_1906 = arith.constant 0 : i32
    %dma_start3A_1907 = tpu.memref_slice %dma_start3A_1904[%dma_start3A_1905, %dma_start3A_1906] : memref<24x128xf32, #tpu.memory_space<hbm>> -> memref<20x64xf32, #tpu.memory_space<hbm>>
    %dma_start3A_1908 = tpu.memref_slice %arg9[%dma_start3A_1893] : memref<4x!tpu.dma_semaphore, #tpu.memory_space<semaphore_mem>> -> memref<1x!tpu.dma_semaphore, #tpu.memory_space<semaphore_mem>>
    %dma_start3A_1909 = tpu.memref_squeeze %dma_start3A_1908 : memref<1x!tpu.dma_semaphore, #tpu.memory_space<semaphore_mem>> -> memref<!tpu.dma_semaphore, #tpu.memory_space<semaphore_mem>>
    %dma_start3A_1910 = arith.constant 0 : i32
    %dma_start3A_1911 = arith.constant 0 : i32
    %dma_start3A_1912 = tpu.memref_slice %arg4[%add3A_1891, %dma_start3A_1910, %dma_start3A_1911] : memref<16384x24x128xf32, #tpu.memory_space<hbm>> -> memref<1x24x128xf32, #tpu.memory_space<hbm>>
    %dma_start3A_1913 = tpu.memref_squeeze %dma_start3A_1912 : memref<1x24x128xf32, #tpu.memory_space<hbm>> -> memref<24x128xf32, #tpu.memory_space<hbm>>
    %dma_start3A_1914 = arith.constant 0 : i32
    %dma_start3A_1915 = arith.constant 0 : i32
    %dma_start3A_1916 = tpu.memref_slice %dma_start3A_1913[%dma_start3A_1914, %dma_start3A_1915] : memref<24x128xf32, #tpu.memory_space<hbm>> -> memref<20x64xf32, #tpu.memory_space<hbm>>
    %dma_start3A_1917 = arith.constant 0 : i32
    %dma_start3A_1918 = arith.constant 0 : i32
    %dma_start3A_1919 = tpu.memref_slice %arg5[%dma_start3A_1892, %dma_start3A_1917, %dma_start3A_1918] : memref<4x160x128xf32, #tpu.memory_space<vmem>> -> memref<1x160x128xf32, #tpu.memory_space<vmem>>
    %dma_start3A_1920 = tpu.memref_squeeze %dma_start3A_1919 : memref<1x160x128xf32, #tpu.memory_space<vmem>> -> memref<160x128xf32, #tpu.memory_space<vmem>>
    %dma_start3A_1921 = arith.constant 0 : i32
    %dma_start3A_1922 = arith.constant 0 : i32
    %dma_start3A_1923 = tpu.memref_slice %dma_start3A_1920[%dma_start3A_1921, %dma_start3A_1922] : memref<160x128xf32, #tpu.memory_space<vmem>> -> memref<20x64xf32, #tpu.memory_space<vmem>>
    tpu.enqueue_dma source(%dma_start3A_1923 : memref<20x64xf32, #tpu.memory_space<vmem>>) target(%dma_start3A_1916 : memref<20x64xf32, #tpu.memory_space<hbm>>) target_semaphore(%dma_start3A_1909 : memref<!tpu.dma_semaphore, #tpu.memory_space<semaphore_mem>>)
    %add3A_1924 = arith.constant 504 : i32
    %add3A_1925 = arith.addi %mul3A_2, %add3A_1924 : i32
    %add3A_1926 = arith.constant 1 : i32
    %add3A_1927 = arith.addi %add3A_1925, %add3A_1926 : i32
    %dma_start3A_1928 = arith.constant 3 : i32
    %dma_start3A_1929 = arith.constant 3 : i32
    %dma_start3A_1930 = arith.constant 0 : i32
    %dma_start3A_1931 = arith.constant 0 : i32
    %dma_start3A_1932 = tpu.memref_slice %arg5[%dma_start3A_1928, %dma_start3A_1930, %dma_start3A_1931] : memref<4x160x128xf32, #tpu.memory_space<vmem>> -> memref<1x160x128xf32, #tpu.memory_space<vmem>>
    %dma_start3A_1933 = tpu.memref_squeeze %dma_start3A_1932 : memref<1x160x128xf32, #tpu.memory_space<vmem>> -> memref<160x128xf32, #tpu.memory_space<vmem>>
    %dma_start3A_1934 = arith.constant 20 : i32
    %dma_start3A_1935 = arith.constant 0 : i32
    %dma_start3A_1936 = tpu.memref_slice %dma_start3A_1933[%dma_start3A_1934, %dma_start3A_1935] : memref<160x128xf32, #tpu.memory_space<vmem>> -> memref<20x64xf32, #tpu.memory_space<vmem>>
    %dma_start3A_1937 = arith.constant 0 : i32
    %dma_start3A_1938 = arith.constant 0 : i32
    %dma_start3A_1939 = tpu.memref_slice %arg4[%add3A_1927, %dma_start3A_1937, %dma_start3A_1938] : memref<16384x24x128xf32, #tpu.memory_space<hbm>> -> memref<1x24x128xf32, #tpu.memory_space<hbm>>
    %dma_start3A_1940 = tpu.memref_squeeze %dma_start3A_1939 : memref<1x24x128xf32, #tpu.memory_space<hbm>> -> memref<24x128xf32, #tpu.memory_space<hbm>>
    %dma_start3A_1941 = arith.constant 0 : i32
    %dma_start3A_1942 = arith.constant 0 : i32
    %dma_start3A_1943 = tpu.memref_slice %dma_start3A_1940[%dma_start3A_1941, %dma_start3A_1942] : memref<24x128xf32, #tpu.memory_space<hbm>> -> memref<20x64xf32, #tpu.memory_space<hbm>>
    %dma_start3A_1944 = tpu.memref_slice %arg9[%dma_start3A_1929] : memref<4x!tpu.dma_semaphore, #tpu.memory_space<semaphore_mem>> -> memref<1x!tpu.dma_semaphore, #tpu.memory_space<semaphore_mem>>
    %dma_start3A_1945 = tpu.memref_squeeze %dma_start3A_1944 : memref<1x!tpu.dma_semaphore, #tpu.memory_space<semaphore_mem>> -> memref<!tpu.dma_semaphore, #tpu.memory_space<semaphore_mem>>
    %dma_start3A_1946 = arith.constant 0 : i32
    %dma_start3A_1947 = arith.constant 0 : i32
    %dma_start3A_1948 = tpu.memref_slice %arg4[%add3A_1927, %dma_start3A_1946, %dma_start3A_1947] : memref<16384x24x128xf32, #tpu.memory_space<hbm>> -> memref<1x24x128xf32, #tpu.memory_space<hbm>>
    %dma_start3A_1949 = tpu.memref_squeeze %dma_start3A_1948 : memref<1x24x128xf32, #tpu.memory_space<hbm>> -> memref<24x128xf32, #tpu.memory_space<hbm>>
    %dma_start3A_1950 = arith.constant 0 : i32
    %dma_start3A_1951 = arith.constant 0 : i32
    %dma_start3A_1952 = tpu.memref_slice %dma_start3A_1949[%dma_start3A_1950, %dma_start3A_1951] : memref<24x128xf32, #tpu.memory_space<hbm>> -> memref<20x64xf32, #tpu.memory_space<hbm>>
    %dma_start3A_1953 = arith.constant 0 : i32
    %dma_start3A_1954 = arith.constant 0 : i32
    %dma_start3A_1955 = tpu.memref_slice %arg5[%dma_start3A_1928, %dma_start3A_1953, %dma_start3A_1954] : memref<4x160x128xf32, #tpu.memory_space<vmem>> -> memref<1x160x128xf32, #tpu.memory_space<vmem>>
    %dma_start3A_1956 = tpu.memref_squeeze %dma_start3A_1955 : memref<1x160x128xf32, #tpu.memory_space<vmem>> -> memref<160x128xf32, #tpu.memory_space<vmem>>
    %dma_start3A_1957 = arith.constant 20 : i32
    %dma_start3A_1958 = arith.constant 0 : i32
    %dma_start3A_1959 = tpu.memref_slice %dma_start3A_1956[%dma_start3A_1957, %dma_start3A_1958] : memref<160x128xf32, #tpu.memory_space<vmem>> -> memref<20x64xf32, #tpu.memory_space<vmem>>
    tpu.enqueue_dma source(%dma_start3A_1959 : memref<20x64xf32, #tpu.memory_space<vmem>>) target(%dma_start3A_1952 : memref<20x64xf32, #tpu.memory_space<hbm>>) target_semaphore(%dma_start3A_1945 : memref<!tpu.dma_semaphore, #tpu.memory_space<semaphore_mem>>)
    %add3A_1960 = arith.constant 504 : i32
    %add3A_1961 = arith.addi %mul3A_2, %add3A_1960 : i32
    %add3A_1962 = arith.constant 2 : i32
    %add3A_1963 = arith.addi %add3A_1961, %add3A_1962 : i32
    %dma_start3A_1964 = arith.constant 3 : i32
    %dma_start3A_1965 = arith.constant 3 : i32
    %dma_start3A_1966 = arith.constant 0 : i32
    %dma_start3A_1967 = arith.constant 0 : i32
    %dma_start3A_1968 = tpu.memref_slice %arg5[%dma_start3A_1964, %dma_start3A_1966, %dma_start3A_1967] : memref<4x160x128xf32, #tpu.memory_space<vmem>> -> memref<1x160x128xf32, #tpu.memory_space<vmem>>
    %dma_start3A_1969 = tpu.memref_squeeze %dma_start3A_1968 : memref<1x160x128xf32, #tpu.memory_space<vmem>> -> memref<160x128xf32, #tpu.memory_space<vmem>>
    %dma_start3A_1970 = arith.constant 40 : i32
    %dma_start3A_1971 = arith.constant 0 : i32
    %dma_start3A_1972 = tpu.memref_slice %dma_start3A_1969[%dma_start3A_1970, %dma_start3A_1971] : memref<160x128xf32, #tpu.memory_space<vmem>> -> memref<20x64xf32, #tpu.memory_space<vmem>>
    %dma_start3A_1973 = arith.constant 0 : i32
    %dma_start3A_1974 = arith.constant 0 : i32
    %dma_start3A_1975 = tpu.memref_slice %arg4[%add3A_1963, %dma_start3A_1973, %dma_start3A_1974] : memref<16384x24x128xf32, #tpu.memory_space<hbm>> -> memref<1x24x128xf32, #tpu.memory_space<hbm>>
    %dma_start3A_1976 = tpu.memref_squeeze %dma_start3A_1975 : memref<1x24x128xf32, #tpu.memory_space<hbm>> -> memref<24x128xf32, #tpu.memory_space<hbm>>
    %dma_start3A_1977 = arith.constant 0 : i32
    %dma_start3A_1978 = arith.constant 0 : i32
    %dma_start3A_1979 = tpu.memref_slice %dma_start3A_1976[%dma_start3A_1977, %dma_start3A_1978] : memref<24x128xf32, #tpu.memory_space<hbm>> -> memref<20x64xf32, #tpu.memory_space<hbm>>
    %dma_start3A_1980 = tpu.memref_slice %arg9[%dma_start3A_1965] : memref<4x!tpu.dma_semaphore, #tpu.memory_space<semaphore_mem>> -> memref<1x!tpu.dma_semaphore, #tpu.memory_space<semaphore_mem>>
    %dma_start3A_1981 = tpu.memref_squeeze %dma_start3A_1980 : memref<1x!tpu.dma_semaphore, #tpu.memory_space<semaphore_mem>> -> memref<!tpu.dma_semaphore, #tpu.memory_space<semaphore_mem>>
    %dma_start3A_1982 = arith.constant 0 : i32
    %dma_start3A_1983 = arith.constant 0 : i32
    %dma_start3A_1984 = tpu.memref_slice %arg4[%add3A_1963, %dma_start3A_1982, %dma_start3A_1983] : memref<16384x24x128xf32, #tpu.memory_space<hbm>> -> memref<1x24x128xf32, #tpu.memory_space<hbm>>
    %dma_start3A_1985 = tpu.memref_squeeze %dma_start3A_1984 : memref<1x24x128xf32, #tpu.memory_space<hbm>> -> memref<24x128xf32, #tpu.memory_space<hbm>>
    %dma_start3A_1986 = arith.constant 0 : i32
    %dma_start3A_1987 = arith.constant 0 : i32
    %dma_start3A_1988 = tpu.memref_slice %dma_start3A_1985[%dma_start3A_1986, %dma_start3A_1987] : memref<24x128xf32, #tpu.memory_space<hbm>> -> memref<20x64xf32, #tpu.memory_space<hbm>>
    %dma_start3A_1989 = arith.constant 0 : i32
    %dma_start3A_1990 = arith.constant 0 : i32
    %dma_start3A_1991 = tpu.memref_slice %arg5[%dma_start3A_1964, %dma_start3A_1989, %dma_start3A_1990] : memref<4x160x128xf32, #tpu.memory_space<vmem>> -> memref<1x160x128xf32, #tpu.memory_space<vmem>>
    %dma_start3A_1992 = tpu.memref_squeeze %dma_start3A_1991 : memref<1x160x128xf32, #tpu.memory_space<vmem>> -> memref<160x128xf32, #tpu.memory_space<vmem>>
    %dma_start3A_1993 = arith.constant 40 : i32
    %dma_start3A_1994 = arith.constant 0 : i32
    %dma_start3A_1995 = tpu.memref_slice %dma_start3A_1992[%dma_start3A_1993, %dma_start3A_1994] : memref<160x128xf32, #tpu.memory_space<vmem>> -> memref<20x64xf32, #tpu.memory_space<vmem>>
    tpu.enqueue_dma source(%dma_start3A_1995 : memref<20x64xf32, #tpu.memory_space<vmem>>) target(%dma_start3A_1988 : memref<20x64xf32, #tpu.memory_space<hbm>>) target_semaphore(%dma_start3A_1981 : memref<!tpu.dma_semaphore, #tpu.memory_space<semaphore_mem>>)
    %add3A_1996 = arith.constant 504 : i32
    %add3A_1997 = arith.addi %mul3A_2, %add3A_1996 : i32
    %add3A_1998 = arith.constant 3 : i32
    %add3A_1999 = arith.addi %add3A_1997, %add3A_1998 : i32
    %dma_start3A_2000 = arith.constant 3 : i32
    %dma_start3A_2001 = arith.constant 3 : i32
    %dma_start3A_2002 = arith.constant 0 : i32
    %dma_start3A_2003 = arith.constant 0 : i32
    %dma_start3A_2004 = tpu.memref_slice %arg5[%dma_start3A_2000, %dma_start3A_2002, %dma_start3A_2003] : memref<4x160x128xf32, #tpu.memory_space<vmem>> -> memref<1x160x128xf32, #tpu.memory_space<vmem>>
    %dma_start3A_2005 = tpu.memref_squeeze %dma_start3A_2004 : memref<1x160x128xf32, #tpu.memory_space<vmem>> -> memref<160x128xf32, #tpu.memory_space<vmem>>
    %dma_start3A_2006 = arith.constant 60 : i32
    %dma_start3A_2007 = arith.constant 0 : i32
    %dma_start3A_2008 = tpu.memref_slice %dma_start3A_2005[%dma_start3A_2006, %dma_start3A_2007] : memref<160x128xf32, #tpu.memory_space<vmem>> -> memref<20x64xf32, #tpu.memory_space<vmem>>
    %dma_start3A_2009 = arith.constant 0 : i32
    %dma_start3A_2010 = arith.constant 0 : i32
    %dma_start3A_2011 = tpu.memref_slice %arg4[%add3A_1999, %dma_start3A_2009, %dma_start3A_2010] : memref<16384x24x128xf32, #tpu.memory_space<hbm>> -> memref<1x24x128xf32, #tpu.memory_space<hbm>>
    %dma_start3A_2012 = tpu.memref_squeeze %dma_start3A_2011 : memref<1x24x128xf32, #tpu.memory_space<hbm>> -> memref<24x128xf32, #tpu.memory_space<hbm>>
    %dma_start3A_2013 = arith.constant 0 : i32
    %dma_start3A_2014 = arith.constant 0 : i32
    %dma_start3A_2015 = tpu.memref_slice %dma_start3A_2012[%dma_start3A_2013, %dma_start3A_2014] : memref<24x128xf32, #tpu.memory_space<hbm>> -> memref<20x64xf32, #tpu.memory_space<hbm>>
    %dma_start3A_2016 = tpu.memref_slice %arg9[%dma_start3A_2001] : memref<4x!tpu.dma_semaphore, #tpu.memory_space<semaphore_mem>> -> memref<1x!tpu.dma_semaphore, #tpu.memory_space<semaphore_mem>>
    %dma_start3A_2017 = tpu.memref_squeeze %dma_start3A_2016 : memref<1x!tpu.dma_semaphore, #tpu.memory_space<semaphore_mem>> -> memref<!tpu.dma_semaphore, #tpu.memory_space<semaphore_mem>>
    %dma_start3A_2018 = arith.constant 0 : i32
    %dma_start3A_2019 = arith.constant 0 : i32
    %dma_start3A_2020 = tpu.memref_slice %arg4[%add3A_1999, %dma_start3A_2018, %dma_start3A_2019] : memref<16384x24x128xf32, #tpu.memory_space<hbm>> -> memref<1x24x128xf32, #tpu.memory_space<hbm>>
    %dma_start3A_2021 = tpu.memref_squeeze %dma_start3A_2020 : memref<1x24x128xf32, #tpu.memory_space<hbm>> -> memref<24x128xf32, #tpu.memory_space<hbm>>
    %dma_start3A_2022 = arith.constant 0 : i32
    %dma_start3A_2023 = arith.constant 0 : i32
    %dma_start3A_2024 = tpu.memref_slice %dma_start3A_2021[%dma_start3A_2022, %dma_start3A_2023] : memref<24x128xf32, #tpu.memory_space<hbm>> -> memref<20x64xf32, #tpu.memory_space<hbm>>
    %dma_start3A_2025 = arith.constant 0 : i32
    %dma_start3A_2026 = arith.constant 0 : i32
    %dma_start3A_2027 = tpu.memref_slice %arg5[%dma_start3A_2000, %dma_start3A_2025, %dma_start3A_2026] : memref<4x160x128xf32, #tpu.memory_space<vmem>> -> memref<1x160x128xf32, #tpu.memory_space<vmem>>
    %dma_start3A_2028 = tpu.memref_squeeze %dma_start3A_2027 : memref<1x160x128xf32, #tpu.memory_space<vmem>> -> memref<160x128xf32, #tpu.memory_space<vmem>>
    %dma_start3A_2029 = arith.constant 60 : i32
    %dma_start3A_2030 = arith.constant 0 : i32
    %dma_start3A_2031 = tpu.memref_slice %dma_start3A_2028[%dma_start3A_2029, %dma_start3A_2030] : memref<160x128xf32, #tpu.memory_space<vmem>> -> memref<20x64xf32, #tpu.memory_space<vmem>>
    tpu.enqueue_dma source(%dma_start3A_2031 : memref<20x64xf32, #tpu.memory_space<vmem>>) target(%dma_start3A_2024 : memref<20x64xf32, #tpu.memory_space<hbm>>) target_semaphore(%dma_start3A_2017 : memref<!tpu.dma_semaphore, #tpu.memory_space<semaphore_mem>>)
    %add3A_2032 = arith.constant 504 : i32
    %add3A_2033 = arith.addi %mul3A_2, %add3A_2032 : i32
    %add3A_2034 = arith.constant 4 : i32
    %add3A_2035 = arith.addi %add3A_2033, %add3A_2034 : i32
    %dma_start3A_2036 = arith.constant 3 : i32
    %dma_start3A_2037 = arith.constant 3 : i32
    %dma_start3A_2038 = arith.constant 0 : i32
    %dma_start3A_2039 = arith.constant 0 : i32
    %dma_start3A_2040 = tpu.memref_slice %arg5[%dma_start3A_2036, %dma_start3A_2038, %dma_start3A_2039] : memref<4x160x128xf32, #tpu.memory_space<vmem>> -> memref<1x160x128xf32, #tpu.memory_space<vmem>>
    %dma_start3A_2041 = tpu.memref_squeeze %dma_start3A_2040 : memref<1x160x128xf32, #tpu.memory_space<vmem>> -> memref<160x128xf32, #tpu.memory_space<vmem>>
    %dma_start3A_2042 = arith.constant 80 : i32
    %dma_start3A_2043 = arith.constant 0 : i32
    %dma_start3A_2044 = tpu.memref_slice %dma_start3A_2041[%dma_start3A_2042, %dma_start3A_2043] : memref<160x128xf32, #tpu.memory_space<vmem>> -> memref<20x64xf32, #tpu.memory_space<vmem>>
    %dma_start3A_2045 = arith.constant 0 : i32
    %dma_start3A_2046 = arith.constant 0 : i32
    %dma_start3A_2047 = tpu.memref_slice %arg4[%add3A_2035, %dma_start3A_2045, %dma_start3A_2046] : memref<16384x24x128xf32, #tpu.memory_space<hbm>> -> memref<1x24x128xf32, #tpu.memory_space<hbm>>
    %dma_start3A_2048 = tpu.memref_squeeze %dma_start3A_2047 : memref<1x24x128xf32, #tpu.memory_space<hbm>> -> memref<24x128xf32, #tpu.memory_space<hbm>>
    %dma_start3A_2049 = arith.constant 0 : i32
    %dma_start3A_2050 = arith.constant 0 : i32
    %dma_start3A_2051 = tpu.memref_slice %dma_start3A_2048[%dma_start3A_2049, %dma_start3A_2050] : memref<24x128xf32, #tpu.memory_space<hbm>> -> memref<20x64xf32, #tpu.memory_space<hbm>>
    %dma_start3A_2052 = tpu.memref_slice %arg9[%dma_start3A_2037] : memref<4x!tpu.dma_semaphore, #tpu.memory_space<semaphore_mem>> -> memref<1x!tpu.dma_semaphore, #tpu.memory_space<semaphore_mem>>
    %dma_start3A_2053 = tpu.memref_squeeze %dma_start3A_2052 : memref<1x!tpu.dma_semaphore, #tpu.memory_space<semaphore_mem>> -> memref<!tpu.dma_semaphore, #tpu.memory_space<semaphore_mem>>
    %dma_start3A_2054 = arith.constant 0 : i32
    %dma_start3A_2055 = arith.constant 0 : i32
    %dma_start3A_2056 = tpu.memref_slice %arg4[%add3A_2035, %dma_start3A_2054, %dma_start3A_2055] : memref<16384x24x128xf32, #tpu.memory_space<hbm>> -> memref<1x24x128xf32, #tpu.memory_space<hbm>>
    %dma_start3A_2057 = tpu.memref_squeeze %dma_start3A_2056 : memref<1x24x128xf32, #tpu.memory_space<hbm>> -> memref<24x128xf32, #tpu.memory_space<hbm>>
    %dma_start3A_2058 = arith.constant 0 : i32
    %dma_start3A_2059 = arith.constant 0 : i32
    %dma_start3A_2060 = tpu.memref_slice %dma_start3A_2057[%dma_start3A_2058, %dma_start3A_2059] : memref<24x128xf32, #tpu.memory_space<hbm>> -> memref<20x64xf32, #tpu.memory_space<hbm>>
    %dma_start3A_2061 = arith.constant 0 : i32
    %dma_start3A_2062 = arith.constant 0 : i32
    %dma_start3A_2063 = tpu.memref_slice %arg5[%dma_start3A_2036, %dma_start3A_2061, %dma_start3A_2062] : memref<4x160x128xf32, #tpu.memory_space<vmem>> -> memref<1x160x128xf32, #tpu.memory_space<vmem>>
    %dma_start3A_2064 = tpu.memref_squeeze %dma_start3A_2063 : memref<1x160x128xf32, #tpu.memory_space<vmem>> -> memref<160x128xf32, #tpu.memory_space<vmem>>
    %dma_start3A_2065 = arith.constant 80 : i32
    %dma_start3A_2066 = arith.constant 0 : i32
    %dma_start3A_2067 = tpu.memref_slice %dma_start3A_2064[%dma_start3A_2065, %dma_start3A_2066] : memref<160x128xf32, #tpu.memory_space<vmem>> -> memref<20x64xf32, #tpu.memory_space<vmem>>
    tpu.enqueue_dma source(%dma_start3A_2067 : memref<20x64xf32, #tpu.memory_space<vmem>>) target(%dma_start3A_2060 : memref<20x64xf32, #tpu.memory_space<hbm>>) target_semaphore(%dma_start3A_2053 : memref<!tpu.dma_semaphore, #tpu.memory_space<semaphore_mem>>)
    %add3A_2068 = arith.constant 504 : i32
    %add3A_2069 = arith.addi %mul3A_2, %add3A_2068 : i32
    %add3A_2070 = arith.constant 5 : i32
    %add3A_2071 = arith.addi %add3A_2069, %add3A_2070 : i32
    %dma_start3A_2072 = arith.constant 3 : i32
    %dma_start3A_2073 = arith.constant 3 : i32
    %dma_start3A_2074 = arith.constant 0 : i32
    %dma_start3A_2075 = arith.constant 0 : i32
    %dma_start3A_2076 = tpu.memref_slice %arg5[%dma_start3A_2072, %dma_start3A_2074, %dma_start3A_2075] : memref<4x160x128xf32, #tpu.memory_space<vmem>> -> memref<1x160x128xf32, #tpu.memory_space<vmem>>
    %dma_start3A_2077 = tpu.memref_squeeze %dma_start3A_2076 : memref<1x160x128xf32, #tpu.memory_space<vmem>> -> memref<160x128xf32, #tpu.memory_space<vmem>>
    %dma_start3A_2078 = arith.constant 100 : i32
    %dma_start3A_2079 = arith.constant 0 : i32
    %dma_start3A_2080 = tpu.memref_slice %dma_start3A_2077[%dma_start3A_2078, %dma_start3A_2079] : memref<160x128xf32, #tpu.memory_space<vmem>> -> memref<20x64xf32, #tpu.memory_space<vmem>>
    %dma_start3A_2081 = arith.constant 0 : i32
    %dma_start3A_2082 = arith.constant 0 : i32
    %dma_start3A_2083 = tpu.memref_slice %arg4[%add3A_2071, %dma_start3A_2081, %dma_start3A_2082] : memref<16384x24x128xf32, #tpu.memory_space<hbm>> -> memref<1x24x128xf32, #tpu.memory_space<hbm>>
    %dma_start3A_2084 = tpu.memref_squeeze %dma_start3A_2083 : memref<1x24x128xf32, #tpu.memory_space<hbm>> -> memref<24x128xf32, #tpu.memory_space<hbm>>
    %dma_start3A_2085 = arith.constant 0 : i32
    %dma_start3A_2086 = arith.constant 0 : i32
    %dma_start3A_2087 = tpu.memref_slice %dma_start3A_2084[%dma_start3A_2085, %dma_start3A_2086] : memref<24x128xf32, #tpu.memory_space<hbm>> -> memref<20x64xf32, #tpu.memory_space<hbm>>
    %dma_start3A_2088 = tpu.memref_slice %arg9[%dma_start3A_2073] : memref<4x!tpu.dma_semaphore, #tpu.memory_space<semaphore_mem>> -> memref<1x!tpu.dma_semaphore, #tpu.memory_space<semaphore_mem>>
    %dma_start3A_2089 = tpu.memref_squeeze %dma_start3A_2088 : memref<1x!tpu.dma_semaphore, #tpu.memory_space<semaphore_mem>> -> memref<!tpu.dma_semaphore, #tpu.memory_space<semaphore_mem>>
    %dma_start3A_2090 = arith.constant 0 : i32
    %dma_start3A_2091 = arith.constant 0 : i32
    %dma_start3A_2092 = tpu.memref_slice %arg4[%add3A_2071, %dma_start3A_2090, %dma_start3A_2091] : memref<16384x24x128xf32, #tpu.memory_space<hbm>> -> memref<1x24x128xf32, #tpu.memory_space<hbm>>
    %dma_start3A_2093 = tpu.memref_squeeze %dma_start3A_2092 : memref<1x24x128xf32, #tpu.memory_space<hbm>> -> memref<24x128xf32, #tpu.memory_space<hbm>>
    %dma_start3A_2094 = arith.constant 0 : i32
    %dma_start3A_2095 = arith.constant 0 : i32
    %dma_start3A_2096 = tpu.memref_slice %dma_start3A_2093[%dma_start3A_2094, %dma_start3A_2095] : memref<24x128xf32, #tpu.memory_space<hbm>> -> memref<20x64xf32, #tpu.memory_space<hbm>>
    %dma_start3A_2097 = arith.constant 0 : i32
    %dma_start3A_2098 = arith.constant 0 : i32
    %dma_start3A_2099 = tpu.memref_slice %arg5[%dma_start3A_2072, %dma_start3A_2097, %dma_start3A_2098] : memref<4x160x128xf32, #tpu.memory_space<vmem>> -> memref<1x160x128xf32, #tpu.memory_space<vmem>>
    %dma_start3A_2100 = tpu.memref_squeeze %dma_start3A_2099 : memref<1x160x128xf32, #tpu.memory_space<vmem>> -> memref<160x128xf32, #tpu.memory_space<vmem>>
    %dma_start3A_2101 = arith.constant 100 : i32
    %dma_start3A_2102 = arith.constant 0 : i32
    %dma_start3A_2103 = tpu.memref_slice %dma_start3A_2100[%dma_start3A_2101, %dma_start3A_2102] : memref<160x128xf32, #tpu.memory_space<vmem>> -> memref<20x64xf32, #tpu.memory_space<vmem>>
    tpu.enqueue_dma source(%dma_start3A_2103 : memref<20x64xf32, #tpu.memory_space<vmem>>) target(%dma_start3A_2096 : memref<20x64xf32, #tpu.memory_space<hbm>>) target_semaphore(%dma_start3A_2089 : memref<!tpu.dma_semaphore, #tpu.memory_space<semaphore_mem>>)
    %add3A_2104 = arith.constant 504 : i32
    %add3A_2105 = arith.addi %mul3A_2, %add3A_2104 : i32
    %add3A_2106 = arith.constant 6 : i32
    %add3A_2107 = arith.addi %add3A_2105, %add3A_2106 : i32
    %dma_start3A_2108 = arith.constant 3 : i32
    %dma_start3A_2109 = arith.constant 3 : i32
    %dma_start3A_2110 = arith.constant 0 : i32
    %dma_start3A_2111 = arith.constant 0 : i32
    %dma_start3A_2112 = tpu.memref_slice %arg5[%dma_start3A_2108, %dma_start3A_2110, %dma_start3A_2111] : memref<4x160x128xf32, #tpu.memory_space<vmem>> -> memref<1x160x128xf32, #tpu.memory_space<vmem>>
    %dma_start3A_2113 = tpu.memref_squeeze %dma_start3A_2112 : memref<1x160x128xf32, #tpu.memory_space<vmem>> -> memref<160x128xf32, #tpu.memory_space<vmem>>
    %dma_start3A_2114 = arith.constant 120 : i32
    %dma_start3A_2115 = arith.constant 0 : i32
    %dma_start3A_2116 = tpu.memref_slice %dma_start3A_2113[%dma_start3A_2114, %dma_start3A_2115] : memref<160x128xf32, #tpu.memory_space<vmem>> -> memref<20x64xf32, #tpu.memory_space<vmem>>
    %dma_start3A_2117 = arith.constant 0 : i32
    %dma_start3A_2118 = arith.constant 0 : i32
    %dma_start3A_2119 = tpu.memref_slice %arg4[%add3A_2107, %dma_start3A_2117, %dma_start3A_2118] : memref<16384x24x128xf32, #tpu.memory_space<hbm>> -> memref<1x24x128xf32, #tpu.memory_space<hbm>>
    %dma_start3A_2120 = tpu.memref_squeeze %dma_start3A_2119 : memref<1x24x128xf32, #tpu.memory_space<hbm>> -> memref<24x128xf32, #tpu.memory_space<hbm>>
    %dma_start3A_2121 = arith.constant 0 : i32
    %dma_start3A_2122 = arith.constant 0 : i32
    %dma_start3A_2123 = tpu.memref_slice %dma_start3A_2120[%dma_start3A_2121, %dma_start3A_2122] : memref<24x128xf32, #tpu.memory_space<hbm>> -> memref<20x64xf32, #tpu.memory_space<hbm>>
    %dma_start3A_2124 = tpu.memref_slice %arg9[%dma_start3A_2109] : memref<4x!tpu.dma_semaphore, #tpu.memory_space<semaphore_mem>> -> memref<1x!tpu.dma_semaphore, #tpu.memory_space<semaphore_mem>>
    %dma_start3A_2125 = tpu.memref_squeeze %dma_start3A_2124 : memref<1x!tpu.dma_semaphore, #tpu.memory_space<semaphore_mem>> -> memref<!tpu.dma_semaphore, #tpu.memory_space<semaphore_mem>>
    %dma_start3A_2126 = arith.constant 0 : i32
    %dma_start3A_2127 = arith.constant 0 : i32
    %dma_start3A_2128 = tpu.memref_slice %arg4[%add3A_2107, %dma_start3A_2126, %dma_start3A_2127] : memref<16384x24x128xf32, #tpu.memory_space<hbm>> -> memref<1x24x128xf32, #tpu.memory_space<hbm>>
    %dma_start3A_2129 = tpu.memref_squeeze %dma_start3A_2128 : memref<1x24x128xf32, #tpu.memory_space<hbm>> -> memref<24x128xf32, #tpu.memory_space<hbm>>
    %dma_start3A_2130 = arith.constant 0 : i32
    %dma_start3A_2131 = arith.constant 0 : i32
    %dma_start3A_2132 = tpu.memref_slice %dma_start3A_2129[%dma_start3A_2130, %dma_start3A_2131] : memref<24x128xf32, #tpu.memory_space<hbm>> -> memref<20x64xf32, #tpu.memory_space<hbm>>
    %dma_start3A_2133 = arith.constant 0 : i32
    %dma_start3A_2134 = arith.constant 0 : i32
    %dma_start3A_2135 = tpu.memref_slice %arg5[%dma_start3A_2108, %dma_start3A_2133, %dma_start3A_2134] : memref<4x160x128xf32, #tpu.memory_space<vmem>> -> memref<1x160x128xf32, #tpu.memory_space<vmem>>
    %dma_start3A_2136 = tpu.memref_squeeze %dma_start3A_2135 : memref<1x160x128xf32, #tpu.memory_space<vmem>> -> memref<160x128xf32, #tpu.memory_space<vmem>>
    %dma_start3A_2137 = arith.constant 120 : i32
    %dma_start3A_2138 = arith.constant 0 : i32
    %dma_start3A_2139 = tpu.memref_slice %dma_start3A_2136[%dma_start3A_2137, %dma_start3A_2138] : memref<160x128xf32, #tpu.memory_space<vmem>> -> memref<20x64xf32, #tpu.memory_space<vmem>>
    tpu.enqueue_dma source(%dma_start3A_2139 : memref<20x64xf32, #tpu.memory_space<vmem>>) target(%dma_start3A_2132 : memref<20x64xf32, #tpu.memory_space<hbm>>) target_semaphore(%dma_start3A_2125 : memref<!tpu.dma_semaphore, #tpu.memory_space<semaphore_mem>>)
    %add3A_2140 = arith.constant 504 : i32
    %add3A_2141 = arith.addi %mul3A_2, %add3A_2140 : i32
    %add3A_2142 = arith.constant 7 : i32
    %add3A_2143 = arith.addi %add3A_2141, %add3A_2142 : i32
    %dma_start3A_2144 = arith.constant 3 : i32
    %dma_start3A_2145 = arith.constant 3 : i32
    %dma_start3A_2146 = arith.constant 0 : i32
    %dma_start3A_2147 = arith.constant 0 : i32
    %dma_start3A_2148 = tpu.memref_slice %arg5[%dma_start3A_2144, %dma_start3A_2146, %dma_start3A_2147] : memref<4x160x128xf32, #tpu.memory_space<vmem>> -> memref<1x160x128xf32, #tpu.memory_space<vmem>>
    %dma_start3A_2149 = tpu.memref_squeeze %dma_start3A_2148 : memref<1x160x128xf32, #tpu.memory_space<vmem>> -> memref<160x128xf32, #tpu.memory_space<vmem>>
    %dma_start3A_2150 = arith.constant 140 : i32
    %dma_start3A_2151 = arith.constant 0 : i32
    %dma_start3A_2152 = tpu.memref_slice %dma_start3A_2149[%dma_start3A_2150, %dma_start3A_2151] : memref<160x128xf32, #tpu.memory_space<vmem>> -> memref<20x64xf32, #tpu.memory_space<vmem>>
    %dma_start3A_2153 = arith.constant 0 : i32
    %dma_start3A_2154 = arith.constant 0 : i32
    %dma_start3A_2155 = tpu.memref_slice %arg4[%add3A_2143, %dma_start3A_2153, %dma_start3A_2154] : memref<16384x24x128xf32, #tpu.memory_space<hbm>> -> memref<1x24x128xf32, #tpu.memory_space<hbm>>
    %dma_start3A_2156 = tpu.memref_squeeze %dma_start3A_2155 : memref<1x24x128xf32, #tpu.memory_space<hbm>> -> memref<24x128xf32, #tpu.memory_space<hbm>>
    %dma_start3A_2157 = arith.constant 0 : i32
    %dma_start3A_2158 = arith.constant 0 : i32
    %dma_start3A_2159 = tpu.memref_slice %dma_start3A_2156[%dma_start3A_2157, %dma_start3A_2158] : memref<24x128xf32, #tpu.memory_space<hbm>> -> memref<20x64xf32, #tpu.memory_space<hbm>>
    %dma_start3A_2160 = tpu.memref_slice %arg9[%dma_start3A_2145] : memref<4x!tpu.dma_semaphore, #tpu.memory_space<semaphore_mem>> -> memref<1x!tpu.dma_semaphore, #tpu.memory_space<semaphore_mem>>
    %dma_start3A_2161 = tpu.memref_squeeze %dma_start3A_2160 : memref<1x!tpu.dma_semaphore, #tpu.memory_space<semaphore_mem>> -> memref<!tpu.dma_semaphore, #tpu.memory_space<semaphore_mem>>
    %dma_start3A_2162 = arith.constant 0 : i32
    %dma_start3A_2163 = arith.constant 0 : i32
    %dma_start3A_2164 = tpu.memref_slice %arg4[%add3A_2143, %dma_start3A_2162, %dma_start3A_2163] : memref<16384x24x128xf32, #tpu.memory_space<hbm>> -> memref<1x24x128xf32, #tpu.memory_space<hbm>>
    %dma_start3A_2165 = tpu.memref_squeeze %dma_start3A_2164 : memref<1x24x128xf32, #tpu.memory_space<hbm>> -> memref<24x128xf32, #tpu.memory_space<hbm>>
    %dma_start3A_2166 = arith.constant 0 : i32
    %dma_start3A_2167 = arith.constant 0 : i32
    %dma_start3A_2168 = tpu.memref_slice %dma_start3A_2165[%dma_start3A_2166, %dma_start3A_2167] : memref<24x128xf32, #tpu.memory_space<hbm>> -> memref<20x64xf32, #tpu.memory_space<hbm>>
    %dma_start3A_2169 = arith.constant 0 : i32
    %dma_start3A_2170 = arith.constant 0 : i32
    %dma_start3A_2171 = tpu.memref_slice %arg5[%dma_start3A_2144, %dma_start3A_2169, %dma_start3A_2170] : memref<4x160x128xf32, #tpu.memory_space<vmem>> -> memref<1x160x128xf32, #tpu.memory_space<vmem>>
    %dma_start3A_2172 = tpu.memref_squeeze %dma_start3A_2171 : memref<1x160x128xf32, #tpu.memory_space<vmem>> -> memref<160x128xf32, #tpu.memory_space<vmem>>
    %dma_start3A_2173 = arith.constant 140 : i32
    %dma_start3A_2174 = arith.constant 0 : i32
    %dma_start3A_2175 = tpu.memref_slice %dma_start3A_2172[%dma_start3A_2173, %dma_start3A_2174] : memref<160x128xf32, #tpu.memory_space<vmem>> -> memref<20x64xf32, #tpu.memory_space<vmem>>
    tpu.enqueue_dma source(%dma_start3A_2175 : memref<20x64xf32, #tpu.memory_space<vmem>>) target(%dma_start3A_2168 : memref<20x64xf32, #tpu.memory_space<hbm>>) target_semaphore(%dma_start3A_2161 : memref<!tpu.dma_semaphore, #tpu.memory_space<semaphore_mem>>)
    %add3A_2176 = arith.constant 480 : i32
    %add3A_2177 = arith.addi %mul3A_2, %add3A_2176 : i32
    %add3A_2178 = arith.constant 0 : i32
    %add3A_2179 = arith.addi %add3A_2177, %add3A_2178 : i32
    %dma_wait3A_2180 = arith.constant 0 : i32
    %dma_wait3A_2181 = arith.constant 0 : i32
    %dma_wait3A_2182 = arith.constant 0 : i32
    %dma_wait3A_2183 = arith.constant 0 : i32
    %dma_wait3A_2184 = tpu.memref_slice %arg5[%dma_wait3A_2180, %dma_wait3A_2182, %dma_wait3A_2183] : memref<4x160x128xf32, #tpu.memory_space<vmem>> -> memref<1x160x128xf32, #tpu.memory_space<vmem>>
    %dma_wait3A_2185 = tpu.memref_squeeze %dma_wait3A_2184 : memref<1x160x128xf32, #tpu.memory_space<vmem>> -> memref<160x128xf32, #tpu.memory_space<vmem>>
    %dma_wait3A_2186 = arith.constant 0 : i32
    %dma_wait3A_2187 = arith.constant 0 : i32
    %dma_wait3A_2188 = tpu.memref_slice %dma_wait3A_2185[%dma_wait3A_2186, %dma_wait3A_2187] : memref<160x128xf32, #tpu.memory_space<vmem>> -> memref<20x64xf32, #tpu.memory_space<vmem>>
    %dma_wait3A_2189 = arith.constant 0 : i32
    %dma_wait3A_2190 = arith.constant 0 : i32
    %dma_wait3A_2191 = tpu.memref_slice %arg4[%add3A_2179, %dma_wait3A_2189, %dma_wait3A_2190] : memref<16384x24x128xf32, #tpu.memory_space<hbm>> -> memref<1x24x128xf32, #tpu.memory_space<hbm>>
    %dma_wait3A_2192 = tpu.memref_squeeze %dma_wait3A_2191 : memref<1x24x128xf32, #tpu.memory_space<hbm>> -> memref<24x128xf32, #tpu.memory_space<hbm>>
    %dma_wait3A_2193 = arith.constant 0 : i32
    %dma_wait3A_2194 = arith.constant 0 : i32
    %dma_wait3A_2195 = tpu.memref_slice %dma_wait3A_2192[%dma_wait3A_2193, %dma_wait3A_2194] : memref<24x128xf32, #tpu.memory_space<hbm>> -> memref<20x64xf32, #tpu.memory_space<hbm>>
    %dma_wait3A_2196 = tpu.memref_slice %arg9[%dma_wait3A_2181] : memref<4x!tpu.dma_semaphore, #tpu.memory_space<semaphore_mem>> -> memref<1x!tpu.dma_semaphore, #tpu.memory_space<semaphore_mem>>
    %dma_wait3A_2197 = tpu.memref_squeeze %dma_wait3A_2196 : memref<1x!tpu.dma_semaphore, #tpu.memory_space<semaphore_mem>> -> memref<!tpu.dma_semaphore, #tpu.memory_space<semaphore_mem>>
    %dma_wait3A_2198 = arith.constant 0 : i32
    %dma_wait3A_2199 = arith.constant 0 : i32
    %dma_wait3A_2200 = tpu.memref_slice %arg4[%add3A_2179, %dma_wait3A_2198, %dma_wait3A_2199] : memref<16384x24x128xf32, #tpu.memory_space<hbm>> -> memref<1x24x128xf32, #tpu.memory_space<hbm>>
    %dma_wait3A_2201 = tpu.memref_squeeze %dma_wait3A_2200 : memref<1x24x128xf32, #tpu.memory_space<hbm>> -> memref<24x128xf32, #tpu.memory_space<hbm>>
    %dma_wait3A_2202 = arith.constant 0 : i32
    %dma_wait3A_2203 = arith.constant 0 : i32
    %dma_wait3A_2204 = tpu.memref_slice %dma_wait3A_2201[%dma_wait3A_2202, %dma_wait3A_2203] : memref<24x128xf32, #tpu.memory_space<hbm>> -> memref<20x64xf32, #tpu.memory_space<hbm>>
    %dma_wait3A_2205 = arith.constant 0 : i32
    %dma_wait3A_2206 = arith.constant 0 : i32
    %dma_wait3A_2207 = tpu.memref_slice %arg5[%dma_wait3A_2180, %dma_wait3A_2205, %dma_wait3A_2206] : memref<4x160x128xf32, #tpu.memory_space<vmem>> -> memref<1x160x128xf32, #tpu.memory_space<vmem>>
    %dma_wait3A_2208 = tpu.memref_squeeze %dma_wait3A_2207 : memref<1x160x128xf32, #tpu.memory_space<vmem>> -> memref<160x128xf32, #tpu.memory_space<vmem>>
    %dma_wait3A_2209 = arith.constant 0 : i32
    %dma_wait3A_2210 = arith.constant 0 : i32
    %dma_wait3A_2211 = tpu.memref_slice %dma_wait3A_2208[%dma_wait3A_2209, %dma_wait3A_2210] : memref<160x128xf32, #tpu.memory_space<vmem>> -> memref<20x64xf32, #tpu.memory_space<vmem>>
    tpu.wait_dma2 semaphore(%dma_wait3A_2197 : memref<!tpu.dma_semaphore, #tpu.memory_space<semaphore_mem>>) src(%dma_wait3A_2211 : memref<20x64xf32, #tpu.memory_space<vmem>>) dst(%dma_wait3A_2204 : memref<20x64xf32, #tpu.memory_space<hbm>>)
    %add3A_2212 = arith.constant 480 : i32
    %add3A_2213 = arith.addi %mul3A_2, %add3A_2212 : i32
    %add3A_2214 = arith.constant 1 : i32
    %add3A_2215 = arith.addi %add3A_2213, %add3A_2214 : i32
    %dma_wait3A_2216 = arith.constant 0 : i32
    %dma_wait3A_2217 = arith.constant 0 : i32
    %dma_wait3A_2218 = arith.constant 0 : i32
    %dma_wait3A_2219 = arith.constant 0 : i32
    %dma_wait3A_2220 = tpu.memref_slice %arg5[%dma_wait3A_2216, %dma_wait3A_2218, %dma_wait3A_2219] : memref<4x160x128xf32, #tpu.memory_space<vmem>> -> memref<1x160x128xf32, #tpu.memory_space<vmem>>
    %dma_wait3A_2221 = tpu.memref_squeeze %dma_wait3A_2220 : memref<1x160x128xf32, #tpu.memory_space<vmem>> -> memref<160x128xf32, #tpu.memory_space<vmem>>
    %dma_wait3A_2222 = arith.constant 20 : i32
    %dma_wait3A_2223 = arith.constant 0 : i32
    %dma_wait3A_2224 = tpu.memref_slice %dma_wait3A_2221[%dma_wait3A_2222, %dma_wait3A_2223] : memref<160x128xf32, #tpu.memory_space<vmem>> -> memref<20x64xf32, #tpu.memory_space<vmem>>
    %dma_wait3A_2225 = arith.constant 0 : i32
    %dma_wait3A_2226 = arith.constant 0 : i32
    %dma_wait3A_2227 = tpu.memref_slice %arg4[%add3A_2215, %dma_wait3A_2225, %dma_wait3A_2226] : memref<16384x24x128xf32, #tpu.memory_space<hbm>> -> memref<1x24x128xf32, #tpu.memory_space<hbm>>
    %dma_wait3A_2228 = tpu.memref_squeeze %dma_wait3A_2227 : memref<1x24x128xf32, #tpu.memory_space<hbm>> -> memref<24x128xf32, #tpu.memory_space<hbm>>
    %dma_wait3A_2229 = arith.constant 0 : i32
    %dma_wait3A_2230 = arith.constant 0 : i32
    %dma_wait3A_2231 = tpu.memref_slice %dma_wait3A_2228[%dma_wait3A_2229, %dma_wait3A_2230] : memref<24x128xf32, #tpu.memory_space<hbm>> -> memref<20x64xf32, #tpu.memory_space<hbm>>
    %dma_wait3A_2232 = tpu.memref_slice %arg9[%dma_wait3A_2217] : memref<4x!tpu.dma_semaphore, #tpu.memory_space<semaphore_mem>> -> memref<1x!tpu.dma_semaphore, #tpu.memory_space<semaphore_mem>>
    %dma_wait3A_2233 = tpu.memref_squeeze %dma_wait3A_2232 : memref<1x!tpu.dma_semaphore, #tpu.memory_space<semaphore_mem>> -> memref<!tpu.dma_semaphore, #tpu.memory_space<semaphore_mem>>
    %dma_wait3A_2234 = arith.constant 0 : i32
    %dma_wait3A_2235 = arith.constant 0 : i32
    %dma_wait3A_2236 = tpu.memref_slice %arg4[%add3A_2215, %dma_wait3A_2234, %dma_wait3A_2235] : memref<16384x24x128xf32, #tpu.memory_space<hbm>> -> memref<1x24x128xf32, #tpu.memory_space<hbm>>
    %dma_wait3A_2237 = tpu.memref_squeeze %dma_wait3A_2236 : memref<1x24x128xf32, #tpu.memory_space<hbm>> -> memref<24x128xf32, #tpu.memory_space<hbm>>
    %dma_wait3A_2238 = arith.constant 0 : i32
    %dma_wait3A_2239 = arith.constant 0 : i32
    %dma_wait3A_2240 = tpu.memref_slice %dma_wait3A_2237[%dma_wait3A_2238, %dma_wait3A_2239] : memref<24x128xf32, #tpu.memory_space<hbm>> -> memref<20x64xf32, #tpu.memory_space<hbm>>
    %dma_wait3A_2241 = arith.constant 0 : i32
    %dma_wait3A_2242 = arith.constant 0 : i32
    %dma_wait3A_2243 = tpu.memref_slice %arg5[%dma_wait3A_2216, %dma_wait3A_2241, %dma_wait3A_2242] : memref<4x160x128xf32, #tpu.memory_space<vmem>> -> memref<1x160x128xf32, #tpu.memory_space<vmem>>
    %dma_wait3A_2244 = tpu.memref_squeeze %dma_wait3A_2243 : memref<1x160x128xf32, #tpu.memory_space<vmem>> -> memref<160x128xf32, #tpu.memory_space<vmem>>
    %dma_wait3A_2245 = arith.constant 20 : i32
    %dma_wait3A_2246 = arith.constant 0 : i32
    %dma_wait3A_2247 = tpu.memref_slice %dma_wait3A_2244[%dma_wait3A_2245, %dma_wait3A_2246] : memref<160x128xf32, #tpu.memory_space<vmem>> -> memref<20x64xf32, #tpu.memory_space<vmem>>
    tpu.wait_dma2 semaphore(%dma_wait3A_2233 : memref<!tpu.dma_semaphore, #tpu.memory_space<semaphore_mem>>) src(%dma_wait3A_2247 : memref<20x64xf32, #tpu.memory_space<vmem>>) dst(%dma_wait3A_2240 : memref<20x64xf32, #tpu.memory_space<hbm>>)
    %add3A_2248 = arith.constant 480 : i32
    %add3A_2249 = arith.addi %mul3A_2, %add3A_2248 : i32
    %add3A_2250 = arith.constant 2 : i32
    %add3A_2251 = arith.addi %add3A_2249, %add3A_2250 : i32
    %dma_wait3A_2252 = arith.constant 0 : i32
    %dma_wait3A_2253 = arith.constant 0 : i32
    %dma_wait3A_2254 = arith.constant 0 : i32
    %dma_wait3A_2255 = arith.constant 0 : i32
    %dma_wait3A_2256 = tpu.memref_slice %arg5[%dma_wait3A_2252, %dma_wait3A_2254, %dma_wait3A_2255] : memref<4x160x128xf32, #tpu.memory_space<vmem>> -> memref<1x160x128xf32, #tpu.memory_space<vmem>>
    %dma_wait3A_2257 = tpu.memref_squeeze %dma_wait3A_2256 : memref<1x160x128xf32, #tpu.memory_space<vmem>> -> memref<160x128xf32, #tpu.memory_space<vmem>>
    %dma_wait3A_2258 = arith.constant 40 : i32
    %dma_wait3A_2259 = arith.constant 0 : i32
    %dma_wait3A_2260 = tpu.memref_slice %dma_wait3A_2257[%dma_wait3A_2258, %dma_wait3A_2259] : memref<160x128xf32, #tpu.memory_space<vmem>> -> memref<20x64xf32, #tpu.memory_space<vmem>>
    %dma_wait3A_2261 = arith.constant 0 : i32
    %dma_wait3A_2262 = arith.constant 0 : i32
    %dma_wait3A_2263 = tpu.memref_slice %arg4[%add3A_2251, %dma_wait3A_2261, %dma_wait3A_2262] : memref<16384x24x128xf32, #tpu.memory_space<hbm>> -> memref<1x24x128xf32, #tpu.memory_space<hbm>>
    %dma_wait3A_2264 = tpu.memref_squeeze %dma_wait3A_2263 : memref<1x24x128xf32, #tpu.memory_space<hbm>> -> memref<24x128xf32, #tpu.memory_space<hbm>>
    %dma_wait3A_2265 = arith.constant 0 : i32
    %dma_wait3A_2266 = arith.constant 0 : i32
    %dma_wait3A_2267 = tpu.memref_slice %dma_wait3A_2264[%dma_wait3A_2265, %dma_wait3A_2266] : memref<24x128xf32, #tpu.memory_space<hbm>> -> memref<20x64xf32, #tpu.memory_space<hbm>>
    %dma_wait3A_2268 = tpu.memref_slice %arg9[%dma_wait3A_2253] : memref<4x!tpu.dma_semaphore, #tpu.memory_space<semaphore_mem>> -> memref<1x!tpu.dma_semaphore, #tpu.memory_space<semaphore_mem>>
    %dma_wait3A_2269 = tpu.memref_squeeze %dma_wait3A_2268 : memref<1x!tpu.dma_semaphore, #tpu.memory_space<semaphore_mem>> -> memref<!tpu.dma_semaphore, #tpu.memory_space<semaphore_mem>>
    %dma_wait3A_2270 = arith.constant 0 : i32
    %dma_wait3A_2271 = arith.constant 0 : i32
    %dma_wait3A_2272 = tpu.memref_slice %arg4[%add3A_2251, %dma_wait3A_2270, %dma_wait3A_2271] : memref<16384x24x128xf32, #tpu.memory_space<hbm>> -> memref<1x24x128xf32, #tpu.memory_space<hbm>>
    %dma_wait3A_2273 = tpu.memref_squeeze %dma_wait3A_2272 : memref<1x24x128xf32, #tpu.memory_space<hbm>> -> memref<24x128xf32, #tpu.memory_space<hbm>>
    %dma_wait3A_2274 = arith.constant 0 : i32
    %dma_wait3A_2275 = arith.constant 0 : i32
    %dma_wait3A_2276 = tpu.memref_slice %dma_wait3A_2273[%dma_wait3A_2274, %dma_wait3A_2275] : memref<24x128xf32, #tpu.memory_space<hbm>> -> memref<20x64xf32, #tpu.memory_space<hbm>>
    %dma_wait3A_2277 = arith.constant 0 : i32
    %dma_wait3A_2278 = arith.constant 0 : i32
    %dma_wait3A_2279 = tpu.memref_slice %arg5[%dma_wait3A_2252, %dma_wait3A_2277, %dma_wait3A_2278] : memref<4x160x128xf32, #tpu.memory_space<vmem>> -> memref<1x160x128xf32, #tpu.memory_space<vmem>>
    %dma_wait3A_2280 = tpu.memref_squeeze %dma_wait3A_2279 : memref<1x160x128xf32, #tpu.memory_space<vmem>> -> memref<160x128xf32, #tpu.memory_space<vmem>>
    %dma_wait3A_2281 = arith.constant 40 : i32
    %dma_wait3A_2282 = arith.constant 0 : i32
    %dma_wait3A_2283 = tpu.memref_slice %dma_wait3A_2280[%dma_wait3A_2281, %dma_wait3A_2282] : memref<160x128xf32, #tpu.memory_space<vmem>> -> memref<20x64xf32, #tpu.memory_space<vmem>>
    tpu.wait_dma2 semaphore(%dma_wait3A_2269 : memref<!tpu.dma_semaphore, #tpu.memory_space<semaphore_mem>>) src(%dma_wait3A_2283 : memref<20x64xf32, #tpu.memory_space<vmem>>) dst(%dma_wait3A_2276 : memref<20x64xf32, #tpu.memory_space<hbm>>)
    %add3A_2284 = arith.constant 480 : i32
    %add3A_2285 = arith.addi %mul3A_2, %add3A_2284 : i32
    %add3A_2286 = arith.constant 3 : i32
    %add3A_2287 = arith.addi %add3A_2285, %add3A_2286 : i32
    %dma_wait3A_2288 = arith.constant 0 : i32
    %dma_wait3A_2289 = arith.constant 0 : i32
    %dma_wait3A_2290 = arith.constant 0 : i32
    %dma_wait3A_2291 = arith.constant 0 : i32
    %dma_wait3A_2292 = tpu.memref_slice %arg5[%dma_wait3A_2288, %dma_wait3A_2290, %dma_wait3A_2291] : memref<4x160x128xf32, #tpu.memory_space<vmem>> -> memref<1x160x128xf32, #tpu.memory_space<vmem>>
    %dma_wait3A_2293 = tpu.memref_squeeze %dma_wait3A_2292 : memref<1x160x128xf32, #tpu.memory_space<vmem>> -> memref<160x128xf32, #tpu.memory_space<vmem>>
    %dma_wait3A_2294 = arith.constant 60 : i32
    %dma_wait3A_2295 = arith.constant 0 : i32
    %dma_wait3A_2296 = tpu.memref_slice %dma_wait3A_2293[%dma_wait3A_2294, %dma_wait3A_2295] : memref<160x128xf32, #tpu.memory_space<vmem>> -> memref<20x64xf32, #tpu.memory_space<vmem>>
    %dma_wait3A_2297 = arith.constant 0 : i32
    %dma_wait3A_2298 = arith.constant 0 : i32
    %dma_wait3A_2299 = tpu.memref_slice %arg4[%add3A_2287, %dma_wait3A_2297, %dma_wait3A_2298] : memref<16384x24x128xf32, #tpu.memory_space<hbm>> -> memref<1x24x128xf32, #tpu.memory_space<hbm>>
    %dma_wait3A_2300 = tpu.memref_squeeze %dma_wait3A_2299 : memref<1x24x128xf32, #tpu.memory_space<hbm>> -> memref<24x128xf32, #tpu.memory_space<hbm>>
    %dma_wait3A_2301 = arith.constant 0 : i32
    %dma_wait3A_2302 = arith.constant 0 : i32
    %dma_wait3A_2303 = tpu.memref_slice %dma_wait3A_2300[%dma_wait3A_2301, %dma_wait3A_2302] : memref<24x128xf32, #tpu.memory_space<hbm>> -> memref<20x64xf32, #tpu.memory_space<hbm>>
    %dma_wait3A_2304 = tpu.memref_slice %arg9[%dma_wait3A_2289] : memref<4x!tpu.dma_semaphore, #tpu.memory_space<semaphore_mem>> -> memref<1x!tpu.dma_semaphore, #tpu.memory_space<semaphore_mem>>
    %dma_wait3A_2305 = tpu.memref_squeeze %dma_wait3A_2304 : memref<1x!tpu.dma_semaphore, #tpu.memory_space<semaphore_mem>> -> memref<!tpu.dma_semaphore, #tpu.memory_space<semaphore_mem>>
    %dma_wait3A_2306 = arith.constant 0 : i32
    %dma_wait3A_2307 = arith.constant 0 : i32
    %dma_wait3A_2308 = tpu.memref_slice %arg4[%add3A_2287, %dma_wait3A_2306, %dma_wait3A_2307] : memref<16384x24x128xf32, #tpu.memory_space<hbm>> -> memref<1x24x128xf32, #tpu.memory_space<hbm>>
    %dma_wait3A_2309 = tpu.memref_squeeze %dma_wait3A_2308 : memref<1x24x128xf32, #tpu.memory_space<hbm>> -> memref<24x128xf32, #tpu.memory_space<hbm>>
    %dma_wait3A_2310 = arith.constant 0 : i32
    %dma_wait3A_2311 = arith.constant 0 : i32
    %dma_wait3A_2312 = tpu.memref_slice %dma_wait3A_2309[%dma_wait3A_2310, %dma_wait3A_2311] : memref<24x128xf32, #tpu.memory_space<hbm>> -> memref<20x64xf32, #tpu.memory_space<hbm>>
    %dma_wait3A_2313 = arith.constant 0 : i32
    %dma_wait3A_2314 = arith.constant 0 : i32
    %dma_wait3A_2315 = tpu.memref_slice %arg5[%dma_wait3A_2288, %dma_wait3A_2313, %dma_wait3A_2314] : memref<4x160x128xf32, #tpu.memory_space<vmem>> -> memref<1x160x128xf32, #tpu.memory_space<vmem>>
    %dma_wait3A_2316 = tpu.memref_squeeze %dma_wait3A_2315 : memref<1x160x128xf32, #tpu.memory_space<vmem>> -> memref<160x128xf32, #tpu.memory_space<vmem>>
    %dma_wait3A_2317 = arith.constant 60 : i32
    %dma_wait3A_2318 = arith.constant 0 : i32
    %dma_wait3A_2319 = tpu.memref_slice %dma_wait3A_2316[%dma_wait3A_2317, %dma_wait3A_2318] : memref<160x128xf32, #tpu.memory_space<vmem>> -> memref<20x64xf32, #tpu.memory_space<vmem>>
    tpu.wait_dma2 semaphore(%dma_wait3A_2305 : memref<!tpu.dma_semaphore, #tpu.memory_space<semaphore_mem>>) src(%dma_wait3A_2319 : memref<20x64xf32, #tpu.memory_space<vmem>>) dst(%dma_wait3A_2312 : memref<20x64xf32, #tpu.memory_space<hbm>>)
    %add3A_2320 = arith.constant 480 : i32
    %add3A_2321 = arith.addi %mul3A_2, %add3A_2320 : i32
    %add3A_2322 = arith.constant 4 : i32
    %add3A_2323 = arith.addi %add3A_2321, %add3A_2322 : i32
    %dma_wait3A_2324 = arith.constant 0 : i32
    %dma_wait3A_2325 = arith.constant 0 : i32
    %dma_wait3A_2326 = arith.constant 0 : i32
    %dma_wait3A_2327 = arith.constant 0 : i32
    %dma_wait3A_2328 = tpu.memref_slice %arg5[%dma_wait3A_2324, %dma_wait3A_2326, %dma_wait3A_2327] : memref<4x160x128xf32, #tpu.memory_space<vmem>> -> memref<1x160x128xf32, #tpu.memory_space<vmem>>
    %dma_wait3A_2329 = tpu.memref_squeeze %dma_wait3A_2328 : memref<1x160x128xf32, #tpu.memory_space<vmem>> -> memref<160x128xf32, #tpu.memory_space<vmem>>
    %dma_wait3A_2330 = arith.constant 80 : i32
    %dma_wait3A_2331 = arith.constant 0 : i32
    %dma_wait3A_2332 = tpu.memref_slice %dma_wait3A_2329[%dma_wait3A_2330, %dma_wait3A_2331] : memref<160x128xf32, #tpu.memory_space<vmem>> -> memref<20x64xf32, #tpu.memory_space<vmem>>
    %dma_wait3A_2333 = arith.constant 0 : i32
    %dma_wait3A_2334 = arith.constant 0 : i32
    %dma_wait3A_2335 = tpu.memref_slice %arg4[%add3A_2323, %dma_wait3A_2333, %dma_wait3A_2334] : memref<16384x24x128xf32, #tpu.memory_space<hbm>> -> memref<1x24x128xf32, #tpu.memory_space<hbm>>
    %dma_wait3A_2336 = tpu.memref_squeeze %dma_wait3A_2335 : memref<1x24x128xf32, #tpu.memory_space<hbm>> -> memref<24x128xf32, #tpu.memory_space<hbm>>
    %dma_wait3A_2337 = arith.constant 0 : i32
    %dma_wait3A_2338 = arith.constant 0 : i32
    %dma_wait3A_2339 = tpu.memref_slice %dma_wait3A_2336[%dma_wait3A_2337, %dma_wait3A_2338] : memref<24x128xf32, #tpu.memory_space<hbm>> -> memref<20x64xf32, #tpu.memory_space<hbm>>
    %dma_wait3A_2340 = tpu.memref_slice %arg9[%dma_wait3A_2325] : memref<4x!tpu.dma_semaphore, #tpu.memory_space<semaphore_mem>> -> memref<1x!tpu.dma_semaphore, #tpu.memory_space<semaphore_mem>>
    %dma_wait3A_2341 = tpu.memref_squeeze %dma_wait3A_2340 : memref<1x!tpu.dma_semaphore, #tpu.memory_space<semaphore_mem>> -> memref<!tpu.dma_semaphore, #tpu.memory_space<semaphore_mem>>
    %dma_wait3A_2342 = arith.constant 0 : i32
    %dma_wait3A_2343 = arith.constant 0 : i32
    %dma_wait3A_2344 = tpu.memref_slice %arg4[%add3A_2323, %dma_wait3A_2342, %dma_wait3A_2343] : memref<16384x24x128xf32, #tpu.memory_space<hbm>> -> memref<1x24x128xf32, #tpu.memory_space<hbm>>
    %dma_wait3A_2345 = tpu.memref_squeeze %dma_wait3A_2344 : memref<1x24x128xf32, #tpu.memory_space<hbm>> -> memref<24x128xf32, #tpu.memory_space<hbm>>
    %dma_wait3A_2346 = arith.constant 0 : i32
    %dma_wait3A_2347 = arith.constant 0 : i32
    %dma_wait3A_2348 = tpu.memref_slice %dma_wait3A_2345[%dma_wait3A_2346, %dma_wait3A_2347] : memref<24x128xf32, #tpu.memory_space<hbm>> -> memref<20x64xf32, #tpu.memory_space<hbm>>
    %dma_wait3A_2349 = arith.constant 0 : i32
    %dma_wait3A_2350 = arith.constant 0 : i32
    %dma_wait3A_2351 = tpu.memref_slice %arg5[%dma_wait3A_2324, %dma_wait3A_2349, %dma_wait3A_2350] : memref<4x160x128xf32, #tpu.memory_space<vmem>> -> memref<1x160x128xf32, #tpu.memory_space<vmem>>
    %dma_wait3A_2352 = tpu.memref_squeeze %dma_wait3A_2351 : memref<1x160x128xf32, #tpu.memory_space<vmem>> -> memref<160x128xf32, #tpu.memory_space<vmem>>
    %dma_wait3A_2353 = arith.constant 80 : i32
    %dma_wait3A_2354 = arith.constant 0 : i32
    %dma_wait3A_2355 = tpu.memref_slice %dma_wait3A_2352[%dma_wait3A_2353, %dma_wait3A_2354] : memref<160x128xf32, #tpu.memory_space<vmem>> -> memref<20x64xf32, #tpu.memory_space<vmem>>
    tpu.wait_dma2 semaphore(%dma_wait3A_2341 : memref<!tpu.dma_semaphore, #tpu.memory_space<semaphore_mem>>) src(%dma_wait3A_2355 : memref<20x64xf32, #tpu.memory_space<vmem>>) dst(%dma_wait3A_2348 : memref<20x64xf32, #tpu.memory_space<hbm>>)
    %add3A_2356 = arith.constant 480 : i32
    %add3A_2357 = arith.addi %mul3A_2, %add3A_2356 : i32
    %add3A_2358 = arith.constant 5 : i32
    %add3A_2359 = arith.addi %add3A_2357, %add3A_2358 : i32
    %dma_wait3A_2360 = arith.constant 0 : i32
    %dma_wait3A_2361 = arith.constant 0 : i32
    %dma_wait3A_2362 = arith.constant 0 : i32
    %dma_wait3A_2363 = arith.constant 0 : i32
    %dma_wait3A_2364 = tpu.memref_slice %arg5[%dma_wait3A_2360, %dma_wait3A_2362, %dma_wait3A_2363] : memref<4x160x128xf32, #tpu.memory_space<vmem>> -> memref<1x160x128xf32, #tpu.memory_space<vmem>>
    %dma_wait3A_2365 = tpu.memref_squeeze %dma_wait3A_2364 : memref<1x160x128xf32, #tpu.memory_space<vmem>> -> memref<160x128xf32, #tpu.memory_space<vmem>>
    %dma_wait3A_2366 = arith.constant 100 : i32
    %dma_wait3A_2367 = arith.constant 0 : i32
    %dma_wait3A_2368 = tpu.memref_slice %dma_wait3A_2365[%dma_wait3A_2366, %dma_wait3A_2367] : memref<160x128xf32, #tpu.memory_space<vmem>> -> memref<20x64xf32, #tpu.memory_space<vmem>>
    %dma_wait3A_2369 = arith.constant 0 : i32
    %dma_wait3A_2370 = arith.constant 0 : i32
    %dma_wait3A_2371 = tpu.memref_slice %arg4[%add3A_2359, %dma_wait3A_2369, %dma_wait3A_2370] : memref<16384x24x128xf32, #tpu.memory_space<hbm>> -> memref<1x24x128xf32, #tpu.memory_space<hbm>>
    %dma_wait3A_2372 = tpu.memref_squeeze %dma_wait3A_2371 : memref<1x24x128xf32, #tpu.memory_space<hbm>> -> memref<24x128xf32, #tpu.memory_space<hbm>>
    %dma_wait3A_2373 = arith.constant 0 : i32
    %dma_wait3A_2374 = arith.constant 0 : i32
    %dma_wait3A_2375 = tpu.memref_slice %dma_wait3A_2372[%dma_wait3A_2373, %dma_wait3A_2374] : memref<24x128xf32, #tpu.memory_space<hbm>> -> memref<20x64xf32, #tpu.memory_space<hbm>>
    %dma_wait3A_2376 = tpu.memref_slice %arg9[%dma_wait3A_2361] : memref<4x!tpu.dma_semaphore, #tpu.memory_space<semaphore_mem>> -> memref<1x!tpu.dma_semaphore, #tpu.memory_space<semaphore_mem>>
    %dma_wait3A_2377 = tpu.memref_squeeze %dma_wait3A_2376 : memref<1x!tpu.dma_semaphore, #tpu.memory_space<semaphore_mem>> -> memref<!tpu.dma_semaphore, #tpu.memory_space<semaphore_mem>>
    %dma_wait3A_2378 = arith.constant 0 : i32
    %dma_wait3A_2379 = arith.constant 0 : i32
    %dma_wait3A_2380 = tpu.memref_slice %arg4[%add3A_2359, %dma_wait3A_2378, %dma_wait3A_2379] : memref<16384x24x128xf32, #tpu.memory_space<hbm>> -> memref<1x24x128xf32, #tpu.memory_space<hbm>>
    %dma_wait3A_2381 = tpu.memref_squeeze %dma_wait3A_2380 : memref<1x24x128xf32, #tpu.memory_space<hbm>> -> memref<24x128xf32, #tpu.memory_space<hbm>>
    %dma_wait3A_2382 = arith.constant 0 : i32
    %dma_wait3A_2383 = arith.constant 0 : i32
    %dma_wait3A_2384 = tpu.memref_slice %dma_wait3A_2381[%dma_wait3A_2382, %dma_wait3A_2383] : memref<24x128xf32, #tpu.memory_space<hbm>> -> memref<20x64xf32, #tpu.memory_space<hbm>>
    %dma_wait3A_2385 = arith.constant 0 : i32
    %dma_wait3A_2386 = arith.constant 0 : i32
    %dma_wait3A_2387 = tpu.memref_slice %arg5[%dma_wait3A_2360, %dma_wait3A_2385, %dma_wait3A_2386] : memref<4x160x128xf32, #tpu.memory_space<vmem>> -> memref<1x160x128xf32, #tpu.memory_space<vmem>>
    %dma_wait3A_2388 = tpu.memref_squeeze %dma_wait3A_2387 : memref<1x160x128xf32, #tpu.memory_space<vmem>> -> memref<160x128xf32, #tpu.memory_space<vmem>>
    %dma_wait3A_2389 = arith.constant 100 : i32
    %dma_wait3A_2390 = arith.constant 0 : i32
    %dma_wait3A_2391 = tpu.memref_slice %dma_wait3A_2388[%dma_wait3A_2389, %dma_wait3A_2390] : memref<160x128xf32, #tpu.memory_space<vmem>> -> memref<20x64xf32, #tpu.memory_space<vmem>>
    tpu.wait_dma2 semaphore(%dma_wait3A_2377 : memref<!tpu.dma_semaphore, #tpu.memory_space<semaphore_mem>>) src(%dma_wait3A_2391 : memref<20x64xf32, #tpu.memory_space<vmem>>) dst(%dma_wait3A_2384 : memref<20x64xf32, #tpu.memory_space<hbm>>)
    %add3A_2392 = arith.constant 480 : i32
    %add3A_2393 = arith.addi %mul3A_2, %add3A_2392 : i32
    %add3A_2394 = arith.constant 6 : i32
    %add3A_2395 = arith.addi %add3A_2393, %add3A_2394 : i32
    %dma_wait3A_2396 = arith.constant 0 : i32
    %dma_wait3A_2397 = arith.constant 0 : i32
    %dma_wait3A_2398 = arith.constant 0 : i32
    %dma_wait3A_2399 = arith.constant 0 : i32
    %dma_wait3A_2400 = tpu.memref_slice %arg5[%dma_wait3A_2396, %dma_wait3A_2398, %dma_wait3A_2399] : memref<4x160x128xf32, #tpu.memory_space<vmem>> -> memref<1x160x128xf32, #tpu.memory_space<vmem>>
    %dma_wait3A_2401 = tpu.memref_squeeze %dma_wait3A_2400 : memref<1x160x128xf32, #tpu.memory_space<vmem>> -> memref<160x128xf32, #tpu.memory_space<vmem>>
    %dma_wait3A_2402 = arith.constant 120 : i32
    %dma_wait3A_2403 = arith.constant 0 : i32
    %dma_wait3A_2404 = tpu.memref_slice %dma_wait3A_2401[%dma_wait3A_2402, %dma_wait3A_2403] : memref<160x128xf32, #tpu.memory_space<vmem>> -> memref<20x64xf32, #tpu.memory_space<vmem>>
    %dma_wait3A_2405 = arith.constant 0 : i32
    %dma_wait3A_2406 = arith.constant 0 : i32
    %dma_wait3A_2407 = tpu.memref_slice %arg4[%add3A_2395, %dma_wait3A_2405, %dma_wait3A_2406] : memref<16384x24x128xf32, #tpu.memory_space<hbm>> -> memref<1x24x128xf32, #tpu.memory_space<hbm>>
    %dma_wait3A_2408 = tpu.memref_squeeze %dma_wait3A_2407 : memref<1x24x128xf32, #tpu.memory_space<hbm>> -> memref<24x128xf32, #tpu.memory_space<hbm>>
    %dma_wait3A_2409 = arith.constant 0 : i32
    %dma_wait3A_2410 = arith.constant 0 : i32
    %dma_wait3A_2411 = tpu.memref_slice %dma_wait3A_2408[%dma_wait3A_2409, %dma_wait3A_2410] : memref<24x128xf32, #tpu.memory_space<hbm>> -> memref<20x64xf32, #tpu.memory_space<hbm>>
    %dma_wait3A_2412 = tpu.memref_slice %arg9[%dma_wait3A_2397] : memref<4x!tpu.dma_semaphore, #tpu.memory_space<semaphore_mem>> -> memref<1x!tpu.dma_semaphore, #tpu.memory_space<semaphore_mem>>
    %dma_wait3A_2413 = tpu.memref_squeeze %dma_wait3A_2412 : memref<1x!tpu.dma_semaphore, #tpu.memory_space<semaphore_mem>> -> memref<!tpu.dma_semaphore, #tpu.memory_space<semaphore_mem>>
    %dma_wait3A_2414 = arith.constant 0 : i32
    %dma_wait3A_2415 = arith.constant 0 : i32
    %dma_wait3A_2416 = tpu.memref_slice %arg4[%add3A_2395, %dma_wait3A_2414, %dma_wait3A_2415] : memref<16384x24x128xf32, #tpu.memory_space<hbm>> -> memref<1x24x128xf32, #tpu.memory_space<hbm>>
    %dma_wait3A_2417 = tpu.memref_squeeze %dma_wait3A_2416 : memref<1x24x128xf32, #tpu.memory_space<hbm>> -> memref<24x128xf32, #tpu.memory_space<hbm>>
    %dma_wait3A_2418 = arith.constant 0 : i32
    %dma_wait3A_2419 = arith.constant 0 : i32
    %dma_wait3A_2420 = tpu.memref_slice %dma_wait3A_2417[%dma_wait3A_2418, %dma_wait3A_2419] : memref<24x128xf32, #tpu.memory_space<hbm>> -> memref<20x64xf32, #tpu.memory_space<hbm>>
    %dma_wait3A_2421 = arith.constant 0 : i32
    %dma_wait3A_2422 = arith.constant 0 : i32
    %dma_wait3A_2423 = tpu.memref_slice %arg5[%dma_wait3A_2396, %dma_wait3A_2421, %dma_wait3A_2422] : memref<4x160x128xf32, #tpu.memory_space<vmem>> -> memref<1x160x128xf32, #tpu.memory_space<vmem>>
    %dma_wait3A_2424 = tpu.memref_squeeze %dma_wait3A_2423 : memref<1x160x128xf32, #tpu.memory_space<vmem>> -> memref<160x128xf32, #tpu.memory_space<vmem>>
    %dma_wait3A_2425 = arith.constant 120 : i32
    %dma_wait3A_2426 = arith.constant 0 : i32
    %dma_wait3A_2427 = tpu.memref_slice %dma_wait3A_2424[%dma_wait3A_2425, %dma_wait3A_2426] : memref<160x128xf32, #tpu.memory_space<vmem>> -> memref<20x64xf32, #tpu.memory_space<vmem>>
    tpu.wait_dma2 semaphore(%dma_wait3A_2413 : memref<!tpu.dma_semaphore, #tpu.memory_space<semaphore_mem>>) src(%dma_wait3A_2427 : memref<20x64xf32, #tpu.memory_space<vmem>>) dst(%dma_wait3A_2420 : memref<20x64xf32, #tpu.memory_space<hbm>>)
    %add3A_2428 = arith.constant 480 : i32
    %add3A_2429 = arith.addi %mul3A_2, %add3A_2428 : i32
    %add3A_2430 = arith.constant 7 : i32
    %add3A_2431 = arith.addi %add3A_2429, %add3A_2430 : i32
    %dma_wait3A_2432 = arith.constant 0 : i32
    %dma_wait3A_2433 = arith.constant 0 : i32
    %dma_wait3A_2434 = arith.constant 0 : i32
    %dma_wait3A_2435 = arith.constant 0 : i32
    %dma_wait3A_2436 = tpu.memref_slice %arg5[%dma_wait3A_2432, %dma_wait3A_2434, %dma_wait3A_2435] : memref<4x160x128xf32, #tpu.memory_space<vmem>> -> memref<1x160x128xf32, #tpu.memory_space<vmem>>
    %dma_wait3A_2437 = tpu.memref_squeeze %dma_wait3A_2436 : memref<1x160x128xf32, #tpu.memory_space<vmem>> -> memref<160x128xf32, #tpu.memory_space<vmem>>
    %dma_wait3A_2438 = arith.constant 140 : i32
    %dma_wait3A_2439 = arith.constant 0 : i32
    %dma_wait3A_2440 = tpu.memref_slice %dma_wait3A_2437[%dma_wait3A_2438, %dma_wait3A_2439] : memref<160x128xf32, #tpu.memory_space<vmem>> -> memref<20x64xf32, #tpu.memory_space<vmem>>
    %dma_wait3A_2441 = arith.constant 0 : i32
    %dma_wait3A_2442 = arith.constant 0 : i32
    %dma_wait3A_2443 = tpu.memref_slice %arg4[%add3A_2431, %dma_wait3A_2441, %dma_wait3A_2442] : memref<16384x24x128xf32, #tpu.memory_space<hbm>> -> memref<1x24x128xf32, #tpu.memory_space<hbm>>
    %dma_wait3A_2444 = tpu.memref_squeeze %dma_wait3A_2443 : memref<1x24x128xf32, #tpu.memory_space<hbm>> -> memref<24x128xf32, #tpu.memory_space<hbm>>
    %dma_wait3A_2445 = arith.constant 0 : i32
    %dma_wait3A_2446 = arith.constant 0 : i32
    %dma_wait3A_2447 = tpu.memref_slice %dma_wait3A_2444[%dma_wait3A_2445, %dma_wait3A_2446] : memref<24x128xf32, #tpu.memory_space<hbm>> -> memref<20x64xf32, #tpu.memory_space<hbm>>
    %dma_wait3A_2448 = tpu.memref_slice %arg9[%dma_wait3A_2433] : memref<4x!tpu.dma_semaphore, #tpu.memory_space<semaphore_mem>> -> memref<1x!tpu.dma_semaphore, #tpu.memory_space<semaphore_mem>>
    %dma_wait3A_2449 = tpu.memref_squeeze %dma_wait3A_2448 : memref<1x!tpu.dma_semaphore, #tpu.memory_space<semaphore_mem>> -> memref<!tpu.dma_semaphore, #tpu.memory_space<semaphore_mem>>
    %dma_wait3A_2450 = arith.constant 0 : i32
    %dma_wait3A_2451 = arith.constant 0 : i32
    %dma_wait3A_2452 = tpu.memref_slice %arg4[%add3A_2431, %dma_wait3A_2450, %dma_wait3A_2451] : memref<16384x24x128xf32, #tpu.memory_space<hbm>> -> memref<1x24x128xf32, #tpu.memory_space<hbm>>
    %dma_wait3A_2453 = tpu.memref_squeeze %dma_wait3A_2452 : memref<1x24x128xf32, #tpu.memory_space<hbm>> -> memref<24x128xf32, #tpu.memory_space<hbm>>
    %dma_wait3A_2454 = arith.constant 0 : i32
    %dma_wait3A_2455 = arith.constant 0 : i32
    %dma_wait3A_2456 = tpu.memref_slice %dma_wait3A_2453[%dma_wait3A_2454, %dma_wait3A_2455] : memref<24x128xf32, #tpu.memory_space<hbm>> -> memref<20x64xf32, #tpu.memory_space<hbm>>
    %dma_wait3A_2457 = arith.constant 0 : i32
    %dma_wait3A_2458 = arith.constant 0 : i32
    %dma_wait3A_2459 = tpu.memref_slice %arg5[%dma_wait3A_2432, %dma_wait3A_2457, %dma_wait3A_2458] : memref<4x160x128xf32, #tpu.memory_space<vmem>> -> memref<1x160x128xf32, #tpu.memory_space<vmem>>
    %dma_wait3A_2460 = tpu.memref_squeeze %dma_wait3A_2459 : memref<1x160x128xf32, #tpu.memory_space<vmem>> -> memref<160x128xf32, #tpu.memory_space<vmem>>
    %dma_wait3A_2461 = arith.constant 140 : i32
    %dma_wait3A_2462 = arith.constant 0 : i32
    %dma_wait3A_2463 = tpu.memref_slice %dma_wait3A_2460[%dma_wait3A_2461, %dma_wait3A_2462] : memref<160x128xf32, #tpu.memory_space<vmem>> -> memref<20x64xf32, #tpu.memory_space<vmem>>
    tpu.wait_dma2 semaphore(%dma_wait3A_2449 : memref<!tpu.dma_semaphore, #tpu.memory_space<semaphore_mem>>) src(%dma_wait3A_2463 : memref<20x64xf32, #tpu.memory_space<vmem>>) dst(%dma_wait3A_2456 : memref<20x64xf32, #tpu.memory_space<hbm>>)
    %add3A_2464 = arith.constant 488 : i32
    %add3A_2465 = arith.addi %mul3A_2, %add3A_2464 : i32
    %add3A_2466 = arith.constant 0 : i32
    %add3A_2467 = arith.addi %add3A_2465, %add3A_2466 : i32
    %dma_wait3A_2468 = arith.constant 1 : i32
    %dma_wait3A_2469 = arith.constant 1 : i32
    %dma_wait3A_2470 = arith.constant 0 : i32
    %dma_wait3A_2471 = arith.constant 0 : i32
    %dma_wait3A_2472 = tpu.memref_slice %arg5[%dma_wait3A_2468, %dma_wait3A_2470, %dma_wait3A_2471] : memref<4x160x128xf32, #tpu.memory_space<vmem>> -> memref<1x160x128xf32, #tpu.memory_space<vmem>>
    %dma_wait3A_2473 = tpu.memref_squeeze %dma_wait3A_2472 : memref<1x160x128xf32, #tpu.memory_space<vmem>> -> memref<160x128xf32, #tpu.memory_space<vmem>>
    %dma_wait3A_2474 = arith.constant 0 : i32
    %dma_wait3A_2475 = arith.constant 0 : i32
    %dma_wait3A_2476 = tpu.memref_slice %dma_wait3A_2473[%dma_wait3A_2474, %dma_wait3A_2475] : memref<160x128xf32, #tpu.memory_space<vmem>> -> memref<20x64xf32, #tpu.memory_space<vmem>>
    %dma_wait3A_2477 = arith.constant 0 : i32
    %dma_wait3A_2478 = arith.constant 0 : i32
    %dma_wait3A_2479 = tpu.memref_slice %arg4[%add3A_2467, %dma_wait3A_2477, %dma_wait3A_2478] : memref<16384x24x128xf32, #tpu.memory_space<hbm>> -> memref<1x24x128xf32, #tpu.memory_space<hbm>>
    %dma_wait3A_2480 = tpu.memref_squeeze %dma_wait3A_2479 : memref<1x24x128xf32, #tpu.memory_space<hbm>> -> memref<24x128xf32, #tpu.memory_space<hbm>>
    %dma_wait3A_2481 = arith.constant 0 : i32
    %dma_wait3A_2482 = arith.constant 0 : i32
    %dma_wait3A_2483 = tpu.memref_slice %dma_wait3A_2480[%dma_wait3A_2481, %dma_wait3A_2482] : memref<24x128xf32, #tpu.memory_space<hbm>> -> memref<20x64xf32, #tpu.memory_space<hbm>>
    %dma_wait3A_2484 = tpu.memref_slice %arg9[%dma_wait3A_2469] : memref<4x!tpu.dma_semaphore, #tpu.memory_space<semaphore_mem>> -> memref<1x!tpu.dma_semaphore, #tpu.memory_space<semaphore_mem>>
    %dma_wait3A_2485 = tpu.memref_squeeze %dma_wait3A_2484 : memref<1x!tpu.dma_semaphore, #tpu.memory_space<semaphore_mem>> -> memref<!tpu.dma_semaphore, #tpu.memory_space<semaphore_mem>>
    %dma_wait3A_2486 = arith.constant 0 : i32
    %dma_wait3A_2487 = arith.constant 0 : i32
    %dma_wait3A_2488 = tpu.memref_slice %arg4[%add3A_2467, %dma_wait3A_2486, %dma_wait3A_2487] : memref<16384x24x128xf32, #tpu.memory_space<hbm>> -> memref<1x24x128xf32, #tpu.memory_space<hbm>>
    %dma_wait3A_2489 = tpu.memref_squeeze %dma_wait3A_2488 : memref<1x24x128xf32, #tpu.memory_space<hbm>> -> memref<24x128xf32, #tpu.memory_space<hbm>>
    %dma_wait3A_2490 = arith.constant 0 : i32
    %dma_wait3A_2491 = arith.constant 0 : i32
    %dma_wait3A_2492 = tpu.memref_slice %dma_wait3A_2489[%dma_wait3A_2490, %dma_wait3A_2491] : memref<24x128xf32, #tpu.memory_space<hbm>> -> memref<20x64xf32, #tpu.memory_space<hbm>>
    %dma_wait3A_2493 = arith.constant 0 : i32
    %dma_wait3A_2494 = arith.constant 0 : i32
    %dma_wait3A_2495 = tpu.memref_slice %arg5[%dma_wait3A_2468, %dma_wait3A_2493, %dma_wait3A_2494] : memref<4x160x128xf32, #tpu.memory_space<vmem>> -> memref<1x160x128xf32, #tpu.memory_space<vmem>>
    %dma_wait3A_2496 = tpu.memref_squeeze %dma_wait3A_2495 : memref<1x160x128xf32, #tpu.memory_space<vmem>> -> memref<160x128xf32, #tpu.memory_space<vmem>>
    %dma_wait3A_2497 = arith.constant 0 : i32
    %dma_wait3A_2498 = arith.constant 0 : i32
    %dma_wait3A_2499 = tpu.memref_slice %dma_wait3A_2496[%dma_wait3A_2497, %dma_wait3A_2498] : memref<160x128xf32, #tpu.memory_space<vmem>> -> memref<20x64xf32, #tpu.memory_space<vmem>>
    tpu.wait_dma2 semaphore(%dma_wait3A_2485 : memref<!tpu.dma_semaphore, #tpu.memory_space<semaphore_mem>>) src(%dma_wait3A_2499 : memref<20x64xf32, #tpu.memory_space<vmem>>) dst(%dma_wait3A_2492 : memref<20x64xf32, #tpu.memory_space<hbm>>)
    %add3A_2500 = arith.constant 488 : i32
    %add3A_2501 = arith.addi %mul3A_2, %add3A_2500 : i32
    %add3A_2502 = arith.constant 1 : i32
    %add3A_2503 = arith.addi %add3A_2501, %add3A_2502 : i32
    %dma_wait3A_2504 = arith.constant 1 : i32
    %dma_wait3A_2505 = arith.constant 1 : i32
    %dma_wait3A_2506 = arith.constant 0 : i32
    %dma_wait3A_2507 = arith.constant 0 : i32
    %dma_wait3A_2508 = tpu.memref_slice %arg5[%dma_wait3A_2504, %dma_wait3A_2506, %dma_wait3A_2507] : memref<4x160x128xf32, #tpu.memory_space<vmem>> -> memref<1x160x128xf32, #tpu.memory_space<vmem>>
    %dma_wait3A_2509 = tpu.memref_squeeze %dma_wait3A_2508 : memref<1x160x128xf32, #tpu.memory_space<vmem>> -> memref<160x128xf32, #tpu.memory_space<vmem>>
    %dma_wait3A_2510 = arith.constant 20 : i32
    %dma_wait3A_2511 = arith.constant 0 : i32
    %dma_wait3A_2512 = tpu.memref_slice %dma_wait3A_2509[%dma_wait3A_2510, %dma_wait3A_2511] : memref<160x128xf32, #tpu.memory_space<vmem>> -> memref<20x64xf32, #tpu.memory_space<vmem>>
    %dma_wait3A_2513 = arith.constant 0 : i32
    %dma_wait3A_2514 = arith.constant 0 : i32
    %dma_wait3A_2515 = tpu.memref_slice %arg4[%add3A_2503, %dma_wait3A_2513, %dma_wait3A_2514] : memref<16384x24x128xf32, #tpu.memory_space<hbm>> -> memref<1x24x128xf32, #tpu.memory_space<hbm>>
    %dma_wait3A_2516 = tpu.memref_squeeze %dma_wait3A_2515 : memref<1x24x128xf32, #tpu.memory_space<hbm>> -> memref<24x128xf32, #tpu.memory_space<hbm>>
    %dma_wait3A_2517 = arith.constant 0 : i32
    %dma_wait3A_2518 = arith.constant 0 : i32
    %dma_wait3A_2519 = tpu.memref_slice %dma_wait3A_2516[%dma_wait3A_2517, %dma_wait3A_2518] : memref<24x128xf32, #tpu.memory_space<hbm>> -> memref<20x64xf32, #tpu.memory_space<hbm>>
    %dma_wait3A_2520 = tpu.memref_slice %arg9[%dma_wait3A_2505] : memref<4x!tpu.dma_semaphore, #tpu.memory_space<semaphore_mem>> -> memref<1x!tpu.dma_semaphore, #tpu.memory_space<semaphore_mem>>
    %dma_wait3A_2521 = tpu.memref_squeeze %dma_wait3A_2520 : memref<1x!tpu.dma_semaphore, #tpu.memory_space<semaphore_mem>> -> memref<!tpu.dma_semaphore, #tpu.memory_space<semaphore_mem>>
    %dma_wait3A_2522 = arith.constant 0 : i32
    %dma_wait3A_2523 = arith.constant 0 : i32
    %dma_wait3A_2524 = tpu.memref_slice %arg4[%add3A_2503, %dma_wait3A_2522, %dma_wait3A_2523] : memref<16384x24x128xf32, #tpu.memory_space<hbm>> -> memref<1x24x128xf32, #tpu.memory_space<hbm>>
    %dma_wait3A_2525 = tpu.memref_squeeze %dma_wait3A_2524 : memref<1x24x128xf32, #tpu.memory_space<hbm>> -> memref<24x128xf32, #tpu.memory_space<hbm>>
    %dma_wait3A_2526 = arith.constant 0 : i32
    %dma_wait3A_2527 = arith.constant 0 : i32
    %dma_wait3A_2528 = tpu.memref_slice %dma_wait3A_2525[%dma_wait3A_2526, %dma_wait3A_2527] : memref<24x128xf32, #tpu.memory_space<hbm>> -> memref<20x64xf32, #tpu.memory_space<hbm>>
    %dma_wait3A_2529 = arith.constant 0 : i32
    %dma_wait3A_2530 = arith.constant 0 : i32
    %dma_wait3A_2531 = tpu.memref_slice %arg5[%dma_wait3A_2504, %dma_wait3A_2529, %dma_wait3A_2530] : memref<4x160x128xf32, #tpu.memory_space<vmem>> -> memref<1x160x128xf32, #tpu.memory_space<vmem>>
    %dma_wait3A_2532 = tpu.memref_squeeze %dma_wait3A_2531 : memref<1x160x128xf32, #tpu.memory_space<vmem>> -> memref<160x128xf32, #tpu.memory_space<vmem>>
    %dma_wait3A_2533 = arith.constant 20 : i32
    %dma_wait3A_2534 = arith.constant 0 : i32
    %dma_wait3A_2535 = tpu.memref_slice %dma_wait3A_2532[%dma_wait3A_2533, %dma_wait3A_2534] : memref<160x128xf32, #tpu.memory_space<vmem>> -> memref<20x64xf32, #tpu.memory_space<vmem>>
    tpu.wait_dma2 semaphore(%dma_wait3A_2521 : memref<!tpu.dma_semaphore, #tpu.memory_space<semaphore_mem>>) src(%dma_wait3A_2535 : memref<20x64xf32, #tpu.memory_space<vmem>>) dst(%dma_wait3A_2528 : memref<20x64xf32, #tpu.memory_space<hbm>>)
    %add3A_2536 = arith.constant 488 : i32
    %add3A_2537 = arith.addi %mul3A_2, %add3A_2536 : i32
    %add3A_2538 = arith.constant 2 : i32
    %add3A_2539 = arith.addi %add3A_2537, %add3A_2538 : i32
    %dma_wait3A_2540 = arith.constant 1 : i32
    %dma_wait3A_2541 = arith.constant 1 : i32
    %dma_wait3A_2542 = arith.constant 0 : i32
    %dma_wait3A_2543 = arith.constant 0 : i32
    %dma_wait3A_2544 = tpu.memref_slice %arg5[%dma_wait3A_2540, %dma_wait3A_2542, %dma_wait3A_2543] : memref<4x160x128xf32, #tpu.memory_space<vmem>> -> memref<1x160x128xf32, #tpu.memory_space<vmem>>
    %dma_wait3A_2545 = tpu.memref_squeeze %dma_wait3A_2544 : memref<1x160x128xf32, #tpu.memory_space<vmem>> -> memref<160x128xf32, #tpu.memory_space<vmem>>
    %dma_wait3A_2546 = arith.constant 40 : i32
    %dma_wait3A_2547 = arith.constant 0 : i32
    %dma_wait3A_2548 = tpu.memref_slice %dma_wait3A_2545[%dma_wait3A_2546, %dma_wait3A_2547] : memref<160x128xf32, #tpu.memory_space<vmem>> -> memref<20x64xf32, #tpu.memory_space<vmem>>
    %dma_wait3A_2549 = arith.constant 0 : i32
    %dma_wait3A_2550 = arith.constant 0 : i32
    %dma_wait3A_2551 = tpu.memref_slice %arg4[%add3A_2539, %dma_wait3A_2549, %dma_wait3A_2550] : memref<16384x24x128xf32, #tpu.memory_space<hbm>> -> memref<1x24x128xf32, #tpu.memory_space<hbm>>
    %dma_wait3A_2552 = tpu.memref_squeeze %dma_wait3A_2551 : memref<1x24x128xf32, #tpu.memory_space<hbm>> -> memref<24x128xf32, #tpu.memory_space<hbm>>
    %dma_wait3A_2553 = arith.constant 0 : i32
    %dma_wait3A_2554 = arith.constant 0 : i32
    %dma_wait3A_2555 = tpu.memref_slice %dma_wait3A_2552[%dma_wait3A_2553, %dma_wait3A_2554] : memref<24x128xf32, #tpu.memory_space<hbm>> -> memref<20x64xf32, #tpu.memory_space<hbm>>
    %dma_wait3A_2556 = tpu.memref_slice %arg9[%dma_wait3A_2541] : memref<4x!tpu.dma_semaphore, #tpu.memory_space<semaphore_mem>> -> memref<1x!tpu.dma_semaphore, #tpu.memory_space<semaphore_mem>>
    %dma_wait3A_2557 = tpu.memref_squeeze %dma_wait3A_2556 : memref<1x!tpu.dma_semaphore, #tpu.memory_space<semaphore_mem>> -> memref<!tpu.dma_semaphore, #tpu.memory_space<semaphore_mem>>
    %dma_wait3A_2558 = arith.constant 0 : i32
    %dma_wait3A_2559 = arith.constant 0 : i32
    %dma_wait3A_2560 = tpu.memref_slice %arg4[%add3A_2539, %dma_wait3A_2558, %dma_wait3A_2559] : memref<16384x24x128xf32, #tpu.memory_space<hbm>> -> memref<1x24x128xf32, #tpu.memory_space<hbm>>
    %dma_wait3A_2561 = tpu.memref_squeeze %dma_wait3A_2560 : memref<1x24x128xf32, #tpu.memory_space<hbm>> -> memref<24x128xf32, #tpu.memory_space<hbm>>
    %dma_wait3A_2562 = arith.constant 0 : i32
    %dma_wait3A_2563 = arith.constant 0 : i32
    %dma_wait3A_2564 = tpu.memref_slice %dma_wait3A_2561[%dma_wait3A_2562, %dma_wait3A_2563] : memref<24x128xf32, #tpu.memory_space<hbm>> -> memref<20x64xf32, #tpu.memory_space<hbm>>
    %dma_wait3A_2565 = arith.constant 0 : i32
    %dma_wait3A_2566 = arith.constant 0 : i32
    %dma_wait3A_2567 = tpu.memref_slice %arg5[%dma_wait3A_2540, %dma_wait3A_2565, %dma_wait3A_2566] : memref<4x160x128xf32, #tpu.memory_space<vmem>> -> memref<1x160x128xf32, #tpu.memory_space<vmem>>
    %dma_wait3A_2568 = tpu.memref_squeeze %dma_wait3A_2567 : memref<1x160x128xf32, #tpu.memory_space<vmem>> -> memref<160x128xf32, #tpu.memory_space<vmem>>
    %dma_wait3A_2569 = arith.constant 40 : i32
    %dma_wait3A_2570 = arith.constant 0 : i32
    %dma_wait3A_2571 = tpu.memref_slice %dma_wait3A_2568[%dma_wait3A_2569, %dma_wait3A_2570] : memref<160x128xf32, #tpu.memory_space<vmem>> -> memref<20x64xf32, #tpu.memory_space<vmem>>
    tpu.wait_dma2 semaphore(%dma_wait3A_2557 : memref<!tpu.dma_semaphore, #tpu.memory_space<semaphore_mem>>) src(%dma_wait3A_2571 : memref<20x64xf32, #tpu.memory_space<vmem>>) dst(%dma_wait3A_2564 : memref<20x64xf32, #tpu.memory_space<hbm>>)
    %add3A_2572 = arith.constant 488 : i32
    %add3A_2573 = arith.addi %mul3A_2, %add3A_2572 : i32
    %add3A_2574 = arith.constant 3 : i32
    %add3A_2575 = arith.addi %add3A_2573, %add3A_2574 : i32
    %dma_wait3A_2576 = arith.constant 1 : i32
    %dma_wait3A_2577 = arith.constant 1 : i32
    %dma_wait3A_2578 = arith.constant 0 : i32
    %dma_wait3A_2579 = arith.constant 0 : i32
    %dma_wait3A_2580 = tpu.memref_slice %arg5[%dma_wait3A_2576, %dma_wait3A_2578, %dma_wait3A_2579] : memref<4x160x128xf32, #tpu.memory_space<vmem>> -> memref<1x160x128xf32, #tpu.memory_space<vmem>>
    %dma_wait3A_2581 = tpu.memref_squeeze %dma_wait3A_2580 : memref<1x160x128xf32, #tpu.memory_space<vmem>> -> memref<160x128xf32, #tpu.memory_space<vmem>>
    %dma_wait3A_2582 = arith.constant 60 : i32
    %dma_wait3A_2583 = arith.constant 0 : i32
    %dma_wait3A_2584 = tpu.memref_slice %dma_wait3A_2581[%dma_wait3A_2582, %dma_wait3A_2583] : memref<160x128xf32, #tpu.memory_space<vmem>> -> memref<20x64xf32, #tpu.memory_space<vmem>>
    %dma_wait3A_2585 = arith.constant 0 : i32
    %dma_wait3A_2586 = arith.constant 0 : i32
    %dma_wait3A_2587 = tpu.memref_slice %arg4[%add3A_2575, %dma_wait3A_2585, %dma_wait3A_2586] : memref<16384x24x128xf32, #tpu.memory_space<hbm>> -> memref<1x24x128xf32, #tpu.memory_space<hbm>>
    %dma_wait3A_2588 = tpu.memref_squeeze %dma_wait3A_2587 : memref<1x24x128xf32, #tpu.memory_space<hbm>> -> memref<24x128xf32, #tpu.memory_space<hbm>>
    %dma_wait3A_2589 = arith.constant 0 : i32
    %dma_wait3A_2590 = arith.constant 0 : i32
    %dma_wait3A_2591 = tpu.memref_slice %dma_wait3A_2588[%dma_wait3A_2589, %dma_wait3A_2590] : memref<24x128xf32, #tpu.memory_space<hbm>> -> memref<20x64xf32, #tpu.memory_space<hbm>>
    %dma_wait3A_2592 = tpu.memref_slice %arg9[%dma_wait3A_2577] : memref<4x!tpu.dma_semaphore, #tpu.memory_space<semaphore_mem>> -> memref<1x!tpu.dma_semaphore, #tpu.memory_space<semaphore_mem>>
    %dma_wait3A_2593 = tpu.memref_squeeze %dma_wait3A_2592 : memref<1x!tpu.dma_semaphore, #tpu.memory_space<semaphore_mem>> -> memref<!tpu.dma_semaphore, #tpu.memory_space<semaphore_mem>>
    %dma_wait3A_2594 = arith.constant 0 : i32
    %dma_wait3A_2595 = arith.constant 0 : i32
    %dma_wait3A_2596 = tpu.memref_slice %arg4[%add3A_2575, %dma_wait3A_2594, %dma_wait3A_2595] : memref<16384x24x128xf32, #tpu.memory_space<hbm>> -> memref<1x24x128xf32, #tpu.memory_space<hbm>>
    %dma_wait3A_2597 = tpu.memref_squeeze %dma_wait3A_2596 : memref<1x24x128xf32, #tpu.memory_space<hbm>> -> memref<24x128xf32, #tpu.memory_space<hbm>>
    %dma_wait3A_2598 = arith.constant 0 : i32
    %dma_wait3A_2599 = arith.constant 0 : i32
    %dma_wait3A_2600 = tpu.memref_slice %dma_wait3A_2597[%dma_wait3A_2598, %dma_wait3A_2599] : memref<24x128xf32, #tpu.memory_space<hbm>> -> memref<20x64xf32, #tpu.memory_space<hbm>>
    %dma_wait3A_2601 = arith.constant 0 : i32
    %dma_wait3A_2602 = arith.constant 0 : i32
    %dma_wait3A_2603 = tpu.memref_slice %arg5[%dma_wait3A_2576, %dma_wait3A_2601, %dma_wait3A_2602] : memref<4x160x128xf32, #tpu.memory_space<vmem>> -> memref<1x160x128xf32, #tpu.memory_space<vmem>>
    %dma_wait3A_2604 = tpu.memref_squeeze %dma_wait3A_2603 : memref<1x160x128xf32, #tpu.memory_space<vmem>> -> memref<160x128xf32, #tpu.memory_space<vmem>>
    %dma_wait3A_2605 = arith.constant 60 : i32
    %dma_wait3A_2606 = arith.constant 0 : i32
    %dma_wait3A_2607 = tpu.memref_slice %dma_wait3A_2604[%dma_wait3A_2605, %dma_wait3A_2606] : memref<160x128xf32, #tpu.memory_space<vmem>> -> memref<20x64xf32, #tpu.memory_space<vmem>>
    tpu.wait_dma2 semaphore(%dma_wait3A_2593 : memref<!tpu.dma_semaphore, #tpu.memory_space<semaphore_mem>>) src(%dma_wait3A_2607 : memref<20x64xf32, #tpu.memory_space<vmem>>) dst(%dma_wait3A_2600 : memref<20x64xf32, #tpu.memory_space<hbm>>)
    %add3A_2608 = arith.constant 488 : i32
    %add3A_2609 = arith.addi %mul3A_2, %add3A_2608 : i32
    %add3A_2610 = arith.constant 4 : i32
    %add3A_2611 = arith.addi %add3A_2609, %add3A_2610 : i32
    %dma_wait3A_2612 = arith.constant 1 : i32
    %dma_wait3A_2613 = arith.constant 1 : i32
    %dma_wait3A_2614 = arith.constant 0 : i32
    %dma_wait3A_2615 = arith.constant 0 : i32
    %dma_wait3A_2616 = tpu.memref_slice %arg5[%dma_wait3A_2612, %dma_wait3A_2614, %dma_wait3A_2615] : memref<4x160x128xf32, #tpu.memory_space<vmem>> -> memref<1x160x128xf32, #tpu.memory_space<vmem>>
    %dma_wait3A_2617 = tpu.memref_squeeze %dma_wait3A_2616 : memref<1x160x128xf32, #tpu.memory_space<vmem>> -> memref<160x128xf32, #tpu.memory_space<vmem>>
    %dma_wait3A_2618 = arith.constant 80 : i32
    %dma_wait3A_2619 = arith.constant 0 : i32
    %dma_wait3A_2620 = tpu.memref_slice %dma_wait3A_2617[%dma_wait3A_2618, %dma_wait3A_2619] : memref<160x128xf32, #tpu.memory_space<vmem>> -> memref<20x64xf32, #tpu.memory_space<vmem>>
    %dma_wait3A_2621 = arith.constant 0 : i32
    %dma_wait3A_2622 = arith.constant 0 : i32
    %dma_wait3A_2623 = tpu.memref_slice %arg4[%add3A_2611, %dma_wait3A_2621, %dma_wait3A_2622] : memref<16384x24x128xf32, #tpu.memory_space<hbm>> -> memref<1x24x128xf32, #tpu.memory_space<hbm>>
    %dma_wait3A_2624 = tpu.memref_squeeze %dma_wait3A_2623 : memref<1x24x128xf32, #tpu.memory_space<hbm>> -> memref<24x128xf32, #tpu.memory_space<hbm>>
    %dma_wait3A_2625 = arith.constant 0 : i32
    %dma_wait3A_2626 = arith.constant 0 : i32
    %dma_wait3A_2627 = tpu.memref_slice %dma_wait3A_2624[%dma_wait3A_2625, %dma_wait3A_2626] : memref<24x128xf32, #tpu.memory_space<hbm>> -> memref<20x64xf32, #tpu.memory_space<hbm>>
    %dma_wait3A_2628 = tpu.memref_slice %arg9[%dma_wait3A_2613] : memref<4x!tpu.dma_semaphore, #tpu.memory_space<semaphore_mem>> -> memref<1x!tpu.dma_semaphore, #tpu.memory_space<semaphore_mem>>
    %dma_wait3A_2629 = tpu.memref_squeeze %dma_wait3A_2628 : memref<1x!tpu.dma_semaphore, #tpu.memory_space<semaphore_mem>> -> memref<!tpu.dma_semaphore, #tpu.memory_space<semaphore_mem>>
    %dma_wait3A_2630 = arith.constant 0 : i32
    %dma_wait3A_2631 = arith.constant 0 : i32
    %dma_wait3A_2632 = tpu.memref_slice %arg4[%add3A_2611, %dma_wait3A_2630, %dma_wait3A_2631] : memref<16384x24x128xf32, #tpu.memory_space<hbm>> -> memref<1x24x128xf32, #tpu.memory_space<hbm>>
    %dma_wait3A_2633 = tpu.memref_squeeze %dma_wait3A_2632 : memref<1x24x128xf32, #tpu.memory_space<hbm>> -> memref<24x128xf32, #tpu.memory_space<hbm>>
    %dma_wait3A_2634 = arith.constant 0 : i32
    %dma_wait3A_2635 = arith.constant 0 : i32
    %dma_wait3A_2636 = tpu.memref_slice %dma_wait3A_2633[%dma_wait3A_2634, %dma_wait3A_2635] : memref<24x128xf32, #tpu.memory_space<hbm>> -> memref<20x64xf32, #tpu.memory_space<hbm>>
    %dma_wait3A_2637 = arith.constant 0 : i32
    %dma_wait3A_2638 = arith.constant 0 : i32
    %dma_wait3A_2639 = tpu.memref_slice %arg5[%dma_wait3A_2612, %dma_wait3A_2637, %dma_wait3A_2638] : memref<4x160x128xf32, #tpu.memory_space<vmem>> -> memref<1x160x128xf32, #tpu.memory_space<vmem>>
    %dma_wait3A_2640 = tpu.memref_squeeze %dma_wait3A_2639 : memref<1x160x128xf32, #tpu.memory_space<vmem>> -> memref<160x128xf32, #tpu.memory_space<vmem>>
    %dma_wait3A_2641 = arith.constant 80 : i32
    %dma_wait3A_2642 = arith.constant 0 : i32
    %dma_wait3A_2643 = tpu.memref_slice %dma_wait3A_2640[%dma_wait3A_2641, %dma_wait3A_2642] : memref<160x128xf32, #tpu.memory_space<vmem>> -> memref<20x64xf32, #tpu.memory_space<vmem>>
    tpu.wait_dma2 semaphore(%dma_wait3A_2629 : memref<!tpu.dma_semaphore, #tpu.memory_space<semaphore_mem>>) src(%dma_wait3A_2643 : memref<20x64xf32, #tpu.memory_space<vmem>>) dst(%dma_wait3A_2636 : memref<20x64xf32, #tpu.memory_space<hbm>>)
    %add3A_2644 = arith.constant 488 : i32
    %add3A_2645 = arith.addi %mul3A_2, %add3A_2644 : i32
    %add3A_2646 = arith.constant 5 : i32
    %add3A_2647 = arith.addi %add3A_2645, %add3A_2646 : i32
    %dma_wait3A_2648 = arith.constant 1 : i32
    %dma_wait3A_2649 = arith.constant 1 : i32
    %dma_wait3A_2650 = arith.constant 0 : i32
    %dma_wait3A_2651 = arith.constant 0 : i32
    %dma_wait3A_2652 = tpu.memref_slice %arg5[%dma_wait3A_2648, %dma_wait3A_2650, %dma_wait3A_2651] : memref<4x160x128xf32, #tpu.memory_space<vmem>> -> memref<1x160x128xf32, #tpu.memory_space<vmem>>
    %dma_wait3A_2653 = tpu.memref_squeeze %dma_wait3A_2652 : memref<1x160x128xf32, #tpu.memory_space<vmem>> -> memref<160x128xf32, #tpu.memory_space<vmem>>
    %dma_wait3A_2654 = arith.constant 100 : i32
    %dma_wait3A_2655 = arith.constant 0 : i32
    %dma_wait3A_2656 = tpu.memref_slice %dma_wait3A_2653[%dma_wait3A_2654, %dma_wait3A_2655] : memref<160x128xf32, #tpu.memory_space<vmem>> -> memref<20x64xf32, #tpu.memory_space<vmem>>
    %dma_wait3A_2657 = arith.constant 0 : i32
    %dma_wait3A_2658 = arith.constant 0 : i32
    %dma_wait3A_2659 = tpu.memref_slice %arg4[%add3A_2647, %dma_wait3A_2657, %dma_wait3A_2658] : memref<16384x24x128xf32, #tpu.memory_space<hbm>> -> memref<1x24x128xf32, #tpu.memory_space<hbm>>
    %dma_wait3A_2660 = tpu.memref_squeeze %dma_wait3A_2659 : memref<1x24x128xf32, #tpu.memory_space<hbm>> -> memref<24x128xf32, #tpu.memory_space<hbm>>
    %dma_wait3A_2661 = arith.constant 0 : i32
    %dma_wait3A_2662 = arith.constant 0 : i32
    %dma_wait3A_2663 = tpu.memref_slice %dma_wait3A_2660[%dma_wait3A_2661, %dma_wait3A_2662] : memref<24x128xf32, #tpu.memory_space<hbm>> -> memref<20x64xf32, #tpu.memory_space<hbm>>
    %dma_wait3A_2664 = tpu.memref_slice %arg9[%dma_wait3A_2649] : memref<4x!tpu.dma_semaphore, #tpu.memory_space<semaphore_mem>> -> memref<1x!tpu.dma_semaphore, #tpu.memory_space<semaphore_mem>>
    %dma_wait3A_2665 = tpu.memref_squeeze %dma_wait3A_2664 : memref<1x!tpu.dma_semaphore, #tpu.memory_space<semaphore_mem>> -> memref<!tpu.dma_semaphore, #tpu.memory_space<semaphore_mem>>
    %dma_wait3A_2666 = arith.constant 0 : i32
    %dma_wait3A_2667 = arith.constant 0 : i32
    %dma_wait3A_2668 = tpu.memref_slice %arg4[%add3A_2647, %dma_wait3A_2666, %dma_wait3A_2667] : memref<16384x24x128xf32, #tpu.memory_space<hbm>> -> memref<1x24x128xf32, #tpu.memory_space<hbm>>
    %dma_wait3A_2669 = tpu.memref_squeeze %dma_wait3A_2668 : memref<1x24x128xf32, #tpu.memory_space<hbm>> -> memref<24x128xf32, #tpu.memory_space<hbm>>
    %dma_wait3A_2670 = arith.constant 0 : i32
    %dma_wait3A_2671 = arith.constant 0 : i32
    %dma_wait3A_2672 = tpu.memref_slice %dma_wait3A_2669[%dma_wait3A_2670, %dma_wait3A_2671] : memref<24x128xf32, #tpu.memory_space<hbm>> -> memref<20x64xf32, #tpu.memory_space<hbm>>
    %dma_wait3A_2673 = arith.constant 0 : i32
    %dma_wait3A_2674 = arith.constant 0 : i32
    %dma_wait3A_2675 = tpu.memref_slice %arg5[%dma_wait3A_2648, %dma_wait3A_2673, %dma_wait3A_2674] : memref<4x160x128xf32, #tpu.memory_space<vmem>> -> memref<1x160x128xf32, #tpu.memory_space<vmem>>
    %dma_wait3A_2676 = tpu.memref_squeeze %dma_wait3A_2675 : memref<1x160x128xf32, #tpu.memory_space<vmem>> -> memref<160x128xf32, #tpu.memory_space<vmem>>
    %dma_wait3A_2677 = arith.constant 100 : i32
    %dma_wait3A_2678 = arith.constant 0 : i32
    %dma_wait3A_2679 = tpu.memref_slice %dma_wait3A_2676[%dma_wait3A_2677, %dma_wait3A_2678] : memref<160x128xf32, #tpu.memory_space<vmem>> -> memref<20x64xf32, #tpu.memory_space<vmem>>
    tpu.wait_dma2 semaphore(%dma_wait3A_2665 : memref<!tpu.dma_semaphore, #tpu.memory_space<semaphore_mem>>) src(%dma_wait3A_2679 : memref<20x64xf32, #tpu.memory_space<vmem>>) dst(%dma_wait3A_2672 : memref<20x64xf32, #tpu.memory_space<hbm>>)
    %add3A_2680 = arith.constant 488 : i32
    %add3A_2681 = arith.addi %mul3A_2, %add3A_2680 : i32
    %add3A_2682 = arith.constant 6 : i32
    %add3A_2683 = arith.addi %add3A_2681, %add3A_2682 : i32
    %dma_wait3A_2684 = arith.constant 1 : i32
    %dma_wait3A_2685 = arith.constant 1 : i32
    %dma_wait3A_2686 = arith.constant 0 : i32
    %dma_wait3A_2687 = arith.constant 0 : i32
    %dma_wait3A_2688 = tpu.memref_slice %arg5[%dma_wait3A_2684, %dma_wait3A_2686, %dma_wait3A_2687] : memref<4x160x128xf32, #tpu.memory_space<vmem>> -> memref<1x160x128xf32, #tpu.memory_space<vmem>>
    %dma_wait3A_2689 = tpu.memref_squeeze %dma_wait3A_2688 : memref<1x160x128xf32, #tpu.memory_space<vmem>> -> memref<160x128xf32, #tpu.memory_space<vmem>>
    %dma_wait3A_2690 = arith.constant 120 : i32
    %dma_wait3A_2691 = arith.constant 0 : i32
    %dma_wait3A_2692 = tpu.memref_slice %dma_wait3A_2689[%dma_wait3A_2690, %dma_wait3A_2691] : memref<160x128xf32, #tpu.memory_space<vmem>> -> memref<20x64xf32, #tpu.memory_space<vmem>>
    %dma_wait3A_2693 = arith.constant 0 : i32
    %dma_wait3A_2694 = arith.constant 0 : i32
    %dma_wait3A_2695 = tpu.memref_slice %arg4[%add3A_2683, %dma_wait3A_2693, %dma_wait3A_2694] : memref<16384x24x128xf32, #tpu.memory_space<hbm>> -> memref<1x24x128xf32, #tpu.memory_space<hbm>>
    %dma_wait3A_2696 = tpu.memref_squeeze %dma_wait3A_2695 : memref<1x24x128xf32, #tpu.memory_space<hbm>> -> memref<24x128xf32, #tpu.memory_space<hbm>>
    %dma_wait3A_2697 = arith.constant 0 : i32
    %dma_wait3A_2698 = arith.constant 0 : i32
    %dma_wait3A_2699 = tpu.memref_slice %dma_wait3A_2696[%dma_wait3A_2697, %dma_wait3A_2698] : memref<24x128xf32, #tpu.memory_space<hbm>> -> memref<20x64xf32, #tpu.memory_space<hbm>>
    %dma_wait3A_2700 = tpu.memref_slice %arg9[%dma_wait3A_2685] : memref<4x!tpu.dma_semaphore, #tpu.memory_space<semaphore_mem>> -> memref<1x!tpu.dma_semaphore, #tpu.memory_space<semaphore_mem>>
    %dma_wait3A_2701 = tpu.memref_squeeze %dma_wait3A_2700 : memref<1x!tpu.dma_semaphore, #tpu.memory_space<semaphore_mem>> -> memref<!tpu.dma_semaphore, #tpu.memory_space<semaphore_mem>>
    %dma_wait3A_2702 = arith.constant 0 : i32
    %dma_wait3A_2703 = arith.constant 0 : i32
    %dma_wait3A_2704 = tpu.memref_slice %arg4[%add3A_2683, %dma_wait3A_2702, %dma_wait3A_2703] : memref<16384x24x128xf32, #tpu.memory_space<hbm>> -> memref<1x24x128xf32, #tpu.memory_space<hbm>>
    %dma_wait3A_2705 = tpu.memref_squeeze %dma_wait3A_2704 : memref<1x24x128xf32, #tpu.memory_space<hbm>> -> memref<24x128xf32, #tpu.memory_space<hbm>>
    %dma_wait3A_2706 = arith.constant 0 : i32
    %dma_wait3A_2707 = arith.constant 0 : i32
    %dma_wait3A_2708 = tpu.memref_slice %dma_wait3A_2705[%dma_wait3A_2706, %dma_wait3A_2707] : memref<24x128xf32, #tpu.memory_space<hbm>> -> memref<20x64xf32, #tpu.memory_space<hbm>>
    %dma_wait3A_2709 = arith.constant 0 : i32
    %dma_wait3A_2710 = arith.constant 0 : i32
    %dma_wait3A_2711 = tpu.memref_slice %arg5[%dma_wait3A_2684, %dma_wait3A_2709, %dma_wait3A_2710] : memref<4x160x128xf32, #tpu.memory_space<vmem>> -> memref<1x160x128xf32, #tpu.memory_space<vmem>>
    %dma_wait3A_2712 = tpu.memref_squeeze %dma_wait3A_2711 : memref<1x160x128xf32, #tpu.memory_space<vmem>> -> memref<160x128xf32, #tpu.memory_space<vmem>>
    %dma_wait3A_2713 = arith.constant 120 : i32
    %dma_wait3A_2714 = arith.constant 0 : i32
    %dma_wait3A_2715 = tpu.memref_slice %dma_wait3A_2712[%dma_wait3A_2713, %dma_wait3A_2714] : memref<160x128xf32, #tpu.memory_space<vmem>> -> memref<20x64xf32, #tpu.memory_space<vmem>>
    tpu.wait_dma2 semaphore(%dma_wait3A_2701 : memref<!tpu.dma_semaphore, #tpu.memory_space<semaphore_mem>>) src(%dma_wait3A_2715 : memref<20x64xf32, #tpu.memory_space<vmem>>) dst(%dma_wait3A_2708 : memref<20x64xf32, #tpu.memory_space<hbm>>)
    %add3A_2716 = arith.constant 488 : i32
    %add3A_2717 = arith.addi %mul3A_2, %add3A_2716 : i32
    %add3A_2718 = arith.constant 7 : i32
    %add3A_2719 = arith.addi %add3A_2717, %add3A_2718 : i32
    %dma_wait3A_2720 = arith.constant 1 : i32
    %dma_wait3A_2721 = arith.constant 1 : i32
    %dma_wait3A_2722 = arith.constant 0 : i32
    %dma_wait3A_2723 = arith.constant 0 : i32
    %dma_wait3A_2724 = tpu.memref_slice %arg5[%dma_wait3A_2720, %dma_wait3A_2722, %dma_wait3A_2723] : memref<4x160x128xf32, #tpu.memory_space<vmem>> -> memref<1x160x128xf32, #tpu.memory_space<vmem>>
    %dma_wait3A_2725 = tpu.memref_squeeze %dma_wait3A_2724 : memref<1x160x128xf32, #tpu.memory_space<vmem>> -> memref<160x128xf32, #tpu.memory_space<vmem>>
    %dma_wait3A_2726 = arith.constant 140 : i32
    %dma_wait3A_2727 = arith.constant 0 : i32
    %dma_wait3A_2728 = tpu.memref_slice %dma_wait3A_2725[%dma_wait3A_2726, %dma_wait3A_2727] : memref<160x128xf32, #tpu.memory_space<vmem>> -> memref<20x64xf32, #tpu.memory_space<vmem>>
    %dma_wait3A_2729 = arith.constant 0 : i32
    %dma_wait3A_2730 = arith.constant 0 : i32
    %dma_wait3A_2731 = tpu.memref_slice %arg4[%add3A_2719, %dma_wait3A_2729, %dma_wait3A_2730] : memref<16384x24x128xf32, #tpu.memory_space<hbm>> -> memref<1x24x128xf32, #tpu.memory_space<hbm>>
    %dma_wait3A_2732 = tpu.memref_squeeze %dma_wait3A_2731 : memref<1x24x128xf32, #tpu.memory_space<hbm>> -> memref<24x128xf32, #tpu.memory_space<hbm>>
    %dma_wait3A_2733 = arith.constant 0 : i32
    %dma_wait3A_2734 = arith.constant 0 : i32
    %dma_wait3A_2735 = tpu.memref_slice %dma_wait3A_2732[%dma_wait3A_2733, %dma_wait3A_2734] : memref<24x128xf32, #tpu.memory_space<hbm>> -> memref<20x64xf32, #tpu.memory_space<hbm>>
    %dma_wait3A_2736 = tpu.memref_slice %arg9[%dma_wait3A_2721] : memref<4x!tpu.dma_semaphore, #tpu.memory_space<semaphore_mem>> -> memref<1x!tpu.dma_semaphore, #tpu.memory_space<semaphore_mem>>
    %dma_wait3A_2737 = tpu.memref_squeeze %dma_wait3A_2736 : memref<1x!tpu.dma_semaphore, #tpu.memory_space<semaphore_mem>> -> memref<!tpu.dma_semaphore, #tpu.memory_space<semaphore_mem>>
    %dma_wait3A_2738 = arith.constant 0 : i32
    %dma_wait3A_2739 = arith.constant 0 : i32
    %dma_wait3A_2740 = tpu.memref_slice %arg4[%add3A_2719, %dma_wait3A_2738, %dma_wait3A_2739] : memref<16384x24x128xf32, #tpu.memory_space<hbm>> -> memref<1x24x128xf32, #tpu.memory_space<hbm>>
    %dma_wait3A_2741 = tpu.memref_squeeze %dma_wait3A_2740 : memref<1x24x128xf32, #tpu.memory_space<hbm>> -> memref<24x128xf32, #tpu.memory_space<hbm>>
    %dma_wait3A_2742 = arith.constant 0 : i32
    %dma_wait3A_2743 = arith.constant 0 : i32
    %dma_wait3A_2744 = tpu.memref_slice %dma_wait3A_2741[%dma_wait3A_2742, %dma_wait3A_2743] : memref<24x128xf32, #tpu.memory_space<hbm>> -> memref<20x64xf32, #tpu.memory_space<hbm>>
    %dma_wait3A_2745 = arith.constant 0 : i32
    %dma_wait3A_2746 = arith.constant 0 : i32
    %dma_wait3A_2747 = tpu.memref_slice %arg5[%dma_wait3A_2720, %dma_wait3A_2745, %dma_wait3A_2746] : memref<4x160x128xf32, #tpu.memory_space<vmem>> -> memref<1x160x128xf32, #tpu.memory_space<vmem>>
    %dma_wait3A_2748 = tpu.memref_squeeze %dma_wait3A_2747 : memref<1x160x128xf32, #tpu.memory_space<vmem>> -> memref<160x128xf32, #tpu.memory_space<vmem>>
    %dma_wait3A_2749 = arith.constant 140 : i32
    %dma_wait3A_2750 = arith.constant 0 : i32
    %dma_wait3A_2751 = tpu.memref_slice %dma_wait3A_2748[%dma_wait3A_2749, %dma_wait3A_2750] : memref<160x128xf32, #tpu.memory_space<vmem>> -> memref<20x64xf32, #tpu.memory_space<vmem>>
    tpu.wait_dma2 semaphore(%dma_wait3A_2737 : memref<!tpu.dma_semaphore, #tpu.memory_space<semaphore_mem>>) src(%dma_wait3A_2751 : memref<20x64xf32, #tpu.memory_space<vmem>>) dst(%dma_wait3A_2744 : memref<20x64xf32, #tpu.memory_space<hbm>>)
    %add3A_2752 = arith.constant 496 : i32
    %add3A_2753 = arith.addi %mul3A_2, %add3A_2752 : i32
    %add3A_2754 = arith.constant 0 : i32
    %add3A_2755 = arith.addi %add3A_2753, %add3A_2754 : i32
    %dma_wait3A_2756 = arith.constant 2 : i32
    %dma_wait3A_2757 = arith.constant 2 : i32
    %dma_wait3A_2758 = arith.constant 0 : i32
    %dma_wait3A_2759 = arith.constant 0 : i32
    %dma_wait3A_2760 = tpu.memref_slice %arg5[%dma_wait3A_2756, %dma_wait3A_2758, %dma_wait3A_2759] : memref<4x160x128xf32, #tpu.memory_space<vmem>> -> memref<1x160x128xf32, #tpu.memory_space<vmem>>
    %dma_wait3A_2761 = tpu.memref_squeeze %dma_wait3A_2760 : memref<1x160x128xf32, #tpu.memory_space<vmem>> -> memref<160x128xf32, #tpu.memory_space<vmem>>
    %dma_wait3A_2762 = arith.constant 0 : i32
    %dma_wait3A_2763 = arith.constant 0 : i32
    %dma_wait3A_2764 = tpu.memref_slice %dma_wait3A_2761[%dma_wait3A_2762, %dma_wait3A_2763] : memref<160x128xf32, #tpu.memory_space<vmem>> -> memref<20x64xf32, #tpu.memory_space<vmem>>
    %dma_wait3A_2765 = arith.constant 0 : i32
    %dma_wait3A_2766 = arith.constant 0 : i32
    %dma_wait3A_2767 = tpu.memref_slice %arg4[%add3A_2755, %dma_wait3A_2765, %dma_wait3A_2766] : memref<16384x24x128xf32, #tpu.memory_space<hbm>> -> memref<1x24x128xf32, #tpu.memory_space<hbm>>
    %dma_wait3A_2768 = tpu.memref_squeeze %dma_wait3A_2767 : memref<1x24x128xf32, #tpu.memory_space<hbm>> -> memref<24x128xf32, #tpu.memory_space<hbm>>
    %dma_wait3A_2769 = arith.constant 0 : i32
    %dma_wait3A_2770 = arith.constant 0 : i32
    %dma_wait3A_2771 = tpu.memref_slice %dma_wait3A_2768[%dma_wait3A_2769, %dma_wait3A_2770] : memref<24x128xf32, #tpu.memory_space<hbm>> -> memref<20x64xf32, #tpu.memory_space<hbm>>
    %dma_wait3A_2772 = tpu.memref_slice %arg9[%dma_wait3A_2757] : memref<4x!tpu.dma_semaphore, #tpu.memory_space<semaphore_mem>> -> memref<1x!tpu.dma_semaphore, #tpu.memory_space<semaphore_mem>>
    %dma_wait3A_2773 = tpu.memref_squeeze %dma_wait3A_2772 : memref<1x!tpu.dma_semaphore, #tpu.memory_space<semaphore_mem>> -> memref<!tpu.dma_semaphore, #tpu.memory_space<semaphore_mem>>
    %dma_wait3A_2774 = arith.constant 0 : i32
    %dma_wait3A_2775 = arith.constant 0 : i32
    %dma_wait3A_2776 = tpu.memref_slice %arg4[%add3A_2755, %dma_wait3A_2774, %dma_wait3A_2775] : memref<16384x24x128xf32, #tpu.memory_space<hbm>> -> memref<1x24x128xf32, #tpu.memory_space<hbm>>
    %dma_wait3A_2777 = tpu.memref_squeeze %dma_wait3A_2776 : memref<1x24x128xf32, #tpu.memory_space<hbm>> -> memref<24x128xf32, #tpu.memory_space<hbm>>
    %dma_wait3A_2778 = arith.constant 0 : i32
    %dma_wait3A_2779 = arith.constant 0 : i32
    %dma_wait3A_2780 = tpu.memref_slice %dma_wait3A_2777[%dma_wait3A_2778, %dma_wait3A_2779] : memref<24x128xf32, #tpu.memory_space<hbm>> -> memref<20x64xf32, #tpu.memory_space<hbm>>
    %dma_wait3A_2781 = arith.constant 0 : i32
    %dma_wait3A_2782 = arith.constant 0 : i32
    %dma_wait3A_2783 = tpu.memref_slice %arg5[%dma_wait3A_2756, %dma_wait3A_2781, %dma_wait3A_2782] : memref<4x160x128xf32, #tpu.memory_space<vmem>> -> memref<1x160x128xf32, #tpu.memory_space<vmem>>
    %dma_wait3A_2784 = tpu.memref_squeeze %dma_wait3A_2783 : memref<1x160x128xf32, #tpu.memory_space<vmem>> -> memref<160x128xf32, #tpu.memory_space<vmem>>
    %dma_wait3A_2785 = arith.constant 0 : i32
    %dma_wait3A_2786 = arith.constant 0 : i32
    %dma_wait3A_2787 = tpu.memref_slice %dma_wait3A_2784[%dma_wait3A_2785, %dma_wait3A_2786] : memref<160x128xf32, #tpu.memory_space<vmem>> -> memref<20x64xf32, #tpu.memory_space<vmem>>
    tpu.wait_dma2 semaphore(%dma_wait3A_2773 : memref<!tpu.dma_semaphore, #tpu.memory_space<semaphore_mem>>) src(%dma_wait3A_2787 : memref<20x64xf32, #tpu.memory_space<vmem>>) dst(%dma_wait3A_2780 : memref<20x64xf32, #tpu.memory_space<hbm>>)
    %add3A_2788 = arith.constant 496 : i32
    %add3A_2789 = arith.addi %mul3A_2, %add3A_2788 : i32
    %add3A_2790 = arith.constant 1 : i32
    %add3A_2791 = arith.addi %add3A_2789, %add3A_2790 : i32
    %dma_wait3A_2792 = arith.constant 2 : i32
    %dma_wait3A_2793 = arith.constant 2 : i32
    %dma_wait3A_2794 = arith.constant 0 : i32
    %dma_wait3A_2795 = arith.constant 0 : i32
    %dma_wait3A_2796 = tpu.memref_slice %arg5[%dma_wait3A_2792, %dma_wait3A_2794, %dma_wait3A_2795] : memref<4x160x128xf32, #tpu.memory_space<vmem>> -> memref<1x160x128xf32, #tpu.memory_space<vmem>>
    %dma_wait3A_2797 = tpu.memref_squeeze %dma_wait3A_2796 : memref<1x160x128xf32, #tpu.memory_space<vmem>> -> memref<160x128xf32, #tpu.memory_space<vmem>>
    %dma_wait3A_2798 = arith.constant 20 : i32
    %dma_wait3A_2799 = arith.constant 0 : i32
    %dma_wait3A_2800 = tpu.memref_slice %dma_wait3A_2797[%dma_wait3A_2798, %dma_wait3A_2799] : memref<160x128xf32, #tpu.memory_space<vmem>> -> memref<20x64xf32, #tpu.memory_space<vmem>>
    %dma_wait3A_2801 = arith.constant 0 : i32
    %dma_wait3A_2802 = arith.constant 0 : i32
    %dma_wait3A_2803 = tpu.memref_slice %arg4[%add3A_2791, %dma_wait3A_2801, %dma_wait3A_2802] : memref<16384x24x128xf32, #tpu.memory_space<hbm>> -> memref<1x24x128xf32, #tpu.memory_space<hbm>>
    %dma_wait3A_2804 = tpu.memref_squeeze %dma_wait3A_2803 : memref<1x24x128xf32, #tpu.memory_space<hbm>> -> memref<24x128xf32, #tpu.memory_space<hbm>>
    %dma_wait3A_2805 = arith.constant 0 : i32
    %dma_wait3A_2806 = arith.constant 0 : i32
    %dma_wait3A_2807 = tpu.memref_slice %dma_wait3A_2804[%dma_wait3A_2805, %dma_wait3A_2806] : memref<24x128xf32, #tpu.memory_space<hbm>> -> memref<20x64xf32, #tpu.memory_space<hbm>>
    %dma_wait3A_2808 = tpu.memref_slice %arg9[%dma_wait3A_2793] : memref<4x!tpu.dma_semaphore, #tpu.memory_space<semaphore_mem>> -> memref<1x!tpu.dma_semaphore, #tpu.memory_space<semaphore_mem>>
    %dma_wait3A_2809 = tpu.memref_squeeze %dma_wait3A_2808 : memref<1x!tpu.dma_semaphore, #tpu.memory_space<semaphore_mem>> -> memref<!tpu.dma_semaphore, #tpu.memory_space<semaphore_mem>>
    %dma_wait3A_2810 = arith.constant 0 : i32
    %dma_wait3A_2811 = arith.constant 0 : i32
    %dma_wait3A_2812 = tpu.memref_slice %arg4[%add3A_2791, %dma_wait3A_2810, %dma_wait3A_2811] : memref<16384x24x128xf32, #tpu.memory_space<hbm>> -> memref<1x24x128xf32, #tpu.memory_space<hbm>>
    %dma_wait3A_2813 = tpu.memref_squeeze %dma_wait3A_2812 : memref<1x24x128xf32, #tpu.memory_space<hbm>> -> memref<24x128xf32, #tpu.memory_space<hbm>>
    %dma_wait3A_2814 = arith.constant 0 : i32
    %dma_wait3A_2815 = arith.constant 0 : i32
    %dma_wait3A_2816 = tpu.memref_slice %dma_wait3A_2813[%dma_wait3A_2814, %dma_wait3A_2815] : memref<24x128xf32, #tpu.memory_space<hbm>> -> memref<20x64xf32, #tpu.memory_space<hbm>>
    %dma_wait3A_2817 = arith.constant 0 : i32
    %dma_wait3A_2818 = arith.constant 0 : i32
    %dma_wait3A_2819 = tpu.memref_slice %arg5[%dma_wait3A_2792, %dma_wait3A_2817, %dma_wait3A_2818] : memref<4x160x128xf32, #tpu.memory_space<vmem>> -> memref<1x160x128xf32, #tpu.memory_space<vmem>>
    %dma_wait3A_2820 = tpu.memref_squeeze %dma_wait3A_2819 : memref<1x160x128xf32, #tpu.memory_space<vmem>> -> memref<160x128xf32, #tpu.memory_space<vmem>>
    %dma_wait3A_2821 = arith.constant 20 : i32
    %dma_wait3A_2822 = arith.constant 0 : i32
    %dma_wait3A_2823 = tpu.memref_slice %dma_wait3A_2820[%dma_wait3A_2821, %dma_wait3A_2822] : memref<160x128xf32, #tpu.memory_space<vmem>> -> memref<20x64xf32, #tpu.memory_space<vmem>>
    tpu.wait_dma2 semaphore(%dma_wait3A_2809 : memref<!tpu.dma_semaphore, #tpu.memory_space<semaphore_mem>>) src(%dma_wait3A_2823 : memref<20x64xf32, #tpu.memory_space<vmem>>) dst(%dma_wait3A_2816 : memref<20x64xf32, #tpu.memory_space<hbm>>)
    %add3A_2824 = arith.constant 496 : i32
    %add3A_2825 = arith.addi %mul3A_2, %add3A_2824 : i32
    %add3A_2826 = arith.constant 2 : i32
    %add3A_2827 = arith.addi %add3A_2825, %add3A_2826 : i32
    %dma_wait3A_2828 = arith.constant 2 : i32
    %dma_wait3A_2829 = arith.constant 2 : i32
    %dma_wait3A_2830 = arith.constant 0 : i32
    %dma_wait3A_2831 = arith.constant 0 : i32
    %dma_wait3A_2832 = tpu.memref_slice %arg5[%dma_wait3A_2828, %dma_wait3A_2830, %dma_wait3A_2831] : memref<4x160x128xf32, #tpu.memory_space<vmem>> -> memref<1x160x128xf32, #tpu.memory_space<vmem>>
    %dma_wait3A_2833 = tpu.memref_squeeze %dma_wait3A_2832 : memref<1x160x128xf32, #tpu.memory_space<vmem>> -> memref<160x128xf32, #tpu.memory_space<vmem>>
    %dma_wait3A_2834 = arith.constant 40 : i32
    %dma_wait3A_2835 = arith.constant 0 : i32
    %dma_wait3A_2836 = tpu.memref_slice %dma_wait3A_2833[%dma_wait3A_2834, %dma_wait3A_2835] : memref<160x128xf32, #tpu.memory_space<vmem>> -> memref<20x64xf32, #tpu.memory_space<vmem>>
    %dma_wait3A_2837 = arith.constant 0 : i32
    %dma_wait3A_2838 = arith.constant 0 : i32
    %dma_wait3A_2839 = tpu.memref_slice %arg4[%add3A_2827, %dma_wait3A_2837, %dma_wait3A_2838] : memref<16384x24x128xf32, #tpu.memory_space<hbm>> -> memref<1x24x128xf32, #tpu.memory_space<hbm>>
    %dma_wait3A_2840 = tpu.memref_squeeze %dma_wait3A_2839 : memref<1x24x128xf32, #tpu.memory_space<hbm>> -> memref<24x128xf32, #tpu.memory_space<hbm>>
    %dma_wait3A_2841 = arith.constant 0 : i32
    %dma_wait3A_2842 = arith.constant 0 : i32
    %dma_wait3A_2843 = tpu.memref_slice %dma_wait3A_2840[%dma_wait3A_2841, %dma_wait3A_2842] : memref<24x128xf32, #tpu.memory_space<hbm>> -> memref<20x64xf32, #tpu.memory_space<hbm>>
    %dma_wait3A_2844 = tpu.memref_slice %arg9[%dma_wait3A_2829] : memref<4x!tpu.dma_semaphore, #tpu.memory_space<semaphore_mem>> -> memref<1x!tpu.dma_semaphore, #tpu.memory_space<semaphore_mem>>
    %dma_wait3A_2845 = tpu.memref_squeeze %dma_wait3A_2844 : memref<1x!tpu.dma_semaphore, #tpu.memory_space<semaphore_mem>> -> memref<!tpu.dma_semaphore, #tpu.memory_space<semaphore_mem>>
    %dma_wait3A_2846 = arith.constant 0 : i32
    %dma_wait3A_2847 = arith.constant 0 : i32
    %dma_wait3A_2848 = tpu.memref_slice %arg4[%add3A_2827, %dma_wait3A_2846, %dma_wait3A_2847] : memref<16384x24x128xf32, #tpu.memory_space<hbm>> -> memref<1x24x128xf32, #tpu.memory_space<hbm>>
    %dma_wait3A_2849 = tpu.memref_squeeze %dma_wait3A_2848 : memref<1x24x128xf32, #tpu.memory_space<hbm>> -> memref<24x128xf32, #tpu.memory_space<hbm>>
    %dma_wait3A_2850 = arith.constant 0 : i32
    %dma_wait3A_2851 = arith.constant 0 : i32
    %dma_wait3A_2852 = tpu.memref_slice %dma_wait3A_2849[%dma_wait3A_2850, %dma_wait3A_2851] : memref<24x128xf32, #tpu.memory_space<hbm>> -> memref<20x64xf32, #tpu.memory_space<hbm>>
    %dma_wait3A_2853 = arith.constant 0 : i32
    %dma_wait3A_2854 = arith.constant 0 : i32
    %dma_wait3A_2855 = tpu.memref_slice %arg5[%dma_wait3A_2828, %dma_wait3A_2853, %dma_wait3A_2854] : memref<4x160x128xf32, #tpu.memory_space<vmem>> -> memref<1x160x128xf32, #tpu.memory_space<vmem>>
    %dma_wait3A_2856 = tpu.memref_squeeze %dma_wait3A_2855 : memref<1x160x128xf32, #tpu.memory_space<vmem>> -> memref<160x128xf32, #tpu.memory_space<vmem>>
    %dma_wait3A_2857 = arith.constant 40 : i32
    %dma_wait3A_2858 = arith.constant 0 : i32
    %dma_wait3A_2859 = tpu.memref_slice %dma_wait3A_2856[%dma_wait3A_2857, %dma_wait3A_2858] : memref<160x128xf32, #tpu.memory_space<vmem>> -> memref<20x64xf32, #tpu.memory_space<vmem>>
    tpu.wait_dma2 semaphore(%dma_wait3A_2845 : memref<!tpu.dma_semaphore, #tpu.memory_space<semaphore_mem>>) src(%dma_wait3A_2859 : memref<20x64xf32, #tpu.memory_space<vmem>>) dst(%dma_wait3A_2852 : memref<20x64xf32, #tpu.memory_space<hbm>>)
    %add3A_2860 = arith.constant 496 : i32
    %add3A_2861 = arith.addi %mul3A_2, %add3A_2860 : i32
    %add3A_2862 = arith.constant 3 : i32
    %add3A_2863 = arith.addi %add3A_2861, %add3A_2862 : i32
    %dma_wait3A_2864 = arith.constant 2 : i32
    %dma_wait3A_2865 = arith.constant 2 : i32
    %dma_wait3A_2866 = arith.constant 0 : i32
    %dma_wait3A_2867 = arith.constant 0 : i32
    %dma_wait3A_2868 = tpu.memref_slice %arg5[%dma_wait3A_2864, %dma_wait3A_2866, %dma_wait3A_2867] : memref<4x160x128xf32, #tpu.memory_space<vmem>> -> memref<1x160x128xf32, #tpu.memory_space<vmem>>
    %dma_wait3A_2869 = tpu.memref_squeeze %dma_wait3A_2868 : memref<1x160x128xf32, #tpu.memory_space<vmem>> -> memref<160x128xf32, #tpu.memory_space<vmem>>
    %dma_wait3A_2870 = arith.constant 60 : i32
    %dma_wait3A_2871 = arith.constant 0 : i32
    %dma_wait3A_2872 = tpu.memref_slice %dma_wait3A_2869[%dma_wait3A_2870, %dma_wait3A_2871] : memref<160x128xf32, #tpu.memory_space<vmem>> -> memref<20x64xf32, #tpu.memory_space<vmem>>
    %dma_wait3A_2873 = arith.constant 0 : i32
    %dma_wait3A_2874 = arith.constant 0 : i32
    %dma_wait3A_2875 = tpu.memref_slice %arg4[%add3A_2863, %dma_wait3A_2873, %dma_wait3A_2874] : memref<16384x24x128xf32, #tpu.memory_space<hbm>> -> memref<1x24x128xf32, #tpu.memory_space<hbm>>
    %dma_wait3A_2876 = tpu.memref_squeeze %dma_wait3A_2875 : memref<1x24x128xf32, #tpu.memory_space<hbm>> -> memref<24x128xf32, #tpu.memory_space<hbm>>
    %dma_wait3A_2877 = arith.constant 0 : i32
    %dma_wait3A_2878 = arith.constant 0 : i32
    %dma_wait3A_2879 = tpu.memref_slice %dma_wait3A_2876[%dma_wait3A_2877, %dma_wait3A_2878] : memref<24x128xf32, #tpu.memory_space<hbm>> -> memref<20x64xf32, #tpu.memory_space<hbm>>
    %dma_wait3A_2880 = tpu.memref_slice %arg9[%dma_wait3A_2865] : memref<4x!tpu.dma_semaphore, #tpu.memory_space<semaphore_mem>> -> memref<1x!tpu.dma_semaphore, #tpu.memory_space<semaphore_mem>>
    %dma_wait3A_2881 = tpu.memref_squeeze %dma_wait3A_2880 : memref<1x!tpu.dma_semaphore, #tpu.memory_space<semaphore_mem>> -> memref<!tpu.dma_semaphore, #tpu.memory_space<semaphore_mem>>
    %dma_wait3A_2882 = arith.constant 0 : i32
    %dma_wait3A_2883 = arith.constant 0 : i32
    %dma_wait3A_2884 = tpu.memref_slice %arg4[%add3A_2863, %dma_wait3A_2882, %dma_wait3A_2883] : memref<16384x24x128xf32, #tpu.memory_space<hbm>> -> memref<1x24x128xf32, #tpu.memory_space<hbm>>
    %dma_wait3A_2885 = tpu.memref_squeeze %dma_wait3A_2884 : memref<1x24x128xf32, #tpu.memory_space<hbm>> -> memref<24x128xf32, #tpu.memory_space<hbm>>
    %dma_wait3A_2886 = arith.constant 0 : i32
    %dma_wait3A_2887 = arith.constant 0 : i32
    %dma_wait3A_2888 = tpu.memref_slice %dma_wait3A_2885[%dma_wait3A_2886, %dma_wait3A_2887] : memref<24x128xf32, #tpu.memory_space<hbm>> -> memref<20x64xf32, #tpu.memory_space<hbm>>
    %dma_wait3A_2889 = arith.constant 0 : i32
    %dma_wait3A_2890 = arith.constant 0 : i32
    %dma_wait3A_2891 = tpu.memref_slice %arg5[%dma_wait3A_2864, %dma_wait3A_2889, %dma_wait3A_2890] : memref<4x160x128xf32, #tpu.memory_space<vmem>> -> memref<1x160x128xf32, #tpu.memory_space<vmem>>
    %dma_wait3A_2892 = tpu.memref_squeeze %dma_wait3A_2891 : memref<1x160x128xf32, #tpu.memory_space<vmem>> -> memref<160x128xf32, #tpu.memory_space<vmem>>
    %dma_wait3A_2893 = arith.constant 60 : i32
    %dma_wait3A_2894 = arith.constant 0 : i32
    %dma_wait3A_2895 = tpu.memref_slice %dma_wait3A_2892[%dma_wait3A_2893, %dma_wait3A_2894] : memref<160x128xf32, #tpu.memory_space<vmem>> -> memref<20x64xf32, #tpu.memory_space<vmem>>
    tpu.wait_dma2 semaphore(%dma_wait3A_2881 : memref<!tpu.dma_semaphore, #tpu.memory_space<semaphore_mem>>) src(%dma_wait3A_2895 : memref<20x64xf32, #tpu.memory_space<vmem>>) dst(%dma_wait3A_2888 : memref<20x64xf32, #tpu.memory_space<hbm>>)
    %add3A_2896 = arith.constant 496 : i32
    %add3A_2897 = arith.addi %mul3A_2, %add3A_2896 : i32
    %add3A_2898 = arith.constant 4 : i32
    %add3A_2899 = arith.addi %add3A_2897, %add3A_2898 : i32
    %dma_wait3A_2900 = arith.constant 2 : i32
    %dma_wait3A_2901 = arith.constant 2 : i32
    %dma_wait3A_2902 = arith.constant 0 : i32
    %dma_wait3A_2903 = arith.constant 0 : i32
    %dma_wait3A_2904 = tpu.memref_slice %arg5[%dma_wait3A_2900, %dma_wait3A_2902, %dma_wait3A_2903] : memref<4x160x128xf32, #tpu.memory_space<vmem>> -> memref<1x160x128xf32, #tpu.memory_space<vmem>>
    %dma_wait3A_2905 = tpu.memref_squeeze %dma_wait3A_2904 : memref<1x160x128xf32, #tpu.memory_space<vmem>> -> memref<160x128xf32, #tpu.memory_space<vmem>>
    %dma_wait3A_2906 = arith.constant 80 : i32
    %dma_wait3A_2907 = arith.constant 0 : i32
    %dma_wait3A_2908 = tpu.memref_slice %dma_wait3A_2905[%dma_wait3A_2906, %dma_wait3A_2907] : memref<160x128xf32, #tpu.memory_space<vmem>> -> memref<20x64xf32, #tpu.memory_space<vmem>>
    %dma_wait3A_2909 = arith.constant 0 : i32
    %dma_wait3A_2910 = arith.constant 0 : i32
    %dma_wait3A_2911 = tpu.memref_slice %arg4[%add3A_2899, %dma_wait3A_2909, %dma_wait3A_2910] : memref<16384x24x128xf32, #tpu.memory_space<hbm>> -> memref<1x24x128xf32, #tpu.memory_space<hbm>>
    %dma_wait3A_2912 = tpu.memref_squeeze %dma_wait3A_2911 : memref<1x24x128xf32, #tpu.memory_space<hbm>> -> memref<24x128xf32, #tpu.memory_space<hbm>>
    %dma_wait3A_2913 = arith.constant 0 : i32
    %dma_wait3A_2914 = arith.constant 0 : i32
    %dma_wait3A_2915 = tpu.memref_slice %dma_wait3A_2912[%dma_wait3A_2913, %dma_wait3A_2914] : memref<24x128xf32, #tpu.memory_space<hbm>> -> memref<20x64xf32, #tpu.memory_space<hbm>>
    %dma_wait3A_2916 = tpu.memref_slice %arg9[%dma_wait3A_2901] : memref<4x!tpu.dma_semaphore, #tpu.memory_space<semaphore_mem>> -> memref<1x!tpu.dma_semaphore, #tpu.memory_space<semaphore_mem>>
    %dma_wait3A_2917 = tpu.memref_squeeze %dma_wait3A_2916 : memref<1x!tpu.dma_semaphore, #tpu.memory_space<semaphore_mem>> -> memref<!tpu.dma_semaphore, #tpu.memory_space<semaphore_mem>>
    %dma_wait3A_2918 = arith.constant 0 : i32
    %dma_wait3A_2919 = arith.constant 0 : i32
    %dma_wait3A_2920 = tpu.memref_slice %arg4[%add3A_2899, %dma_wait3A_2918, %dma_wait3A_2919] : memref<16384x24x128xf32, #tpu.memory_space<hbm>> -> memref<1x24x128xf32, #tpu.memory_space<hbm>>
    %dma_wait3A_2921 = tpu.memref_squeeze %dma_wait3A_2920 : memref<1x24x128xf32, #tpu.memory_space<hbm>> -> memref<24x128xf32, #tpu.memory_space<hbm>>
    %dma_wait3A_2922 = arith.constant 0 : i32
    %dma_wait3A_2923 = arith.constant 0 : i32
    %dma_wait3A_2924 = tpu.memref_slice %dma_wait3A_2921[%dma_wait3A_2922, %dma_wait3A_2923] : memref<24x128xf32, #tpu.memory_space<hbm>> -> memref<20x64xf32, #tpu.memory_space<hbm>>
    %dma_wait3A_2925 = arith.constant 0 : i32
    %dma_wait3A_2926 = arith.constant 0 : i32
    %dma_wait3A_2927 = tpu.memref_slice %arg5[%dma_wait3A_2900, %dma_wait3A_2925, %dma_wait3A_2926] : memref<4x160x128xf32, #tpu.memory_space<vmem>> -> memref<1x160x128xf32, #tpu.memory_space<vmem>>
    %dma_wait3A_2928 = tpu.memref_squeeze %dma_wait3A_2927 : memref<1x160x128xf32, #tpu.memory_space<vmem>> -> memref<160x128xf32, #tpu.memory_space<vmem>>
    %dma_wait3A_2929 = arith.constant 80 : i32
    %dma_wait3A_2930 = arith.constant 0 : i32
    %dma_wait3A_2931 = tpu.memref_slice %dma_wait3A_2928[%dma_wait3A_2929, %dma_wait3A_2930] : memref<160x128xf32, #tpu.memory_space<vmem>> -> memref<20x64xf32, #tpu.memory_space<vmem>>
    tpu.wait_dma2 semaphore(%dma_wait3A_2917 : memref<!tpu.dma_semaphore, #tpu.memory_space<semaphore_mem>>) src(%dma_wait3A_2931 : memref<20x64xf32, #tpu.memory_space<vmem>>) dst(%dma_wait3A_2924 : memref<20x64xf32, #tpu.memory_space<hbm>>)
    %add3A_2932 = arith.constant 496 : i32
    %add3A_2933 = arith.addi %mul3A_2, %add3A_2932 : i32
    %add3A_2934 = arith.constant 5 : i32
    %add3A_2935 = arith.addi %add3A_2933, %add3A_2934 : i32
    %dma_wait3A_2936 = arith.constant 2 : i32
    %dma_wait3A_2937 = arith.constant 2 : i32
    %dma_wait3A_2938 = arith.constant 0 : i32
    %dma_wait3A_2939 = arith.constant 0 : i32
    %dma_wait3A_2940 = tpu.memref_slice %arg5[%dma_wait3A_2936, %dma_wait3A_2938, %dma_wait3A_2939] : memref<4x160x128xf32, #tpu.memory_space<vmem>> -> memref<1x160x128xf32, #tpu.memory_space<vmem>>
    %dma_wait3A_2941 = tpu.memref_squeeze %dma_wait3A_2940 : memref<1x160x128xf32, #tpu.memory_space<vmem>> -> memref<160x128xf32, #tpu.memory_space<vmem>>
    %dma_wait3A_2942 = arith.constant 100 : i32
    %dma_wait3A_2943 = arith.constant 0 : i32
    %dma_wait3A_2944 = tpu.memref_slice %dma_wait3A_2941[%dma_wait3A_2942, %dma_wait3A_2943] : memref<160x128xf32, #tpu.memory_space<vmem>> -> memref<20x64xf32, #tpu.memory_space<vmem>>
    %dma_wait3A_2945 = arith.constant 0 : i32
    %dma_wait3A_2946 = arith.constant 0 : i32
    %dma_wait3A_2947 = tpu.memref_slice %arg4[%add3A_2935, %dma_wait3A_2945, %dma_wait3A_2946] : memref<16384x24x128xf32, #tpu.memory_space<hbm>> -> memref<1x24x128xf32, #tpu.memory_space<hbm>>
    %dma_wait3A_2948 = tpu.memref_squeeze %dma_wait3A_2947 : memref<1x24x128xf32, #tpu.memory_space<hbm>> -> memref<24x128xf32, #tpu.memory_space<hbm>>
    %dma_wait3A_2949 = arith.constant 0 : i32
    %dma_wait3A_2950 = arith.constant 0 : i32
    %dma_wait3A_2951 = tpu.memref_slice %dma_wait3A_2948[%dma_wait3A_2949, %dma_wait3A_2950] : memref<24x128xf32, #tpu.memory_space<hbm>> -> memref<20x64xf32, #tpu.memory_space<hbm>>
    %dma_wait3A_2952 = tpu.memref_slice %arg9[%dma_wait3A_2937] : memref<4x!tpu.dma_semaphore, #tpu.memory_space<semaphore_mem>> -> memref<1x!tpu.dma_semaphore, #tpu.memory_space<semaphore_mem>>
    %dma_wait3A_2953 = tpu.memref_squeeze %dma_wait3A_2952 : memref<1x!tpu.dma_semaphore, #tpu.memory_space<semaphore_mem>> -> memref<!tpu.dma_semaphore, #tpu.memory_space<semaphore_mem>>
    %dma_wait3A_2954 = arith.constant 0 : i32
    %dma_wait3A_2955 = arith.constant 0 : i32
    %dma_wait3A_2956 = tpu.memref_slice %arg4[%add3A_2935, %dma_wait3A_2954, %dma_wait3A_2955] : memref<16384x24x128xf32, #tpu.memory_space<hbm>> -> memref<1x24x128xf32, #tpu.memory_space<hbm>>
    %dma_wait3A_2957 = tpu.memref_squeeze %dma_wait3A_2956 : memref<1x24x128xf32, #tpu.memory_space<hbm>> -> memref<24x128xf32, #tpu.memory_space<hbm>>
    %dma_wait3A_2958 = arith.constant 0 : i32
    %dma_wait3A_2959 = arith.constant 0 : i32
    %dma_wait3A_2960 = tpu.memref_slice %dma_wait3A_2957[%dma_wait3A_2958, %dma_wait3A_2959] : memref<24x128xf32, #tpu.memory_space<hbm>> -> memref<20x64xf32, #tpu.memory_space<hbm>>
    %dma_wait3A_2961 = arith.constant 0 : i32
    %dma_wait3A_2962 = arith.constant 0 : i32
    %dma_wait3A_2963 = tpu.memref_slice %arg5[%dma_wait3A_2936, %dma_wait3A_2961, %dma_wait3A_2962] : memref<4x160x128xf32, #tpu.memory_space<vmem>> -> memref<1x160x128xf32, #tpu.memory_space<vmem>>
    %dma_wait3A_2964 = tpu.memref_squeeze %dma_wait3A_2963 : memref<1x160x128xf32, #tpu.memory_space<vmem>> -> memref<160x128xf32, #tpu.memory_space<vmem>>
    %dma_wait3A_2965 = arith.constant 100 : i32
    %dma_wait3A_2966 = arith.constant 0 : i32
    %dma_wait3A_2967 = tpu.memref_slice %dma_wait3A_2964[%dma_wait3A_2965, %dma_wait3A_2966] : memref<160x128xf32, #tpu.memory_space<vmem>> -> memref<20x64xf32, #tpu.memory_space<vmem>>
    tpu.wait_dma2 semaphore(%dma_wait3A_2953 : memref<!tpu.dma_semaphore, #tpu.memory_space<semaphore_mem>>) src(%dma_wait3A_2967 : memref<20x64xf32, #tpu.memory_space<vmem>>) dst(%dma_wait3A_2960 : memref<20x64xf32, #tpu.memory_space<hbm>>)
    %add3A_2968 = arith.constant 496 : i32
    %add3A_2969 = arith.addi %mul3A_2, %add3A_2968 : i32
    %add3A_2970 = arith.constant 6 : i32
    %add3A_2971 = arith.addi %add3A_2969, %add3A_2970 : i32
    %dma_wait3A_2972 = arith.constant 2 : i32
    %dma_wait3A_2973 = arith.constant 2 : i32
    %dma_wait3A_2974 = arith.constant 0 : i32
    %dma_wait3A_2975 = arith.constant 0 : i32
    %dma_wait3A_2976 = tpu.memref_slice %arg5[%dma_wait3A_2972, %dma_wait3A_2974, %dma_wait3A_2975] : memref<4x160x128xf32, #tpu.memory_space<vmem>> -> memref<1x160x128xf32, #tpu.memory_space<vmem>>
    %dma_wait3A_2977 = tpu.memref_squeeze %dma_wait3A_2976 : memref<1x160x128xf32, #tpu.memory_space<vmem>> -> memref<160x128xf32, #tpu.memory_space<vmem>>
    %dma_wait3A_2978 = arith.constant 120 : i32
    %dma_wait3A_2979 = arith.constant 0 : i32
    %dma_wait3A_2980 = tpu.memref_slice %dma_wait3A_2977[%dma_wait3A_2978, %dma_wait3A_2979] : memref<160x128xf32, #tpu.memory_space<vmem>> -> memref<20x64xf32, #tpu.memory_space<vmem>>
    %dma_wait3A_2981 = arith.constant 0 : i32
    %dma_wait3A_2982 = arith.constant 0 : i32
    %dma_wait3A_2983 = tpu.memref_slice %arg4[%add3A_2971, %dma_wait3A_2981, %dma_wait3A_2982] : memref<16384x24x128xf32, #tpu.memory_space<hbm>> -> memref<1x24x128xf32, #tpu.memory_space<hbm>>
    %dma_wait3A_2984 = tpu.memref_squeeze %dma_wait3A_2983 : memref<1x24x128xf32, #tpu.memory_space<hbm>> -> memref<24x128xf32, #tpu.memory_space<hbm>>
    %dma_wait3A_2985 = arith.constant 0 : i32
    %dma_wait3A_2986 = arith.constant 0 : i32
    %dma_wait3A_2987 = tpu.memref_slice %dma_wait3A_2984[%dma_wait3A_2985, %dma_wait3A_2986] : memref<24x128xf32, #tpu.memory_space<hbm>> -> memref<20x64xf32, #tpu.memory_space<hbm>>
    %dma_wait3A_2988 = tpu.memref_slice %arg9[%dma_wait3A_2973] : memref<4x!tpu.dma_semaphore, #tpu.memory_space<semaphore_mem>> -> memref<1x!tpu.dma_semaphore, #tpu.memory_space<semaphore_mem>>
    %dma_wait3A_2989 = tpu.memref_squeeze %dma_wait3A_2988 : memref<1x!tpu.dma_semaphore, #tpu.memory_space<semaphore_mem>> -> memref<!tpu.dma_semaphore, #tpu.memory_space<semaphore_mem>>
    %dma_wait3A_2990 = arith.constant 0 : i32
    %dma_wait3A_2991 = arith.constant 0 : i32
    %dma_wait3A_2992 = tpu.memref_slice %arg4[%add3A_2971, %dma_wait3A_2990, %dma_wait3A_2991] : memref<16384x24x128xf32, #tpu.memory_space<hbm>> -> memref<1x24x128xf32, #tpu.memory_space<hbm>>
    %dma_wait3A_2993 = tpu.memref_squeeze %dma_wait3A_2992 : memref<1x24x128xf32, #tpu.memory_space<hbm>> -> memref<24x128xf32, #tpu.memory_space<hbm>>
    %dma_wait3A_2994 = arith.constant 0 : i32
    %dma_wait3A_2995 = arith.constant 0 : i32
    %dma_wait3A_2996 = tpu.memref_slice %dma_wait3A_2993[%dma_wait3A_2994, %dma_wait3A_2995] : memref<24x128xf32, #tpu.memory_space<hbm>> -> memref<20x64xf32, #tpu.memory_space<hbm>>
    %dma_wait3A_2997 = arith.constant 0 : i32
    %dma_wait3A_2998 = arith.constant 0 : i32
    %dma_wait3A_2999 = tpu.memref_slice %arg5[%dma_wait3A_2972, %dma_wait3A_2997, %dma_wait3A_2998] : memref<4x160x128xf32, #tpu.memory_space<vmem>> -> memref<1x160x128xf32, #tpu.memory_space<vmem>>
    %dma_wait3A_3000 = tpu.memref_squeeze %dma_wait3A_2999 : memref<1x160x128xf32, #tpu.memory_space<vmem>> -> memref<160x128xf32, #tpu.memory_space<vmem>>
    %dma_wait3A_3001 = arith.constant 120 : i32
    %dma_wait3A_3002 = arith.constant 0 : i32
    %dma_wait3A_3003 = tpu.memref_slice %dma_wait3A_3000[%dma_wait3A_3001, %dma_wait3A_3002] : memref<160x128xf32, #tpu.memory_space<vmem>> -> memref<20x64xf32, #tpu.memory_space<vmem>>
    tpu.wait_dma2 semaphore(%dma_wait3A_2989 : memref<!tpu.dma_semaphore, #tpu.memory_space<semaphore_mem>>) src(%dma_wait3A_3003 : memref<20x64xf32, #tpu.memory_space<vmem>>) dst(%dma_wait3A_2996 : memref<20x64xf32, #tpu.memory_space<hbm>>)
    %add3A_3004 = arith.constant 496 : i32
    %add3A_3005 = arith.addi %mul3A_2, %add3A_3004 : i32
    %add3A_3006 = arith.constant 7 : i32
    %add3A_3007 = arith.addi %add3A_3005, %add3A_3006 : i32
    %dma_wait3A_3008 = arith.constant 2 : i32
    %dma_wait3A_3009 = arith.constant 2 : i32
    %dma_wait3A_3010 = arith.constant 0 : i32
    %dma_wait3A_3011 = arith.constant 0 : i32
    %dma_wait3A_3012 = tpu.memref_slice %arg5[%dma_wait3A_3008, %dma_wait3A_3010, %dma_wait3A_3011] : memref<4x160x128xf32, #tpu.memory_space<vmem>> -> memref<1x160x128xf32, #tpu.memory_space<vmem>>
    %dma_wait3A_3013 = tpu.memref_squeeze %dma_wait3A_3012 : memref<1x160x128xf32, #tpu.memory_space<vmem>> -> memref<160x128xf32, #tpu.memory_space<vmem>>
    %dma_wait3A_3014 = arith.constant 140 : i32
    %dma_wait3A_3015 = arith.constant 0 : i32
    %dma_wait3A_3016 = tpu.memref_slice %dma_wait3A_3013[%dma_wait3A_3014, %dma_wait3A_3015] : memref<160x128xf32, #tpu.memory_space<vmem>> -> memref<20x64xf32, #tpu.memory_space<vmem>>
    %dma_wait3A_3017 = arith.constant 0 : i32
    %dma_wait3A_3018 = arith.constant 0 : i32
    %dma_wait3A_3019 = tpu.memref_slice %arg4[%add3A_3007, %dma_wait3A_3017, %dma_wait3A_3018] : memref<16384x24x128xf32, #tpu.memory_space<hbm>> -> memref<1x24x128xf32, #tpu.memory_space<hbm>>
    %dma_wait3A_3020 = tpu.memref_squeeze %dma_wait3A_3019 : memref<1x24x128xf32, #tpu.memory_space<hbm>> -> memref<24x128xf32, #tpu.memory_space<hbm>>
    %dma_wait3A_3021 = arith.constant 0 : i32
    %dma_wait3A_3022 = arith.constant 0 : i32
    %dma_wait3A_3023 = tpu.memref_slice %dma_wait3A_3020[%dma_wait3A_3021, %dma_wait3A_3022] : memref<24x128xf32, #tpu.memory_space<hbm>> -> memref<20x64xf32, #tpu.memory_space<hbm>>
    %dma_wait3A_3024 = tpu.memref_slice %arg9[%dma_wait3A_3009] : memref<4x!tpu.dma_semaphore, #tpu.memory_space<semaphore_mem>> -> memref<1x!tpu.dma_semaphore, #tpu.memory_space<semaphore_mem>>
    %dma_wait3A_3025 = tpu.memref_squeeze %dma_wait3A_3024 : memref<1x!tpu.dma_semaphore, #tpu.memory_space<semaphore_mem>> -> memref<!tpu.dma_semaphore, #tpu.memory_space<semaphore_mem>>
    %dma_wait3A_3026 = arith.constant 0 : i32
    %dma_wait3A_3027 = arith.constant 0 : i32
    %dma_wait3A_3028 = tpu.memref_slice %arg4[%add3A_3007, %dma_wait3A_3026, %dma_wait3A_3027] : memref<16384x24x128xf32, #tpu.memory_space<hbm>> -> memref<1x24x128xf32, #tpu.memory_space<hbm>>
    %dma_wait3A_3029 = tpu.memref_squeeze %dma_wait3A_3028 : memref<1x24x128xf32, #tpu.memory_space<hbm>> -> memref<24x128xf32, #tpu.memory_space<hbm>>
    %dma_wait3A_3030 = arith.constant 0 : i32
    %dma_wait3A_3031 = arith.constant 0 : i32
    %dma_wait3A_3032 = tpu.memref_slice %dma_wait3A_3029[%dma_wait3A_3030, %dma_wait3A_3031] : memref<24x128xf32, #tpu.memory_space<hbm>> -> memref<20x64xf32, #tpu.memory_space<hbm>>
    %dma_wait3A_3033 = arith.constant 0 : i32
    %dma_wait3A_3034 = arith.constant 0 : i32
    %dma_wait3A_3035 = tpu.memref_slice %arg5[%dma_wait3A_3008, %dma_wait3A_3033, %dma_wait3A_3034] : memref<4x160x128xf32, #tpu.memory_space<vmem>> -> memref<1x160x128xf32, #tpu.memory_space<vmem>>
    %dma_wait3A_3036 = tpu.memref_squeeze %dma_wait3A_3035 : memref<1x160x128xf32, #tpu.memory_space<vmem>> -> memref<160x128xf32, #tpu.memory_space<vmem>>
    %dma_wait3A_3037 = arith.constant 140 : i32
    %dma_wait3A_3038 = arith.constant 0 : i32
    %dma_wait3A_3039 = tpu.memref_slice %dma_wait3A_3036[%dma_wait3A_3037, %dma_wait3A_3038] : memref<160x128xf32, #tpu.memory_space<vmem>> -> memref<20x64xf32, #tpu.memory_space<vmem>>
    tpu.wait_dma2 semaphore(%dma_wait3A_3025 : memref<!tpu.dma_semaphore, #tpu.memory_space<semaphore_mem>>) src(%dma_wait3A_3039 : memref<20x64xf32, #tpu.memory_space<vmem>>) dst(%dma_wait3A_3032 : memref<20x64xf32, #tpu.memory_space<hbm>>)
    %add3A_3040 = arith.constant 504 : i32
    %add3A_3041 = arith.addi %mul3A_2, %add3A_3040 : i32
    %add3A_3042 = arith.constant 0 : i32
    %add3A_3043 = arith.addi %add3A_3041, %add3A_3042 : i32
    %dma_wait3A_3044 = arith.constant 3 : i32
    %dma_wait3A_3045 = arith.constant 3 : i32
    %dma_wait3A_3046 = arith.constant 0 : i32
    %dma_wait3A_3047 = arith.constant 0 : i32
    %dma_wait3A_3048 = tpu.memref_slice %arg5[%dma_wait3A_3044, %dma_wait3A_3046, %dma_wait3A_3047] : memref<4x160x128xf32, #tpu.memory_space<vmem>> -> memref<1x160x128xf32, #tpu.memory_space<vmem>>
    %dma_wait3A_3049 = tpu.memref_squeeze %dma_wait3A_3048 : memref<1x160x128xf32, #tpu.memory_space<vmem>> -> memref<160x128xf32, #tpu.memory_space<vmem>>
    %dma_wait3A_3050 = arith.constant 0 : i32
    %dma_wait3A_3051 = arith.constant 0 : i32
    %dma_wait3A_3052 = tpu.memref_slice %dma_wait3A_3049[%dma_wait3A_3050, %dma_wait3A_3051] : memref<160x128xf32, #tpu.memory_space<vmem>> -> memref<20x64xf32, #tpu.memory_space<vmem>>
    %dma_wait3A_3053 = arith.constant 0 : i32
    %dma_wait3A_3054 = arith.constant 0 : i32
    %dma_wait3A_3055 = tpu.memref_slice %arg4[%add3A_3043, %dma_wait3A_3053, %dma_wait3A_3054] : memref<16384x24x128xf32, #tpu.memory_space<hbm>> -> memref<1x24x128xf32, #tpu.memory_space<hbm>>
    %dma_wait3A_3056 = tpu.memref_squeeze %dma_wait3A_3055 : memref<1x24x128xf32, #tpu.memory_space<hbm>> -> memref<24x128xf32, #tpu.memory_space<hbm>>
    %dma_wait3A_3057 = arith.constant 0 : i32
    %dma_wait3A_3058 = arith.constant 0 : i32
    %dma_wait3A_3059 = tpu.memref_slice %dma_wait3A_3056[%dma_wait3A_3057, %dma_wait3A_3058] : memref<24x128xf32, #tpu.memory_space<hbm>> -> memref<20x64xf32, #tpu.memory_space<hbm>>
    %dma_wait3A_3060 = tpu.memref_slice %arg9[%dma_wait3A_3045] : memref<4x!tpu.dma_semaphore, #tpu.memory_space<semaphore_mem>> -> memref<1x!tpu.dma_semaphore, #tpu.memory_space<semaphore_mem>>
    %dma_wait3A_3061 = tpu.memref_squeeze %dma_wait3A_3060 : memref<1x!tpu.dma_semaphore, #tpu.memory_space<semaphore_mem>> -> memref<!tpu.dma_semaphore, #tpu.memory_space<semaphore_mem>>
    %dma_wait3A_3062 = arith.constant 0 : i32
    %dma_wait3A_3063 = arith.constant 0 : i32
    %dma_wait3A_3064 = tpu.memref_slice %arg4[%add3A_3043, %dma_wait3A_3062, %dma_wait3A_3063] : memref<16384x24x128xf32, #tpu.memory_space<hbm>> -> memref<1x24x128xf32, #tpu.memory_space<hbm>>
    %dma_wait3A_3065 = tpu.memref_squeeze %dma_wait3A_3064 : memref<1x24x128xf32, #tpu.memory_space<hbm>> -> memref<24x128xf32, #tpu.memory_space<hbm>>
    %dma_wait3A_3066 = arith.constant 0 : i32
    %dma_wait3A_3067 = arith.constant 0 : i32
    %dma_wait3A_3068 = tpu.memref_slice %dma_wait3A_3065[%dma_wait3A_3066, %dma_wait3A_3067] : memref<24x128xf32, #tpu.memory_space<hbm>> -> memref<20x64xf32, #tpu.memory_space<hbm>>
    %dma_wait3A_3069 = arith.constant 0 : i32
    %dma_wait3A_3070 = arith.constant 0 : i32
    %dma_wait3A_3071 = tpu.memref_slice %arg5[%dma_wait3A_3044, %dma_wait3A_3069, %dma_wait3A_3070] : memref<4x160x128xf32, #tpu.memory_space<vmem>> -> memref<1x160x128xf32, #tpu.memory_space<vmem>>
    %dma_wait3A_3072 = tpu.memref_squeeze %dma_wait3A_3071 : memref<1x160x128xf32, #tpu.memory_space<vmem>> -> memref<160x128xf32, #tpu.memory_space<vmem>>
    %dma_wait3A_3073 = arith.constant 0 : i32
    %dma_wait3A_3074 = arith.constant 0 : i32
    %dma_wait3A_3075 = tpu.memref_slice %dma_wait3A_3072[%dma_wait3A_3073, %dma_wait3A_3074] : memref<160x128xf32, #tpu.memory_space<vmem>> -> memref<20x64xf32, #tpu.memory_space<vmem>>
    tpu.wait_dma2 semaphore(%dma_wait3A_3061 : memref<!tpu.dma_semaphore, #tpu.memory_space<semaphore_mem>>) src(%dma_wait3A_3075 : memref<20x64xf32, #tpu.memory_space<vmem>>) dst(%dma_wait3A_3068 : memref<20x64xf32, #tpu.memory_space<hbm>>)
    %add3A_3076 = arith.constant 504 : i32
    %add3A_3077 = arith.addi %mul3A_2, %add3A_3076 : i32
    %add3A_3078 = arith.constant 1 : i32
    %add3A_3079 = arith.addi %add3A_3077, %add3A_3078 : i32
    %dma_wait3A_3080 = arith.constant 3 : i32
    %dma_wait3A_3081 = arith.constant 3 : i32
    %dma_wait3A_3082 = arith.constant 0 : i32
    %dma_wait3A_3083 = arith.constant 0 : i32
    %dma_wait3A_3084 = tpu.memref_slice %arg5[%dma_wait3A_3080, %dma_wait3A_3082, %dma_wait3A_3083] : memref<4x160x128xf32, #tpu.memory_space<vmem>> -> memref<1x160x128xf32, #tpu.memory_space<vmem>>
    %dma_wait3A_3085 = tpu.memref_squeeze %dma_wait3A_3084 : memref<1x160x128xf32, #tpu.memory_space<vmem>> -> memref<160x128xf32, #tpu.memory_space<vmem>>
    %dma_wait3A_3086 = arith.constant 20 : i32
    %dma_wait3A_3087 = arith.constant 0 : i32
    %dma_wait3A_3088 = tpu.memref_slice %dma_wait3A_3085[%dma_wait3A_3086, %dma_wait3A_3087] : memref<160x128xf32, #tpu.memory_space<vmem>> -> memref<20x64xf32, #tpu.memory_space<vmem>>
    %dma_wait3A_3089 = arith.constant 0 : i32
    %dma_wait3A_3090 = arith.constant 0 : i32
    %dma_wait3A_3091 = tpu.memref_slice %arg4[%add3A_3079, %dma_wait3A_3089, %dma_wait3A_3090] : memref<16384x24x128xf32, #tpu.memory_space<hbm>> -> memref<1x24x128xf32, #tpu.memory_space<hbm>>
    %dma_wait3A_3092 = tpu.memref_squeeze %dma_wait3A_3091 : memref<1x24x128xf32, #tpu.memory_space<hbm>> -> memref<24x128xf32, #tpu.memory_space<hbm>>
    %dma_wait3A_3093 = arith.constant 0 : i32
    %dma_wait3A_3094 = arith.constant 0 : i32
    %dma_wait3A_3095 = tpu.memref_slice %dma_wait3A_3092[%dma_wait3A_3093, %dma_wait3A_3094] : memref<24x128xf32, #tpu.memory_space<hbm>> -> memref<20x64xf32, #tpu.memory_space<hbm>>
    %dma_wait3A_3096 = tpu.memref_slice %arg9[%dma_wait3A_3081] : memref<4x!tpu.dma_semaphore, #tpu.memory_space<semaphore_mem>> -> memref<1x!tpu.dma_semaphore, #tpu.memory_space<semaphore_mem>>
    %dma_wait3A_3097 = tpu.memref_squeeze %dma_wait3A_3096 : memref<1x!tpu.dma_semaphore, #tpu.memory_space<semaphore_mem>> -> memref<!tpu.dma_semaphore, #tpu.memory_space<semaphore_mem>>
    %dma_wait3A_3098 = arith.constant 0 : i32
    %dma_wait3A_3099 = arith.constant 0 : i32
    %dma_wait3A_3100 = tpu.memref_slice %arg4[%add3A_3079, %dma_wait3A_3098, %dma_wait3A_3099] : memref<16384x24x128xf32, #tpu.memory_space<hbm>> -> memref<1x24x128xf32, #tpu.memory_space<hbm>>
    %dma_wait3A_3101 = tpu.memref_squeeze %dma_wait3A_3100 : memref<1x24x128xf32, #tpu.memory_space<hbm>> -> memref<24x128xf32, #tpu.memory_space<hbm>>
    %dma_wait3A_3102 = arith.constant 0 : i32
    %dma_wait3A_3103 = arith.constant 0 : i32
    %dma_wait3A_3104 = tpu.memref_slice %dma_wait3A_3101[%dma_wait3A_3102, %dma_wait3A_3103] : memref<24x128xf32, #tpu.memory_space<hbm>> -> memref<20x64xf32, #tpu.memory_space<hbm>>
    %dma_wait3A_3105 = arith.constant 0 : i32
    %dma_wait3A_3106 = arith.constant 0 : i32
    %dma_wait3A_3107 = tpu.memref_slice %arg5[%dma_wait3A_3080, %dma_wait3A_3105, %dma_wait3A_3106] : memref<4x160x128xf32, #tpu.memory_space<vmem>> -> memref<1x160x128xf32, #tpu.memory_space<vmem>>
    %dma_wait3A_3108 = tpu.memref_squeeze %dma_wait3A_3107 : memref<1x160x128xf32, #tpu.memory_space<vmem>> -> memref<160x128xf32, #tpu.memory_space<vmem>>
    %dma_wait3A_3109 = arith.constant 20 : i32
    %dma_wait3A_3110 = arith.constant 0 : i32
    %dma_wait3A_3111 = tpu.memref_slice %dma_wait3A_3108[%dma_wait3A_3109, %dma_wait3A_3110] : memref<160x128xf32, #tpu.memory_space<vmem>> -> memref<20x64xf32, #tpu.memory_space<vmem>>
    tpu.wait_dma2 semaphore(%dma_wait3A_3097 : memref<!tpu.dma_semaphore, #tpu.memory_space<semaphore_mem>>) src(%dma_wait3A_3111 : memref<20x64xf32, #tpu.memory_space<vmem>>) dst(%dma_wait3A_3104 : memref<20x64xf32, #tpu.memory_space<hbm>>)
    %add3A_3112 = arith.constant 504 : i32
    %add3A_3113 = arith.addi %mul3A_2, %add3A_3112 : i32
    %add3A_3114 = arith.constant 2 : i32
    %add3A_3115 = arith.addi %add3A_3113, %add3A_3114 : i32
    %dma_wait3A_3116 = arith.constant 3 : i32
    %dma_wait3A_3117 = arith.constant 3 : i32
    %dma_wait3A_3118 = arith.constant 0 : i32
    %dma_wait3A_3119 = arith.constant 0 : i32
    %dma_wait3A_3120 = tpu.memref_slice %arg5[%dma_wait3A_3116, %dma_wait3A_3118, %dma_wait3A_3119] : memref<4x160x128xf32, #tpu.memory_space<vmem>> -> memref<1x160x128xf32, #tpu.memory_space<vmem>>
    %dma_wait3A_3121 = tpu.memref_squeeze %dma_wait3A_3120 : memref<1x160x128xf32, #tpu.memory_space<vmem>> -> memref<160x128xf32, #tpu.memory_space<vmem>>
    %dma_wait3A_3122 = arith.constant 40 : i32
    %dma_wait3A_3123 = arith.constant 0 : i32
    %dma_wait3A_3124 = tpu.memref_slice %dma_wait3A_3121[%dma_wait3A_3122, %dma_wait3A_3123] : memref<160x128xf32, #tpu.memory_space<vmem>> -> memref<20x64xf32, #tpu.memory_space<vmem>>
    %dma_wait3A_3125 = arith.constant 0 : i32
    %dma_wait3A_3126 = arith.constant 0 : i32
    %dma_wait3A_3127 = tpu.memref_slice %arg4[%add3A_3115, %dma_wait3A_3125, %dma_wait3A_3126] : memref<16384x24x128xf32, #tpu.memory_space<hbm>> -> memref<1x24x128xf32, #tpu.memory_space<hbm>>
    %dma_wait3A_3128 = tpu.memref_squeeze %dma_wait3A_3127 : memref<1x24x128xf32, #tpu.memory_space<hbm>> -> memref<24x128xf32, #tpu.memory_space<hbm>>
    %dma_wait3A_3129 = arith.constant 0 : i32
    %dma_wait3A_3130 = arith.constant 0 : i32
    %dma_wait3A_3131 = tpu.memref_slice %dma_wait3A_3128[%dma_wait3A_3129, %dma_wait3A_3130] : memref<24x128xf32, #tpu.memory_space<hbm>> -> memref<20x64xf32, #tpu.memory_space<hbm>>
    %dma_wait3A_3132 = tpu.memref_slice %arg9[%dma_wait3A_3117] : memref<4x!tpu.dma_semaphore, #tpu.memory_space<semaphore_mem>> -> memref<1x!tpu.dma_semaphore, #tpu.memory_space<semaphore_mem>>
    %dma_wait3A_3133 = tpu.memref_squeeze %dma_wait3A_3132 : memref<1x!tpu.dma_semaphore, #tpu.memory_space<semaphore_mem>> -> memref<!tpu.dma_semaphore, #tpu.memory_space<semaphore_mem>>
    %dma_wait3A_3134 = arith.constant 0 : i32
    %dma_wait3A_3135 = arith.constant 0 : i32
    %dma_wait3A_3136 = tpu.memref_slice %arg4[%add3A_3115, %dma_wait3A_3134, %dma_wait3A_3135] : memref<16384x24x128xf32, #tpu.memory_space<hbm>> -> memref<1x24x128xf32, #tpu.memory_space<hbm>>
    %dma_wait3A_3137 = tpu.memref_squeeze %dma_wait3A_3136 : memref<1x24x128xf32, #tpu.memory_space<hbm>> -> memref<24x128xf32, #tpu.memory_space<hbm>>
    %dma_wait3A_3138 = arith.constant 0 : i32
    %dma_wait3A_3139 = arith.constant 0 : i32
    %dma_wait3A_3140 = tpu.memref_slice %dma_wait3A_3137[%dma_wait3A_3138, %dma_wait3A_3139] : memref<24x128xf32, #tpu.memory_space<hbm>> -> memref<20x64xf32, #tpu.memory_space<hbm>>
    %dma_wait3A_3141 = arith.constant 0 : i32
    %dma_wait3A_3142 = arith.constant 0 : i32
    %dma_wait3A_3143 = tpu.memref_slice %arg5[%dma_wait3A_3116, %dma_wait3A_3141, %dma_wait3A_3142] : memref<4x160x128xf32, #tpu.memory_space<vmem>> -> memref<1x160x128xf32, #tpu.memory_space<vmem>>
    %dma_wait3A_3144 = tpu.memref_squeeze %dma_wait3A_3143 : memref<1x160x128xf32, #tpu.memory_space<vmem>> -> memref<160x128xf32, #tpu.memory_space<vmem>>
    %dma_wait3A_3145 = arith.constant 40 : i32
    %dma_wait3A_3146 = arith.constant 0 : i32
    %dma_wait3A_3147 = tpu.memref_slice %dma_wait3A_3144[%dma_wait3A_3145, %dma_wait3A_3146] : memref<160x128xf32, #tpu.memory_space<vmem>> -> memref<20x64xf32, #tpu.memory_space<vmem>>
    tpu.wait_dma2 semaphore(%dma_wait3A_3133 : memref<!tpu.dma_semaphore, #tpu.memory_space<semaphore_mem>>) src(%dma_wait3A_3147 : memref<20x64xf32, #tpu.memory_space<vmem>>) dst(%dma_wait3A_3140 : memref<20x64xf32, #tpu.memory_space<hbm>>)
    %add3A_3148 = arith.constant 504 : i32
    %add3A_3149 = arith.addi %mul3A_2, %add3A_3148 : i32
    %add3A_3150 = arith.constant 3 : i32
    %add3A_3151 = arith.addi %add3A_3149, %add3A_3150 : i32
    %dma_wait3A_3152 = arith.constant 3 : i32
    %dma_wait3A_3153 = arith.constant 3 : i32
    %dma_wait3A_3154 = arith.constant 0 : i32
    %dma_wait3A_3155 = arith.constant 0 : i32
    %dma_wait3A_3156 = tpu.memref_slice %arg5[%dma_wait3A_3152, %dma_wait3A_3154, %dma_wait3A_3155] : memref<4x160x128xf32, #tpu.memory_space<vmem>> -> memref<1x160x128xf32, #tpu.memory_space<vmem>>
    %dma_wait3A_3157 = tpu.memref_squeeze %dma_wait3A_3156 : memref<1x160x128xf32, #tpu.memory_space<vmem>> -> memref<160x128xf32, #tpu.memory_space<vmem>>
    %dma_wait3A_3158 = arith.constant 60 : i32
    %dma_wait3A_3159 = arith.constant 0 : i32
    %dma_wait3A_3160 = tpu.memref_slice %dma_wait3A_3157[%dma_wait3A_3158, %dma_wait3A_3159] : memref<160x128xf32, #tpu.memory_space<vmem>> -> memref<20x64xf32, #tpu.memory_space<vmem>>
    %dma_wait3A_3161 = arith.constant 0 : i32
    %dma_wait3A_3162 = arith.constant 0 : i32
    %dma_wait3A_3163 = tpu.memref_slice %arg4[%add3A_3151, %dma_wait3A_3161, %dma_wait3A_3162] : memref<16384x24x128xf32, #tpu.memory_space<hbm>> -> memref<1x24x128xf32, #tpu.memory_space<hbm>>
    %dma_wait3A_3164 = tpu.memref_squeeze %dma_wait3A_3163 : memref<1x24x128xf32, #tpu.memory_space<hbm>> -> memref<24x128xf32, #tpu.memory_space<hbm>>
    %dma_wait3A_3165 = arith.constant 0 : i32
    %dma_wait3A_3166 = arith.constant 0 : i32
    %dma_wait3A_3167 = tpu.memref_slice %dma_wait3A_3164[%dma_wait3A_3165, %dma_wait3A_3166] : memref<24x128xf32, #tpu.memory_space<hbm>> -> memref<20x64xf32, #tpu.memory_space<hbm>>
    %dma_wait3A_3168 = tpu.memref_slice %arg9[%dma_wait3A_3153] : memref<4x!tpu.dma_semaphore, #tpu.memory_space<semaphore_mem>> -> memref<1x!tpu.dma_semaphore, #tpu.memory_space<semaphore_mem>>
    %dma_wait3A_3169 = tpu.memref_squeeze %dma_wait3A_3168 : memref<1x!tpu.dma_semaphore, #tpu.memory_space<semaphore_mem>> -> memref<!tpu.dma_semaphore, #tpu.memory_space<semaphore_mem>>
    %dma_wait3A_3170 = arith.constant 0 : i32
    %dma_wait3A_3171 = arith.constant 0 : i32
    %dma_wait3A_3172 = tpu.memref_slice %arg4[%add3A_3151, %dma_wait3A_3170, %dma_wait3A_3171] : memref<16384x24x128xf32, #tpu.memory_space<hbm>> -> memref<1x24x128xf32, #tpu.memory_space<hbm>>
    %dma_wait3A_3173 = tpu.memref_squeeze %dma_wait3A_3172 : memref<1x24x128xf32, #tpu.memory_space<hbm>> -> memref<24x128xf32, #tpu.memory_space<hbm>>
    %dma_wait3A_3174 = arith.constant 0 : i32
    %dma_wait3A_3175 = arith.constant 0 : i32
    %dma_wait3A_3176 = tpu.memref_slice %dma_wait3A_3173[%dma_wait3A_3174, %dma_wait3A_3175] : memref<24x128xf32, #tpu.memory_space<hbm>> -> memref<20x64xf32, #tpu.memory_space<hbm>>
    %dma_wait3A_3177 = arith.constant 0 : i32
    %dma_wait3A_3178 = arith.constant 0 : i32
    %dma_wait3A_3179 = tpu.memref_slice %arg5[%dma_wait3A_3152, %dma_wait3A_3177, %dma_wait3A_3178] : memref<4x160x128xf32, #tpu.memory_space<vmem>> -> memref<1x160x128xf32, #tpu.memory_space<vmem>>
    %dma_wait3A_3180 = tpu.memref_squeeze %dma_wait3A_3179 : memref<1x160x128xf32, #tpu.memory_space<vmem>> -> memref<160x128xf32, #tpu.memory_space<vmem>>
    %dma_wait3A_3181 = arith.constant 60 : i32
    %dma_wait3A_3182 = arith.constant 0 : i32
    %dma_wait3A_3183 = tpu.memref_slice %dma_wait3A_3180[%dma_wait3A_3181, %dma_wait3A_3182] : memref<160x128xf32, #tpu.memory_space<vmem>> -> memref<20x64xf32, #tpu.memory_space<vmem>>
    tpu.wait_dma2 semaphore(%dma_wait3A_3169 : memref<!tpu.dma_semaphore, #tpu.memory_space<semaphore_mem>>) src(%dma_wait3A_3183 : memref<20x64xf32, #tpu.memory_space<vmem>>) dst(%dma_wait3A_3176 : memref<20x64xf32, #tpu.memory_space<hbm>>)
    %add3A_3184 = arith.constant 504 : i32
    %add3A_3185 = arith.addi %mul3A_2, %add3A_3184 : i32
    %add3A_3186 = arith.constant 4 : i32
    %add3A_3187 = arith.addi %add3A_3185, %add3A_3186 : i32
    %dma_wait3A_3188 = arith.constant 3 : i32
    %dma_wait3A_3189 = arith.constant 3 : i32
    %dma_wait3A_3190 = arith.constant 0 : i32
    %dma_wait3A_3191 = arith.constant 0 : i32
    %dma_wait3A_3192 = tpu.memref_slice %arg5[%dma_wait3A_3188, %dma_wait3A_3190, %dma_wait3A_3191] : memref<4x160x128xf32, #tpu.memory_space<vmem>> -> memref<1x160x128xf32, #tpu.memory_space<vmem>>
    %dma_wait3A_3193 = tpu.memref_squeeze %dma_wait3A_3192 : memref<1x160x128xf32, #tpu.memory_space<vmem>> -> memref<160x128xf32, #tpu.memory_space<vmem>>
    %dma_wait3A_3194 = arith.constant 80 : i32
    %dma_wait3A_3195 = arith.constant 0 : i32
    %dma_wait3A_3196 = tpu.memref_slice %dma_wait3A_3193[%dma_wait3A_3194, %dma_wait3A_3195] : memref<160x128xf32, #tpu.memory_space<vmem>> -> memref<20x64xf32, #tpu.memory_space<vmem>>
    %dma_wait3A_3197 = arith.constant 0 : i32
    %dma_wait3A_3198 = arith.constant 0 : i32
    %dma_wait3A_3199 = tpu.memref_slice %arg4[%add3A_3187, %dma_wait3A_3197, %dma_wait3A_3198] : memref<16384x24x128xf32, #tpu.memory_space<hbm>> -> memref<1x24x128xf32, #tpu.memory_space<hbm>>
    %dma_wait3A_3200 = tpu.memref_squeeze %dma_wait3A_3199 : memref<1x24x128xf32, #tpu.memory_space<hbm>> -> memref<24x128xf32, #tpu.memory_space<hbm>>
    %dma_wait3A_3201 = arith.constant 0 : i32
    %dma_wait3A_3202 = arith.constant 0 : i32
    %dma_wait3A_3203 = tpu.memref_slice %dma_wait3A_3200[%dma_wait3A_3201, %dma_wait3A_3202] : memref<24x128xf32, #tpu.memory_space<hbm>> -> memref<20x64xf32, #tpu.memory_space<hbm>>
    %dma_wait3A_3204 = tpu.memref_slice %arg9[%dma_wait3A_3189] : memref<4x!tpu.dma_semaphore, #tpu.memory_space<semaphore_mem>> -> memref<1x!tpu.dma_semaphore, #tpu.memory_space<semaphore_mem>>
    %dma_wait3A_3205 = tpu.memref_squeeze %dma_wait3A_3204 : memref<1x!tpu.dma_semaphore, #tpu.memory_space<semaphore_mem>> -> memref<!tpu.dma_semaphore, #tpu.memory_space<semaphore_mem>>
    %dma_wait3A_3206 = arith.constant 0 : i32
    %dma_wait3A_3207 = arith.constant 0 : i32
    %dma_wait3A_3208 = tpu.memref_slice %arg4[%add3A_3187, %dma_wait3A_3206, %dma_wait3A_3207] : memref<16384x24x128xf32, #tpu.memory_space<hbm>> -> memref<1x24x128xf32, #tpu.memory_space<hbm>>
    %dma_wait3A_3209 = tpu.memref_squeeze %dma_wait3A_3208 : memref<1x24x128xf32, #tpu.memory_space<hbm>> -> memref<24x128xf32, #tpu.memory_space<hbm>>
    %dma_wait3A_3210 = arith.constant 0 : i32
    %dma_wait3A_3211 = arith.constant 0 : i32
    %dma_wait3A_3212 = tpu.memref_slice %dma_wait3A_3209[%dma_wait3A_3210, %dma_wait3A_3211] : memref<24x128xf32, #tpu.memory_space<hbm>> -> memref<20x64xf32, #tpu.memory_space<hbm>>
    %dma_wait3A_3213 = arith.constant 0 : i32
    %dma_wait3A_3214 = arith.constant 0 : i32
    %dma_wait3A_3215 = tpu.memref_slice %arg5[%dma_wait3A_3188, %dma_wait3A_3213, %dma_wait3A_3214] : memref<4x160x128xf32, #tpu.memory_space<vmem>> -> memref<1x160x128xf32, #tpu.memory_space<vmem>>
    %dma_wait3A_3216 = tpu.memref_squeeze %dma_wait3A_3215 : memref<1x160x128xf32, #tpu.memory_space<vmem>> -> memref<160x128xf32, #tpu.memory_space<vmem>>
    %dma_wait3A_3217 = arith.constant 80 : i32
    %dma_wait3A_3218 = arith.constant 0 : i32
    %dma_wait3A_3219 = tpu.memref_slice %dma_wait3A_3216[%dma_wait3A_3217, %dma_wait3A_3218] : memref<160x128xf32, #tpu.memory_space<vmem>> -> memref<20x64xf32, #tpu.memory_space<vmem>>
    tpu.wait_dma2 semaphore(%dma_wait3A_3205 : memref<!tpu.dma_semaphore, #tpu.memory_space<semaphore_mem>>) src(%dma_wait3A_3219 : memref<20x64xf32, #tpu.memory_space<vmem>>) dst(%dma_wait3A_3212 : memref<20x64xf32, #tpu.memory_space<hbm>>)
    %add3A_3220 = arith.constant 504 : i32
    %add3A_3221 = arith.addi %mul3A_2, %add3A_3220 : i32
    %add3A_3222 = arith.constant 5 : i32
    %add3A_3223 = arith.addi %add3A_3221, %add3A_3222 : i32
    %dma_wait3A_3224 = arith.constant 3 : i32
    %dma_wait3A_3225 = arith.constant 3 : i32
    %dma_wait3A_3226 = arith.constant 0 : i32
    %dma_wait3A_3227 = arith.constant 0 : i32
    %dma_wait3A_3228 = tpu.memref_slice %arg5[%dma_wait3A_3224, %dma_wait3A_3226, %dma_wait3A_3227] : memref<4x160x128xf32, #tpu.memory_space<vmem>> -> memref<1x160x128xf32, #tpu.memory_space<vmem>>
    %dma_wait3A_3229 = tpu.memref_squeeze %dma_wait3A_3228 : memref<1x160x128xf32, #tpu.memory_space<vmem>> -> memref<160x128xf32, #tpu.memory_space<vmem>>
    %dma_wait3A_3230 = arith.constant 100 : i32
    %dma_wait3A_3231 = arith.constant 0 : i32
    %dma_wait3A_3232 = tpu.memref_slice %dma_wait3A_3229[%dma_wait3A_3230, %dma_wait3A_3231] : memref<160x128xf32, #tpu.memory_space<vmem>> -> memref<20x64xf32, #tpu.memory_space<vmem>>
    %dma_wait3A_3233 = arith.constant 0 : i32
    %dma_wait3A_3234 = arith.constant 0 : i32
    %dma_wait3A_3235 = tpu.memref_slice %arg4[%add3A_3223, %dma_wait3A_3233, %dma_wait3A_3234] : memref<16384x24x128xf32, #tpu.memory_space<hbm>> -> memref<1x24x128xf32, #tpu.memory_space<hbm>>
    %dma_wait3A_3236 = tpu.memref_squeeze %dma_wait3A_3235 : memref<1x24x128xf32, #tpu.memory_space<hbm>> -> memref<24x128xf32, #tpu.memory_space<hbm>>
    %dma_wait3A_3237 = arith.constant 0 : i32
    %dma_wait3A_3238 = arith.constant 0 : i32
    %dma_wait3A_3239 = tpu.memref_slice %dma_wait3A_3236[%dma_wait3A_3237, %dma_wait3A_3238] : memref<24x128xf32, #tpu.memory_space<hbm>> -> memref<20x64xf32, #tpu.memory_space<hbm>>
    %dma_wait3A_3240 = tpu.memref_slice %arg9[%dma_wait3A_3225] : memref<4x!tpu.dma_semaphore, #tpu.memory_space<semaphore_mem>> -> memref<1x!tpu.dma_semaphore, #tpu.memory_space<semaphore_mem>>
    %dma_wait3A_3241 = tpu.memref_squeeze %dma_wait3A_3240 : memref<1x!tpu.dma_semaphore, #tpu.memory_space<semaphore_mem>> -> memref<!tpu.dma_semaphore, #tpu.memory_space<semaphore_mem>>
    %dma_wait3A_3242 = arith.constant 0 : i32
    %dma_wait3A_3243 = arith.constant 0 : i32
    %dma_wait3A_3244 = tpu.memref_slice %arg4[%add3A_3223, %dma_wait3A_3242, %dma_wait3A_3243] : memref<16384x24x128xf32, #tpu.memory_space<hbm>> -> memref<1x24x128xf32, #tpu.memory_space<hbm>>
    %dma_wait3A_3245 = tpu.memref_squeeze %dma_wait3A_3244 : memref<1x24x128xf32, #tpu.memory_space<hbm>> -> memref<24x128xf32, #tpu.memory_space<hbm>>
    %dma_wait3A_3246 = arith.constant 0 : i32
    %dma_wait3A_3247 = arith.constant 0 : i32
    %dma_wait3A_3248 = tpu.memref_slice %dma_wait3A_3245[%dma_wait3A_3246, %dma_wait3A_3247] : memref<24x128xf32, #tpu.memory_space<hbm>> -> memref<20x64xf32, #tpu.memory_space<hbm>>
    %dma_wait3A_3249 = arith.constant 0 : i32
    %dma_wait3A_3250 = arith.constant 0 : i32
    %dma_wait3A_3251 = tpu.memref_slice %arg5[%dma_wait3A_3224, %dma_wait3A_3249, %dma_wait3A_3250] : memref<4x160x128xf32, #tpu.memory_space<vmem>> -> memref<1x160x128xf32, #tpu.memory_space<vmem>>
    %dma_wait3A_3252 = tpu.memref_squeeze %dma_wait3A_3251 : memref<1x160x128xf32, #tpu.memory_space<vmem>> -> memref<160x128xf32, #tpu.memory_space<vmem>>
    %dma_wait3A_3253 = arith.constant 100 : i32
    %dma_wait3A_3254 = arith.constant 0 : i32
    %dma_wait3A_3255 = tpu.memref_slice %dma_wait3A_3252[%dma_wait3A_3253, %dma_wait3A_3254] : memref<160x128xf32, #tpu.memory_space<vmem>> -> memref<20x64xf32, #tpu.memory_space<vmem>>
    tpu.wait_dma2 semaphore(%dma_wait3A_3241 : memref<!tpu.dma_semaphore, #tpu.memory_space<semaphore_mem>>) src(%dma_wait3A_3255 : memref<20x64xf32, #tpu.memory_space<vmem>>) dst(%dma_wait3A_3248 : memref<20x64xf32, #tpu.memory_space<hbm>>)
    %add3A_3256 = arith.constant 504 : i32
    %add3A_3257 = arith.addi %mul3A_2, %add3A_3256 : i32
    %add3A_3258 = arith.constant 6 : i32
    %add3A_3259 = arith.addi %add3A_3257, %add3A_3258 : i32
    %dma_wait3A_3260 = arith.constant 3 : i32
    %dma_wait3A_3261 = arith.constant 3 : i32
    %dma_wait3A_3262 = arith.constant 0 : i32
    %dma_wait3A_3263 = arith.constant 0 : i32
    %dma_wait3A_3264 = tpu.memref_slice %arg5[%dma_wait3A_3260, %dma_wait3A_3262, %dma_wait3A_3263] : memref<4x160x128xf32, #tpu.memory_space<vmem>> -> memref<1x160x128xf32, #tpu.memory_space<vmem>>
    %dma_wait3A_3265 = tpu.memref_squeeze %dma_wait3A_3264 : memref<1x160x128xf32, #tpu.memory_space<vmem>> -> memref<160x128xf32, #tpu.memory_space<vmem>>
    %dma_wait3A_3266 = arith.constant 120 : i32
    %dma_wait3A_3267 = arith.constant 0 : i32
    %dma_wait3A_3268 = tpu.memref_slice %dma_wait3A_3265[%dma_wait3A_3266, %dma_wait3A_3267] : memref<160x128xf32, #tpu.memory_space<vmem>> -> memref<20x64xf32, #tpu.memory_space<vmem>>
    %dma_wait3A_3269 = arith.constant 0 : i32
    %dma_wait3A_3270 = arith.constant 0 : i32
    %dma_wait3A_3271 = tpu.memref_slice %arg4[%add3A_3259, %dma_wait3A_3269, %dma_wait3A_3270] : memref<16384x24x128xf32, #tpu.memory_space<hbm>> -> memref<1x24x128xf32, #tpu.memory_space<hbm>>
    %dma_wait3A_3272 = tpu.memref_squeeze %dma_wait3A_3271 : memref<1x24x128xf32, #tpu.memory_space<hbm>> -> memref<24x128xf32, #tpu.memory_space<hbm>>
    %dma_wait3A_3273 = arith.constant 0 : i32
    %dma_wait3A_3274 = arith.constant 0 : i32
    %dma_wait3A_3275 = tpu.memref_slice %dma_wait3A_3272[%dma_wait3A_3273, %dma_wait3A_3274] : memref<24x128xf32, #tpu.memory_space<hbm>> -> memref<20x64xf32, #tpu.memory_space<hbm>>
    %dma_wait3A_3276 = tpu.memref_slice %arg9[%dma_wait3A_3261] : memref<4x!tpu.dma_semaphore, #tpu.memory_space<semaphore_mem>> -> memref<1x!tpu.dma_semaphore, #tpu.memory_space<semaphore_mem>>
    %dma_wait3A_3277 = tpu.memref_squeeze %dma_wait3A_3276 : memref<1x!tpu.dma_semaphore, #tpu.memory_space<semaphore_mem>> -> memref<!tpu.dma_semaphore, #tpu.memory_space<semaphore_mem>>
    %dma_wait3A_3278 = arith.constant 0 : i32
    %dma_wait3A_3279 = arith.constant 0 : i32
    %dma_wait3A_3280 = tpu.memref_slice %arg4[%add3A_3259, %dma_wait3A_3278, %dma_wait3A_3279] : memref<16384x24x128xf32, #tpu.memory_space<hbm>> -> memref<1x24x128xf32, #tpu.memory_space<hbm>>
    %dma_wait3A_3281 = tpu.memref_squeeze %dma_wait3A_3280 : memref<1x24x128xf32, #tpu.memory_space<hbm>> -> memref<24x128xf32, #tpu.memory_space<hbm>>
    %dma_wait3A_3282 = arith.constant 0 : i32
    %dma_wait3A_3283 = arith.constant 0 : i32
    %dma_wait3A_3284 = tpu.memref_slice %dma_wait3A_3281[%dma_wait3A_3282, %dma_wait3A_3283] : memref<24x128xf32, #tpu.memory_space<hbm>> -> memref<20x64xf32, #tpu.memory_space<hbm>>
    %dma_wait3A_3285 = arith.constant 0 : i32
    %dma_wait3A_3286 = arith.constant 0 : i32
    %dma_wait3A_3287 = tpu.memref_slice %arg5[%dma_wait3A_3260, %dma_wait3A_3285, %dma_wait3A_3286] : memref<4x160x128xf32, #tpu.memory_space<vmem>> -> memref<1x160x128xf32, #tpu.memory_space<vmem>>
    %dma_wait3A_3288 = tpu.memref_squeeze %dma_wait3A_3287 : memref<1x160x128xf32, #tpu.memory_space<vmem>> -> memref<160x128xf32, #tpu.memory_space<vmem>>
    %dma_wait3A_3289 = arith.constant 120 : i32
    %dma_wait3A_3290 = arith.constant 0 : i32
    %dma_wait3A_3291 = tpu.memref_slice %dma_wait3A_3288[%dma_wait3A_3289, %dma_wait3A_3290] : memref<160x128xf32, #tpu.memory_space<vmem>> -> memref<20x64xf32, #tpu.memory_space<vmem>>
    tpu.wait_dma2 semaphore(%dma_wait3A_3277 : memref<!tpu.dma_semaphore, #tpu.memory_space<semaphore_mem>>) src(%dma_wait3A_3291 : memref<20x64xf32, #tpu.memory_space<vmem>>) dst(%dma_wait3A_3284 : memref<20x64xf32, #tpu.memory_space<hbm>>)
    %add3A_3292 = arith.constant 504 : i32
    %add3A_3293 = arith.addi %mul3A_2, %add3A_3292 : i32
    %add3A_3294 = arith.constant 7 : i32
    %add3A_3295 = arith.addi %add3A_3293, %add3A_3294 : i32
    %dma_wait3A_3296 = arith.constant 3 : i32
    %dma_wait3A_3297 = arith.constant 3 : i32
    %dma_wait3A_3298 = arith.constant 0 : i32
    %dma_wait3A_3299 = arith.constant 0 : i32
    %dma_wait3A_3300 = tpu.memref_slice %arg5[%dma_wait3A_3296, %dma_wait3A_3298, %dma_wait3A_3299] : memref<4x160x128xf32, #tpu.memory_space<vmem>> -> memref<1x160x128xf32, #tpu.memory_space<vmem>>
    %dma_wait3A_3301 = tpu.memref_squeeze %dma_wait3A_3300 : memref<1x160x128xf32, #tpu.memory_space<vmem>> -> memref<160x128xf32, #tpu.memory_space<vmem>>
    %dma_wait3A_3302 = arith.constant 140 : i32
    %dma_wait3A_3303 = arith.constant 0 : i32
    %dma_wait3A_3304 = tpu.memref_slice %dma_wait3A_3301[%dma_wait3A_3302, %dma_wait3A_3303] : memref<160x128xf32, #tpu.memory_space<vmem>> -> memref<20x64xf32, #tpu.memory_space<vmem>>
    %dma_wait3A_3305 = arith.constant 0 : i32
    %dma_wait3A_3306 = arith.constant 0 : i32
    %dma_wait3A_3307 = tpu.memref_slice %arg4[%add3A_3295, %dma_wait3A_3305, %dma_wait3A_3306] : memref<16384x24x128xf32, #tpu.memory_space<hbm>> -> memref<1x24x128xf32, #tpu.memory_space<hbm>>
    %dma_wait3A_3308 = tpu.memref_squeeze %dma_wait3A_3307 : memref<1x24x128xf32, #tpu.memory_space<hbm>> -> memref<24x128xf32, #tpu.memory_space<hbm>>
    %dma_wait3A_3309 = arith.constant 0 : i32
    %dma_wait3A_3310 = arith.constant 0 : i32
    %dma_wait3A_3311 = tpu.memref_slice %dma_wait3A_3308[%dma_wait3A_3309, %dma_wait3A_3310] : memref<24x128xf32, #tpu.memory_space<hbm>> -> memref<20x64xf32, #tpu.memory_space<hbm>>
    %dma_wait3A_3312 = tpu.memref_slice %arg9[%dma_wait3A_3297] : memref<4x!tpu.dma_semaphore, #tpu.memory_space<semaphore_mem>> -> memref<1x!tpu.dma_semaphore, #tpu.memory_space<semaphore_mem>>
    %dma_wait3A_3313 = tpu.memref_squeeze %dma_wait3A_3312 : memref<1x!tpu.dma_semaphore, #tpu.memory_space<semaphore_mem>> -> memref<!tpu.dma_semaphore, #tpu.memory_space<semaphore_mem>>
    %dma_wait3A_3314 = arith.constant 0 : i32
    %dma_wait3A_3315 = arith.constant 0 : i32
    %dma_wait3A_3316 = tpu.memref_slice %arg4[%add3A_3295, %dma_wait3A_3314, %dma_wait3A_3315] : memref<16384x24x128xf32, #tpu.memory_space<hbm>> -> memref<1x24x128xf32, #tpu.memory_space<hbm>>
    %dma_wait3A_3317 = tpu.memref_squeeze %dma_wait3A_3316 : memref<1x24x128xf32, #tpu.memory_space<hbm>> -> memref<24x128xf32, #tpu.memory_space<hbm>>
    %dma_wait3A_3318 = arith.constant 0 : i32
    %dma_wait3A_3319 = arith.constant 0 : i32
    %dma_wait3A_3320 = tpu.memref_slice %dma_wait3A_3317[%dma_wait3A_3318, %dma_wait3A_3319] : memref<24x128xf32, #tpu.memory_space<hbm>> -> memref<20x64xf32, #tpu.memory_space<hbm>>
    %dma_wait3A_3321 = arith.constant 0 : i32
    %dma_wait3A_3322 = arith.constant 0 : i32
    %dma_wait3A_3323 = tpu.memref_slice %arg5[%dma_wait3A_3296, %dma_wait3A_3321, %dma_wait3A_3322] : memref<4x160x128xf32, #tpu.memory_space<vmem>> -> memref<1x160x128xf32, #tpu.memory_space<vmem>>
    %dma_wait3A_3324 = tpu.memref_squeeze %dma_wait3A_3323 : memref<1x160x128xf32, #tpu.memory_space<vmem>> -> memref<160x128xf32, #tpu.memory_space<vmem>>
    %dma_wait3A_3325 = arith.constant 140 : i32
    %dma_wait3A_3326 = arith.constant 0 : i32
    %dma_wait3A_3327 = tpu.memref_slice %dma_wait3A_3324[%dma_wait3A_3325, %dma_wait3A_3326] : memref<160x128xf32, #tpu.memory_space<vmem>> -> memref<20x64xf32, #tpu.memory_space<vmem>>
    tpu.wait_dma2 semaphore(%dma_wait3A_3313 : memref<!tpu.dma_semaphore, #tpu.memory_space<semaphore_mem>>) src(%dma_wait3A_3327 : memref<20x64xf32, #tpu.memory_space<vmem>>) dst(%dma_wait3A_3320 : memref<20x64xf32, #tpu.memory_space<hbm>>)
    return
  }
}

</mosaic_0001>

<sc_bundles>
// kernel: _lookup.3.cloned.1.call-start
scs
__scs_entry_jumppad:
0x0: {  	(pc) =	sbr.rel $0x88, $3  }
0x1: {  	(tag) =	ssettag $0x0;
	lr =	simm.s32 $0x1  }
0x2: {  	[smem:$0x3F9F] =	sst lr;
	_ =	strace $0xD0000000  }
0x3: {  	_ = 	snop  }
0x4: {  	_ = 	snop  }
0x5: {  	_ = 	snop  }
0x6: {  	_ = 	snop  }
0x7: {  	_ = 	snop  }
__scs_overlays_trampoline_lowered:
0x8: {  	[smem:$0x3FAE] =	sst s0  }
0x9: {  	[smem:$0x3FAF] =	sst s1  }
0xa: {  	[smem:$0x3FB0] =	sst s2  }
0xb: {  	[smem:$0x3FB1] =	sst s3  }
0xc: {  	[smem:$0x3FB2] =	sst s4  }
0xd: {  	[smem:$0x3FB3] =	sst s5  }
0xe: {  	[smem:$0x3FB4] =	sst s6  }
0xf: {  	[smem:$0x3FB5] =	sst s7  }
0x10: {  	[smem:$0x3FB6] =	sst s8  }
0x11: {  	[smem:$0x3FB7] =	sst s9;
	s0 =	simm.s32 @!p0 $0x0  }
0x12: {  	s1 =	sld [smem:$0x3F9D];
	s0 =	simm.s32 @p0 $0x1  }
0x13: {  	[smem:$0x3FB8] =	sst s0;
	s0 =	simm.s32 @!p1 $0x0  }
0x14: {  	s2 =	sld [smem:$0x3F9C];
	s0 =	simm.s32 @p1 $0x1  }
0x15: {  	[smem:$0x3FB9] =	sst s0;
	s0 =	simm.s32 @!p2 $0x0  }
0x16: {  	s3 =	sld [smem:$0x3FDB];
	s0 =	simm.s32 @p2 $0x1  }
0x17: {  	s4 =	simm.s32 $0x1BF5;
	[smem:$0x3FBB] =	sst s0  }
0x18: {  	s0 =	sld [smem:$0x3F9E];
	_ =	swait.ge [sflag:s4], $0x0  }
0x19: {  	s7 =	sld [smem:$0x3F9F]  }
0x1a: {  	s8 =	sadd.s32 $0xFFFFE003, lr  }
0x1b: {  	s9 =	sadd.s32 $0xFFFFFEF7, lr;
	s5 =	simm.s32 $0xFFFFFFFF;
	p2 =	slt.u32 s8, $0xFFFFF086  }
0x1c: {  	p1 =	slt.u32 s9, $0xF7A;
	s5 =	simm.s32 @!p2 $0x0  }
0x1d: {  	s5 =	simm.s32 @p1 $0x1;
	p0 =	seq.s32 s7, s2  }
0x1e: {  	s7 =	smul.u32 @!p0 $0xF7A, s2;
	p2 =	seq.s32 @!p0 s5, $0x0  }
0x1f: {  	s9 =	smul.u32 $0xF7A, s1;
	s8 =	simm.s32 @!p0 $0x1BF5;
	p2 =	por !p2, p0  }
0x20: {  	[sflag:s8] =	ssyncset.s32 @!p0 $0xFFFFF086;
	s6 =	sadd.s32 @!p0 s3, s7;
	s7 =	simm.s32 @!p0 $0x108  }
0x21: {  	s3 =	sadd.s32 s3, s9;
	s6 =	sadd.s32 @!p0 $0x88, s6;
	s7 =	simm.s32 @p2 $0x1082  }
0x22: {  	[simem:s7], [sflag:s8] =	dma.local @!p0 [hbm:s6], $0xF7A  }
0x23: {  	s9 =	sor.u32 $0xD0000000, s2;
	s6 =	simm.s32 $0x108;
	_ =	swait.ge @!p0 [sflag:s8], $0x0  }
0x24: {  	s3 =	sadd.s32 $0x88, s3;
	s6 =	simm.s32 @!p1 $0x1082;
	[sflag:s4] =	ssyncset.s32 $0xFFFFF086  }
0x25: {  	[simem:s6], [sflag:s4] =	dma.local [hbm:s3], $0xF7A  }
0x26: {  	[smem:$0x3F9F] =	sst s1;
	(tag) =	ssettag s2;
	_ =	strace s9  }
0x27: {  	s1 =	sld [smem:$0x3FAF]  }
0x28: {  	s2 =	sld [smem:$0x3FB0]  }
0x29: {  	s4 =	sld [smem:$0x3FB2]  }
0x2a: {  	p0 =	seq.s32 s5, $0x0;
	s5 =	sld [smem:$0x3FB3]  }
0x2b: {  	s6 =	sld [smem:$0x3FB4]  }
0x2c: {  	s7 =	sld [smem:$0x3FB5]  }
0x2d: {  	s3 =	simm.s32 $0x108;
	s8 =	sld [smem:$0x3FB6]  }
0x2e: {  	s3 =	simm.s32 @!p0 $0x1082;
	s9 =	sld [smem:$0x3FB7]  }
0x2f: {  	lr =	sadd.s32 s0, s3;
	s0 =	sld [smem:$0x3FAE]  }
0x30: {  	s3 =	sld [smem:$0x3FB1]  }
0x31: {  	[smem:$0x3FBA] =	sst s10  }
0x32: {  	s10 =	sld [smem:$0x3FB8];
	_ =	sdelay $0x3  }
0x33: {  	p0 =	seq.s32 s10, $0x1;
	s10 =	sld [smem:$0x3FBA];
	_ =	sdelay $0x3  }
0x34: {  	[smem:$0x3FBA] =	sst s10  }
0x35: {  	s10 =	sld [smem:$0x3FB9];
	_ =	sdelay $0x3  }
0x36: {  	p1 =	seq.s32 s10, $0x1;
	s10 =	sld [smem:$0x3FBA];
	_ =	sdelay $0x3  }
0x37: {  	[smem:$0x3FBA] =	sst s10  }
0x38: {  	s10 =	sld [smem:$0x3FBB]  }
0x39: {  	_ = 	snop;
	(pc) =	sbr.ind lr, $3  }
0x3a: {  	_ = 	snop  }
0x3b: {  	_ = 	snop  }
0x3c: {  	p2 =	seq.s32 s10, $0x1;
	s10 =	sld [smem:$0x3FBA]  }
0x3d: {  	_ =	shalt  }
0x3e: {  	_ =	shalt  }
0x3f: {  	_ =	shalt  }
0x40: {  	_ =	shalt  }
0x41: {  	_ =	shalt  }
0x42: {  	_ =	shalt  }
0x43: {  	_ =	shalt  }
0x44: {  	_ =	shalt  }
0x45: {  	_ =	shalt  }
0x46: {  	_ =	shalt  }
0x47: {  	_ =	shalt  }
0x48: {  	_ =	shalt  }
0x49: {  	_ =	shalt  }
0x4a: {  	_ =	shalt  }
0x4b: {  	_ =	shalt  }
0x4c: {  	_ =	shalt  }
0x4d: {  	_ =	shalt  }
0x4e: {  	_ =	shalt  }
0x4f: {  	_ =	shalt  }
0x50: {  	_ =	shalt  }
0x51: {  	_ =	shalt  }
0x52: {  	_ =	shalt  }
0x53: {  	_ =	shalt  }
0x54: {  	_ =	shalt  }
0x55: {  	_ =	shalt  }
0x56: {  	_ =	shalt  }
0x57: {  	_ =	shalt  }
0x58: {  	_ =	shalt  }
0x59: {  	_ =	shalt  }
0x5a: {  	_ =	shalt  }
0x5b: {  	_ =	shalt  }
0x5c: {  	_ =	shalt  }
0x5d: {  	_ =	shalt  }
0x5e: {  	_ =	shalt  }
0x5f: {  	_ =	shalt  }
0x60: {  	_ =	shalt  }
0x61: {  	_ =	shalt  }
0x62: {  	_ =	shalt  }
0x63: {  	_ =	shalt  }
0x64: {  	_ =	shalt  }
0x65: {  	_ =	shalt  }
0x66: {  	_ =	shalt  }
0x67: {  	_ =	shalt  }
0x68: {  	_ =	shalt  }
0x69: {  	_ =	shalt  }
0x6a: {  	_ =	shalt  }
0x6b: {  	_ =	shalt  }
0x6c: {  	_ =	shalt  }
0x6d: {  	_ =	shalt  }
0x6e: {  	_ =	shalt  }
0x6f: {  	_ =	shalt  }
0x70: {  	_ =	shalt  }
0x71: {  	_ =	shalt  }
0x72: {  	_ =	shalt  }
0x73: {  	_ =	shalt  }
0x74: {  	_ =	shalt  }
0x75: {  	_ =	shalt  }
0x76: {  	_ =	shalt  }
0x77: {  	_ =	shalt  }
0x78: {  	_ =	shalt  }
0x79: {  	_ =	shalt  }
0x7a: {  	_ =	shalt  }
0x7b: {  	_ =	shalt  }
0x7c: {  	_ =	shalt  }
0x7d: {  	_ =	shalt  }
0x7e: {  	_ =	shalt  }
0x7f: {  	_ =	shalt  }
0x80: {  	_ =	shalt  }
0x81: {  	_ =	shalt  }
0x82: {  	_ =	shalt  }
0x83: {  	_ =	shalt  }
0x84: {  	_ =	shalt  }
0x85: {  	_ =	shalt  }
0x86: {  	_ =	shalt  }
0x87: {  	_ =	shalt  }
.Lfunc_end0:
.L_simem_size_0:
called_computation_lowered:
.L_overlay_start_0:
0x88: {  	s2 =	sld [smem:$0x3FD9]  }
0x89: {  	s3 =	sld [smem:$0x3FFE];
	_ =	sdelay $0x1  }
0x8a: {  	s1 =	srdreg.scid  }
0x8b: {  	s0 =	sand.u32 $0x1, s1  }
0x8c: {  	s17 =	sshll.u32 s0, $0xA;
	s2 =	sadd.s32 s3, s2  }
0x8d: {  	s2 =	sadd.s32 s2, s17  }
0x8e: {  	[smem:$0x3FC6] =	sst s2  }
0x8f: {  	_ = 	snop  }
0x90: {  	s2 =	sld [smem:$0x3FC8]  }
0x91: {  	s18 =	sld [smem:$0x3FD0];
	(tm) =	ssettm $0x1  }
0x92: {  	s4 =	sld [smem:$0x3FFB];
	_ =	sdelay $0x3  }
0x93: {  	_ =	strace s4  }
0x94: {  	s4 =	sld [smem:$0x3FFC];
	_ =	sdelay $0x3  }
0x95: {  	_ =	strace s4  }
0x96: {  	s4 =	sld [smem:$0x3FFD];
	_ =	sdelay $0x3  }
0x97: {  	_ =	strace s4  }
0x98: {  	_ =	strace $0x8FFFFFFF  }
0x99: {  	s19 =	sld [smem:$0x3FDB];
	_ =	sdelay $0x1  }
0x9a: {  	s5 =	simm.s32 $_scs_section_size  }
0x9b: {  	s6 =	simm.s32 $_size__tile_overlayer_lowered;
	s7 =	simm.s32 $_tile_overlayer_lowered  }
0x9c: {  	s22 =	simm.s32 $0x1BFF;
	s21 =	sshll.u32 s7, $0x1;
	s4 =	sadd.s32 s5, s19  }
0x9d: {  	s8 =	simm.s32 $0x0;
	s20 =	sshll.u32 s6, $0x1;
	s6 =	sadd.s32 s21, s4  }
0x9e: {  	[timem:s8], [sflag:s22] =	dma.local [hbm:s6], s20  }
0x9f: {  	_ =	swait.ge [sflag:s22], s20  }
0xa0: {  	s5 =	ssub.s32 $0x0, s20;
	[sflag:s22] =	ssyncset.done $0x0  }
0xa1: {  	[sflag:s22] =	ssyncadd.s32 s5;
	_ =	sdelay $0x1  }
0xa2: {  	s23 =	simm.s32 $0x1B8B  }
0xa3: {  	_ =	swait.ge [sflag:s23], $0x1  }
0xa4: {  	[sflag:s23] =	ssyncset.done $0x0  }
0xa5: {  	s25 =	simm.s32 $0x1B8E;
	s24 =	sld [smem:$0x3FFE];
	[sflag:s23] =	ssyncadd.s32 $0xFFFFFFFF  }
0xa6: {  	s26 =	simm.s32 $execute0_lowered;
	[smem:$0x3FD2] =	sst s25  }
0xa7: {  	s6 =	sshll.u32 s26, $0x1;
	_ =	strace $0x80000046;
	[dreg:$0x1] =	wrdreg $0xFFFFFFFF  }
0xa8: {  	s28 =	simm.s32 $_size_execute0_lowered;
	s4 =	sadd.s32 s4, s6;
	[dreg:$0x0] =	wrdreg $0x0  }
0xa9: {  	s6 =	sshll.u32 s28, $0x1;
	[dreg:$0x2] =	wrdreg s4  }
0xaa: {  	[dreg:$0x3] =	wrdreg s6  }
0xab: {  	[dreg:$0x4] =	wrdreg $0xC0  }
0xac: {  	_ =	task [dreg:s8], $0x5FFFF  }
0xad: {  	[dreg:$0x1] =	wrdreg $0xFFFFFFFF  }
0xae: {  	[dreg:$0x0] =	wrdreg $0x60  }
0xaf: {  	[dreg:$0x2] =	wrdreg s24  }
0xb0: {  	[dreg:$0x3] =	wrdreg s2  }
0xb1: {  	[dreg:$0x4] =	wrdreg s18  }
0xb2: {  	[dreg:$0x5] =	wrdreg $0x9  }
0xb3: {  	_ =	task.clear_ibuf [dreg:s8], $0x6FFFF;
	_ =	strace $0x90000046  }
0xb4: {  	s29 =	simm.s32 $0x9;
	_ =	strace $0x80000048  }
0xb5: {  	_ =	swait.ge [sflag:s29], $0x1  }
0xb6: {  	[sflag:s29] =	ssyncadd.s32 $0xFFFFFFFF  }
0xb7: {  	_ =	strace $0x90000048  }
0xb8: {  	_ =	sfence  }
0xb9: {  	s30 =	sld [smem:$0x0];
	_ =	sdelay $0x2  }
0xba: {  	s31 =	sshll.u32 s1, $0xD;
	s1 =	sshrl.u32 s1, $0x2  }
0xbb: {  	s3 =	sand.u32 $0x4000, s31;
	s1 =	sadd.s32 s1, s30  }
0xbc: {  	s0 =	sor.u32 s3, s0;
	s1 =	sshll.u32 s1, $0x11  }
0xbd: {  	s0 =	sor.u32 s1, s0  }
0xbe: {  	s0 =	sadd.s32 $0x8F2B, s0  }
0xbf: {  	[sflag:s0] =	ssyncadd.remote.s32 $0x1  }
0xc0: {  	_ =	sfence.sel $0xFFFF  }
0xc1: {  	[dreg:$0x0] =	wrdreg $0xFFFFFFFF;
	(pc) =	sbr.abs _section_cstart, $3  }
0xc2: {  	[dreg:$0x1] =	wrdreg $0xFFFFFFFF  }
0xc3: {  	_ =	task.clear_ibuf [dreg:s8], $0x2FFFF;
	_ =	strace $0x9FFFFFFF  }
0xc4: {  	(tm) =	ssettm $0x7FFFFFFF  }
0xc5: {  	_ =	shalt  }
tec
execute0_lowered:
.L_overlay_start_1:
0x0: {  	(tag) =	ssettag $0x1  }
0x1: {  	v0 =	vimm.s32 $0x1F1E1D1C;
	v1 =	vimm.s32 $0x23222120;
	v2 =	vimm.s32 $0x13121110  }
0x2: {  	v3 =	vimm.s32 $0x1B1A1918;
	vm0 =	vcmask $0x1F10;
	v4 =	vimm.s32 $0x37363534  }
0x3: {  	v5 =	vimm.s32 $0x2B2A2928;
	v6 =	vimm.s32 $0x43424140;
	v8 =	vimm.s32 $0x3B3A3938  }
0x4: {  	v9 =	vimm.s32 $0x3F3E3D3C;
	v11 =	vimm.s32 $0x8B8A8988;
	v12 =	vimm.s32 $0xA3A2A1A0  }
0x5: {  	v13 =	vimm.s32 $0xABAAA9A8;
	v14 =	vimm.s32 $0x9B9A9998;
	v15 =	vimm.s32 $0x9F9E9D9C  }
0x6: {  	vm1 =	vcmask $0xF00;
	v16 =	vimm.s32 $0xEBEAE9E8;
	vm6 =	vcmask $0x2320  }
0x7: {  	vm5 =	vcmask $0x2724;
	vm4 =	vcmask $0x2B28;
	vm3 =	vcmask $0x2F2C  }
0x8: {  	vm2 =	vcmask $0x3330;
	vm14 =	vcmask $0x300;
	vm13 =	vcmask $0x704  }
0x9: {  	vm12 =	vcmask $0xB08;
	vm7 =	vcmask $0xF0C;
	v17 =	vimm.s32 $0x157  }
0xa: {  	v18 =	vimm.s32 $0x16B;
	vm8 =	vcmask $0x1310;
	vm9 =	vcmask $0x1714  }
0xb: {  	vm10 =	vcmask $0x1B18;
	vm11 =	vcmask $0x1F1C;
	v21 =	vimm.s32 $0x1A3  }
0xc: {  	v22 =	vimm.s32 $0x1B7;
	v23 =	vimm.s32 $0x1CB;
	v26 =	vimm.s32 $0x203  }
0xd: {  	v27 =	vimm.s32 $0x217;
	v28 =	vimm.s32 $0x22B;
	v31 =	vimm.s32 $0x263  }
0xe: {  	v32 =	vimm.s32 $0x277;
	v33 =	vimm.s32 $0x28B;
	v36 =	vimm.s32 $0x2C3  }
0xf: {  	v37 =	vimm.s32 $0x2D7;
	v38 =	vimm.s32 $0x2EB;
	v0 =	vunpack.c.0.s8.s32 v0  }
0x10: {  	v1 =	vunpack.c.0.s8.s32 v1;
	v2 =	vunpack.c.0.s8.s32 v2;
	v3 =	vunpack.c.0.s8.s32 v3  }
0x11: {  	v4 =	vunpack.c.0.s8.s32 v4;
	v5 =	vunpack.c.0.s8.s32 v5;
	v6 =	vunpack.c.0.s8.s32 v6  }
0x12: {  	v8 =	vunpack.c.0.s8.s32 v8;
	v9 =	vunpack.c.0.s8.s32 v9;
	v11 =	vunpack.c.0.s8.s32 v11  }
0x13: {  	v12 =	vunpack.c.0.s8.s32 v12;
	v13 =	vunpack.c.0.s8.s32 v13;
	v14 =	vunpack.c.0.s8.s32 v14  }
0x14: {  	v15 =	vunpack.c.0.s8.s32 v15;
	v17 =	vsel vm14, $0x144, v17;
	v18 =	vsel vm14, $0x158, v18  }
0x15: {  	v21 =	vsel vm14, $0x190, v21;
	v22 =	vsel vm14, $0x1A4, v22;
	v23 =	vsel vm14, $0x1B8, v23  }
0x16: {  	v26 =	vsel vm14, $0x1F0, v26;
	v27 =	vsel vm14, $0x204, v27;
	v28 =	vsel vm14, $0x218, v28  }
0x17: {  	v31 =	vsel vm14, $0x250, v31;
	v32 =	vsel vm14, $0x264, v32;
	v33 =	vsel vm14, $0x278, v33  }
0x18: {  	v36 =	vsel vm14, $0x2B0, v36;
	v37 =	vsel vm14, $0x2C4, v37;
	v38 =	vsel vm14, $0x2D8, v38  }
0x19: {  	v17 =	vsel vm13, $0x145, v17;
	v18 =	vsel vm13, $0x159, v18;
	v21 =	vsel vm13, $0x191, v21  }
0x1a: {  	v22 =	vsel vm13, $0x1A5, v22;
	v23 =	vsel vm13, $0x1B9, v23;
	v26 =	vsel vm13, $0x1F1, v26  }
0x1b: {  	v27 =	vsel vm13, $0x205, v27;
	v28 =	vsel vm13, $0x219, v28;
	v31 =	vsel vm13, $0x251, v31  }
0x1c: {  	v32 =	vsel vm13, $0x265, v32;
	v33 =	vsel vm13, $0x279, v33;
	v36 =	vsel vm13, $0x2B1, v36  }
0x1d: {  	v37 =	vsel vm13, $0x2C5, v37;
	v38 =	vsel vm13, $0x2D9, v38;
	v1 =	vsel vm0, v1, v0  }
0x1e: {  	v0 =	vimm.s32 $0x33323130;
	v2 =	vsel vm0, v3, v2;
	v17 =	vsel vm12, $0x146, v17  }
0x1f: {  	v18 =	vsel vm12, $0x15A, v18;
	v21 =	vsel vm12, $0x192, v21;
	v22 =	vsel vm12, $0x1A6, v22  }
0x20: {  	v23 =	vsel vm12, $0x1BA, v23;
	v26 =	vsel vm12, $0x1F2, v26;
	v27 =	vsel vm12, $0x206, v27  }
0x21: {  	v28 =	vsel vm12, $0x21A, v28;
	v31 =	vsel vm12, $0x252, v31;
	v32 =	vsel vm12, $0x266, v32  }
0x22: {  	v33 =	vsel vm12, $0x27A, v33;
	v36 =	vsel vm12, $0x2B2, v36;
	v37 =	vsel vm12, $0x2C6, v37  }
0x23: {  	v38 =	vsel vm12, $0x2DA, v38;
	v3 =	vunpack.c.0.s8.s32 v0;
	v0 =	vimm.s32 $0x27262524  }
0x24: {  	v1 =	vcombine.low v2, v1;
	v17 =	vsel vm7, $0x147, v17;
	v18 =	vsel vm7, $0x15B, v18  }
0x25: {  	v21 =	vsel vm7, $0x193, v21;
	v22 =	vsel vm7, $0x1A7, v22;
	v23 =	vsel vm7, $0x1BB, v23  }
0x26: {  	v26 =	vsel vm7, $0x1F3, v26;
	v27 =	vsel vm7, $0x207, v27;
	v28 =	vsel vm7, $0x21B, v28  }
0x27: {  	v31 =	vsel vm7, $0x253, v31;
	v32 =	vsel vm7, $0x267, v32;
	v33 =	vsel vm7, $0x27B, v33  }
0x28: {  	v36 =	vsel vm7, $0x2B3, v36;
	v37 =	vsel vm7, $0x2C7, v37;
	v38 =	vsel vm7, $0x2DB, v38  }
0x29: {  	v7 =	vunpack.c.0.s8.s32 v0;
	v0 =	vimm.s32 $0x4B4A4948;
	v17 =	vsel vm8, $0x148, v17  }
0x2a: {  	v18 =	vsel vm8, $0x15C, v18;
	v21 =	vsel vm8, $0x198, v21;
	v22 =	vsel vm8, $0x1A8, v22  }
0x2b: {  	v23 =	vsel vm8, $0x1BC, v23;
	v26 =	vsel vm8, $0x1F8, v26;
	v27 =	vsel vm8, $0x208, v27  }
0x2c: {  	v28 =	vsel vm8, $0x21C, v28;
	v31 =	vsel vm8, $0x258, v31;
	v32 =	vsel vm8, $0x268, v32  }
0x2d: {  	v33 =	vsel vm8, $0x27C, v33;
	v36 =	vsel vm8, $0x2B8, v36;
	v37 =	vsel vm8, $0x2C8, v37  }
0x2e: {  	v38 =	vsel vm8, $0x2DC, v38;
	v10 =	vunpack.c.0.s8.s32 v0;
	v0 =	vlaneseq.u32  }
0x2f: {  	v2 =	vsel vm0, v4, v3;
	v17 =	vsel vm9, $0x149, v17;
	v18 =	vsel vm9, $0x15D, v18  }
0x30: {  	v21 =	vsel vm9, $0x199, v21;
	v22 =	vsel vm9, $0x1A9, v22;
	v23 =	vsel vm9, $0x1BD, v23  }
0x31: {  	v26 =	vsel vm9, $0x1F9, v26;
	v27 =	vsel vm9, $0x209, v27;
	v28 =	vsel vm9, $0x21D, v28  }
0x32: {  	v31 =	vsel vm9, $0x259, v31;
	v32 =	vsel vm9, $0x269, v32;
	v33 =	vsel vm9, $0x27D, v33  }
0x33: {  	v36 =	vsel vm9, $0x2B9, v36;
	v37 =	vsel vm9, $0x2C9, v37;
	v38 =	vsel vm9, $0x2DD, v38  }
0x34: {  	v3 =	vsel vm0, v5, v7;
	v5 =	vsel vm0, v9, v8;
	v8 =	vimm.s32 $0x73727170  }
0x35: {  	v9 =	vimm.s32 $0x7B7A7978;
	v17 =	vsel vm10, $0x14A, v17;
	v18 =	vsel vm10, $0x15E, v18  }
0x36: {  	v19 =	vadd.s32 $0x16C, v0;
	v20 =	vor.u32 $0x180, v0;
	v21 =	vsel vm10, $0x19A, v21  }
0x37: {  	v22 =	vsel vm10, $0x1AA, v22;
	v23 =	vsel vm10, $0x1BE, v23;
	v24 =	vadd.s32 $0x1CC, v0  }
0x38: {  	v25 =	vor.u32 $0x1E0, v0;
	v26 =	vsel vm10, $0x1FA, v26;
	v27 =	vsel vm10, $0x20A, v27  }
0x39: {  	v28 =	vsel vm10, $0x21E, v28;
	v29 =	vadd.s32 $0x22C, v0;
	v30 =	vor.u32 $0x240, v0  }
0x3a: {  	v31 =	vsel vm10, $0x25A, v31;
	v32 =	vsel vm10, $0x26A, v32;
	v33 =	vsel vm10, $0x27E, v33  }
0x3b: {  	v34 =	vadd.s32 $0x28C, v0;
	v35 =	vor.u32 $0x2A0, v0;
	v36 =	vsel vm10, $0x2BA, v36  }
0x3c: {  	v37 =	vsel vm10, $0x2CA, v37;
	v38 =	vsel vm10, $0x2DE, v38;
	v39 =	vadd.s32 $0x2EC, v0  }
0x3d: {  	v4 =	vsel vm0, v10, v6;
	v2 =	vcombine.low v3, v2;
	v8 =	vunpack.c.0.s8.s32 v8  }
0x3e: {  	v9 =	vunpack.c.0.s8.s32 v9;
	v10 =	vimm.s32 $0x97969594;
	v17 =	vsel vm11, $0x14B, v17  }
0x3f: {  	v18 =	vsel vm11, $0x15F, v18;
	v21 =	vsel vm11, $0x19B, v21;
	v22 =	vsel vm11, $0x1AB, v22  }
0x40: {  	v23 =	vsel vm11, $0x1BF, v23;
	v26 =	vsel vm11, $0x1FB, v26;
	v27 =	vsel vm11, $0x20B, v27  }
0x41: {  	v28 =	vsel vm11, $0x21F, v28;
	v31 =	vsel vm11, $0x25B, v31;
	v32 =	vsel vm11, $0x26B, v32  }
0x42: {  	v33 =	vsel vm11, $0x27F, v33;
	v36 =	vsel vm11, $0x2BB, v36;
	v37 =	vsel vm11, $0x2CB, v37  }
0x43: {  	v38 =	vsel vm11, $0x2DF, v38;
	v3 =	vcombine.low v5, v4;
	v5 =	vimm.s32 $0x7F7E7D7C  }
0x44: {  	v4 =	vadd.s32 $0x4C, v0;
	v17 =	vsel vm6, $0x150, v17;
	v18 =	vsel vm6, $0x160, v18  }
0x45: {  	v21 =	vsel vm6, $0x19C, v21;
	v22 =	vsel vm6, $0x1B0, v22;
	v23 =	vsel vm6, $0x1C0, v23  }
0x46: {  	v26 =	vsel vm6, $0x1FC, v26;
	v27 =	vsel vm6, $0x210, v27;
	v28 =	vsel vm6, $0x220, v28  }
0x47: {  	v31 =	vsel vm6, $0x25C, v31;
	v32 =	vsel vm6, $0x270, v32;
	v33 =	vsel vm6, $0x280, v33  }
0x48: {  	v36 =	vsel vm6, $0x2BC, v36;
	v37 =	vsel vm6, $0x2D0, v37;
	v38 =	vsel vm6, $0x2E0, v38  }
0x49: {  	v6 =	vunpack.c.0.s8.s32 v5;
	v5 =	vimm.s32 $0x83828180;
	v8 =	vsel vm0, v9, v8  }
0x4a: {  	v9 =	vunpack.c.0.s8.s32 v10;
	v10 =	vimm.s32 $0x87868584;
	v17 =	vsel vm5, $0x151, v17  }
0x4b: {  	v18 =	vsel vm5, $0x161, v18;
	v21 =	vsel vm5, $0x19D, v21;
	v22 =	vsel vm5, $0x1B1, v22  }
0x4c: {  	v23 =	vsel vm5, $0x1C1, v23;
	v26 =	vsel vm5, $0x1FD, v26;
	v27 =	vsel vm5, $0x211, v27  }
0x4d: {  	v28 =	vsel vm5, $0x221, v28;
	v31 =	vsel vm5, $0x25D, v31;
	v32 =	vsel vm5, $0x271, v32  }
0x4e: {  	v33 =	vsel vm5, $0x281, v33;
	v36 =	vsel vm5, $0x2BD, v36;
	v37 =	vsel vm5, $0x2D1, v37  }
0x4f: {  	v38 =	vsel vm5, $0x2E1, v38;
	v7 =	vunpack.c.0.s8.s32 v5;
	v5 =	vor.u32 $0x60, v0  }
0x50: {  	v10 =	vunpack.c.0.s8.s32 v10;
	v17 =	vsel vm4, $0x152, v17;
	v18 =	vsel vm4, $0x162, v18  }
0x51: {  	v21 =	vsel vm4, $0x19E, v21;
	v22 =	vsel vm4, $0x1B2, v22;
	v23 =	vsel vm4, $0x1C2, v23  }
0x52: {  	v26 =	vsel vm4, $0x1FE, v26;
	v27 =	vsel vm4, $0x212, v27;
	v28 =	vsel vm4, $0x222, v28  }
0x53: {  	v31 =	vsel vm4, $0x25E, v31;
	v32 =	vsel vm4, $0x272, v32;
	v33 =	vsel vm4, $0x282, v33  }
0x54: {  	v36 =	vsel vm4, $0x2BE, v36;
	v37 =	vsel vm4, $0x2D2, v37;
	v38 =	vsel vm4, $0x2E2, v38  }
0x55: {  	v17 =	vsel vm3, $0x153, v17;
	v18 =	vsel vm3, $0x163, v18;
	v21 =	vsel vm3, $0x19F, v21  }
0x56: {  	v22 =	vsel vm3, $0x1B3, v22;
	v23 =	vsel vm3, $0x1C3, v23;
	v26 =	vsel vm3, $0x1FF, v26  }
0x57: {  	v27 =	vsel vm3, $0x213, v27;
	v28 =	vsel vm3, $0x223, v28;
	v31 =	vsel vm3, $0x25F, v31  }
0x58: {  	v32 =	vsel vm3, $0x273, v32;
	v33 =	vsel vm3, $0x283, v33;
	v36 =	vsel vm3, $0x2BF, v36  }
0x59: {  	v37 =	vsel vm3, $0x2D3, v37;
	v38 =	vsel vm3, $0x2E3, v38;
	v6 =	vsel vm0, v7, v6  }
0x5a: {  	v7 =	vimm.s32 $0x93929190;
	v17 =	vsel vm2, $0x154, v17;
	v18 =	vsel vm2, $0x168, v18  }
0x5b: {  	v21 =	vsel vm2, $0x1A0, v21;
	v22 =	vsel vm2, $0x1B4, v22;
	v23 =	vsel vm2, $0x1C8, v23  }
0x5c: {  	v26 =	vsel vm2, $0x200, v26;
	v27 =	vsel vm2, $0x214, v27;
	v28 =	vsel vm2, $0x228, v28  }
0x5d: {  	v31 =	vsel vm2, $0x260, v31;
	v32 =	vsel vm2, $0x274, v32;
	v33 =	vsel vm2, $0x288, v33  }
0x5e: {  	v36 =	vsel vm2, $0x2C0, v36;
	v37 =	vsel vm2, $0x2D4, v37;
	v7 =	vunpack.c.0.s8.s32 v7  }
0x5f: {  	v6 =	vcombine.low v8, v6;
	v8 =	vsel vm0, v11, v10;
	v10 =	vsel vm0, v15, v14  }
0x60: {  	s0 =	srdreg.scid;
	s1 =	rddreg [dreg:$0x0];
	v11 =	vimm.s32 $0xDFDEDDDC;
	v14 =	vimm.s32 $0xFFFEFDFC;
	v7 =	vsel vm0, v9, v7  }
0x61: {  	s2 =	stileid.u32;
	s7 =	rddreg [dreg:$0x2];
	v9 =	vsel vm0, v13, v12;
	v12 =	vimm.s32 $0xDBDAD9D8;
	v7 =	vcombine.low v8, v7  }
0x62: {  	s5 =	simm.s32 $0x0;
	s0 =	sand.u32 $0x1, s0;
	s2 =	sshll.u32 s2, $0xA;
	v8 =	vcombine.low v10, v9;
	v10 =	vunpack.c.0.s8.s32 v11;
	v11 =	vimm.s32 $0xD3D2D1D0  }
0x63: {  	[smem:$0x7FF] =	sst s5;
	s23 =	sadd.s32 $0x180, s7;
	s3 =	sshll.u32 s0, $0x9;
	v15 =	vimm.s32 $0xE7E6E5E4;
	v12 =	vunpack.c.0.s8.s32 v12;
	v11 =	vunpack.c.0.s8.s32 v11  }
0x64: {  	s24 =	sadd.s32 $0x300, s7;
	s0 =	ssub.s32 $0x2, s0;
	s6 =	sor.u32 s3, s2;
	v38 =	vsel vm2, $0x2E8, v38;
	v14 =	vunpack.c.0.s8.s32 v14;
	v15 =	vunpack.c.0.s8.s32 v15  }
0x65: {  	s4 =	sshrl.u32 s0, $0x1;
	s3 =	smul.u32 $0x180, s6;
	[dreg:$0x4] =	wrdreg s6;
	v9 =	vimm.s32 $0xE3E2E1E0;
	v11 =	vsel vm0, v12, v11;
	v12 =	vimm.s32 $0xFBFAF9F8  }
0x66: {  	s0 =	ssub.s32 s0, s4;
	_ =	strace $0x80000047;
	[dreg:$0x7] =	wrdreg s23;
	v6 =	vand.u32 $0xFF, v6;
	v13 =	vunpack.c.0.s8.s32 v9;
	v12 =	vunpack.c.0.s8.s32 v12  }
0x67: {  	[dreg:$0x8] =	wrdreg s24;
	s0 =	smax.u32 s0, $0x1;
	v14 =	vand.u32 $0xFF, v14;
	v9 =	vadd.s32 $0xAC, v0;
	v7 =	vand.u32 $0xFF, v7  }
0x68: {  	s2 =	smul.u32 $0x3, s6;
	s14 =	sadd.s32 s7, s3;
	[dreg:$0x1b] =	wrdreg s0;
	v10 =	vsel vm0, v13, v10;
	v13 =	vimm.s32 $0xF7F6F5F4;
	v12 =	vand.u32 $0xFF, v12  }
0x69: {  	s15 =	sadd.s32 s3, s23;
	[dreg:$0x6] =	wrdreg s14;
	v11 =	vcombine.low v11, v10;
	v10 =	vimm.s32 $0xF3F2F1F0;
	v12 =	vnsel vm1, $0x10B, v12  }
0x6a: {  	s1 =	sadd.s32 s2, s1;
	s16 =	sadd.s32 s3, s24;
	[dreg:$0x9] =	wrdreg s15;
	v13 =	vunpack.c.0.s8.s32 v13;
	v10 =	vunpack.c.0.s8.s32 v10;
	v12 =	vsel vm0, v14, v12  }
0x6b: {  	s6 =	smul.u32 $0xC00, s6;
	s1 =	sadd.s32 $0x400, s1;
	[dreg:$0xa] =	wrdreg s16;
	v8 =	vand.u32 $0xFF, v8;
	v14 =	vunpack.c.0.s8.s32 v16;
	v12 =	vsel vm6, $0x100, v12  }
0x6c: {  	s31 =	sadd.s32 $0x480, s14;
	[dreg:$0x5] =	wrdreg s1;
	v11 =	vand.u32 $0xFF, v11;
	v10 =	vsel vm0, v13, v10;
	v12 =	vsel vm5, $0x101, v12  }
0x6d: {  	s22 =	sshrl.u32 s6, $0x3;
	s10 =	sadd.s32 $0x1680, s14;
	[dreg:$0x1c] =	wrdreg s31;
	vm1 =	vcmask $0x3734;
	v13 =	vsel vm0, v14, v15;
	v12 =	vsel vm4, $0x102, v12  }
0x6e: {  	s1 =	sadd.s32 s7, s22;
	s31 =	sadd.s32 $0x600, s14;
	[dreg:$0x1e] =	wrdreg s10;
	v17 =	vsel vm1, $0x155, v17;
	v13 =	vcombine.low v13, v10;
	v12 =	vsel vm3, $0x103, v12  }
0x6f: {  	s25 =	sadd.s32 $0x2F400, s1;
	[dreg:$0x1d] =	wrdreg s31;
	v18 =	vsel vm1, $0x169, v18;
	v21 =	vsel vm1, $0x1A1, v21;
	v14 =	vsel vm2, $0x108, v12  }
0x70: {  	s26 =	sadd.s32 $0x2F700, s1;
	[dreg:$0x13] =	wrdreg s25;
	v12 =	vand.u32 $0xFF, v13;
	v13 =	vsel vm1, $0x109, v14;
	v14 =	vimm.s32 $0x143  }
0x71: {  	s28 =	sadd.s32 $0x2FA00, s1;
	[dreg:$0x15] =	wrdreg s26;
	v22 =	vsel vm1, $0x1B5, v22;
	v23 =	vsel vm1, $0x1C9, v23;
	v15 =	vsel vm14, $0x130, v14  }
0x72: {  	s30 =	sadd.s32 $0x2FD00, s1;
	[dreg:$0x17] =	wrdreg s28;
	v26 =	vsel vm1, $0x201, v26;
	v27 =	vsel vm1, $0x215, v27;
	v16 =	vsel vm13, $0x131, v15  }
0x73: {  	s17 =	sadd.s32 $0x2E800, s1;
	[dreg:$0x19] =	wrdreg s30;
	v28 =	vsel vm1, $0x229, v28;
	v31 =	vsel vm1, $0x261, v31;
	v16 =	vsel vm12, $0x132, v16  }
0x74: {  	s18 =	sadd.s32 $0x2E980, s1;
	[dreg:$0xb] =	wrdreg s17;
	v32 =	vsel vm1, $0x275, v32;
	v33 =	vsel vm1, $0x289, v33;
	v16 =	vsel vm7, $0x133, v16  }
0x75: {  	s19 =	sadd.s32 $0x2EB00, s1;
	[dreg:$0xc] =	wrdreg s18;
	v36 =	vsel vm1, $0x2C1, v36;
	v37 =	vsel vm1, $0x2D5, v37;
	v16 =	vsel vm8, $0x138, v16  }
0x76: {  	s12 =	simm.s32 $0x0;
	s20 =	sadd.s32 $0x2EC80, s1;
	[dreg:$0xd] =	wrdreg s19;
	v38 =	vsel vm1, $0x2E9, v38;
	vm0 =	vcmask $0x3B38;
	v16 =	vsel vm9, $0x139, v16  }
0x77: {  	s2 =	sadd.s32 $0x780, s14;
	s21 =	sadd.s32 $0x2EE00, s1;
	[dreg:$0xe] =	wrdreg s20;
	v10 =	vor.u32 $0xC0, v0;
	v17 =	vsel vm0, $0x156, v17;
	v16 =	vsel vm10, $0x13A, v16  }
0x78: {  	s0 =	sadd.s32 $0x900, s14;
	s22 =	sadd.s32 $0x2EF80, s1;
	[dreg:$0xf] =	wrdreg s21;
	v18 =	vsel vm0, $0x16A, v18;
	v21 =	vsel vm0, $0x1A2, v21;
	v16 =	vsel vm11, $0x13B, v16  }
0x79: {  	s6 =	sadd.s32 $0xA80, s14;
	s23 =	sadd.s32 $0x2F100, s1;
	[dreg:$0x10] =	wrdreg s22;
	v22 =	vsel vm0, $0x1B6, v22;
	v23 =	vsel vm0, $0x1CA, v23;
	v16 =	vsel vm6, $0x13C, v16  }
0x7a: {  	s29 =	sadd.s32 $0xC00, s14;
	s24 =	sadd.s32 $0x2F280, s1;
	[dreg:$0x11] =	wrdreg s23;
	v26 =	vsel vm0, $0x202, v26;
	v27 =	vsel vm0, $0x216, v27;
	v16 =	vsel vm5, $0x13D, v16  }
0x7b: {  	s3 =	sadd.s32 $0xD80, s14;
	s25 =	sadd.s32 $0x2F580, s1;
	[dreg:$0x12] =	wrdreg s24;
	v28 =	vsel vm0, $0x22A, v28;
	v31 =	vsel vm0, $0x262, v31;
	v16 =	vsel vm4, $0x13E, v16  }
0x7c: {  	s4 =	sadd.s32 $0x1080, s14;
	s26 =	sadd.s32 $0x2F880, s1;
	[dreg:$0x14] =	wrdreg s25;
	v32 =	vsel vm0, $0x276, v32;
	v33 =	vsel vm0, $0x28A, v33;
	v16 =	vsel vm3, $0x13F, v16  }
0x7d: {  	s8 =	sadd.s32 $0x1200, s14;
	s28 =	sadd.s32 $0x2FB80, s1;
	[dreg:$0x16] =	wrdreg s26;
	v36 =	vsel vm0, $0x2C2, v36;
	v37 =	vsel vm0, $0x2D6, v37;
	v16 =	vsel vm2, $0x140, v16  }
0x7e: {  	s9 =	sadd.s32 $0x1380, s14;
	s30 =	sadd.s32 $0x2FE80, s1;
	[dreg:$0x18] =	wrdreg s28;
	v38 =	vsel vm0, $0x2EA, v38;
	v13 =	vsel vm0, $0x10A, v13;
	v16 =	vsel vm1, $0x141, v16  }
0x7f: {  	s7 =	sadd.s32 $0x1500, s14;
	s1 =	sadd.s32 $0xF00, s14;
	[dreg:$0x1a] =	wrdreg s30;
	v14 =	vadd.s32 $0x10C, v0;
	v15 =	vor.u32 $0x120, v0;
	v16 =	vsel vm0, $0x142, v16  }
.LBB2_1:
0x80: {  	[dreg:$0x1f] =	wrdreg s12  }
0x81: {  	s10 =	rddreg [dreg:$0x5];
	s11 =	simm.s32 $0x14280;
	s17 =	simm.s32 $0x9  }
0x82: {  	[tilespmem:s11], [sflag:$0x9] =	stream.linear.gather [hbm4b:s10+s5], $0x3000, $0x38;
	[tilespmem:$0x17280] =	vst v63  }
0x83: {  	_ =	swait.ge [sflag:s17], $0x3000  }
0x84: {  	[sflag:s17] =	ssyncset.done $0x0  }
0x85: {  	[sflag:s17] =	ssyncadd.s32 $0xFFFFD000  }
0x86: {  	v40 =	vld.idx.msk [tilespmem:v0+s11+$0x0], $0xffff;
	_ =	sdelay $0x4  }
0x87: {  	[tilespmem:$0x14000] =	vst v40  }
0x88: {  	v40 =	vld.idx.msk [tilespmem:v1+s11+$0x0], $0xffff;
	_ =	sdelay $0x4  }
0x89: {  	[tilespmem:$0x14010] =	vst v40  }
0x8a: {  	v40 =	vld.idx.msk [tilespmem:v2+s11+$0x0], $0xffff;
	_ =	sdelay $0x4  }
0x8b: {  	[tilespmem:$0x14020] =	vst v40  }
0x8c: {  	v40 =	vld.idx.msk [tilespmem:v3+s11+$0x0], $0xffff;
	_ =	sdelay $0x4  }
0x8d: {  	[tilespmem:$0x14030] =	vst v40  }
0x8e: {  	v40 =	vld.idx.msk [tilespmem:v4+s11+$0x0], $0xffff;
	_ =	sdelay $0x4  }
0x8f: {  	[tilespmem:$0x14040] =	vst v40  }
0x90: {  	v40 =	vld.idx.msk [tilespmem:v5+s11+$0x0], $0xffff;
	_ =	sdelay $0x4  }
0x91: {  	[tilespmem:$0x14050] =	vst v40  }
0x92: {  	v40 =	vld.idx.msk [tilespmem:v6+s11+$0x0], $0xffff;
	_ =	sdelay $0x4  }
0x93: {  	[tilespmem:$0x14060] =	vst v40  }
0x94: {  	v40 =	vld.idx.msk [tilespmem:v7+s11+$0x0], $0xffff;
	_ =	sdelay $0x4  }
0x95: {  	[tilespmem:$0x14070] =	vst v40  }
0x96: {  	v40 =	vld.idx.msk [tilespmem:v8+s11+$0x0], $0xffff;
	_ =	sdelay $0x4  }
0x97: {  	[tilespmem:$0x14080] =	vst v40  }
0x98: {  	v40 =	vld.idx.msk [tilespmem:v9+s11+$0x0], $0xffff;
	_ =	sdelay $0x4  }
0x99: {  	s18 =	simm.s32 $0xA0;
	s13 =	simm.s32 $0x14000;
	s10 =	rddreg [dreg:$0x1];
	[tilespmem:$0x14090] =	vst v40  }
0x9a: {  	[tilespmem:s5], [sflag:$0x1] =	stream.indirect.gather [hbm4b:s10+s18], $0x80, s13, s18, $0xb8;
	[tilespmem:$0x17280] =	vst v63  }
0x9b: {  	v40 =	vld.idx.msk [tilespmem:v10+s11+$0x0], $0xffff;
	_ =	sdelay $0x4  }
0x9c: {  	[tilespmem:$0x140A0] =	vst v40  }
0x9d: {  	v40 =	vld.idx.msk [tilespmem:v11+s11+$0x0], $0xffff;
	_ =	sdelay $0x4  }
0x9e: {  	[tilespmem:$0x140B0] =	vst v40  }
0x9f: {  	v40 =	vld.idx.msk [tilespmem:v12+s11+$0x0], $0xffff;
	_ =	sdelay $0x4  }
0xa0: {  	[tilespmem:$0x140C0] =	vst v40  }
0xa1: {  	v40 =	vld.idx.msk [tilespmem:v13+s11+$0x0], $0xffff;
	_ =	sdelay $0x4  }
0xa2: {  	[tilespmem:$0x140D0] =	vst v40  }
0xa3: {  	v40 =	vld.idx.msk [tilespmem:v14+s11+$0x0], $0xffff;
	_ =	sdelay $0x4  }
0xa4: {  	[tilespmem:$0x140E0] =	vst v40  }
0xa5: {  	v40 =	vld.idx.msk [tilespmem:v15+s11+$0x0], $0xffff;
	_ =	sdelay $0x4  }
0xa6: {  	[tilespmem:$0x140F0] =	vst v40  }
0xa7: {  	v40 =	vld.idx.msk [tilespmem:v16+s11+$0x0], $0xffff;
	_ =	sdelay $0x4  }
0xa8: {  	[tilespmem:$0x14100] =	vst v40  }
0xa9: {  	v40 =	vld.idx.msk [tilespmem:v17+s11+$0x0], $0xffff;
	_ =	sdelay $0x4  }
0xaa: {  	[tilespmem:$0x14110] =	vst v40  }
0xab: {  	v40 =	vld.idx.msk [tilespmem:v18+s11+$0x0], $0xffff;
	_ =	sdelay $0x4  }
0xac: {  	[tilespmem:$0x14120] =	vst v40  }
0xad: {  	v40 =	vld.idx.msk [tilespmem:v19+s11+$0x0], $0xffff;
	_ =	sdelay $0x3  }
0xae: {  	s19 =	simm.s32 $0x140A0;
	s20 =	simm.s32 $0x5000  }
0xaf: {  	s21 =	simm.s32 $0xA0;
	s24 =	simm.s32 $0x14280;
	s22 =	rddreg [dreg:$0x1];
	[tilespmem:$0x14130] =	vst v40  }
0xb0: {  	[tilespmem:s20], [sflag:$0x2] =	stream.indirect.gather [hbm4b:s22+s21], $0x80, s19, s21, $0xb8;
	[tilespmem:$0x17280] =	vst v63  }
0xb1: {  	v40 =	vld.idx.msk [tilespmem:v20+s24+$0x0], $0xffff;
	_ =	sdelay $0x4  }
0xb2: {  	[tilespmem:$0x14140] =	vst v40  }
0xb3: {  	v40 =	vld.idx.msk [tilespmem:v21+s24+$0x0], $0xffff;
	_ =	sdelay $0x4  }
0xb4: {  	[tilespmem:$0x14150] =	vst v40  }
0xb5: {  	v40 =	vld.idx.msk [tilespmem:v22+s24+$0x0], $0xffff;
	_ =	sdelay $0x4  }
0xb6: {  	[tilespmem:$0x14160] =	vst v40  }
0xb7: {  	v40 =	vld.idx.msk [tilespmem:v23+s24+$0x0], $0xffff;
	_ =	sdelay $0x4  }
0xb8: {  	[tilespmem:$0x14170] =	vst v40  }
0xb9: {  	v40 =	vld.idx.msk [tilespmem:v24+s24+$0x0], $0xffff;
	_ =	sdelay $0x4  }
0xba: {  	[tilespmem:$0x14180] =	vst v40  }
0xbb: {  	v40 =	vld.idx.msk [tilespmem:v25+s24+$0x0], $0xffff;
	_ =	sdelay $0x4  }
0xbc: {  	[tilespmem:$0x14190] =	vst v40  }
0xbd: {  	v40 =	vld.idx.msk [tilespmem:v26+s24+$0x0], $0xffff;
	_ =	sdelay $0x4  }
0xbe: {  	[tilespmem:$0x141A0] =	vst v40  }
0xbf: {  	v40 =	vld.idx.msk [tilespmem:v27+s24+$0x0], $0xffff;
	_ =	sdelay $0x4  }
0xc0: {  	[tilespmem:$0x141B0] =	vst v40  }
0xc1: {  	v40 =	vld.idx.msk [tilespmem:v28+s24+$0x0], $0xffff;
	_ =	sdelay $0x4  }
0xc2: {  	s25 =	simm.s32 $0x14280;
	[tilespmem:$0x141C0] =	vst v40  }
0xc3: {  	v40 =	vld.idx.msk [tilespmem:v29+s25+$0x0], $0xffff;
	_ =	sdelay $0x3  }
0xc4: {  	s23 =	simm.s32 $0xA0;
	s26 =	simm.s32 $0x14140  }
0xc5: {  	s28 =	simm.s32 $0xA000;
	s31 =	simm.s32 $0x1;
	s30 =	rddreg [dreg:$0x1];
	[tilespmem:$0x141D0] =	vst v40  }
0xc6: {  	[tilespmem:s28], [sflag:$0x3] =	stream.indirect.gather [hbm4b:s30+s23], $0x80, s26, s23, $0xb8;
	[tilespmem:$0x17280] =	vst v63  }
0xc7: {  	_ =	swait.ge [sflag:s31], $0x5000  }
0xc8: {  	s12 =	simm.s32 $0x0;
	s10 =	simm.s32 $0x10;
	[sflag:s31] =	ssyncset.done $0x0  }
0xc9: {  	s13 =	sadd.s32 $0x0, s14;
	s11 =	simm.s32 $0x80;
	[sflag:s31] =	ssyncadd.s32 $0xFFFFB000  }
.LBB2_2:
0xca: {  	[hbm4b:s13+s5] =	stream.linear.scatter [tilespmem:s12], [sflag:$0x5], $0x40, $0x38;
	[tilespmem:$0x17280] =	vst v63  }
0xcb: {  	s13 =	smov.u32 s10;
	s12 =	smov.u32 s11;
	p0 =	sne.s32 s10, $0x130  }
.Ltmp0:
0xcc: {  	s10 =	sadd.s32 $0x10, s10;
	(pc) =	sbr.rel @p0 .LBB2_2-.Ltmp0, $2  }
0xcd: {  	_ =	sdelay $0x2  }
0xce: {  	s11 =	sadd.s32 $0x80, s11;
	s13 =	sadd.s32 s13, s14  }
0xcf: {  	[hbm4b:s13+s5] =	stream.linear.scatter [tilespmem:s12], [sflag:$0x5], $0x40, $0x38;
	[tilespmem:$0x17280] =	vst v63  }
0xd0: {  	s10 =	simm.s32 $0xA00  }
0xd1: {  	s11 =	simm.s32 $0x10;
	s13 =	sadd.s32 $0x0, s15;
	s12 =	simm.s32 $0xA80  }
.LBB2_4:
0xd2: {  	[hbm4b:s13+s5] =	stream.linear.scatter [tilespmem:s10], [sflag:$0x5], $0x40, $0x38;
	[tilespmem:$0x17280] =	vst v63  }
0xd3: {  	s13 =	smov.u32 s11;
	s10 =	smov.u32 s12;
	p0 =	sne.s32 s11, $0x130  }
.Ltmp1:
0xd4: {  	s11 =	sadd.s32 $0x10, s11;
	(pc) =	sbr.rel @p0 .LBB2_4-.Ltmp1, $2  }
0xd5: {  	_ =	sdelay $0x2  }
0xd6: {  	s12 =	sadd.s32 $0x80, s12;
	s13 =	sadd.s32 s13, s15  }
0xd7: {  	[hbm4b:s13+s5] =	stream.linear.scatter [tilespmem:s10], [sflag:$0x5], $0x40, $0x38;
	[tilespmem:$0x17280] =	vst v63  }
0xd8: {  	s10 =	simm.s32 $0x1400  }
0xd9: {  	s11 =	simm.s32 $0x10;
	s13 =	sadd.s32 $0x0, s16;
	s12 =	simm.s32 $0x1480  }
.LBB2_6:
0xda: {  	[hbm4b:s13+s5] =	stream.linear.scatter [tilespmem:s10], [sflag:$0x5], $0x40, $0x38;
	[tilespmem:$0x17280] =	vst v63  }
0xdb: {  	s13 =	smov.u32 s11;
	s10 =	smov.u32 s12;
	p0 =	sne.s32 s11, $0x130  }
.Ltmp2:
0xdc: {  	s11 =	sadd.s32 $0x10, s11;
	(pc) =	sbr.rel @p0 .LBB2_6-.Ltmp2, $2  }
0xdd: {  	_ =	sdelay $0x2  }
0xde: {  	s12 =	sadd.s32 $0x80, s12;
	s13 =	sadd.s32 s13, s16  }
0xdf: {  	[hbm4b:s13+s5] =	stream.linear.scatter [tilespmem:s10], [sflag:$0x5], $0x40, $0x38;
	[tilespmem:$0x17280] =	vst v63  }
0xe0: {  	s10 =	simm.s32 $0x1E00;
	s31 =	rddreg [dreg:$0x1c]  }
0xe1: {  	s11 =	simm.s32 $0x10;
	s12 =	simm.s32 $0x1E80;
	s13 =	sadd.s32 $0x0, s31  }
.LBB2_8:
0xe2: {  	[hbm4b:s13+s5] =	stream.linear.scatter [tilespmem:s10], [sflag:$0x5], $0x40, $0x38;
	[tilespmem:$0x17280] =	vst v63  }
0xe3: {  	s13 =	smov.u32 s11;
	s10 =	smov.u32 s12;
	p0 =	sne.s32 s11, $0x130  }
.Ltmp3:
0xe4: {  	s11 =	sadd.s32 $0x10, s11;
	(pc) =	sbr.rel @p0 .LBB2_8-.Ltmp3, $2  }
0xe5: {  	_ =	sdelay $0x2  }
0xe6: {  	s12 =	sadd.s32 $0x80, s12;
	s13 =	sadd.s32 s13, s31  }
0xe7: {  	[hbm4b:s13+s5] =	stream.linear.scatter [tilespmem:s10], [sflag:$0x5], $0x40, $0x38;
	[tilespmem:$0x17280] =	vst v63  }
0xe8: {  	s10 =	simm.s32 $0x2800;
	s31 =	rddreg [dreg:$0x1d]  }
0xe9: {  	s11 =	simm.s32 $0x10;
	s12 =	simm.s32 $0x2880;
	s13 =	sadd.s32 $0x0, s31  }
.LBB2_10:
0xea: {  	[hbm4b:s13+s5] =	stream.linear.scatter [tilespmem:s10], [sflag:$0x5], $0x40, $0x38;
	[tilespmem:$0x17280] =	vst v63  }
0xeb: {  	s13 =	smov.u32 s11;
	s10 =	smov.u32 s12;
	p0 =	sne.s32 s11, $0x130  }
.Ltmp4:
0xec: {  	s11 =	sadd.s32 $0x10, s11;
	(pc) =	sbr.rel @p0 .LBB2_10-.Ltmp4, $2  }
0xed: {  	_ =	sdelay $0x2  }
0xee: {  	s12 =	sadd.s32 $0x80, s12;
	s13 =	sadd.s32 s13, s31  }
0xef: {  	[hbm4b:s13+s5] =	stream.linear.scatter [tilespmem:s10], [sflag:$0x5], $0x40, $0x38;
	[tilespmem:$0x17280] =	vst v63  }
0xf0: {  	s10 =	simm.s32 $0x3200  }
0xf1: {  	s11 =	simm.s32 $0x10;
	s13 =	sadd.s32 $0x0, s2;
	s12 =	simm.s32 $0x3280  }
.LBB2_12:
0xf2: {  	[hbm4b:s13+s5] =	stream.linear.scatter [tilespmem:s10], [sflag:$0x5], $0x40, $0x38;
	[tilespmem:$0x17280] =	vst v63  }
0xf3: {  	s13 =	smov.u32 s11;
	s10 =	smov.u32 s12;
	p0 =	sne.s32 s11, $0x130  }
.Ltmp5:
0xf4: {  	s11 =	sadd.s32 $0x10, s11;
	(pc) =	sbr.rel @p0 .LBB2_12-.Ltmp5, $2  }
0xf5: {  	_ =	sdelay $0x2  }
0xf6: {  	s12 =	sadd.s32 $0x80, s12;
	s13 =	sadd.s32 s13, s2  }
0xf7: {  	[hbm4b:s13+s5] =	stream.linear.scatter [tilespmem:s10], [sflag:$0x5], $0x40, $0x38;
	[tilespmem:$0x17280] =	vst v63  }
0xf8: {  	s10 =	simm.s32 $0x3C00  }
0xf9: {  	s11 =	simm.s32 $0x10;
	s13 =	sadd.s32 $0x0, s0;
	s12 =	simm.s32 $0x3C80  }
.LBB2_14:
0xfa: {  	[hbm4b:s13+s5] =	stream.linear.scatter [tilespmem:s10], [sflag:$0x5], $0x40, $0x38;
	[tilespmem:$0x17280] =	vst v63  }
0xfb: {  	s13 =	smov.u32 s11;
	s10 =	smov.u32 s12;
	p0 =	sne.s32 s11, $0x130  }
.Ltmp6:
0xfc: {  	s11 =	sadd.s32 $0x10, s11;
	(pc) =	sbr.rel @p0 .LBB2_14-.Ltmp6, $2  }
0xfd: {  	_ =	sdelay $0x2  }
0xfe: {  	s12 =	sadd.s32 $0x80, s12;
	s13 =	sadd.s32 s13, s0  }
0xff: {  	[hbm4b:s13+s5] =	stream.linear.scatter [tilespmem:s10], [sflag:$0x5], $0x40, $0x38;
	[tilespmem:$0x17280] =	vst v63  }
0x100: {  	s10 =	simm.s32 $0x4600  }
0x101: {  	s11 =	simm.s32 $0x10;
	s13 =	sadd.s32 $0x0, s6;
	s12 =	simm.s32 $0x4680  }
.LBB2_16:
0x102: {  	[hbm4b:s13+s5] =	stream.linear.scatter [tilespmem:s10], [sflag:$0x5], $0x40, $0x38;
	[tilespmem:$0x17280] =	vst v63  }
0x103: {  	s13 =	smov.u32 s11;
	s10 =	smov.u32 s12;
	p0 =	sne.s32 s11, $0x130  }
.Ltmp7:
0x104: {  	s11 =	sadd.s32 $0x10, s11;
	(pc) =	sbr.rel @p0 .LBB2_16-.Ltmp7, $2  }
0x105: {  	_ =	sdelay $0x2  }
0x106: {  	s12 =	sadd.s32 $0x80, s12;
	s13 =	sadd.s32 s13, s6  }
0x107: {  	_ =	sdelay $0x1  }
0x108: {  	[hbm4b:s13+s5] =	stream.linear.scatter [tilespmem:s10], [sflag:$0x5], $0x40, $0x38;
	[tilespmem:$0x17280] =	vst v63  }
0x109: {  	s26 =	simm.s32 $0x14280  }
0x10a: {  	v40 =	vld.idx.msk [tilespmem:v30+s26+$0x0], $0xffff;
	_ =	sdelay $0x4  }
0x10b: {  	[tilespmem:$0x141E0] =	vst v40  }
0x10c: {  	v40 =	vld.idx.msk [tilespmem:v31+s26+$0x0], $0xffff;
	_ =	sdelay $0x4  }
0x10d: {  	[tilespmem:$0x141F0] =	vst v40  }
0x10e: {  	v40 =	vld.idx.msk [tilespmem:v32+s26+$0x0], $0xffff;
	_ =	sdelay $0x4  }
0x10f: {  	[tilespmem:$0x14200] =	vst v40  }
0x110: {  	v40 =	vld.idx.msk [tilespmem:v33+s26+$0x0], $0xffff;
	_ =	sdelay $0x4  }
0x111: {  	[tilespmem:$0x14210] =	vst v40  }
0x112: {  	v40 =	vld.idx.msk [tilespmem:v34+s26+$0x0], $0xffff;
	_ =	sdelay $0x4  }
0x113: {  	[tilespmem:$0x14220] =	vst v40  }
0x114: {  	v40 =	vld.idx.msk [tilespmem:v35+s26+$0x0], $0xffff;
	_ =	sdelay $0x4  }
0x115: {  	[tilespmem:$0x14230] =	vst v40  }
0x116: {  	v40 =	vld.idx.msk [tilespmem:v36+s26+$0x0], $0xffff;
	_ =	sdelay $0x4  }
0x117: {  	[tilespmem:$0x14240] =	vst v40  }
0x118: {  	v40 =	vld.idx.msk [tilespmem:v37+s26+$0x0], $0xffff;
	_ =	sdelay $0x4  }
0x119: {  	[tilespmem:$0x14250] =	vst v40  }
0x11a: {  	v40 =	vld.idx.msk [tilespmem:v38+s26+$0x0], $0xffff;
	_ =	sdelay $0x4  }
0x11b: {  	[tilespmem:$0x14260] =	vst v40  }
0x11c: {  	v40 =	vld.idx.msk [tilespmem:v39+s26+$0x0], $0xffff;
	_ =	sdelay $0x3  }
0x11d: {  	s28 =	rddreg [dreg:$0x1];
	s11 =	simm.s32 $0xA0  }
0x11e: {  	s12 =	simm.s32 $0x141E0;
	s30 =	simm.s32 $0xF000;
	s31 =	simm.s32 $0x2;
	[tilespmem:$0x14270] =	vst v40  }
0x11f: {  	[tilespmem:s30], [sflag:$0x4] =	stream.indirect.gather [hbm4b:s28+s11], $0x80, s12, s11, $0xb8;
	[tilespmem:$0x17280] =	vst v63  }
0x120: {  	_ =	swait.ge [sflag:s31], $0x5000  }
0x121: {  	s10 =	simm.s32 $0x5000;
	s13 =	sadd.s32 $0x0, s29;
	[sflag:s31] =	ssyncset.done $0x0  }
0x122: {  	s11 =	simm.s32 $0x10;
	s12 =	simm.s32 $0x5080;
	[sflag:s31] =	ssyncadd.s32 $0xFFFFB000  }
.LBB2_18:
0x123: {  	[hbm4b:s13+s5] =	stream.linear.scatter [tilespmem:s10], [sflag:$0x6], $0x40, $0x38;
	[tilespmem:$0x17280] =	vst v63  }
0x124: {  	s13 =	smov.u32 s11;
	s10 =	smov.u32 s12;
	p0 =	sne.s32 s11, $0x130  }
.Ltmp8:
0x125: {  	s11 =	sadd.s32 $0x10, s11;
	(pc) =	sbr.rel @p0 .LBB2_18-.Ltmp8, $2  }
0x126: {  	_ =	sdelay $0x2  }
0x127: {  	s12 =	sadd.s32 $0x80, s12;
	s13 =	sadd.s32 s13, s29  }
0x128: {  	[hbm4b:s13+s5] =	stream.linear.scatter [tilespmem:s10], [sflag:$0x6], $0x40, $0x38;
	[tilespmem:$0x17280] =	vst v63  }
0x129: {  	s10 =	simm.s32 $0x5A00  }
0x12a: {  	s11 =	simm.s32 $0x10;
	s13 =	sadd.s32 $0x0, s3;
	s12 =	simm.s32 $0x5A80  }
.LBB2_20:
0x12b: {  	[hbm4b:s13+s5] =	stream.linear.scatter [tilespmem:s10], [sflag:$0x6], $0x40, $0x38;
	[tilespmem:$0x17280] =	vst v63  }
0x12c: {  	s13 =	smov.u32 s11;
	s10 =	smov.u32 s12;
	p0 =	sne.s32 s11, $0x130  }
.Ltmp9:
0x12d: {  	s11 =	sadd.s32 $0x10, s11;
	(pc) =	sbr.rel @p0 .LBB2_20-.Ltmp9, $2  }
0x12e: {  	_ =	sdelay $0x2  }
0x12f: {  	s12 =	sadd.s32 $0x80, s12;
	s13 =	sadd.s32 s13, s3  }
0x130: {  	[hbm4b:s13+s5] =	stream.linear.scatter [tilespmem:s10], [sflag:$0x6], $0x40, $0x38;
	[tilespmem:$0x17280] =	vst v63  }
0x131: {  	s10 =	simm.s32 $0x6400  }
0x132: {  	s11 =	simm.s32 $0x10;
	s13 =	sadd.s32 $0x0, s1;
	s12 =	simm.s32 $0x6480  }
.LBB2_22:
0x133: {  	[hbm4b:s13+s5] =	stream.linear.scatter [tilespmem:s10], [sflag:$0x6], $0x40, $0x38;
	[tilespmem:$0x17280] =	vst v63  }
0x134: {  	s13 =	smov.u32 s11;
	s10 =	smov.u32 s12;
	p0 =	sne.s32 s11, $0x130  }
.Ltmp10:
0x135: {  	s11 =	sadd.s32 $0x10, s11;
	(pc) =	sbr.rel @p0 .LBB2_22-.Ltmp10, $2  }
0x136: {  	_ =	sdelay $0x2  }
0x137: {  	s12 =	sadd.s32 $0x80, s12;
	s13 =	sadd.s32 s13, s1  }
0x138: {  	[hbm4b:s13+s5] =	stream.linear.scatter [tilespmem:s10], [sflag:$0x6], $0x40, $0x38;
	[tilespmem:$0x17280] =	vst v63  }
0x139: {  	s10 =	simm.s32 $0x6E00  }
0x13a: {  	s11 =	simm.s32 $0x10;
	s13 =	sadd.s32 $0x0, s4;
	s12 =	simm.s32 $0x6E80  }
.LBB2_24:
0x13b: {  	[hbm4b:s13+s5] =	stream.linear.scatter [tilespmem:s10], [sflag:$0x6], $0x40, $0x38;
	[tilespmem:$0x17280] =	vst v63  }
0x13c: {  	s13 =	smov.u32 s11;
	s10 =	smov.u32 s12;
	p0 =	sne.s32 s11, $0x130  }
.Ltmp11:
0x13d: {  	s11 =	sadd.s32 $0x10, s11;
	(pc) =	sbr.rel @p0 .LBB2_24-.Ltmp11, $2  }
0x13e: {  	_ =	sdelay $0x2  }
0x13f: {  	s12 =	sadd.s32 $0x80, s12;
	s13 =	sadd.s32 s13, s4  }
0x140: {  	[hbm4b:s13+s5] =	stream.linear.scatter [tilespmem:s10], [sflag:$0x6], $0x40, $0x38;
	[tilespmem:$0x17280] =	vst v63  }
0x141: {  	s10 =	simm.s32 $0x7800  }
0x142: {  	s11 =	simm.s32 $0x10;
	s13 =	sadd.s32 $0x0, s8;
	s12 =	simm.s32 $0x7880  }
.LBB2_26:
0x143: {  	[hbm4b:s13+s5] =	stream.linear.scatter [tilespmem:s10], [sflag:$0x6], $0x40, $0x38;
	[tilespmem:$0x17280] =	vst v63  }
0x144: {  	s13 =	smov.u32 s11;
	s10 =	smov.u32 s12;
	p0 =	sne.s32 s11, $0x130  }
.Ltmp12:
0x145: {  	s11 =	sadd.s32 $0x10, s11;
	(pc) =	sbr.rel @p0 .LBB2_26-.Ltmp12, $2  }
0x146: {  	_ =	sdelay $0x2  }
0x147: {  	s12 =	sadd.s32 $0x80, s12;
	s13 =	sadd.s32 s13, s8  }
0x148: {  	[hbm4b:s13+s5] =	stream.linear.scatter [tilespmem:s10], [sflag:$0x6], $0x40, $0x38;
	[tilespmem:$0x17280] =	vst v63  }
0x149: {  	s10 =	simm.s32 $0x8200  }
0x14a: {  	s11 =	simm.s32 $0x10;
	s13 =	sadd.s32 $0x0, s9;
	s12 =	simm.s32 $0x8280  }
.LBB2_28:
0x14b: {  	[hbm4b:s13+s5] =	stream.linear.scatter [tilespmem:s10], [sflag:$0x6], $0x40, $0x38;
	[tilespmem:$0x17280] =	vst v63  }
0x14c: {  	s13 =	smov.u32 s11;
	s10 =	smov.u32 s12;
	p0 =	sne.s32 s11, $0x130  }
.Ltmp13:
0x14d: {  	s11 =	sadd.s32 $0x10, s11;
	(pc) =	sbr.rel @p0 .LBB2_28-.Ltmp13, $2  }
0x14e: {  	_ =	sdelay $0x2  }
0x14f: {  	s12 =	sadd.s32 $0x80, s12;
	s13 =	sadd.s32 s13, s9  }
0x150: {  	[hbm4b:s13+s5] =	stream.linear.scatter [tilespmem:s10], [sflag:$0x6], $0x40, $0x38;
	[tilespmem:$0x17280] =	vst v63  }
0x151: {  	s10 =	simm.s32 $0x8C00  }
0x152: {  	s11 =	simm.s32 $0x10;
	s13 =	sadd.s32 $0x0, s7;
	s12 =	simm.s32 $0x8C80  }
.LBB2_30:
0x153: {  	[hbm4b:s13+s5] =	stream.linear.scatter [tilespmem:s10], [sflag:$0x6], $0x40, $0x38;
	[tilespmem:$0x17280] =	vst v63  }
0x154: {  	s13 =	smov.u32 s11;
	s10 =	smov.u32 s12;
	p0 =	sne.s32 s11, $0x130  }
.Ltmp14:
0x155: {  	s11 =	sadd.s32 $0x10, s11;
	(pc) =	sbr.rel @p0 .LBB2_30-.Ltmp14, $2  }
0x156: {  	_ =	sdelay $0x2  }
0x157: {  	s12 =	sadd.s32 $0x80, s12;
	s13 =	sadd.s32 s13, s7  }
0x158: {  	[hbm4b:s13+s5] =	stream.linear.scatter [tilespmem:s10], [sflag:$0x6], $0x40, $0x38;
	[tilespmem:$0x17280] =	vst v63  }
0x159: {  	s10 =	simm.s32 $0x0;
	s11 =	simm.s32 $0x9600;
	s13 =	rddreg [dreg:$0x1e]  }
.LBB2_32:
0x15a: {  	p0 =	sne.s32 s10, $0x130  }
.Ltmp15:
0x15b: {  	_ = 	snop;
	(pc) =	sbr.rel @p0 .LBB2_32-.Ltmp15, $4  }
0x15c: {  	_ = 	snop  }
0x15d: {  	s12 =	sadd.s32 s10, s13  }
0x15e: {  	[hbm4b:s12+s5] =	stream.linear.scatter [tilespmem:s11], [sflag:$0x6], $0x40, $0x38;
	[tilespmem:$0x17280] =	vst v63  }
0x15f: {  	s10 =	sadd.s32 $0x10, s10;
	s11 =	sadd.s32 $0x80, s11  }
0x160: {  	s10 =	simm.s32 $0x4;
	s14 =	simm.s32 $0x2  }
.LBB2_34:
0x161: {  	s11 =	sand.u32 $0x3, s10  }
0x162: {  	s12 =	sadd.s32 $0x5, s11  }
0x163: {  	_ =	swait.ge [sflag:s12], $0x500  }
0x164: {  	[sflag:s12] =	ssyncset.done $0x0  }
0x165: {  	[sflag:s12] =	ssyncadd.s32 $0xFFFFFB00  }
0x166: {  	_ =	swait.ge [sflag:s12], $0x500  }
0x167: {  	[sflag:s12] =	ssyncset.done $0x0  }
0x168: {  	[sflag:s12] =	ssyncadd.s32 $0xFFFFFB00  }
0x169: {  	_ =	swait.ge [sflag:s12], $0x500  }
0x16a: {  	[sflag:s12] =	ssyncset.done $0x0  }
0x16b: {  	[sflag:s12] =	ssyncadd.s32 $0xFFFFFB00  }
0x16c: {  	_ =	swait.ge [sflag:s12], $0x500  }
0x16d: {  	[sflag:s12] =	ssyncset.done $0x0  }
0x16e: {  	[sflag:s12] =	ssyncadd.s32 $0xFFFFFB00  }
0x16f: {  	_ =	swait.ge [sflag:s12], $0x500  }
0x170: {  	s13 =	sshll.u32 s10, $0x3;
	[sflag:s12] =	ssyncset.done $0x0  }
0x171: {  	v40 =	vmov s13;
	[sflag:s12] =	ssyncadd.s32 $0xFFFFFB00  }
0x172: {  	v40 =	vmul.u32 $0x18, v40;
	_ =	swait.ge [sflag:s12], $0x500  }
0x173: {  	[sflag:s12] =	ssyncset.done $0x0  }
0x174: {  	v40 =	vbroadcast v40, $0x0;
	[sflag:s12] =	ssyncadd.s32 $0xFFFFFB00  }
0x175: {  	_ =	swait.ge [sflag:s12], $0x500  }
0x176: {  	v41 =	vor.u32 v0, v40;
	[sflag:s12] =	ssyncset.done $0x0  }
0x177: {  	[sflag:s12] =	ssyncadd.s32 $0xFFFFFB00  }
0x178: {  	_ =	swait.ge [sflag:s12], $0x500  }
0x179: {  	[sflag:s12] =	ssyncset.done $0x0  }
0x17a: {  	s21 =	simm.s32 $0x14280;
	[sflag:s12] =	ssyncadd.s32 $0xFFFFFB00  }
0x17b: {  	v41 =	vld.idx.msk [tilespmem:v41+s21+$0x0], $0xffff  }
0x17c: {  	v42 =	vor.u32 v1, v40  }
0x17d: {  	s22 =	smul.u32 $0x280, s11;
	_ =	sdelay $0x1  }
0x17e: {  	s12 =	sshrl.u32 s22, $0x2  }
0x17f: {  	[tilespmem:s12+$0x14000] =	vst v41  }
0x180: {  	v41 =	vld.idx.msk [tilespmem:v42+s21+$0x0], $0xffff  }
0x181: {  	v57 =	vor.u32 v2, v40;
	_ =	sdelay $0x3  }
0x182: {  	[tilespmem:s12+$0x14010] =	vst v41  }
0x183: {  	v41 =	vld.idx.msk [tilespmem:v57+s21+$0x0], $0xffff  }
0x184: {  	v58 =	vadd.s32 v3, v40;
	_ =	sdelay $0x3  }
0x185: {  	[tilespmem:s12+$0x14020] =	vst v41  }
0x186: {  	v41 =	vld.idx.msk [tilespmem:v58+s21+$0x0], $0xffff  }
0x187: {  	v59 =	vadd.s32 v4, v40;
	_ =	sdelay $0x3  }
0x188: {  	[tilespmem:s12+$0x14030] =	vst v41  }
0x189: {  	v41 =	vld.idx.msk [tilespmem:v59+s21+$0x0], $0xffff  }
0x18a: {  	v60 =	vadd.s32 v5, v40;
	_ =	sdelay $0x3  }
0x18b: {  	[tilespmem:s12+$0x14040] =	vst v41  }
0x18c: {  	v41 =	vld.idx.msk [tilespmem:v60+s21+$0x0], $0xffff  }
0x18d: {  	v61 =	vadd.s32 v6, v40;
	_ =	sdelay $0x3  }
0x18e: {  	[tilespmem:s12+$0x14050] =	vst v41  }
0x18f: {  	v41 =	vld.idx.msk [tilespmem:v61+s21+$0x0], $0xffff  }
0x190: {  	v62 =	vadd.s32 v7, v40;
	_ =	sdelay $0x3  }
0x191: {  	[tilespmem:s12+$0x14060] =	vst v41  }
0x192: {  	v41 =	vld.idx.msk [tilespmem:v62+s21+$0x0], $0xffff  }
0x193: {  	v63 =	vadd.s32 v8, v40;
	_ =	sdelay $0x3  }
0x194: {  	[tilespmem:s12+$0x14070] =	vst v41  }
0x195: {  	v41 =	vld.idx.msk [tilespmem:v63+s21+$0x0], $0xffff  }
0x196: {  	v40 =	vadd.s32 v9, v40;
	_ =	sdelay $0x3  }
0x197: {  	[tilespmem:s12+$0x14080] =	vst v41  }
0x198: {  	v40 =	vld.idx.msk [tilespmem:v40+s21+$0x0], $0xffff  }
0x199: {  	s23 =	sand.u32 $0x3, s14  }
0x19a: {  	s16 =	simm.s32 $0xA0;
	s26 =	sadd.s32 $0xFFFFFFFE, s10;
	s24 =	smul.u32 $0x14000, s11  }
0x19b: {  	s13 =	smul.u32 $0x14000, s23;
	s11 =	sadd.s32 $0x1, s11;
	s28 =	sshll.u32 s26, $0x3  }
0x19c: {  	[smem:$0x7FD] =	sst s14;
	s14 =	sshrl.u32 s24, $0x2;
	s15 =	sor.u32 $0x14000, s12  }
0x19d: {  	s25 =	rddreg [dreg:$0x1];
	s21 =	sshrl.u32 s13, $0x2;
	[tilespmem:s12+$0x14090] =	vst v40;
	s12 =	sand.u32 $0x3, s26  }
0x19e: {  	[tilespmem:s14], [sflag:s11] =	stream.indirect.gather [hbm4b:s25+s16], $0x80, s15, s16, $0xb8;
	[tilespmem:$0x17280] =	vst v63  }
0x19f: {  	s30 =	rddreg [dreg:$0x4];
	s13 =	sadd.s32 $0x3C00, s21;
	s22 =	sadd.s32 $0x1, s12  }
0x1a0: {  	s17 =	sadd.s32 $0x1E00, s21;
	s14 =	sadd.s32 s30, s28;
	_ =	swait.ge [sflag:s22], $0x5000  }
0x1a1: {  	s18 =	sadd.s32 $0x1400, s21;
	s14 =	smul.u32 $0xC00, s14;
	[sflag:s22] =	ssyncset.done $0x0  }
0x1a2: {  	s20 =	sor.u32 $0xA00, s21;
	s23 =	sadd.s32 $0x80, s21;
	[sflag:s22] =	ssyncadd.s32 $0xFFFFB000  }
0x1a3: {  	s11 =	sadd.s32 $0x4600, s21;
	s19 =	sshrl.u32 s14, $0x3;
	s31 =	rddreg [dreg:$0x2]  }
0x1a4: {  	s15 =	sadd.s32 $0x3200, s21;
	s16 =	sadd.s32 $0x2800, s21;
	s14 =	sadd.s32 s31, s19  }
0x1a5: {  	s12 =	sadd.s32 $0x5, s12;
	s22 =	simm.s32 $0x10;
	s24 =	sadd.s32 $0x0, s14  }
.LBB2_35:
0x1a6: {  	[hbm4b:s24+s5] =	stream.linear.scatter [tilespmem:s21], [sflag:s12], $0x40, $0x38;
	[tilespmem:$0x17280] =	vst v63  }
0x1a7: {  	s24 =	smov.u32 s22;
	s21 =	smov.u32 s23;
	p0 =	sne.s32 s22, $0x130  }
.Ltmp16:
0x1a8: {  	s22 =	sadd.s32 $0x10, s22;
	(pc) =	sbr.rel @p0 .LBB2_35-.Ltmp16, $2  }
0x1a9: {  	_ =	sdelay $0x2  }
0x1aa: {  	s23 =	sadd.s32 $0x80, s23;
	s24 =	sadd.s32 s24, s14  }
0x1ab: {  	[hbm4b:s24+s5] =	stream.linear.scatter [tilespmem:s21], [sflag:s12], $0x40, $0x38;
	[tilespmem:$0x17280] =	vst v63  }
0x1ac: {  	s31 =	rddreg [dreg:$0x7]  }
0x1ad: {  	s21 =	sadd.s32 s19, s31  }
0x1ae: {  	s22 =	simm.s32 $0x10;
	s23 =	sadd.s32 $0x80, s20;
	s24 =	sadd.s32 $0x0, s21  }
.LBB2_37:
0x1af: {  	[hbm4b:s24+s5] =	stream.linear.scatter [tilespmem:s20], [sflag:s12], $0x40, $0x38;
	[tilespmem:$0x17280] =	vst v63  }
0x1b0: {  	s24 =	smov.u32 s22;
	s20 =	smov.u32 s23;
	p0 =	sne.s32 s22, $0x130  }
.Ltmp17:
0x1b1: {  	s22 =	sadd.s32 $0x10, s22;
	(pc) =	sbr.rel @p0 .LBB2_37-.Ltmp17, $2  }
0x1b2: {  	_ =	sdelay $0x2  }
0x1b3: {  	s23 =	sadd.s32 $0x80, s23;
	s24 =	sadd.s32 s24, s21  }
0x1b4: {  	[hbm4b:s24+s5] =	stream.linear.scatter [tilespmem:s20], [sflag:s12], $0x40, $0x38;
	[tilespmem:$0x17280] =	vst v63  }
0x1b5: {  	s31 =	rddreg [dreg:$0x8]  }
0x1b6: {  	s19 =	sadd.s32 s19, s31  }
0x1b7: {  	s20 =	simm.s32 $0x10;
	s21 =	sadd.s32 $0x80, s18;
	s22 =	sadd.s32 $0x0, s19  }
.LBB2_39:
0x1b8: {  	[hbm4b:s22+s5] =	stream.linear.scatter [tilespmem:s18], [sflag:s12], $0x40, $0x38;
	[tilespmem:$0x17280] =	vst v63  }
0x1b9: {  	s22 =	smov.u32 s20;
	s18 =	smov.u32 s21;
	p0 =	sne.s32 s20, $0x130  }
.Ltmp18:
0x1ba: {  	s20 =	sadd.s32 $0x10, s20;
	(pc) =	sbr.rel @p0 .LBB2_39-.Ltmp18, $2  }
0x1bb: {  	_ =	sdelay $0x2  }
0x1bc: {  	s21 =	sadd.s32 $0x80, s21;
	s22 =	sadd.s32 s22, s19  }
0x1bd: {  	[hbm4b:s22+s5] =	stream.linear.scatter [tilespmem:s18], [sflag:s12], $0x40, $0x38;
	[tilespmem:$0x17280] =	vst v63  }
0x1be: {  	s18 =	sadd.s32 $0x480, s14;
	s19 =	simm.s32 $0x10;
	s23 =	rddreg [dreg:$0x11]  }
0x1bf: {  	s20 =	sadd.s32 $0x80, s17;
	s24 =	rddreg [dreg:$0x12];
	s21 =	sadd.s32 $0x0, s18  }
.LBB2_41:
0x1c0: {  	[hbm4b:s21+s5] =	stream.linear.scatter [tilespmem:s17], [sflag:s12], $0x40, $0x38;
	[tilespmem:$0x17280] =	vst v63  }
0x1c1: {  	s21 =	smov.u32 s19;
	s17 =	smov.u32 s20;
	p0 =	sne.s32 s19, $0x130  }
.Ltmp19:
0x1c2: {  	s19 =	sadd.s32 $0x10, s19;
	(pc) =	sbr.rel @p0 .LBB2_41-.Ltmp19, $2  }
0x1c3: {  	_ =	sdelay $0x2  }
0x1c4: {  	s20 =	sadd.s32 $0x80, s20;
	s21 =	sadd.s32 s21, s18  }
0x1c5: {  	[hbm4b:s21+s5] =	stream.linear.scatter [tilespmem:s17], [sflag:s12], $0x40, $0x38;
	[tilespmem:$0x17280] =	vst v63  }
0x1c6: {  	s17 =	sadd.s32 $0x600, s14;
	s18 =	simm.s32 $0x10  }
0x1c7: {  	s19 =	sadd.s32 $0x80, s16;
	s22 =	rddreg [dreg:$0x10];
	s20 =	sadd.s32 $0x0, s17  }
.LBB2_43:
0x1c8: {  	[hbm4b:s20+s5] =	stream.linear.scatter [tilespmem:s16], [sflag:s12], $0x40, $0x38;
	[tilespmem:$0x17280] =	vst v63  }
0x1c9: {  	s20 =	smov.u32 s18;
	s16 =	smov.u32 s19;
	p0 =	sne.s32 s18, $0x130  }
.Ltmp20:
0x1ca: {  	s18 =	sadd.s32 $0x10, s18;
	(pc) =	sbr.rel @p0 .LBB2_43-.Ltmp20, $2  }
0x1cb: {  	_ =	sdelay $0x2  }
0x1cc: {  	s19 =	sadd.s32 $0x80, s19;
	s20 =	sadd.s32 s20, s17  }
0x1cd: {  	[hbm4b:s20+s5] =	stream.linear.scatter [tilespmem:s16], [sflag:s12], $0x40, $0x38;
	[tilespmem:$0x17280] =	vst v63  }
0x1ce: {  	s16 =	sadd.s32 $0x780, s14;
	s17 =	simm.s32 $0x10  }
0x1cf: {  	s18 =	sadd.s32 $0x80, s15;
	s21 =	rddreg [dreg:$0xf];
	s19 =	sadd.s32 $0x0, s16  }
.LBB2_45:
0x1d0: {  	[hbm4b:s19+s5] =	stream.linear.scatter [tilespmem:s15], [sflag:s12], $0x40, $0x38;
	[tilespmem:$0x17280] =	vst v63  }
0x1d1: {  	s19 =	smov.u32 s17;
	s15 =	smov.u32 s18;
	p0 =	sne.s32 s17, $0x130  }
.Ltmp21:
0x1d2: {  	s17 =	sadd.s32 $0x10, s17;
	(pc) =	sbr.rel @p0 .LBB2_45-.Ltmp21, $2  }
0x1d3: {  	_ =	sdelay $0x2  }
0x1d4: {  	s18 =	sadd.s32 $0x80, s18;
	s19 =	sadd.s32 s19, s16  }
0x1d5: {  	[hbm4b:s19+s5] =	stream.linear.scatter [tilespmem:s15], [sflag:s12], $0x40, $0x38;
	[tilespmem:$0x17280] =	vst v63  }
0x1d6: {  	s15 =	sadd.s32 $0x900, s14;
	s16 =	simm.s32 $0x10  }
0x1d7: {  	s17 =	sadd.s32 $0x80, s13;
	s20 =	rddreg [dreg:$0xe];
	s18 =	sadd.s32 $0x0, s15  }
.LBB2_47:
0x1d8: {  	[hbm4b:s18+s5] =	stream.linear.scatter [tilespmem:s13], [sflag:s12], $0x40, $0x38;
	[tilespmem:$0x17280] =	vst v63  }
0x1d9: {  	s18 =	smov.u32 s16;
	s13 =	smov.u32 s17;
	p0 =	sne.s32 s16, $0x130  }
.Ltmp22:
0x1da: {  	s16 =	sadd.s32 $0x10, s16;
	(pc) =	sbr.rel @p0 .LBB2_47-.Ltmp22, $2  }
0x1db: {  	_ =	sdelay $0x2  }
0x1dc: {  	s17 =	sadd.s32 $0x80, s17;
	s18 =	sadd.s32 s18, s15  }
0x1dd: {  	[hbm4b:s18+s5] =	stream.linear.scatter [tilespmem:s13], [sflag:s12], $0x40, $0x38;
	[tilespmem:$0x17280] =	vst v63  }
0x1de: {  	s13 =	sadd.s32 $0xA80, s14;
	s14 =	simm.s32 $0x10  }
0x1df: {  	s15 =	sadd.s32 $0x80, s11;
	s19 =	rddreg [dreg:$0xd];
	s16 =	sadd.s32 $0x0, s13  }
.LBB2_49:
0x1e0: {  	[hbm4b:s16+s5] =	stream.linear.scatter [tilespmem:s11], [sflag:s12], $0x40, $0x38;
	[tilespmem:$0x17280] =	vst v63  }
0x1e1: {  	s16 =	smov.u32 s14;
	s11 =	smov.u32 s15;
	p0 =	sne.s32 s14, $0x130  }
.Ltmp23:
0x1e2: {  	s14 =	sadd.s32 $0x10, s14;
	(pc) =	sbr.rel @p0 .LBB2_49-.Ltmp23, $2  }
0x1e3: {  	_ =	sdelay $0x2  }
0x1e4: {  	s15 =	sadd.s32 $0x80, s15;
	s16 =	sadd.s32 s16, s13  }
0x1e5: {  	s10 =	sadd.s32 $0x1, s10  }
0x1e6: {  	p0 =	sne.s32 s10, $0x40  }
.Ltmp24:
0x1e7: {  	_ = 	snop;
	(pc) =	sbr.rel @p0 .LBB2_34-.Ltmp24, $3  }
0x1e8: {  	s14 =	sld [smem:$0x7FD];
	_ =	sdelay $0x1  }
0x1e9: {  	[hbm4b:s16+s5] =	stream.linear.scatter [tilespmem:s11], [sflag:s12], $0x40, $0x38;
	[tilespmem:$0x17280] =	vst v63  }
0x1ea: {  	s14 =	sadd.s32 $0x1, s14  }
0x1eb: {  	s10 =	simm.s32 $0x3  }
0x1ec: {  	s11 =	simm.s32 $0x10;
	_ =	swait.ge [sflag:s10], $0x5000  }
0x1ed: {  	s12 =	simm.s32 $0xA080;
	[sflag:s10] =	ssyncset.done $0x0;
	s17 =	rddreg [dreg:$0xb]  }
0x1ee: {  	[sflag:s10] =	ssyncadd.s32 $0xFFFFB000;
	s10 =	simm.s32 $0xA000;
	s13 =	sadd.s32 $0x0, s17  }
.LBB2_52:
0x1ef: {  	[hbm4b:s13+s5] =	stream.linear.scatter [tilespmem:s10], [sflag:$0x7], $0x40, $0x38;
	[tilespmem:$0x17280] =	vst v63  }
0x1f0: {  	s13 =	smov.u32 s11;
	s10 =	smov.u32 s12;
	p0 =	sne.s32 s11, $0x130  }
.Ltmp25:
0x1f1: {  	s11 =	sadd.s32 $0x10, s11;
	(pc) =	sbr.rel @p0 .LBB2_52-.Ltmp25, $2  }
0x1f2: {  	_ =	sdelay $0x2  }
0x1f3: {  	s12 =	sadd.s32 $0x80, s12;
	s13 =	sadd.s32 s13, s17  }
0x1f4: {  	[hbm4b:s13+s5] =	stream.linear.scatter [tilespmem:s10], [sflag:$0x7], $0x40, $0x38;
	[tilespmem:$0x17280] =	vst v63  }
0x1f5: {  	s18 =	rddreg [dreg:$0xc]  }
0x1f6: {  	s10 =	simm.s32 $0xAA00;
	s11 =	simm.s32 $0x10;
	s14 =	rddreg [dreg:$0x6]  }
0x1f7: {  	s12 =	simm.s32 $0xAA80;
	s15 =	rddreg [dreg:$0x9];
	s13 =	sadd.s32 $0x0, s18  }
.LBB2_54:
0x1f8: {  	[hbm4b:s13+s5] =	stream.linear.scatter [tilespmem:s10], [sflag:$0x7], $0x40, $0x38;
	[tilespmem:$0x17280] =	vst v63  }
0x1f9: {  	s13 =	smov.u32 s11;
	s10 =	smov.u32 s12;
	p0 =	sne.s32 s11, $0x130  }
.Ltmp26:
0x1fa: {  	s11 =	sadd.s32 $0x10, s11;
	(pc) =	sbr.rel @p0 .LBB2_54-.Ltmp26, $2  }
0x1fb: {  	_ =	sdelay $0x2  }
0x1fc: {  	s12 =	sadd.s32 $0x80, s12;
	s13 =	sadd.s32 s13, s18  }
0x1fd: {  	[hbm4b:s13+s5] =	stream.linear.scatter [tilespmem:s10], [sflag:$0x7], $0x40, $0x38;
	[tilespmem:$0x17280] =	vst v63  }
0x1fe: {  	s10 =	simm.s32 $0xB400;
	s11 =	simm.s32 $0x10  }
0x1ff: {  	s13 =	sadd.s32 $0x0, s19;
	s12 =	simm.s32 $0xB480;
	s16 =	rddreg [dreg:$0xa]  }
.LBB2_56:
0x200: {  	[hbm4b:s13+s5] =	stream.linear.scatter [tilespmem:s10], [sflag:$0x7], $0x40, $0x38;
	[tilespmem:$0x17280] =	vst v63  }
0x201: {  	s13 =	smov.u32 s11;
	s10 =	smov.u32 s12;
	p0 =	sne.s32 s11, $0x130  }
.Ltmp27:
0x202: {  	s11 =	sadd.s32 $0x10, s11;
	(pc) =	sbr.rel @p0 .LBB2_56-.Ltmp27, $2  }
0x203: {  	_ =	sdelay $0x2  }
0x204: {  	s12 =	sadd.s32 $0x80, s12;
	s13 =	sadd.s32 s13, s19  }
0x205: {  	[hbm4b:s13+s5] =	stream.linear.scatter [tilespmem:s10], [sflag:$0x7], $0x40, $0x38;
	[tilespmem:$0x17280] =	vst v63  }
0x206: {  	s10 =	simm.s32 $0xBE00  }
0x207: {  	s11 =	simm.s32 $0x10;
	s13 =	sadd.s32 $0x0, s20;
	s12 =	simm.s32 $0xBE80  }
.LBB2_58:
0x208: {  	[hbm4b:s13+s5] =	stream.linear.scatter [tilespmem:s10], [sflag:$0x7], $0x40, $0x38;
	[tilespmem:$0x17280] =	vst v63  }
0x209: {  	s13 =	smov.u32 s11;
	s10 =	smov.u32 s12;
	p0 =	sne.s32 s11, $0x130  }
.Ltmp28:
0x20a: {  	s11 =	sadd.s32 $0x10, s11;
	(pc) =	sbr.rel @p0 .LBB2_58-.Ltmp28, $2  }
0x20b: {  	_ =	sdelay $0x2  }
0x20c: {  	s12 =	sadd.s32 $0x80, s12;
	s13 =	sadd.s32 s13, s20  }
0x20d: {  	[hbm4b:s13+s5] =	stream.linear.scatter [tilespmem:s10], [sflag:$0x7], $0x40, $0x38;
	[tilespmem:$0x17280] =	vst v63  }
0x20e: {  	s10 =	simm.s32 $0xC800  }
0x20f: {  	s11 =	simm.s32 $0x10;
	s13 =	sadd.s32 $0x0, s21;
	s12 =	simm.s32 $0xC880  }
.LBB2_60:
0x210: {  	[hbm4b:s13+s5] =	stream.linear.scatter [tilespmem:s10], [sflag:$0x7], $0x40, $0x38;
	[tilespmem:$0x17280] =	vst v63  }
0x211: {  	s13 =	smov.u32 s11;
	s10 =	smov.u32 s12;
	p0 =	sne.s32 s11, $0x130  }
.Ltmp29:
0x212: {  	s11 =	sadd.s32 $0x10, s11;
	(pc) =	sbr.rel @p0 .LBB2_60-.Ltmp29, $2  }
0x213: {  	_ =	sdelay $0x2  }
0x214: {  	s12 =	sadd.s32 $0x80, s12;
	s13 =	sadd.s32 s13, s21  }
0x215: {  	[hbm4b:s13+s5] =	stream.linear.scatter [tilespmem:s10], [sflag:$0x7], $0x40, $0x38;
	[tilespmem:$0x17280] =	vst v63  }
0x216: {  	s10 =	simm.s32 $0xD200  }
0x217: {  	s11 =	simm.s32 $0x10;
	s13 =	sadd.s32 $0x0, s22;
	s12 =	simm.s32 $0xD280  }
.LBB2_62:
0x218: {  	[hbm4b:s13+s5] =	stream.linear.scatter [tilespmem:s10], [sflag:$0x7], $0x40, $0x38;
	[tilespmem:$0x17280] =	vst v63  }
0x219: {  	s13 =	smov.u32 s11;
	s10 =	smov.u32 s12;
	p0 =	sne.s32 s11, $0x130  }
.Ltmp30:
0x21a: {  	s11 =	sadd.s32 $0x10, s11;
	(pc) =	sbr.rel @p0 .LBB2_62-.Ltmp30, $2  }
0x21b: {  	_ =	sdelay $0x2  }
0x21c: {  	s12 =	sadd.s32 $0x80, s12;
	s13 =	sadd.s32 s13, s22  }
0x21d: {  	[hbm4b:s13+s5] =	stream.linear.scatter [tilespmem:s10], [sflag:$0x7], $0x40, $0x38;
	[tilespmem:$0x17280] =	vst v63  }
0x21e: {  	s10 =	simm.s32 $0xDC00  }
0x21f: {  	s11 =	simm.s32 $0x10;
	s13 =	sadd.s32 $0x0, s23;
	s12 =	simm.s32 $0xDC80  }
.LBB2_64:
0x220: {  	[hbm4b:s13+s5] =	stream.linear.scatter [tilespmem:s10], [sflag:$0x7], $0x40, $0x38;
	[tilespmem:$0x17280] =	vst v63  }
0x221: {  	s13 =	smov.u32 s11;
	s10 =	smov.u32 s12;
	p0 =	sne.s32 s11, $0x130  }
.Ltmp31:
0x222: {  	s11 =	sadd.s32 $0x10, s11;
	(pc) =	sbr.rel @p0 .LBB2_64-.Ltmp31, $2  }
0x223: {  	_ =	sdelay $0x2  }
0x224: {  	s12 =	sadd.s32 $0x80, s12;
	s13 =	sadd.s32 s13, s23  }
0x225: {  	[hbm4b:s13+s5] =	stream.linear.scatter [tilespmem:s10], [sflag:$0x7], $0x40, $0x38;
	[tilespmem:$0x17280] =	vst v63  }
0x226: {  	s10 =	simm.s32 $0xE600  }
0x227: {  	s11 =	simm.s32 $0x10;
	s13 =	sadd.s32 $0x0, s24;
	s12 =	simm.s32 $0xE680  }
.LBB2_66:
0x228: {  	[hbm4b:s13+s5] =	stream.linear.scatter [tilespmem:s10], [sflag:$0x7], $0x40, $0x38;
	[tilespmem:$0x17280] =	vst v63  }
0x229: {  	s13 =	smov.u32 s11;
	s10 =	smov.u32 s12;
	p0 =	sne.s32 s11, $0x130  }
.Ltmp32:
0x22a: {  	s11 =	sadd.s32 $0x10, s11;
	(pc) =	sbr.rel @p0 .LBB2_66-.Ltmp32, $2  }
0x22b: {  	_ =	sdelay $0x2  }
0x22c: {  	s12 =	sadd.s32 $0x80, s12;
	s13 =	sadd.s32 s13, s24  }
0x22d: {  	[hbm4b:s13+s5] =	stream.linear.scatter [tilespmem:s10], [sflag:$0x7], $0x40, $0x38;
	[tilespmem:$0x17280] =	vst v63  }
0x22e: {  	s31 =	simm.s32 $0x4  }
0x22f: {  	s10 =	simm.s32 $0xF000;
	_ =	swait.ge [sflag:s31], $0x5000  }
0x230: {  	s11 =	simm.s32 $0x10;
	[sflag:s31] =	ssyncset.done $0x0;
	s25 =	rddreg [dreg:$0x13]  }
0x231: {  	s12 =	simm.s32 $0xF080;
	[sflag:s31] =	ssyncadd.s32 $0xFFFFB000;
	s13 =	sadd.s32 $0x0, s25  }
.LBB2_68:
0x232: {  	[hbm4b:s13+s5] =	stream.linear.scatter [tilespmem:s10], [sflag:$0x8], $0x40, $0x38;
	[tilespmem:$0x17280] =	vst v63  }
0x233: {  	s13 =	smov.u32 s11;
	s10 =	smov.u32 s12;
	p0 =	sne.s32 s11, $0x130  }
.Ltmp33:
0x234: {  	s11 =	sadd.s32 $0x10, s11;
	(pc) =	sbr.rel @p0 .LBB2_68-.Ltmp33, $2  }
0x235: {  	_ =	sdelay $0x2  }
0x236: {  	s12 =	sadd.s32 $0x80, s12;
	s13 =	sadd.s32 s13, s25  }
0x237: {  	[hbm4b:s13+s5] =	stream.linear.scatter [tilespmem:s10], [sflag:$0x8], $0x40, $0x38;
	[tilespmem:$0x17280] =	vst v63  }
0x238: {  	s10 =	simm.s32 $0xFA00;
	s25 =	rddreg [dreg:$0x14]  }
0x239: {  	s11 =	simm.s32 $0x10;
	s12 =	simm.s32 $0xFA80;
	s13 =	sadd.s32 $0x0, s25  }
.LBB2_70:
0x23a: {  	[hbm4b:s13+s5] =	stream.linear.scatter [tilespmem:s10], [sflag:$0x8], $0x40, $0x38;
	[tilespmem:$0x17280] =	vst v63  }
0x23b: {  	s13 =	smov.u32 s11;
	s10 =	smov.u32 s12;
	p0 =	sne.s32 s11, $0x130  }
.Ltmp34:
0x23c: {  	s11 =	sadd.s32 $0x10, s11;
	(pc) =	sbr.rel @p0 .LBB2_70-.Ltmp34, $2  }
0x23d: {  	_ =	sdelay $0x2  }
0x23e: {  	s12 =	sadd.s32 $0x80, s12;
	s13 =	sadd.s32 s13, s25  }
0x23f: {  	[hbm4b:s13+s5] =	stream.linear.scatter [tilespmem:s10], [sflag:$0x8], $0x40, $0x38;
	[tilespmem:$0x17280] =	vst v63  }
0x240: {  	s10 =	simm.s32 $0x10400;
	s26 =	rddreg [dreg:$0x15]  }
0x241: {  	s11 =	simm.s32 $0x10;
	s12 =	simm.s32 $0x10480;
	s13 =	sadd.s32 $0x0, s26  }
.LBB2_72:
0x242: {  	[hbm4b:s13+s5] =	stream.linear.scatter [tilespmem:s10], [sflag:$0x8], $0x40, $0x38;
	[tilespmem:$0x17280] =	vst v63  }
0x243: {  	s13 =	smov.u32 s11;
	s10 =	smov.u32 s12;
	p0 =	sne.s32 s11, $0x130  }
.Ltmp35:
0x244: {  	s11 =	sadd.s32 $0x10, s11;
	(pc) =	sbr.rel @p0 .LBB2_72-.Ltmp35, $2  }
0x245: {  	_ =	sdelay $0x2  }
0x246: {  	s12 =	sadd.s32 $0x80, s12;
	s13 =	sadd.s32 s13, s26  }
0x247: {  	[hbm4b:s13+s5] =	stream.linear.scatter [tilespmem:s10], [sflag:$0x8], $0x40, $0x38;
	[tilespmem:$0x17280] =	vst v63  }
0x248: {  	s10 =	simm.s32 $0x10E00;
	s26 =	rddreg [dreg:$0x16]  }
0x249: {  	s11 =	simm.s32 $0x10;
	s12 =	simm.s32 $0x10E80;
	s13 =	sadd.s32 $0x0, s26  }
.LBB2_74:
0x24a: {  	[hbm4b:s13+s5] =	stream.linear.scatter [tilespmem:s10], [sflag:$0x8], $0x40, $0x38;
	[tilespmem:$0x17280] =	vst v63  }
0x24b: {  	s13 =	smov.u32 s11;
	s10 =	smov.u32 s12;
	p0 =	sne.s32 s11, $0x130  }
.Ltmp36:
0x24c: {  	s11 =	sadd.s32 $0x10, s11;
	(pc) =	sbr.rel @p0 .LBB2_74-.Ltmp36, $2  }
0x24d: {  	_ =	sdelay $0x2  }
0x24e: {  	s12 =	sadd.s32 $0x80, s12;
	s13 =	sadd.s32 s13, s26  }
0x24f: {  	[hbm4b:s13+s5] =	stream.linear.scatter [tilespmem:s10], [sflag:$0x8], $0x40, $0x38;
	[tilespmem:$0x17280] =	vst v63  }
0x250: {  	s10 =	simm.s32 $0x11800;
	s28 =	rddreg [dreg:$0x17]  }
0x251: {  	s11 =	simm.s32 $0x10;
	s12 =	simm.s32 $0x11880;
	s13 =	sadd.s32 $0x0, s28  }
.LBB2_76:
0x252: {  	[hbm4b:s13+s5] =	stream.linear.scatter [tilespmem:s10], [sflag:$0x8], $0x40, $0x38;
	[tilespmem:$0x17280] =	vst v63  }
0x253: {  	s13 =	smov.u32 s11;
	s10 =	smov.u32 s12;
	p0 =	sne.s32 s11, $0x130  }
.Ltmp37:
0x254: {  	s11 =	sadd.s32 $0x10, s11;
	(pc) =	sbr.rel @p0 .LBB2_76-.Ltmp37, $2  }
0x255: {  	_ =	sdelay $0x2  }
0x256: {  	s12 =	sadd.s32 $0x80, s12;
	s13 =	sadd.s32 s13, s28  }
0x257: {  	[hbm4b:s13+s5] =	stream.linear.scatter [tilespmem:s10], [sflag:$0x8], $0x40, $0x38;
	[tilespmem:$0x17280] =	vst v63  }
0x258: {  	s10 =	simm.s32 $0x12200;
	s28 =	rddreg [dreg:$0x18]  }
0x259: {  	s11 =	simm.s32 $0x10;
	s12 =	simm.s32 $0x12280;
	s13 =	sadd.s32 $0x0, s28  }
.LBB2_78:
0x25a: {  	[hbm4b:s13+s5] =	stream.linear.scatter [tilespmem:s10], [sflag:$0x8], $0x40, $0x38;
	[tilespmem:$0x17280] =	vst v63  }
0x25b: {  	s13 =	smov.u32 s11;
	s10 =	smov.u32 s12;
	p0 =	sne.s32 s11, $0x130  }
.Ltmp38:
0x25c: {  	s11 =	sadd.s32 $0x10, s11;
	(pc) =	sbr.rel @p0 .LBB2_78-.Ltmp38, $2  }
0x25d: {  	_ =	sdelay $0x2  }
0x25e: {  	s12 =	sadd.s32 $0x80, s12;
	s13 =	sadd.s32 s13, s28  }
0x25f: {  	[hbm4b:s13+s5] =	stream.linear.scatter [tilespmem:s10], [sflag:$0x8], $0x40, $0x38;
	[tilespmem:$0x17280] =	vst v63  }
0x260: {  	s10 =	simm.s32 $0x12C00;
	s30 =	rddreg [dreg:$0x19]  }
0x261: {  	s11 =	simm.s32 $0x10;
	s12 =	simm.s32 $0x12C80;
	s13 =	sadd.s32 $0x0, s30  }
.LBB2_80:
0x262: {  	[hbm4b:s13+s5] =	stream.linear.scatter [tilespmem:s10], [sflag:$0x8], $0x40, $0x38;
	[tilespmem:$0x17280] =	vst v63  }
0x263: {  	s13 =	smov.u32 s11;
	s10 =	smov.u32 s12;
	p0 =	sne.s32 s11, $0x130  }
.Ltmp39:
0x264: {  	s11 =	sadd.s32 $0x10, s11;
	(pc) =	sbr.rel @p0 .LBB2_80-.Ltmp39, $2  }
0x265: {  	_ =	sdelay $0x2  }
0x266: {  	s12 =	sadd.s32 $0x80, s12;
	s13 =	sadd.s32 s13, s30  }
0x267: {  	[hbm4b:s13+s5] =	stream.linear.scatter [tilespmem:s10], [sflag:$0x8], $0x40, $0x38;
	[tilespmem:$0x17280] =	vst v63  }
0x268: {  	s10 =	simm.s32 $0x13600;
	s30 =	rddreg [dreg:$0x1a]  }
0x269: {  	s11 =	simm.s32 $0x10;
	s12 =	simm.s32 $0x13680;
	s13 =	sadd.s32 $0x0, s30  }
.LBB2_82:
0x26a: {  	[hbm4b:s13+s5] =	stream.linear.scatter [tilespmem:s10], [sflag:$0x8], $0x40, $0x38;
	[tilespmem:$0x17280] =	vst v63  }
0x26b: {  	s13 =	smov.u32 s11;
	s10 =	smov.u32 s12;
	p0 =	sne.s32 s11, $0x130  }
.Ltmp40:
0x26c: {  	s11 =	sadd.s32 $0x10, s11;
	(pc) =	sbr.rel @p0 .LBB2_82-.Ltmp40, $2  }
0x26d: {  	_ =	sdelay $0x2  }
0x26e: {  	s12 =	sadd.s32 $0x80, s12;
	s13 =	sadd.s32 s13, s30  }
0x26f: {  	[hbm4b:s13+s5] =	stream.linear.scatter [tilespmem:s10], [sflag:$0x8], $0x40, $0x38;
	[tilespmem:$0x17280] =	vst v63  }
0x270: {  	s26 =	simm.s32 $0x5  }
0x271: {  	_ =	swait.ge [sflag:s26], $0x500  }
0x272: {  	[sflag:s26] =	ssyncset.done $0x0  }
0x273: {  	[sflag:s26] =	ssyncadd.s32 $0xFFFFFB00  }
0x274: {  	_ =	swait.ge [sflag:s26], $0x500  }
0x275: {  	[sflag:s26] =	ssyncset.done $0x0  }
0x276: {  	[sflag:s26] =	ssyncadd.s32 $0xFFFFFB00  }
0x277: {  	_ =	swait.ge [sflag:s26], $0x500  }
0x278: {  	[sflag:s26] =	ssyncset.done $0x0  }
0x279: {  	[sflag:s26] =	ssyncadd.s32 $0xFFFFFB00  }
0x27a: {  	_ =	swait.ge [sflag:s26], $0x500  }
0x27b: {  	[sflag:s26] =	ssyncset.done $0x0  }
0x27c: {  	[sflag:s26] =	ssyncadd.s32 $0xFFFFFB00  }
0x27d: {  	_ =	swait.ge [sflag:s26], $0x500  }
0x27e: {  	[sflag:s26] =	ssyncset.done $0x0  }
0x27f: {  	[sflag:s26] =	ssyncadd.s32 $0xFFFFFB00  }
0x280: {  	_ =	swait.ge [sflag:s26], $0x500  }
0x281: {  	[sflag:s26] =	ssyncset.done $0x0  }
0x282: {  	[sflag:s26] =	ssyncadd.s32 $0xFFFFFB00  }
0x283: {  	_ =	swait.ge [sflag:s26], $0x500  }
0x284: {  	[sflag:s26] =	ssyncset.done $0x0  }
0x285: {  	[sflag:s26] =	ssyncadd.s32 $0xFFFFFB00  }
0x286: {  	_ =	swait.ge [sflag:s26], $0x500  }
0x287: {  	[sflag:s26] =	ssyncset.done $0x0  }
0x288: {  	s28 =	simm.s32 $0x6;
	[sflag:s26] =	ssyncadd.s32 $0xFFFFFB00  }
0x289: {  	_ =	swait.ge [sflag:s28], $0x500  }
0x28a: {  	[sflag:s28] =	ssyncset.done $0x0  }
0x28b: {  	[sflag:s28] =	ssyncadd.s32 $0xFFFFFB00  }
0x28c: {  	_ =	swait.ge [sflag:s28], $0x500  }
0x28d: {  	[sflag:s28] =	ssyncset.done $0x0  }
0x28e: {  	[sflag:s28] =	ssyncadd.s32 $0xFFFFFB00  }
0x28f: {  	_ =	swait.ge [sflag:s28], $0x500  }
0x290: {  	[sflag:s28] =	ssyncset.done $0x0  }
0x291: {  	[sflag:s28] =	ssyncadd.s32 $0xFFFFFB00  }
0x292: {  	_ =	swait.ge [sflag:s28], $0x500  }
0x293: {  	[sflag:s28] =	ssyncset.done $0x0  }
0x294: {  	[sflag:s28] =	ssyncadd.s32 $0xFFFFFB00  }
0x295: {  	_ =	swait.ge [sflag:s28], $0x500  }
0x296: {  	[sflag:s28] =	ssyncset.done $0x0  }
0x297: {  	[sflag:s28] =	ssyncadd.s32 $0xFFFFFB00  }
0x298: {  	_ =	swait.ge [sflag:s28], $0x500  }
0x299: {  	[sflag:s28] =	ssyncset.done $0x0  }
0x29a: {  	[sflag:s28] =	ssyncadd.s32 $0xFFFFFB00  }
0x29b: {  	_ =	swait.ge [sflag:s28], $0x500  }
0x29c: {  	[sflag:s28] =	ssyncset.done $0x0  }
0x29d: {  	[sflag:s28] =	ssyncadd.s32 $0xFFFFFB00  }
0x29e: {  	_ =	swait.ge [sflag:s28], $0x500  }
0x29f: {  	[sflag:s28] =	ssyncset.done $0x0  }
0x2a0: {  	s30 =	simm.s32 $0x7;
	[sflag:s28] =	ssyncadd.s32 $0xFFFFFB00  }
0x2a1: {  	_ =	swait.ge [sflag:s30], $0x500  }
0x2a2: {  	[sflag:s30] =	ssyncset.done $0x0  }
0x2a3: {  	[sflag:s30] =	ssyncadd.s32 $0xFFFFFB00  }
0x2a4: {  	_ =	swait.ge [sflag:s30], $0x500  }
0x2a5: {  	[sflag:s30] =	ssyncset.done $0x0  }
0x2a6: {  	[sflag:s30] =	ssyncadd.s32 $0xFFFFFB00  }
0x2a7: {  	_ =	swait.ge [sflag:s30], $0x500  }
0x2a8: {  	[sflag:s30] =	ssyncset.done $0x0  }
0x2a9: {  	[sflag:s30] =	ssyncadd.s32 $0xFFFFFB00  }
0x2aa: {  	_ =	swait.ge [sflag:s30], $0x500  }
0x2ab: {  	[sflag:s30] =	ssyncset.done $0x0  }
0x2ac: {  	[sflag:s30] =	ssyncadd.s32 $0xFFFFFB00  }
0x2ad: {  	_ =	swait.ge [sflag:s30], $0x500  }
0x2ae: {  	[sflag:s30] =	ssyncset.done $0x0  }
0x2af: {  	[sflag:s30] =	ssyncadd.s32 $0xFFFFFB00  }
0x2b0: {  	_ =	swait.ge [sflag:s30], $0x500  }
0x2b1: {  	[sflag:s30] =	ssyncset.done $0x0  }
0x2b2: {  	[sflag:s30] =	ssyncadd.s32 $0xFFFFFB00  }
0x2b3: {  	_ =	swait.ge [sflag:s30], $0x500  }
0x2b4: {  	[sflag:s30] =	ssyncset.done $0x0  }
0x2b5: {  	[sflag:s30] =	ssyncadd.s32 $0xFFFFFB00  }
0x2b6: {  	_ =	swait.ge [sflag:s30], $0x500  }
0x2b7: {  	[sflag:s30] =	ssyncset.done $0x0  }
0x2b8: {  	s11 =	simm.s32 $0x8;
	[sflag:s30] =	ssyncadd.s32 $0xFFFFFB00  }
0x2b9: {  	_ =	swait.ge [sflag:s11], $0x500  }
0x2ba: {  	[sflag:s11] =	ssyncset.done $0x0  }
0x2bb: {  	[sflag:s11] =	ssyncadd.s32 $0xFFFFFB00  }
0x2bc: {  	_ =	swait.ge [sflag:s11], $0x500  }
0x2bd: {  	[sflag:s11] =	ssyncset.done $0x0  }
0x2be: {  	[sflag:s11] =	ssyncadd.s32 $0xFFFFFB00  }
0x2bf: {  	_ =	swait.ge [sflag:s11], $0x500  }
0x2c0: {  	[sflag:s11] =	ssyncset.done $0x0  }
0x2c1: {  	[sflag:s11] =	ssyncadd.s32 $0xFFFFFB00  }
0x2c2: {  	_ =	swait.ge [sflag:s11], $0x500  }
0x2c3: {  	[sflag:s11] =	ssyncset.done $0x0  }
0x2c4: {  	[sflag:s11] =	ssyncadd.s32 $0xFFFFFB00  }
0x2c5: {  	_ =	swait.ge [sflag:s11], $0x500  }
0x2c6: {  	[sflag:s11] =	ssyncset.done $0x0  }
0x2c7: {  	[sflag:s11] =	ssyncadd.s32 $0xFFFFFB00  }
0x2c8: {  	_ =	swait.ge [sflag:s11], $0x500  }
0x2c9: {  	[sflag:s11] =	ssyncset.done $0x0  }
0x2ca: {  	[sflag:s11] =	ssyncadd.s32 $0xFFFFFB00  }
0x2cb: {  	_ =	swait.ge [sflag:s11], $0x500  }
0x2cc: {  	[sflag:s11] =	ssyncset.done $0x0  }
0x2cd: {  	[sflag:s11] =	ssyncadd.s32 $0xFFFFFB00  }
0x2ce: {  	_ =	swait.ge [sflag:s11], $0x500  }
0x2cf: {  	s12 =	rddreg [dreg:$0x1f]  }
0x2d0: {  	s31 =	rddreg [dreg:$0x1b];
	s12 =	sadd.s32 $0x1, s12  }
0x2d1: {  	p0 =	sne.s32 s12, s31  }
.Ltmp41:
0x2d2: {  	_ = 	snop;
	(pc) =	sbr.rel @p0 .LBB2_1-.Ltmp41, $3  }
0x2d3: {  	_ =	sdelay $0x1  }
0x2d4: {  	[sflag:s11] =	ssyncset.done $0x0  }
0x2d5: {  	[sflag:s11] =	ssyncadd.s32 $0xFFFFFB00  }
0x2d6: {  	_ =	sfence.sel $0x180000  }
0x2d7: {  	[bflag:$0x0] =	sbarrier.arrive $0xFFFF  }
0x2d8: {  	_ =	strace $0x90000047  }
0x2d9: {  	s0 =	stileid.u32;
	[bflag:$0x2] =	sbarrier.arrive $0xFFFF  }
0x2da: {  	p0 =	sne.s32 s0, $0x0;
	s0 =	rddreg [dreg:$0x3]  }
0x2db: {  	s0 =	sadd.s32 @!p0 $0x100000, s0  }
0x2dc: {  	[sflag:s0] =	ssyncadd.tile.s32 @!p0 $0x1;
	_ =	shalt  }
.Lfunc_end2:
_tile_overlayer_lowered:
.L_overlay_start_2:
0x2dd: {  	(tag) =	ssettag $0x2  }
0x2de: {  	s0 =	rddreg [dreg:$0x0];
	s2 =	stileid.u32  }
0x2df: {  	s1 =	rddreg [dreg:$0x1];
	p0 =	sne.s32 s2, $0x0  }
0x2e0: {  	s3 =	rddreg [dreg:$0x2];
	[bflag:$0x3] =	sbarrier.arrive $0xFFFF;
	s2 =	simm.s32 @!p0 $0x1C09  }
0x2e1: {  	[timem:s3], [sflag:s2] =	dma.local @!p0 [hbm:s0], s1  }
0x2e2: {  	s0 =	simm.s32 @!p0 $0x9  }
0x2e3: {  	_ =	swait.ge @!p0 [sflag:s0], s1  }
0x2e4: {  	s1 =	ssub.s32 @!p0 $0x0, s1;
	[sflag:s0] =	ssyncset.done @!p0 $0x0  }
0x2e5: {  	[sflag:s0] =	ssyncadd.s32 @!p0 s1  }
0x2e6: {  	[bflag:$0x3] =	sbarrier.arrive $0xFFFF  }
0x2e7: {  	_ =	shalt  }

</sc_bundles>
